<compile_context>
chip_gen: v7x
topology: tpu7x:2x2x1
jax: 0.10.2.dev20260603
libtpu: 0.0.44.dev20260713+nightly
codegen_flags: <defaults>
</compile_context>

<pallas_src>
import functools

import jax
import jax.numpy as jnp
from jax import lax
from jax.experimental import pallas as pl
from jax.experimental.pallas import tpu as pltpu
from jax.experimental.pallas import tpu_sc as plsc

N = 10000
D = 128
E = 320000

NC = 2
NS = 16
CHUNK = 128
NW = NC * NS
NCHUNKS = E // CHUNK
CPW = NCHUNKS // NW
TAIL = NCHUNKS - NW * CPW
ROWS_PER_TILE = 632
NPAD = NS * ROWS_PER_TILE
NBUF = 3


def _sc_agg_body(h_hbm, ei_hbm, zero_hbm, out_hbm,
                 sidx, didx, rows, acc, s0, s1, s2):
    c = lax.axis_index("c")
    s = lax.axis_index("s")
    sems = (s0, s1, s2)

    r0 = s * ROWS_PER_TILE
    pltpu.sync_copy(zero_hbm, acc.at[pl.ds(r0, ROWS_PER_TILE)])
    plsc.subcore_barrier()

    cbase = (c * NS + s) * CPW

    def idx_start(cj, b):
        e0 = cj * CHUNK
        pltpu.async_copy(ei_hbm.at[0, pl.ds(e0, CHUNK)], sidx.at[b], sems[b])
        pltpu.async_copy(ei_hbm.at[1, pl.ds(e0, CHUNK)], didx.at[b], sems[b])

    def idx_wait(cj, b):
        e0 = cj * CHUNK
        pltpu.make_async_copy(ei_hbm.at[0, pl.ds(e0, CHUNK)], sidx.at[b],
                              sems[b]).wait()
        pltpu.make_async_copy(ei_hbm.at[1, pl.ds(e0, CHUNK)], didx.at[b],
                              sems[b]).wait()

    def gather_start(b):
        pltpu.async_copy(h_hbm.at[sidx.at[b]], rows.at[b], sems[b])

    def gather_wait(b):
        pltpu.make_async_copy(h_hbm.at[sidx.at[b]], rows.at[b],
                              sems[b]).wait()

    def scat_start(b):
        pltpu.async_copy(rows.at[b], acc.at[didx.at[b]], sems[b], add=True)

    def scat_wait(b):
        pltpu.make_async_copy(rows.at[b], acc.at[didx.at[b]], sems[b]).wait()

    idx_start(cbase, 0)
    idx_start(cbase + 1, 1)
    idx_wait(cbase, 0)
    gather_start(0)

    def group(g, carry):
        for b in range(NBUF):
            i = g * NBUF + b
            b2 = (b + 2) % NBUF
            b1 = (b + 1) % NBUF

            if b == 0:
                @pl.when(g > 0)
                def _():
                    scat_wait(b2)
            else:
                scat_wait(b2)

            @pl.when(i + 2 < CPW)
            def _():
                idx_start(cbase + i + 2, b2)

            @pl.when(i + 1 < CPW)
            def _():
                idx_wait(cbase + i + 1, b1)
                gather_start(b1)

            gather_wait(b)
            scat_start(b)
        return carry

    lax.fori_loop(0, CPW // NBUF, group, 0)
    scat_wait(2)

    @pl.when(c * NS + s < TAIL)
    def _():
        cj = NW * CPW + c * NS + s
        idx_start(cj, 0)
        idx_wait(cj, 0)
        gather_start(0)
        gather_wait(0)
        scat_start(0)
        scat_wait(0)

    plsc.subcore_barrier()

    pltpu.sync_copy(acc.at[pl.ds(r0, ROWS_PER_TILE)],
                    out_hbm.at[c, pl.ds(r0, ROWS_PER_TILE)])


_sc_agg = functools.partial(
    pl.kernel,
    out_type=jax.ShapeDtypeStruct((NC, NPAD, D), jnp.float32),
    mesh=plsc.VectorSubcoreMesh(
        core_axis_name="c", subcore_axis_name="s",
        num_cores=NC, num_subcores=NS),
    scratch_types=[
        pltpu.VMEM((NBUF, CHUNK), jnp.int32),
        pltpu.VMEM((NBUF, CHUNK), jnp.int32),
        pltpu.VMEM((NBUF, CHUNK, D), jnp.float32),
        pltpu.VMEM_SHARED((NPAD, D), jnp.float32),
        pltpu.SemaphoreType.DMA,
        pltpu.SemaphoreType.DMA,
        pltpu.SemaphoreType.DMA,
    ],
)(_sc_agg_body)


BLK = 2000


def _mlp_body(p_ref, h_ref, wa_ref, ba_ref, wb_ref, bb_ref, o_ref):
    z = p_ref[0] + p_ref[1] + h_ref[...]
    z = jnp.dot(z, wa_ref[...], preferred_element_type=jnp.float32)
    z = jnp.maximum(z + ba_ref[...], 0.0)
    z = jnp.dot(z, wb_ref[...], preferred_element_type=jnp.float32)
    o_ref[...] = z + bb_ref[...]


def _mlp(parts, h, Wa, ba, Wb, bb):
    grid = (N + BLK - 1) // BLK
    return pl.pallas_call(
        _mlp_body,
        grid=(grid,),
        in_specs=[
            pl.BlockSpec((NC, BLK, D), lambda i: (0, i, 0)),
            pl.BlockSpec((BLK, D), lambda i: (i, 0)),
            pl.BlockSpec((D, D), lambda i: (0, 0)),
            pl.BlockSpec((1, D), lambda i: (0, 0)),
            pl.BlockSpec((D, D), lambda i: (0, 0)),
            pl.BlockSpec((1, D), lambda i: (0, 0)),
        ],
        out_specs=pl.BlockSpec((BLK, D), lambda i: (i, 0)),
        out_shape=jax.ShapeDtypeStruct((N, D), jnp.float32),
    )(parts, h, Wa, ba.reshape(1, D), Wb, bb.reshape(1, D))


def kernel(x, edge_index, W0a, b0a, W0b, b0b, W1a, b1a, W1b, b1b,
           W2a, b2a, W2b, b2b):
    ei = edge_index.astype(jnp.int32)
    zeros = jnp.zeros((ROWS_PER_TILE, D), jnp.float32)
    h = x
    for Wa, ba, Wb, bb in ((W0a, b0a, W0b, b0b),
                           (W1a, b1a, W1b, b1b),
                           (W2a, b2a, W2b, b2b)):
        parts = _sc_agg(h, ei, zeros)
        h = _mlp(parts, h, Wa, ba, Wb, bb)
    return h

# --- scband reference (transcript-rebuilt; emitter-appended) ---
"""Pipeline reference for scband-ginmodel-32049045963189 (READ-ONLY COPY).

The authoritative reference and input builder live on the scoring server;
editing this copy changes nothing except your own understanding.
"""

import jax, jax.numpy as jnp
import numpy as np

N = 10000
E = 320000
D_IN = 128
D_HID = 128
D_OUT = 128


def _linear_params(key, fan_in, fan_out):
    k1, k2 = jax.random.split(key)
    bound = 1.0 / np.sqrt(fan_in)
    W = jax.random.uniform(k1, (fan_in, fan_out), minval=-bound, maxval=bound, dtype=jnp.float32)
    b = jax.random.uniform(k2, (fan_out,), minval=-bound, maxval=bound, dtype=jnp.float32)
    return W, b


def setup_inputs(seed: int = 0) -> dict:
    key = jax.random.key(seed)
    ks = jax.random.split(key, 8)
    x = jax.random.normal(ks[0], (N, D_IN), dtype=jnp.float32)
    edge_index = jax.random.randint(ks[1], (2, E), 0, N)
    W0a, b0a = _linear_params(ks[2], D_IN, D_HID)
    W0b, b0b = _linear_params(ks[3], D_HID, D_HID)
    W1a, b1a = _linear_params(ks[4], D_HID, D_HID)
    W1b, b1b = _linear_params(ks[5], D_HID, D_HID)
    W2a, b2a = _linear_params(ks[6], D_HID, D_HID)
    W2b, b2b = _linear_params(ks[7], D_HID, D_OUT)
    return {
        'x': x, 'edge_index': edge_index,
        'W0a': W0a, 'b0a': b0a, 'W0b': W0b, 'b0b': b0b,
        'W1a': W1a, 'b1a': b1a, 'W1b': W1b, 'b1b': b1b,
        'W2a': W2a, 'b2a': b2a, 'W2b': W2b, 'b2b': b2b,
    }


def _gin_conv(h, edge_index, Wa, ba, Wb, bb, eps=0.0):
    # GINConv: out = MLP((1+eps)*x + sum_{j->i} x_j)  (edge_weight=None)
    src = edge_index[0]
    dst = edge_index[1]
    msgs = h[src]  # gather
    agg = jax.ops.segment_sum(msgs, dst, num_segments=h.shape[0])  # scatter-add
    z = agg + (1.0 + eps) * h
    z = jnp.maximum(jnp.dot(z, Wa) + ba, 0.0)
    z = jnp.dot(z, Wb) + bb
    return z


def reference(x, edge_index, W0a, b0a, W0b, b0b, W1a, b1a, W1b, b1b, W2a, b2a, W2b, b2b):
    # dropout is identity in eval mode
    h = _gin_conv(x, edge_index, W0a, b0a, W0b, b0b)
    h = _gin_conv(h, edge_index, W1a, b1a, W1b, b1b)
    h = _gin_conv(h, edge_index, W2a, b2a, W2b, b2b)
    return h

if __name__ == "__main__":
    import jax
    _d = setup_inputs()
    print(jax.jit(kernel)(*tuple(_d.values())))

</pallas_src>

<mosaic_0001>
#map = affine_map<(d0, d1) -> (0, 0)>
#map1 = affine_map<(d0, d1) -> (0, 0, 0)>
module attributes {stable_mosaic.version = 14 : i64} {
  func.func @_sc_agg_body(%arg0: i32, %arg1: i32, %arg2: memref<10000x128xf32, #tpu.memory_space<hbm>>, %arg3: memref<2x320000xi32, #tpu.memory_space<hbm>>, %arg4: memref<632x128xf32, #tpu.memory_space<hbm>>, %arg5: memref<2x10112x128xf32, #tpu.memory_space<hbm>>, %arg6: memref<3x128xi32, #tpu.memory_space<vmem>>, %arg7: memref<3x128xi32, #tpu.memory_space<vmem>>, %arg8: memref<3x128x128xf32, #tpu.memory_space<vmem>>, %arg9: memref<10112x128xf32, #tpu.memory_space<vmem_shared>>, %arg10: memref<!tpu.dma_semaphore, #tpu.memory_space<semaphore_mem>>, %arg11: memref<!tpu.dma_semaphore, #tpu.memory_space<semaphore_mem>>, %arg12: memref<!tpu.dma_semaphore, #tpu.memory_space<semaphore_mem>>) attributes {dimension_semantics = [#tpu.dimension_semantics<core_parallel>, #tpu.dimension_semantics<subcore_parallel>], iteration_bounds = array<i64: 2, 16>, scalar_prefetch = 0 : i64, scratch_operands = 7 : i64, tpu.core_type = #tpu.core_type<sc_vector_subcore>, window_params = [{transform_indices = #map}, {transform_indices = #map}, {transform_indices = #map}, {transform_indices = #map1}]} {
    %mul3A = arith.constant 632 : i32
    %mul3A_0 = arith.muli %arg1, %mul3A : i32
    "tpu.region"() ({
      %run_scoped3A = tpu.sem_alloc : memref<!tpu.dma_semaphore, #tpu.memory_space<semaphore_mem>>
      %dma_start3A_118 = arith.constant 0 : i32
      %dma_start3A_119 = tpu.memref_slice %arg9[%mul3A_0, %dma_start3A_118] : memref<10112x128xf32, #tpu.memory_space<vmem_shared>> -> memref<632x128xf32, #tpu.memory_space<vmem_shared>>
      tpu.enqueue_dma source(%arg4 : memref<632x128xf32, #tpu.memory_space<hbm>>) target(%dma_start3A_119 : memref<632x128xf32, #tpu.memory_space<vmem_shared>>) target_semaphore(%run_scoped3A : memref<!tpu.dma_semaphore, #tpu.memory_space<semaphore_mem>>)
      %dma_wait3A_120 = arith.constant 0 : i32
      %dma_wait3A_121 = tpu.memref_slice %arg9[%mul3A_0, %dma_wait3A_120] : memref<10112x128xf32, #tpu.memory_space<vmem_shared>> -> memref<632x128xf32, #tpu.memory_space<vmem_shared>>
      tpu.wait_dma2 semaphore(%run_scoped3A : memref<!tpu.dma_semaphore, #tpu.memory_space<semaphore_mem>>) src(%arg4 : memref<632x128xf32, #tpu.memory_space<hbm>>) dst(%dma_wait3A_121 : memref<632x128xf32, #tpu.memory_space<vmem_shared>>)
      tpu.yield
    }) : () -> ()
    %barrier3A = arith.constant 0 : index
    tpu.barrier barrier_id(%barrier3A)
    %mul3A_1 = arith.constant 16 : i32
    %mul3A_2 = arith.muli %arg0, %mul3A_1 : i32
    %add3A = arith.addi %mul3A_2, %arg1 : i32
    %mul3A_3 = arith.constant 78 : i32
    %mul3A_4 = arith.muli %add3A, %mul3A_3 : i32
    %mul3A_5 = arith.constant 128 : i32
    %mul3A_6 = arith.muli %mul3A_4, %mul3A_5 : i32
    %dma_start3A = arith.constant 0 : i32
    %dma_start3A_7 = arith.constant 0 : i32
    %dma_start3A_8 = arith.constant 0 : i32
    %dma_start3A_9 = tpu.memref_slice %arg6[%dma_start3A_7, %dma_start3A_8] : memref<3x128xi32, #tpu.memory_space<vmem>> -> memref<1x128xi32, #tpu.memory_space<vmem>>
    %dma_start3A_10 = tpu.memref_squeeze %dma_start3A_9 : memref<1x128xi32, #tpu.memory_space<vmem>> -> memref<128xi32, #tpu.memory_space<vmem>>
    %dma_start3A_11 = tpu.memref_slice %arg3[%dma_start3A, %mul3A_6] : memref<2x320000xi32, #tpu.memory_space<hbm>> -> memref<1x128xi32, #tpu.memory_space<hbm>>
    %dma_start3A_12 = tpu.memref_squeeze %dma_start3A_11 : memref<1x128xi32, #tpu.memory_space<hbm>> -> memref<128xi32, #tpu.memory_space<hbm>>
    %dma_start3A_13 = arith.constant 0 : i32
    %dma_start3A_14 = tpu.memref_slice %arg6[%dma_start3A_7, %dma_start3A_13] : memref<3x128xi32, #tpu.memory_space<vmem>> -> memref<1x128xi32, #tpu.memory_space<vmem>>
    %dma_start3A_15 = tpu.memref_squeeze %dma_start3A_14 : memref<1x128xi32, #tpu.memory_space<vmem>> -> memref<128xi32, #tpu.memory_space<vmem>>
    %dma_start3A_16 = tpu.memref_slice %arg3[%dma_start3A, %mul3A_6] : memref<2x320000xi32, #tpu.memory_space<hbm>> -> memref<1x128xi32, #tpu.memory_space<hbm>>
    %dma_start3A_17 = tpu.memref_squeeze %dma_start3A_16 : memref<1x128xi32, #tpu.memory_space<hbm>> -> memref<128xi32, #tpu.memory_space<hbm>>
    tpu.enqueue_dma source(%dma_start3A_17 : memref<128xi32, #tpu.memory_space<hbm>>) target(%dma_start3A_15 : memref<128xi32, #tpu.memory_space<vmem>>) target_semaphore(%arg10 : memref<!tpu.dma_semaphore, #tpu.memory_space<semaphore_mem>>)
    %dma_start3A_18 = arith.constant 1 : i32
    %dma_start3A_19 = arith.constant 0 : i32
    %dma_start3A_20 = arith.constant 0 : i32
    %dma_start3A_21 = tpu.memref_slice %arg7[%dma_start3A_19, %dma_start3A_20] : memref<3x128xi32, #tpu.memory_space<vmem>> -> memref<1x128xi32, #tpu.memory_space<vmem>>
    %dma_start3A_22 = tpu.memref_squeeze %dma_start3A_21 : memref<1x128xi32, #tpu.memory_space<vmem>> -> memref<128xi32, #tpu.memory_space<vmem>>
    %dma_start3A_23 = tpu.memref_slice %arg3[%dma_start3A_18, %mul3A_6] : memref<2x320000xi32, #tpu.memory_space<hbm>> -> memref<1x128xi32, #tpu.memory_space<hbm>>
    %dma_start3A_24 = tpu.memref_squeeze %dma_start3A_23 : memref<1x128xi32, #tpu.memory_space<hbm>> -> memref<128xi32, #tpu.memory_space<hbm>>
    %dma_start3A_25 = arith.constant 0 : i32
    %dma_start3A_26 = tpu.memref_slice %arg7[%dma_start3A_19, %dma_start3A_25] : memref<3x128xi32, #tpu.memory_space<vmem>> -> memref<1x128xi32, #tpu.memory_space<vmem>>
    %dma_start3A_27 = tpu.memref_squeeze %dma_start3A_26 : memref<1x128xi32, #tpu.memory_space<vmem>> -> memref<128xi32, #tpu.memory_space<vmem>>
    %dma_start3A_28 = tpu.memref_slice %arg3[%dma_start3A_18, %mul3A_6] : memref<2x320000xi32, #tpu.memory_space<hbm>> -> memref<1x128xi32, #tpu.memory_space<hbm>>
    %dma_start3A_29 = tpu.memref_squeeze %dma_start3A_28 : memref<1x128xi32, #tpu.memory_space<hbm>> -> memref<128xi32, #tpu.memory_space<hbm>>
    tpu.enqueue_dma source(%dma_start3A_29 : memref<128xi32, #tpu.memory_space<hbm>>) target(%dma_start3A_27 : memref<128xi32, #tpu.memory_space<vmem>>) target_semaphore(%arg10 : memref<!tpu.dma_semaphore, #tpu.memory_space<semaphore_mem>>)
    %add3A_30 = arith.constant 1 : i32
    %add3A_31 = arith.addi %mul3A_4, %add3A_30 : i32
    %mul3A_32 = arith.constant 128 : i32
    %mul3A_33 = arith.muli %add3A_31, %mul3A_32 : i32
    %dma_start3A_34 = arith.constant 0 : i32
    %dma_start3A_35 = arith.constant 1 : i32
    %dma_start3A_36 = arith.constant 0 : i32
    %dma_start3A_37 = tpu.memref_slice %arg6[%dma_start3A_35, %dma_start3A_36] : memref<3x128xi32, #tpu.memory_space<vmem>> -> memref<1x128xi32, #tpu.memory_space<vmem>>
    %dma_start3A_38 = tpu.memref_squeeze %dma_start3A_37 : memref<1x128xi32, #tpu.memory_space<vmem>> -> memref<128xi32, #tpu.memory_space<vmem>>
    %dma_start3A_39 = tpu.memref_slice %arg3[%dma_start3A_34, %mul3A_33] : memref<2x320000xi32, #tpu.memory_space<hbm>> -> memref<1x128xi32, #tpu.memory_space<hbm>>
    %dma_start3A_40 = tpu.memref_squeeze %dma_start3A_39 : memref<1x128xi32, #tpu.memory_space<hbm>> -> memref<128xi32, #tpu.memory_space<hbm>>
    %dma_start3A_41 = arith.constant 0 : i32
    %dma_start3A_42 = tpu.memref_slice %arg6[%dma_start3A_35, %dma_start3A_41] : memref<3x128xi32, #tpu.memory_space<vmem>> -> memref<1x128xi32, #tpu.memory_space<vmem>>
    %dma_start3A_43 = tpu.memref_squeeze %dma_start3A_42 : memref<1x128xi32, #tpu.memory_space<vmem>> -> memref<128xi32, #tpu.memory_space<vmem>>
    %dma_start3A_44 = tpu.memref_slice %arg3[%dma_start3A_34, %mul3A_33] : memref<2x320000xi32, #tpu.memory_space<hbm>> -> memref<1x128xi32, #tpu.memory_space<hbm>>
    %dma_start3A_45 = tpu.memref_squeeze %dma_start3A_44 : memref<1x128xi32, #tpu.memory_space<hbm>> -> memref<128xi32, #tpu.memory_space<hbm>>
    tpu.enqueue_dma source(%dma_start3A_45 : memref<128xi32, #tpu.memory_space<hbm>>) target(%dma_start3A_43 : memref<128xi32, #tpu.memory_space<vmem>>) target_semaphore(%arg11 : memref<!tpu.dma_semaphore, #tpu.memory_space<semaphore_mem>>)
    %dma_start3A_46 = arith.constant 1 : i32
    %dma_start3A_47 = arith.constant 1 : i32
    %dma_start3A_48 = arith.constant 0 : i32
    %dma_start3A_49 = tpu.memref_slice %arg7[%dma_start3A_47, %dma_start3A_48] : memref<3x128xi32, #tpu.memory_space<vmem>> -> memref<1x128xi32, #tpu.memory_space<vmem>>
    %dma_start3A_50 = tpu.memref_squeeze %dma_start3A_49 : memref<1x128xi32, #tpu.memory_space<vmem>> -> memref<128xi32, #tpu.memory_space<vmem>>
    %dma_start3A_51 = tpu.memref_slice %arg3[%dma_start3A_46, %mul3A_33] : memref<2x320000xi32, #tpu.memory_space<hbm>> -> memref<1x128xi32, #tpu.memory_space<hbm>>
    %dma_start3A_52 = tpu.memref_squeeze %dma_start3A_51 : memref<1x128xi32, #tpu.memory_space<hbm>> -> memref<128xi32, #tpu.memory_space<hbm>>
    %dma_start3A_53 = arith.constant 0 : i32
    %dma_start3A_54 = tpu.memref_slice %arg7[%dma_start3A_47, %dma_start3A_53] : memref<3x128xi32, #tpu.memory_space<vmem>> -> memref<1x128xi32, #tpu.memory_space<vmem>>
    %dma_start3A_55 = tpu.memref_squeeze %dma_start3A_54 : memref<1x128xi32, #tpu.memory_space<vmem>> -> memref<128xi32, #tpu.memory_space<vmem>>
    %dma_start3A_56 = tpu.memref_slice %arg3[%dma_start3A_46, %mul3A_33] : memref<2x320000xi32, #tpu.memory_space<hbm>> -> memref<1x128xi32, #tpu.memory_space<hbm>>
    %dma_start3A_57 = tpu.memref_squeeze %dma_start3A_56 : memref<1x128xi32, #tpu.memory_space<hbm>> -> memref<128xi32, #tpu.memory_space<hbm>>
    tpu.enqueue_dma source(%dma_start3A_57 : memref<128xi32, #tpu.memory_space<hbm>>) target(%dma_start3A_55 : memref<128xi32, #tpu.memory_space<vmem>>) target_semaphore(%arg11 : memref<!tpu.dma_semaphore, #tpu.memory_space<semaphore_mem>>)
    %mul3A_58 = arith.constant 128 : i32
    %mul3A_59 = arith.muli %mul3A_4, %mul3A_58 : i32
    %dma_wait3A = arith.constant 0 : i32
    %dma_wait3A_60 = arith.constant 0 : i32
    %dma_wait3A_61 = arith.constant 0 : i32
    %dma_wait3A_62 = tpu.memref_slice %arg6[%dma_wait3A_60, %dma_wait3A_61] : memref<3x128xi32, #tpu.memory_space<vmem>> -> memref<1x128xi32, #tpu.memory_space<vmem>>
    %dma_wait3A_63 = tpu.memref_squeeze %dma_wait3A_62 : memref<1x128xi32, #tpu.memory_space<vmem>> -> memref<128xi32, #tpu.memory_space<vmem>>
    %dma_wait3A_64 = tpu.memref_slice %arg3[%dma_wait3A, %mul3A_59] : memref<2x320000xi32, #tpu.memory_space<hbm>> -> memref<1x128xi32, #tpu.memory_space<hbm>>
    %dma_wait3A_65 = tpu.memref_squeeze %dma_wait3A_64 : memref<1x128xi32, #tpu.memory_space<hbm>> -> memref<128xi32, #tpu.memory_space<hbm>>
    %dma_wait3A_66 = arith.constant 0 : i32
    %dma_wait3A_67 = tpu.memref_slice %arg6[%dma_wait3A_60, %dma_wait3A_66] : memref<3x128xi32, #tpu.memory_space<vmem>> -> memref<1x128xi32, #tpu.memory_space<vmem>>
    %dma_wait3A_68 = tpu.memref_squeeze %dma_wait3A_67 : memref<1x128xi32, #tpu.memory_space<vmem>> -> memref<128xi32, #tpu.memory_space<vmem>>
    %dma_wait3A_69 = tpu.memref_slice %arg3[%dma_wait3A, %mul3A_59] : memref<2x320000xi32, #tpu.memory_space<hbm>> -> memref<1x128xi32, #tpu.memory_space<hbm>>
    %dma_wait3A_70 = tpu.memref_squeeze %dma_wait3A_69 : memref<1x128xi32, #tpu.memory_space<hbm>> -> memref<128xi32, #tpu.memory_space<hbm>>
    tpu.wait_dma2 semaphore(%arg10 : memref<!tpu.dma_semaphore, #tpu.memory_space<semaphore_mem>>) src(%dma_wait3A_70 : memref<128xi32, #tpu.memory_space<hbm>>) dst(%dma_wait3A_68 : memref<128xi32, #tpu.memory_space<vmem>>)
    %dma_wait3A_71 = arith.constant 1 : i32
    %dma_wait3A_72 = arith.constant 0 : i32
    %dma_wait3A_73 = arith.constant 0 : i32
    %dma_wait3A_74 = tpu.memref_slice %arg7[%dma_wait3A_72, %dma_wait3A_73] : memref<3x128xi32, #tpu.memory_space<vmem>> -> memref<1x128xi32, #tpu.memory_space<vmem>>
    %dma_wait3A_75 = tpu.memref_squeeze %dma_wait3A_74 : memref<1x128xi32, #tpu.memory_space<vmem>> -> memref<128xi32, #tpu.memory_space<vmem>>
    %dma_wait3A_76 = tpu.memref_slice %arg3[%dma_wait3A_71, %mul3A_59] : memref<2x320000xi32, #tpu.memory_space<hbm>> -> memref<1x128xi32, #tpu.memory_space<hbm>>
    %dma_wait3A_77 = tpu.memref_squeeze %dma_wait3A_76 : memref<1x128xi32, #tpu.memory_space<hbm>> -> memref<128xi32, #tpu.memory_space<hbm>>
    %dma_wait3A_78 = arith.constant 0 : i32
    %dma_wait3A_79 = tpu.memref_slice %arg7[%dma_wait3A_72, %dma_wait3A_78] : memref<3x128xi32, #tpu.memory_space<vmem>> -> memref<1x128xi32, #tpu.memory_space<vmem>>
    %dma_wait3A_80 = tpu.memref_squeeze %dma_wait3A_79 : memref<1x128xi32, #tpu.memory_space<vmem>> -> memref<128xi32, #tpu.memory_space<vmem>>
    %dma_wait3A_81 = tpu.memref_slice %arg3[%dma_wait3A_71, %mul3A_59] : memref<2x320000xi32, #tpu.memory_space<hbm>> -> memref<1x128xi32, #tpu.memory_space<hbm>>
    %dma_wait3A_82 = tpu.memref_squeeze %dma_wait3A_81 : memref<1x128xi32, #tpu.memory_space<hbm>> -> memref<128xi32, #tpu.memory_space<hbm>>
    tpu.wait_dma2 semaphore(%arg10 : memref<!tpu.dma_semaphore, #tpu.memory_space<semaphore_mem>>) src(%dma_wait3A_82 : memref<128xi32, #tpu.memory_space<hbm>>) dst(%dma_wait3A_80 : memref<128xi32, #tpu.memory_space<vmem>>)
    %dma_start3A_83 = arith.constant 0 : i32
    %dma_start3A_84 = arith.constant 0 : i32
    %dma_start3A_85 = arith.constant 0 : i32
    %dma_start3A_86 = arith.constant 0 : i32
    %dma_start3A_87 = tpu.memref_slice %arg8[%dma_start3A_84, %dma_start3A_85, %dma_start3A_86] : memref<3x128x128xf32, #tpu.memory_space<vmem>> -> memref<1x128x128xf32, #tpu.memory_space<vmem>>
    %dma_start3A_88 = tpu.memref_squeeze %dma_start3A_87 : memref<1x128x128xf32, #tpu.memory_space<vmem>> -> memref<128x128xf32, #tpu.memory_space<vmem>>
    %dma_start3A_89 = arith.constant 0 : i32
    %dma_start3A_90 = tpu.memref_slice %arg6[%dma_start3A_83, %dma_start3A_89] : memref<3x128xi32, #tpu.memory_space<vmem>> -> memref<1x128xi32, #tpu.memory_space<vmem>>
    %dma_start3A_91 = tpu.memref_squeeze %dma_start3A_90 : memref<1x128xi32, #tpu.memory_space<vmem>> -> memref<128xi32, #tpu.memory_space<vmem>>
    %dma_start3A_92 = arith.constant 0 : i32
    %dma_start3A_93 = arith.constant 0 : i32
    %dma_start3A_94 = tpu.memref_slice %arg2[%dma_start3A_92, %dma_start3A_93] : memref<10000x128xf32, #tpu.memory_space<hbm>> -> memref<10000x128xf32, #tpu.memory_space<hbm>>
    tpu.enqueue_indirect_dma source(%dma_start3A_94 : memref<10000x128xf32, #tpu.memory_space<hbm>>) target(%dma_start3A_88 : memref<128x128xf32, #tpu.memory_space<vmem>>) offsets(%dma_start3A_91 : memref<128xi32, #tpu.memory_space<vmem>>) semaphore(%arg10 : memref<!tpu.dma_semaphore, #tpu.memory_space<semaphore_mem>>)
    %scan3A = arith.constant 0 : i32
    %scan3A_95 = arith.constant 0 : i32
    %scan3A_96 = arith.constant 26 : i32
    %scan3A_97 = arith.addi %scan3A_95, %scan3A_96 : i32
    %scan3A_98 = arith.constant 1 : i32
    scf.for %scan3A_118 = %scan3A_95 to %scan3A_97 step %scan3A_98  : i32 {
      %mul3A_119 = arith.constant 3 : i32
      %mul3A_120 = arith.muli %scan3A_118, %mul3A_119 : i32
      %add3A_121 = arith.constant 0 : i32
      %add3A_122 = arith.addi %mul3A_120, %add3A_121 : i32
      %gt3A = arith.constant 0 : i32
      %gt3A_123 = arith.cmpi sgt, %scan3A_118, %gt3A : i32
      %convert_element_type3A_124 = arith.extui %gt3A_123 : i1 to i32
      %cond3A_125 = arith.constant 0 : i32
      %cond3A_126 = arith.cmpi ne, %convert_element_type3A_124, %cond3A_125 : i32
      scf.if %cond3A_126 {
        %dma_wait3A_273 = arith.constant 2 : i32
        %dma_wait3A_274 = arith.constant 2 : i32
        %dma_wait3A_275 = arith.constant 0 : i32
        %dma_wait3A_276 = arith.constant 0 : i32
        %dma_wait3A_277 = tpu.memref_slice %arg8[%dma_wait3A_273, %dma_wait3A_275, %dma_wait3A_276] : memref<3x128x128xf32, #tpu.memory_space<vmem>> -> memref<1x128x128xf32, #tpu.memory_space<vmem>>
        %dma_wait3A_278 = tpu.memref_squeeze %dma_wait3A_277 : memref<1x128x128xf32, #tpu.memory_space<vmem>> -> memref<128x128xf32, #tpu.memory_space<vmem>>
        %dma_wait3A_279 = arith.constant 0 : i32
        %dma_wait3A_280 = tpu.memref_slice %arg7[%dma_wait3A_274, %dma_wait3A_279] : memref<3x128xi32, #tpu.memory_space<vmem>> -> memref<1x128xi32, #tpu.memory_space<vmem>>
        %dma_wait3A_281 = tpu.memref_squeeze %dma_wait3A_280 : memref<1x128xi32, #tpu.memory_space<vmem>> -> memref<128xi32, #tpu.memory_space<vmem>>
        %dma_wait3A_282 = arith.constant 0 : i32
        %dma_wait3A_283 = arith.constant 0 : i32
        %dma_wait3A_284 = tpu.memref_slice %arg9[%dma_wait3A_282, %dma_wait3A_283] : memref<10112x128xf32, #tpu.memory_space<vmem_shared>> -> memref<10112x128xf32, #tpu.memory_space<vmem_shared>>
        tpu.wait_indirect_dma semaphore(%arg12 : memref<!tpu.dma_semaphore, #tpu.memory_space<semaphore_mem>>) src(%dma_wait3A_278 : memref<128x128xf32, #tpu.memory_space<vmem>>) dst(%dma_wait3A_284 : memref<10112x128xf32, #tpu.memory_space<vmem_shared>>)
      } else {
      }
      %add3A_127 = arith.constant 2 : i32
      %add3A_128 = arith.addi %add3A_122, %add3A_127 : i32
      %lt3A_129 = arith.constant 78 : i32
      %lt3A_130 = arith.cmpi slt, %add3A_128, %lt3A_129 : i32
      %convert_element_type3A_131 = arith.extui %lt3A_130 : i1 to i32
      %cond3A_132 = arith.constant 0 : i32
      %cond3A_133 = arith.cmpi ne, %convert_element_type3A_131, %cond3A_132 : i32
      scf.if %cond3A_133 {
        %add3A_273 = arith.addi %mul3A_4, %add3A_122 : i32
        %add3A_274 = arith.constant 2 : i32
        %add3A_275 = arith.addi %add3A_273, %add3A_274 : i32
        %mul3A_276 = arith.constant 128 : i32
        %mul3A_277 = arith.muli %add3A_275, %mul3A_276 : i32
        %dma_start3A_278 = arith.constant 0 : i32
        %dma_start3A_279 = arith.constant 2 : i32
        %dma_start3A_280 = arith.constant 0 : i32
        %dma_start3A_281 = tpu.memref_slice %arg6[%dma_start3A_279, %dma_start3A_280] : memref<3x128xi32, #tpu.memory_space<vmem>> -> memref<1x128xi32, #tpu.memory_space<vmem>>
        %dma_start3A_282 = tpu.memref_squeeze %dma_start3A_281 : memref<1x128xi32, #tpu.memory_space<vmem>> -> memref<128xi32, #tpu.memory_space<vmem>>
        %dma_start3A_283 = tpu.memref_slice %arg3[%dma_start3A_278, %mul3A_277] : memref<2x320000xi32, #tpu.memory_space<hbm>> -> memref<1x128xi32, #tpu.memory_space<hbm>>
        %dma_start3A_284 = tpu.memref_squeeze %dma_start3A_283 : memref<1x128xi32, #tpu.memory_space<hbm>> -> memref<128xi32, #tpu.memory_space<hbm>>
        %dma_start3A_285 = arith.constant 0 : i32
        %dma_start3A_286 = tpu.memref_slice %arg6[%dma_start3A_279, %dma_start3A_285] : memref<3x128xi32, #tpu.memory_space<vmem>> -> memref<1x128xi32, #tpu.memory_space<vmem>>
        %dma_start3A_287 = tpu.memref_squeeze %dma_start3A_286 : memref<1x128xi32, #tpu.memory_space<vmem>> -> memref<128xi32, #tpu.memory_space<vmem>>
        %dma_start3A_288 = tpu.memref_slice %arg3[%dma_start3A_278, %mul3A_277] : memref<2x320000xi32, #tpu.memory_space<hbm>> -> memref<1x128xi32, #tpu.memory_space<hbm>>
        %dma_start3A_289 = tpu.memref_squeeze %dma_start3A_288 : memref<1x128xi32, #tpu.memory_space<hbm>> -> memref<128xi32, #tpu.memory_space<hbm>>
        tpu.enqueue_dma source(%dma_start3A_289 : memref<128xi32, #tpu.memory_space<hbm>>) target(%dma_start3A_287 : memref<128xi32, #tpu.memory_space<vmem>>) target_semaphore(%arg12 : memref<!tpu.dma_semaphore, #tpu.memory_space<semaphore_mem>>)
        %dma_start3A_290 = arith.constant 1 : i32
        %dma_start3A_291 = arith.constant 2 : i32
        %dma_start3A_292 = arith.constant 0 : i32
        %dma_start3A_293 = tpu.memref_slice %arg7[%dma_start3A_291, %dma_start3A_292] : memref<3x128xi32, #tpu.memory_space<vmem>> -> memref<1x128xi32, #tpu.memory_space<vmem>>
        %dma_start3A_294 = tpu.memref_squeeze %dma_start3A_293 : memref<1x128xi32, #tpu.memory_space<vmem>> -> memref<128xi32, #tpu.memory_space<vmem>>
        %dma_start3A_295 = tpu.memref_slice %arg3[%dma_start3A_290, %mul3A_277] : memref<2x320000xi32, #tpu.memory_space<hbm>> -> memref<1x128xi32, #tpu.memory_space<hbm>>
        %dma_start3A_296 = tpu.memref_squeeze %dma_start3A_295 : memref<1x128xi32, #tpu.memory_space<hbm>> -> memref<128xi32, #tpu.memory_space<hbm>>
        %dma_start3A_297 = arith.constant 0 : i32
        %dma_start3A_298 = tpu.memref_slice %arg7[%dma_start3A_291, %dma_start3A_297] : memref<3x128xi32, #tpu.memory_space<vmem>> -> memref<1x128xi32, #tpu.memory_space<vmem>>
        %dma_start3A_299 = tpu.memref_squeeze %dma_start3A_298 : memref<1x128xi32, #tpu.memory_space<vmem>> -> memref<128xi32, #tpu.memory_space<vmem>>
        %dma_start3A_300 = tpu.memref_slice %arg3[%dma_start3A_290, %mul3A_277] : memref<2x320000xi32, #tpu.memory_space<hbm>> -> memref<1x128xi32, #tpu.memory_space<hbm>>
        %dma_start3A_301 = tpu.memref_squeeze %dma_start3A_300 : memref<1x128xi32, #tpu.memory_space<hbm>> -> memref<128xi32, #tpu.memory_space<hbm>>
        tpu.enqueue_dma source(%dma_start3A_301 : memref<128xi32, #tpu.memory_space<hbm>>) target(%dma_start3A_299 : memref<128xi32, #tpu.memory_space<vmem>>) target_semaphore(%arg12 : memref<!tpu.dma_semaphore, #tpu.memory_space<semaphore_mem>>)
      } else {
      }
      %add3A_134 = arith.constant 1 : i32
      %add3A_135 = arith.addi %add3A_122, %add3A_134 : i32
      %lt3A_136 = arith.constant 78 : i32
      %lt3A_137 = arith.cmpi slt, %add3A_135, %lt3A_136 : i32
      %convert_element_type3A_138 = arith.extui %lt3A_137 : i1 to i32
      %cond3A_139 = arith.constant 0 : i32
      %cond3A_140 = arith.cmpi ne, %convert_element_type3A_138, %cond3A_139 : i32
      scf.if %cond3A_140 {
        %add3A_273 = arith.addi %mul3A_4, %add3A_122 : i32
        %add3A_274 = arith.constant 1 : i32
        %add3A_275 = arith.addi %add3A_273, %add3A_274 : i32
        %mul3A_276 = arith.constant 128 : i32
        %mul3A_277 = arith.muli %add3A_275, %mul3A_276 : i32
        %dma_wait3A_278 = arith.constant 0 : i32
        %dma_wait3A_279 = arith.constant 1 : i32
        %dma_wait3A_280 = arith.constant 0 : i32
        %dma_wait3A_281 = tpu.memref_slice %arg6[%dma_wait3A_279, %dma_wait3A_280] : memref<3x128xi32, #tpu.memory_space<vmem>> -> memref<1x128xi32, #tpu.memory_space<vmem>>
        %dma_wait3A_282 = tpu.memref_squeeze %dma_wait3A_281 : memref<1x128xi32, #tpu.memory_space<vmem>> -> memref<128xi32, #tpu.memory_space<vmem>>
        %dma_wait3A_283 = tpu.memref_slice %arg3[%dma_wait3A_278, %mul3A_277] : memref<2x320000xi32, #tpu.memory_space<hbm>> -> memref<1x128xi32, #tpu.memory_space<hbm>>
        %dma_wait3A_284 = tpu.memref_squeeze %dma_wait3A_283 : memref<1x128xi32, #tpu.memory_space<hbm>> -> memref<128xi32, #tpu.memory_space<hbm>>
        %dma_wait3A_285 = arith.constant 0 : i32
        %dma_wait3A_286 = tpu.memref_slice %arg6[%dma_wait3A_279, %dma_wait3A_285] : memref<3x128xi32, #tpu.memory_space<vmem>> -> memref<1x128xi32, #tpu.memory_space<vmem>>
        %dma_wait3A_287 = tpu.memref_squeeze %dma_wait3A_286 : memref<1x128xi32, #tpu.memory_space<vmem>> -> memref<128xi32, #tpu.memory_space<vmem>>
        %dma_wait3A_288 = tpu.memref_slice %arg3[%dma_wait3A_278, %mul3A_277] : memref<2x320000xi32, #tpu.memory_space<hbm>> -> memref<1x128xi32, #tpu.memory_space<hbm>>
        %dma_wait3A_289 = tpu.memref_squeeze %dma_wait3A_288 : memref<1x128xi32, #tpu.memory_space<hbm>> -> memref<128xi32, #tpu.memory_space<hbm>>
        tpu.wait_dma2 semaphore(%arg11 : memref<!tpu.dma_semaphore, #tpu.memory_space<semaphore_mem>>) src(%dma_wait3A_289 : memref<128xi32, #tpu.memory_space<hbm>>) dst(%dma_wait3A_287 : memref<128xi32, #tpu.memory_space<vmem>>)
        %dma_wait3A_290 = arith.constant 1 : i32
        %dma_wait3A_291 = arith.constant 1 : i32
        %dma_wait3A_292 = arith.constant 0 : i32
        %dma_wait3A_293 = tpu.memref_slice %arg7[%dma_wait3A_291, %dma_wait3A_292] : memref<3x128xi32, #tpu.memory_space<vmem>> -> memref<1x128xi32, #tpu.memory_space<vmem>>
        %dma_wait3A_294 = tpu.memref_squeeze %dma_wait3A_293 : memref<1x128xi32, #tpu.memory_space<vmem>> -> memref<128xi32, #tpu.memory_space<vmem>>
        %dma_wait3A_295 = tpu.memref_slice %arg3[%dma_wait3A_290, %mul3A_277] : memref<2x320000xi32, #tpu.memory_space<hbm>> -> memref<1x128xi32, #tpu.memory_space<hbm>>
        %dma_wait3A_296 = tpu.memref_squeeze %dma_wait3A_295 : memref<1x128xi32, #tpu.memory_space<hbm>> -> memref<128xi32, #tpu.memory_space<hbm>>
        %dma_wait3A_297 = arith.constant 0 : i32
        %dma_wait3A_298 = tpu.memref_slice %arg7[%dma_wait3A_291, %dma_wait3A_297] : memref<3x128xi32, #tpu.memory_space<vmem>> -> memref<1x128xi32, #tpu.memory_space<vmem>>
        %dma_wait3A_299 = tpu.memref_squeeze %dma_wait3A_298 : memref<1x128xi32, #tpu.memory_space<vmem>> -> memref<128xi32, #tpu.memory_space<vmem>>
        %dma_wait3A_300 = tpu.memref_slice %arg3[%dma_wait3A_290, %mul3A_277] : memref<2x320000xi32, #tpu.memory_space<hbm>> -> memref<1x128xi32, #tpu.memory_space<hbm>>
        %dma_wait3A_301 = tpu.memref_squeeze %dma_wait3A_300 : memref<1x128xi32, #tpu.memory_space<hbm>> -> memref<128xi32, #tpu.memory_space<hbm>>
        tpu.wait_dma2 semaphore(%arg11 : memref<!tpu.dma_semaphore, #tpu.memory_space<semaphore_mem>>) src(%dma_wait3A_301 : memref<128xi32, #tpu.memory_space<hbm>>) dst(%dma_wait3A_299 : memref<128xi32, #tpu.memory_space<vmem>>)
        %dma_start3A_302 = arith.constant 1 : i32
        %dma_start3A_303 = arith.constant 1 : i32
        %dma_start3A_304 = arith.constant 0 : i32
        %dma_start3A_305 = arith.constant 0 : i32
        %dma_start3A_306 = tpu.memref_slice %arg8[%dma_start3A_303, %dma_start3A_304, %dma_start3A_305] : memref<3x128x128xf32, #tpu.memory_space<vmem>> -> memref<1x128x128xf32, #tpu.memory_space<vmem>>
        %dma_start3A_307 = tpu.memref_squeeze %dma_start3A_306 : memref<1x128x128xf32, #tpu.memory_space<vmem>> -> memref<128x128xf32, #tpu.memory_space<vmem>>
        %dma_start3A_308 = arith.constant 0 : i32
        %dma_start3A_309 = tpu.memref_slice %arg6[%dma_start3A_302, %dma_start3A_308] : memref<3x128xi32, #tpu.memory_space<vmem>> -> memref<1x128xi32, #tpu.memory_space<vmem>>
        %dma_start3A_310 = tpu.memref_squeeze %dma_start3A_309 : memref<1x128xi32, #tpu.memory_space<vmem>> -> memref<128xi32, #tpu.memory_space<vmem>>
        %dma_start3A_311 = arith.constant 0 : i32
        %dma_start3A_312 = arith.constant 0 : i32
        %dma_start3A_313 = tpu.memref_slice %arg2[%dma_start3A_311, %dma_start3A_312] : memref<10000x128xf32, #tpu.memory_space<hbm>> -> memref<10000x128xf32, #tpu.memory_space<hbm>>
        tpu.enqueue_indirect_dma source(%dma_start3A_313 : memref<10000x128xf32, #tpu.memory_space<hbm>>) target(%dma_start3A_307 : memref<128x128xf32, #tpu.memory_space<vmem>>) offsets(%dma_start3A_310 : memref<128xi32, #tpu.memory_space<vmem>>) semaphore(%arg11 : memref<!tpu.dma_semaphore, #tpu.memory_space<semaphore_mem>>)
      } else {
      }
      %dma_wait3A_141 = arith.constant 0 : i32
      %dma_wait3A_142 = arith.constant 0 : i32
      %dma_wait3A_143 = arith.constant 0 : i32
      %dma_wait3A_144 = arith.constant 0 : i32
      %dma_wait3A_145 = tpu.memref_slice %arg8[%dma_wait3A_142, %dma_wait3A_143, %dma_wait3A_144] : memref<3x128x128xf32, #tpu.memory_space<vmem>> -> memref<1x128x128xf32, #tpu.memory_space<vmem>>
      %dma_wait3A_146 = tpu.memref_squeeze %dma_wait3A_145 : memref<1x128x128xf32, #tpu.memory_space<vmem>> -> memref<128x128xf32, #tpu.memory_space<vmem>>
      %dma_wait3A_147 = arith.constant 0 : i32
      %dma_wait3A_148 = tpu.memref_slice %arg6[%dma_wait3A_141, %dma_wait3A_147] : memref<3x128xi32, #tpu.memory_space<vmem>> -> memref<1x128xi32, #tpu.memory_space<vmem>>
      %dma_wait3A_149 = tpu.memref_squeeze %dma_wait3A_148 : memref<1x128xi32, #tpu.memory_space<vmem>> -> memref<128xi32, #tpu.memory_space<vmem>>
      %dma_wait3A_150 = arith.constant 0 : i32
      %dma_wait3A_151 = arith.constant 0 : i32
      %dma_wait3A_152 = tpu.memref_slice %arg2[%dma_wait3A_150, %dma_wait3A_151] : memref<10000x128xf32, #tpu.memory_space<hbm>> -> memref<10000x128xf32, #tpu.memory_space<hbm>>
      tpu.wait_indirect_dma semaphore(%arg10 : memref<!tpu.dma_semaphore, #tpu.memory_space<semaphore_mem>>) src(%dma_wait3A_152 : memref<10000x128xf32, #tpu.memory_space<hbm>>) dst(%dma_wait3A_146 : memref<128x128xf32, #tpu.memory_space<vmem>>)
      %dma_start3A_153 = arith.constant 0 : i32
      %dma_start3A_154 = arith.constant 0 : i32
      %dma_start3A_155 = arith.constant 0 : i32
      %dma_start3A_156 = arith.constant 0 : i32
      %dma_start3A_157 = tpu.memref_slice %arg8[%dma_start3A_153, %dma_start3A_155, %dma_start3A_156] : memref<3x128x128xf32, #tpu.memory_space<vmem>> -> memref<1x128x128xf32, #tpu.memory_space<vmem>>
      %dma_start3A_158 = tpu.memref_squeeze %dma_start3A_157 : memref<1x128x128xf32, #tpu.memory_space<vmem>> -> memref<128x128xf32, #tpu.memory_space<vmem>>
      %dma_start3A_159 = arith.constant 0 : i32
      %dma_start3A_160 = tpu.memref_slice %arg7[%dma_start3A_154, %dma_start3A_159] : memref<3x128xi32, #tpu.memory_space<vmem>> -> memref<1x128xi32, #tpu.memory_space<vmem>>
      %dma_start3A_161 = tpu.memref_squeeze %dma_start3A_160 : memref<1x128xi32, #tpu.memory_space<vmem>> -> memref<128xi32, #tpu.memory_space<vmem>>
      %dma_start3A_162 = arith.constant 0 : i32
      %dma_start3A_163 = arith.constant 0 : i32
      %dma_start3A_164 = tpu.memref_slice %arg9[%dma_start3A_162, %dma_start3A_163] : memref<10112x128xf32, #tpu.memory_space<vmem_shared>> -> memref<10112x128xf32, #tpu.memory_space<vmem_shared>>
      tpu.enqueue_indirect_dma source(%dma_start3A_158 : memref<128x128xf32, #tpu.memory_space<vmem>>) target(%dma_start3A_164 : memref<10112x128xf32, #tpu.memory_space<vmem_shared>>) offsets(%dma_start3A_161 : memref<128xi32, #tpu.memory_space<vmem>>) semaphore(%arg10 : memref<!tpu.dma_semaphore, #tpu.memory_space<semaphore_mem>>) {add = true}
      %mul3A_165 = arith.constant 3 : i32
      %mul3A_166 = arith.muli %scan3A_118, %mul3A_165 : i32
      %add3A_167 = arith.constant 1 : i32
      %add3A_168 = arith.addi %mul3A_166, %add3A_167 : i32
      %dma_wait3A_169 = arith.constant 0 : i32
      %dma_wait3A_170 = arith.constant 0 : i32
      %dma_wait3A_171 = arith.constant 0 : i32
      %dma_wait3A_172 = arith.constant 0 : i32
      %dma_wait3A_173 = tpu.memref_slice %arg8[%dma_wait3A_169, %dma_wait3A_171, %dma_wait3A_172] : memref<3x128x128xf32, #tpu.memory_space<vmem>> -> memref<1x128x128xf32, #tpu.memory_space<vmem>>
      %dma_wait3A_174 = tpu.memref_squeeze %dma_wait3A_173 : memref<1x128x128xf32, #tpu.memory_space<vmem>> -> memref<128x128xf32, #tpu.memory_space<vmem>>
      %dma_wait3A_175 = arith.constant 0 : i32
      %dma_wait3A_176 = tpu.memref_slice %arg7[%dma_wait3A_170, %dma_wait3A_175] : memref<3x128xi32, #tpu.memory_space<vmem>> -> memref<1x128xi32, #tpu.memory_space<vmem>>
      %dma_wait3A_177 = tpu.memref_squeeze %dma_wait3A_176 : memref<1x128xi32, #tpu.memory_space<vmem>> -> memref<128xi32, #tpu.memory_space<vmem>>
      %dma_wait3A_178 = arith.constant 0 : i32
      %dma_wait3A_179 = arith.constant 0 : i32
      %dma_wait3A_180 = tpu.memref_slice %arg9[%dma_wait3A_178, %dma_wait3A_179] : memref<10112x128xf32, #tpu.memory_space<vmem_shared>> -> memref<10112x128xf32, #tpu.memory_space<vmem_shared>>
      tpu.wait_indirect_dma semaphore(%arg10 : memref<!tpu.dma_semaphore, #tpu.memory_space<semaphore_mem>>) src(%dma_wait3A_174 : memref<128x128xf32, #tpu.memory_space<vmem>>) dst(%dma_wait3A_180 : memref<10112x128xf32, #tpu.memory_space<vmem_shared>>)
      %add3A_181 = arith.constant 2 : i32
      %add3A_182 = arith.addi %add3A_168, %add3A_181 : i32
      %lt3A_183 = arith.constant 78 : i32
      %lt3A_184 = arith.cmpi slt, %add3A_182, %lt3A_183 : i32
      %convert_element_type3A_185 = arith.extui %lt3A_184 : i1 to i32
      %cond3A_186 = arith.constant 0 : i32
      %cond3A_187 = arith.cmpi ne, %convert_element_type3A_185, %cond3A_186 : i32
      scf.if %cond3A_187 {
        %add3A_273 = arith.addi %mul3A_4, %add3A_168 : i32
        %add3A_274 = arith.constant 2 : i32
        %add3A_275 = arith.addi %add3A_273, %add3A_274 : i32
        %mul3A_276 = arith.constant 128 : i32
        %mul3A_277 = arith.muli %add3A_275, %mul3A_276 : i32
        %dma_start3A_278 = arith.constant 0 : i32
        %dma_start3A_279 = arith.constant 0 : i32
        %dma_start3A_280 = arith.constant 0 : i32
        %dma_start3A_281 = tpu.memref_slice %arg6[%dma_start3A_279, %dma_start3A_280] : memref<3x128xi32, #tpu.memory_space<vmem>> -> memref<1x128xi32, #tpu.memory_space<vmem>>
        %dma_start3A_282 = tpu.memref_squeeze %dma_start3A_281 : memref<1x128xi32, #tpu.memory_space<vmem>> -> memref<128xi32, #tpu.memory_space<vmem>>
        %dma_start3A_283 = tpu.memref_slice %arg3[%dma_start3A_278, %mul3A_277] : memref<2x320000xi32, #tpu.memory_space<hbm>> -> memref<1x128xi32, #tpu.memory_space<hbm>>
        %dma_start3A_284 = tpu.memref_squeeze %dma_start3A_283 : memref<1x128xi32, #tpu.memory_space<hbm>> -> memref<128xi32, #tpu.memory_space<hbm>>
        %dma_start3A_285 = arith.constant 0 : i32
        %dma_start3A_286 = tpu.memref_slice %arg6[%dma_start3A_279, %dma_start3A_285] : memref<3x128xi32, #tpu.memory_space<vmem>> -> memref<1x128xi32, #tpu.memory_space<vmem>>
        %dma_start3A_287 = tpu.memref_squeeze %dma_start3A_286 : memref<1x128xi32, #tpu.memory_space<vmem>> -> memref<128xi32, #tpu.memory_space<vmem>>
        %dma_start3A_288 = tpu.memref_slice %arg3[%dma_start3A_278, %mul3A_277] : memref<2x320000xi32, #tpu.memory_space<hbm>> -> memref<1x128xi32, #tpu.memory_space<hbm>>
        %dma_start3A_289 = tpu.memref_squeeze %dma_start3A_288 : memref<1x128xi32, #tpu.memory_space<hbm>> -> memref<128xi32, #tpu.memory_space<hbm>>
        tpu.enqueue_dma source(%dma_start3A_289 : memref<128xi32, #tpu.memory_space<hbm>>) target(%dma_start3A_287 : memref<128xi32, #tpu.memory_space<vmem>>) target_semaphore(%arg10 : memref<!tpu.dma_semaphore, #tpu.memory_space<semaphore_mem>>)
        %dma_start3A_290 = arith.constant 1 : i32
        %dma_start3A_291 = arith.constant 0 : i32
        %dma_start3A_292 = arith.constant 0 : i32
        %dma_start3A_293 = tpu.memref_slice %arg7[%dma_start3A_291, %dma_start3A_292] : memref<3x128xi32, #tpu.memory_space<vmem>> -> memref<1x128xi32, #tpu.memory_space<vmem>>
        %dma_start3A_294 = tpu.memref_squeeze %dma_start3A_293 : memref<1x128xi32, #tpu.memory_space<vmem>> -> memref<128xi32, #tpu.memory_space<vmem>>
        %dma_start3A_295 = tpu.memref_slice %arg3[%dma_start3A_290, %mul3A_277] : memref<2x320000xi32, #tpu.memory_space<hbm>> -> memref<1x128xi32, #tpu.memory_space<hbm>>
        %dma_start3A_296 = tpu.memref_squeeze %dma_start3A_295 : memref<1x128xi32, #tpu.memory_space<hbm>> -> memref<128xi32, #tpu.memory_space<hbm>>
        %dma_start3A_297 = arith.constant 0 : i32
        %dma_start3A_298 = tpu.memref_slice %arg7[%dma_start3A_291, %dma_start3A_297] : memref<3x128xi32, #tpu.memory_space<vmem>> -> memref<1x128xi32, #tpu.memory_space<vmem>>
        %dma_start3A_299 = tpu.memref_squeeze %dma_start3A_298 : memref<1x128xi32, #tpu.memory_space<vmem>> -> memref<128xi32, #tpu.memory_space<vmem>>
        %dma_start3A_300 = tpu.memref_slice %arg3[%dma_start3A_290, %mul3A_277] : memref<2x320000xi32, #tpu.memory_space<hbm>> -> memref<1x128xi32, #tpu.memory_space<hbm>>
        %dma_start3A_301 = tpu.memref_squeeze %dma_start3A_300 : memref<1x128xi32, #tpu.memory_space<hbm>> -> memref<128xi32, #tpu.memory_space<hbm>>
        tpu.enqueue_dma source(%dma_start3A_301 : memref<128xi32, #tpu.memory_space<hbm>>) target(%dma_start3A_299 : memref<128xi32, #tpu.memory_space<vmem>>) target_semaphore(%arg10 : memref<!tpu.dma_semaphore, #tpu.memory_space<semaphore_mem>>)
      } else {
      }
      %add3A_188 = arith.constant 1 : i32
      %add3A_189 = arith.addi %add3A_168, %add3A_188 : i32
      %lt3A_190 = arith.constant 78 : i32
      %lt3A_191 = arith.cmpi slt, %add3A_189, %lt3A_190 : i32
      %convert_element_type3A_192 = arith.extui %lt3A_191 : i1 to i32
      %cond3A_193 = arith.constant 0 : i32
      %cond3A_194 = arith.cmpi ne, %convert_element_type3A_192, %cond3A_193 : i32
      scf.if %cond3A_194 {
        %add3A_273 = arith.addi %mul3A_4, %add3A_168 : i32
        %add3A_274 = arith.constant 1 : i32
        %add3A_275 = arith.addi %add3A_273, %add3A_274 : i32
        %mul3A_276 = arith.constant 128 : i32
        %mul3A_277 = arith.muli %add3A_275, %mul3A_276 : i32
        %dma_wait3A_278 = arith.constant 0 : i32
        %dma_wait3A_279 = arith.constant 2 : i32
        %dma_wait3A_280 = arith.constant 0 : i32
        %dma_wait3A_281 = tpu.memref_slice %arg6[%dma_wait3A_279, %dma_wait3A_280] : memref<3x128xi32, #tpu.memory_space<vmem>> -> memref<1x128xi32, #tpu.memory_space<vmem>>
        %dma_wait3A_282 = tpu.memref_squeeze %dma_wait3A_281 : memref<1x128xi32, #tpu.memory_space<vmem>> -> memref<128xi32, #tpu.memory_space<vmem>>
        %dma_wait3A_283 = tpu.memref_slice %arg3[%dma_wait3A_278, %mul3A_277] : memref<2x320000xi32, #tpu.memory_space<hbm>> -> memref<1x128xi32, #tpu.memory_space<hbm>>
        %dma_wait3A_284 = tpu.memref_squeeze %dma_wait3A_283 : memref<1x128xi32, #tpu.memory_space<hbm>> -> memref<128xi32, #tpu.memory_space<hbm>>
        %dma_wait3A_285 = arith.constant 0 : i32
        %dma_wait3A_286 = tpu.memref_slice %arg6[%dma_wait3A_279, %dma_wait3A_285] : memref<3x128xi32, #tpu.memory_space<vmem>> -> memref<1x128xi32, #tpu.memory_space<vmem>>
        %dma_wait3A_287 = tpu.memref_squeeze %dma_wait3A_286 : memref<1x128xi32, #tpu.memory_space<vmem>> -> memref<128xi32, #tpu.memory_space<vmem>>
        %dma_wait3A_288 = tpu.memref_slice %arg3[%dma_wait3A_278, %mul3A_277] : memref<2x320000xi32, #tpu.memory_space<hbm>> -> memref<1x128xi32, #tpu.memory_space<hbm>>
        %dma_wait3A_289 = tpu.memref_squeeze %dma_wait3A_288 : memref<1x128xi32, #tpu.memory_space<hbm>> -> memref<128xi32, #tpu.memory_space<hbm>>
        tpu.wait_dma2 semaphore(%arg12 : memref<!tpu.dma_semaphore, #tpu.memory_space<semaphore_mem>>) src(%dma_wait3A_289 : memref<128xi32, #tpu.memory_space<hbm>>) dst(%dma_wait3A_287 : memref<128xi32, #tpu.memory_space<vmem>>)
        %dma_wait3A_290 = arith.constant 1 : i32
        %dma_wait3A_291 = arith.constant 2 : i32
        %dma_wait3A_292 = arith.constant 0 : i32
        %dma_wait3A_293 = tpu.memref_slice %arg7[%dma_wait3A_291, %dma_wait3A_292] : memref<3x128xi32, #tpu.memory_space<vmem>> -> memref<1x128xi32, #tpu.memory_space<vmem>>
        %dma_wait3A_294 = tpu.memref_squeeze %dma_wait3A_293 : memref<1x128xi32, #tpu.memory_space<vmem>> -> memref<128xi32, #tpu.memory_space<vmem>>
        %dma_wait3A_295 = tpu.memref_slice %arg3[%dma_wait3A_290, %mul3A_277] : memref<2x320000xi32, #tpu.memory_space<hbm>> -> memref<1x128xi32, #tpu.memory_space<hbm>>
        %dma_wait3A_296 = tpu.memref_squeeze %dma_wait3A_295 : memref<1x128xi32, #tpu.memory_space<hbm>> -> memref<128xi32, #tpu.memory_space<hbm>>
        %dma_wait3A_297 = arith.constant 0 : i32
        %dma_wait3A_298 = tpu.memref_slice %arg7[%dma_wait3A_291, %dma_wait3A_297] : memref<3x128xi32, #tpu.memory_space<vmem>> -> memref<1x128xi32, #tpu.memory_space<vmem>>
        %dma_wait3A_299 = tpu.memref_squeeze %dma_wait3A_298 : memref<1x128xi32, #tpu.memory_space<vmem>> -> memref<128xi32, #tpu.memory_space<vmem>>
        %dma_wait3A_300 = tpu.memref_slice %arg3[%dma_wait3A_290, %mul3A_277] : memref<2x320000xi32, #tpu.memory_space<hbm>> -> memref<1x128xi32, #tpu.memory_space<hbm>>
        %dma_wait3A_301 = tpu.memref_squeeze %dma_wait3A_300 : memref<1x128xi32, #tpu.memory_space<hbm>> -> memref<128xi32, #tpu.memory_space<hbm>>
        tpu.wait_dma2 semaphore(%arg12 : memref<!tpu.dma_semaphore, #tpu.memory_space<semaphore_mem>>) src(%dma_wait3A_301 : memref<128xi32, #tpu.memory_space<hbm>>) dst(%dma_wait3A_299 : memref<128xi32, #tpu.memory_space<vmem>>)
        %dma_start3A_302 = arith.constant 2 : i32
        %dma_start3A_303 = arith.constant 2 : i32
        %dma_start3A_304 = arith.constant 0 : i32
        %dma_start3A_305 = arith.constant 0 : i32
        %dma_start3A_306 = tpu.memref_slice %arg8[%dma_start3A_303, %dma_start3A_304, %dma_start3A_305] : memref<3x128x128xf32, #tpu.memory_space<vmem>> -> memref<1x128x128xf32, #tpu.memory_space<vmem>>
        %dma_start3A_307 = tpu.memref_squeeze %dma_start3A_306 : memref<1x128x128xf32, #tpu.memory_space<vmem>> -> memref<128x128xf32, #tpu.memory_space<vmem>>
        %dma_start3A_308 = arith.constant 0 : i32
        %dma_start3A_309 = tpu.memref_slice %arg6[%dma_start3A_302, %dma_start3A_308] : memref<3x128xi32, #tpu.memory_space<vmem>> -> memref<1x128xi32, #tpu.memory_space<vmem>>
        %dma_start3A_310 = tpu.memref_squeeze %dma_start3A_309 : memref<1x128xi32, #tpu.memory_space<vmem>> -> memref<128xi32, #tpu.memory_space<vmem>>
        %dma_start3A_311 = arith.constant 0 : i32
        %dma_start3A_312 = arith.constant 0 : i32
        %dma_start3A_313 = tpu.memref_slice %arg2[%dma_start3A_311, %dma_start3A_312] : memref<10000x128xf32, #tpu.memory_space<hbm>> -> memref<10000x128xf32, #tpu.memory_space<hbm>>
        tpu.enqueue_indirect_dma source(%dma_start3A_313 : memref<10000x128xf32, #tpu.memory_space<hbm>>) target(%dma_start3A_307 : memref<128x128xf32, #tpu.memory_space<vmem>>) offsets(%dma_start3A_310 : memref<128xi32, #tpu.memory_space<vmem>>) semaphore(%arg12 : memref<!tpu.dma_semaphore, #tpu.memory_space<semaphore_mem>>)
      } else {
      }
      %dma_wait3A_195 = arith.constant 1 : i32
      %dma_wait3A_196 = arith.constant 1 : i32
      %dma_wait3A_197 = arith.constant 0 : i32
      %dma_wait3A_198 = arith.constant 0 : i32
      %dma_wait3A_199 = tpu.memref_slice %arg8[%dma_wait3A_196, %dma_wait3A_197, %dma_wait3A_198] : memref<3x128x128xf32, #tpu.memory_space<vmem>> -> memref<1x128x128xf32, #tpu.memory_space<vmem>>
      %dma_wait3A_200 = tpu.memref_squeeze %dma_wait3A_199 : memref<1x128x128xf32, #tpu.memory_space<vmem>> -> memref<128x128xf32, #tpu.memory_space<vmem>>
      %dma_wait3A_201 = arith.constant 0 : i32
      %dma_wait3A_202 = tpu.memref_slice %arg6[%dma_wait3A_195, %dma_wait3A_201] : memref<3x128xi32, #tpu.memory_space<vmem>> -> memref<1x128xi32, #tpu.memory_space<vmem>>
      %dma_wait3A_203 = tpu.memref_squeeze %dma_wait3A_202 : memref<1x128xi32, #tpu.memory_space<vmem>> -> memref<128xi32, #tpu.memory_space<vmem>>
      %dma_wait3A_204 = arith.constant 0 : i32
      %dma_wait3A_205 = arith.constant 0 : i32
      %dma_wait3A_206 = tpu.memref_slice %arg2[%dma_wait3A_204, %dma_wait3A_205] : memref<10000x128xf32, #tpu.memory_space<hbm>> -> memref<10000x128xf32, #tpu.memory_space<hbm>>
      tpu.wait_indirect_dma semaphore(%arg11 : memref<!tpu.dma_semaphore, #tpu.memory_space<semaphore_mem>>) src(%dma_wait3A_206 : memref<10000x128xf32, #tpu.memory_space<hbm>>) dst(%dma_wait3A_200 : memref<128x128xf32, #tpu.memory_space<vmem>>)
      %dma_start3A_207 = arith.constant 1 : i32
      %dma_start3A_208 = arith.constant 1 : i32
      %dma_start3A_209 = arith.constant 0 : i32
      %dma_start3A_210 = arith.constant 0 : i32
      %dma_start3A_211 = tpu.memref_slice %arg8[%dma_start3A_207, %dma_start3A_209, %dma_start3A_210] : memref<3x128x128xf32, #tpu.memory_space<vmem>> -> memref<1x128x128xf32, #tpu.memory_space<vmem>>
      %dma_start3A_212 = tpu.memref_squeeze %dma_start3A_211 : memref<1x128x128xf32, #tpu.memory_space<vmem>> -> memref<128x128xf32, #tpu.memory_space<vmem>>
      %dma_start3A_213 = arith.constant 0 : i32
      %dma_start3A_214 = tpu.memref_slice %arg7[%dma_start3A_208, %dma_start3A_213] : memref<3x128xi32, #tpu.memory_space<vmem>> -> memref<1x128xi32, #tpu.memory_space<vmem>>
      %dma_start3A_215 = tpu.memref_squeeze %dma_start3A_214 : memref<1x128xi32, #tpu.memory_space<vmem>> -> memref<128xi32, #tpu.memory_space<vmem>>
      %dma_start3A_216 = arith.constant 0 : i32
      %dma_start3A_217 = arith.constant 0 : i32
      %dma_start3A_218 = tpu.memref_slice %arg9[%dma_start3A_216, %dma_start3A_217] : memref<10112x128xf32, #tpu.memory_space<vmem_shared>> -> memref<10112x128xf32, #tpu.memory_space<vmem_shared>>
      tpu.enqueue_indirect_dma source(%dma_start3A_212 : memref<128x128xf32, #tpu.memory_space<vmem>>) target(%dma_start3A_218 : memref<10112x128xf32, #tpu.memory_space<vmem_shared>>) offsets(%dma_start3A_215 : memref<128xi32, #tpu.memory_space<vmem>>) semaphore(%arg11 : memref<!tpu.dma_semaphore, #tpu.memory_space<semaphore_mem>>) {add = true}
      %mul3A_219 = arith.constant 3 : i32
      %mul3A_220 = arith.muli %scan3A_118, %mul3A_219 : i32
      %add3A_221 = arith.constant 2 : i32
      %add3A_222 = arith.addi %mul3A_220, %add3A_221 : i32
      %dma_wait3A_223 = arith.constant 1 : i32
      %dma_wait3A_224 = arith.constant 1 : i32
      %dma_wait3A_225 = arith.constant 0 : i32
      %dma_wait3A_226 = arith.constant 0 : i32
      %dma_wait3A_227 = tpu.memref_slice %arg8[%dma_wait3A_223, %dma_wait3A_225, %dma_wait3A_226] : memref<3x128x128xf32, #tpu.memory_space<vmem>> -> memref<1x128x128xf32, #tpu.memory_space<vmem>>
      %dma_wait3A_228 = tpu.memref_squeeze %dma_wait3A_227 : memref<1x128x128xf32, #tpu.memory_space<vmem>> -> memref<128x128xf32, #tpu.memory_space<vmem>>
      %dma_wait3A_229 = arith.constant 0 : i32
      %dma_wait3A_230 = tpu.memref_slice %arg7[%dma_wait3A_224, %dma_wait3A_229] : memref<3x128xi32, #tpu.memory_space<vmem>> -> memref<1x128xi32, #tpu.memory_space<vmem>>
      %dma_wait3A_231 = tpu.memref_squeeze %dma_wait3A_230 : memref<1x128xi32, #tpu.memory_space<vmem>> -> memref<128xi32, #tpu.memory_space<vmem>>
      %dma_wait3A_232 = arith.constant 0 : i32
      %dma_wait3A_233 = arith.constant 0 : i32
      %dma_wait3A_234 = tpu.memref_slice %arg9[%dma_wait3A_232, %dma_wait3A_233] : memref<10112x128xf32, #tpu.memory_space<vmem_shared>> -> memref<10112x128xf32, #tpu.memory_space<vmem_shared>>
      tpu.wait_indirect_dma semaphore(%arg11 : memref<!tpu.dma_semaphore, #tpu.memory_space<semaphore_mem>>) src(%dma_wait3A_228 : memref<128x128xf32, #tpu.memory_space<vmem>>) dst(%dma_wait3A_234 : memref<10112x128xf32, #tpu.memory_space<vmem_shared>>)
      %add3A_235 = arith.constant 2 : i32
      %add3A_236 = arith.addi %add3A_222, %add3A_235 : i32
      %lt3A_237 = arith.constant 78 : i32
      %lt3A_238 = arith.cmpi slt, %add3A_236, %lt3A_237 : i32
      %convert_element_type3A_239 = arith.extui %lt3A_238 : i1 to i32
      %cond3A_240 = arith.constant 0 : i32
      %cond3A_241 = arith.cmpi ne, %convert_element_type3A_239, %cond3A_240 : i32
      scf.if %cond3A_241 {
        %add3A_273 = arith.addi %mul3A_4, %add3A_222 : i32
        %add3A_274 = arith.constant 2 : i32
        %add3A_275 = arith.addi %add3A_273, %add3A_274 : i32
        %mul3A_276 = arith.constant 128 : i32
        %mul3A_277 = arith.muli %add3A_275, %mul3A_276 : i32
        %dma_start3A_278 = arith.constant 0 : i32
        %dma_start3A_279 = arith.constant 1 : i32
        %dma_start3A_280 = arith.constant 0 : i32
        %dma_start3A_281 = tpu.memref_slice %arg6[%dma_start3A_279, %dma_start3A_280] : memref<3x128xi32, #tpu.memory_space<vmem>> -> memref<1x128xi32, #tpu.memory_space<vmem>>
        %dma_start3A_282 = tpu.memref_squeeze %dma_start3A_281 : memref<1x128xi32, #tpu.memory_space<vmem>> -> memref<128xi32, #tpu.memory_space<vmem>>
        %dma_start3A_283 = tpu.memref_slice %arg3[%dma_start3A_278, %mul3A_277] : memref<2x320000xi32, #tpu.memory_space<hbm>> -> memref<1x128xi32, #tpu.memory_space<hbm>>
        %dma_start3A_284 = tpu.memref_squeeze %dma_start3A_283 : memref<1x128xi32, #tpu.memory_space<hbm>> -> memref<128xi32, #tpu.memory_space<hbm>>
        %dma_start3A_285 = arith.constant 0 : i32
        %dma_start3A_286 = tpu.memref_slice %arg6[%dma_start3A_279, %dma_start3A_285] : memref<3x128xi32, #tpu.memory_space<vmem>> -> memref<1x128xi32, #tpu.memory_space<vmem>>
        %dma_start3A_287 = tpu.memref_squeeze %dma_start3A_286 : memref<1x128xi32, #tpu.memory_space<vmem>> -> memref<128xi32, #tpu.memory_space<vmem>>
        %dma_start3A_288 = tpu.memref_slice %arg3[%dma_start3A_278, %mul3A_277] : memref<2x320000xi32, #tpu.memory_space<hbm>> -> memref<1x128xi32, #tpu.memory_space<hbm>>
        %dma_start3A_289 = tpu.memref_squeeze %dma_start3A_288 : memref<1x128xi32, #tpu.memory_space<hbm>> -> memref<128xi32, #tpu.memory_space<hbm>>
        tpu.enqueue_dma source(%dma_start3A_289 : memref<128xi32, #tpu.memory_space<hbm>>) target(%dma_start3A_287 : memref<128xi32, #tpu.memory_space<vmem>>) target_semaphore(%arg11 : memref<!tpu.dma_semaphore, #tpu.memory_space<semaphore_mem>>)
        %dma_start3A_290 = arith.constant 1 : i32
        %dma_start3A_291 = arith.constant 1 : i32
        %dma_start3A_292 = arith.constant 0 : i32
        %dma_start3A_293 = tpu.memref_slice %arg7[%dma_start3A_291, %dma_start3A_292] : memref<3x128xi32, #tpu.memory_space<vmem>> -> memref<1x128xi32, #tpu.memory_space<vmem>>
        %dma_start3A_294 = tpu.memref_squeeze %dma_start3A_293 : memref<1x128xi32, #tpu.memory_space<vmem>> -> memref<128xi32, #tpu.memory_space<vmem>>
        %dma_start3A_295 = tpu.memref_slice %arg3[%dma_start3A_290, %mul3A_277] : memref<2x320000xi32, #tpu.memory_space<hbm>> -> memref<1x128xi32, #tpu.memory_space<hbm>>
        %dma_start3A_296 = tpu.memref_squeeze %dma_start3A_295 : memref<1x128xi32, #tpu.memory_space<hbm>> -> memref<128xi32, #tpu.memory_space<hbm>>
        %dma_start3A_297 = arith.constant 0 : i32
        %dma_start3A_298 = tpu.memref_slice %arg7[%dma_start3A_291, %dma_start3A_297] : memref<3x128xi32, #tpu.memory_space<vmem>> -> memref<1x128xi32, #tpu.memory_space<vmem>>
        %dma_start3A_299 = tpu.memref_squeeze %dma_start3A_298 : memref<1x128xi32, #tpu.memory_space<vmem>> -> memref<128xi32, #tpu.memory_space<vmem>>
        %dma_start3A_300 = tpu.memref_slice %arg3[%dma_start3A_290, %mul3A_277] : memref<2x320000xi32, #tpu.memory_space<hbm>> -> memref<1x128xi32, #tpu.memory_space<hbm>>
        %dma_start3A_301 = tpu.memref_squeeze %dma_start3A_300 : memref<1x128xi32, #tpu.memory_space<hbm>> -> memref<128xi32, #tpu.memory_space<hbm>>
        tpu.enqueue_dma source(%dma_start3A_301 : memref<128xi32, #tpu.memory_space<hbm>>) target(%dma_start3A_299 : memref<128xi32, #tpu.memory_space<vmem>>) target_semaphore(%arg11 : memref<!tpu.dma_semaphore, #tpu.memory_space<semaphore_mem>>)
      } else {
      }
      %add3A_242 = arith.constant 1 : i32
      %add3A_243 = arith.addi %add3A_222, %add3A_242 : i32
      %lt3A_244 = arith.constant 78 : i32
      %lt3A_245 = arith.cmpi slt, %add3A_243, %lt3A_244 : i32
      %convert_element_type3A_246 = arith.extui %lt3A_245 : i1 to i32
      %cond3A_247 = arith.constant 0 : i32
      %cond3A_248 = arith.cmpi ne, %convert_element_type3A_246, %cond3A_247 : i32
      scf.if %cond3A_248 {
        %add3A_273 = arith.addi %mul3A_4, %add3A_222 : i32
        %add3A_274 = arith.constant 1 : i32
        %add3A_275 = arith.addi %add3A_273, %add3A_274 : i32
        %mul3A_276 = arith.constant 128 : i32
        %mul3A_277 = arith.muli %add3A_275, %mul3A_276 : i32
        %dma_wait3A_278 = arith.constant 0 : i32
        %dma_wait3A_279 = arith.constant 0 : i32
        %dma_wait3A_280 = arith.constant 0 : i32
        %dma_wait3A_281 = tpu.memref_slice %arg6[%dma_wait3A_279, %dma_wait3A_280] : memref<3x128xi32, #tpu.memory_space<vmem>> -> memref<1x128xi32, #tpu.memory_space<vmem>>
        %dma_wait3A_282 = tpu.memref_squeeze %dma_wait3A_281 : memref<1x128xi32, #tpu.memory_space<vmem>> -> memref<128xi32, #tpu.memory_space<vmem>>
        %dma_wait3A_283 = tpu.memref_slice %arg3[%dma_wait3A_278, %mul3A_277] : memref<2x320000xi32, #tpu.memory_space<hbm>> -> memref<1x128xi32, #tpu.memory_space<hbm>>
        %dma_wait3A_284 = tpu.memref_squeeze %dma_wait3A_283 : memref<1x128xi32, #tpu.memory_space<hbm>> -> memref<128xi32, #tpu.memory_space<hbm>>
        %dma_wait3A_285 = arith.constant 0 : i32
        %dma_wait3A_286 = tpu.memref_slice %arg6[%dma_wait3A_279, %dma_wait3A_285] : memref<3x128xi32, #tpu.memory_space<vmem>> -> memref<1x128xi32, #tpu.memory_space<vmem>>
        %dma_wait3A_287 = tpu.memref_squeeze %dma_wait3A_286 : memref<1x128xi32, #tpu.memory_space<vmem>> -> memref<128xi32, #tpu.memory_space<vmem>>
        %dma_wait3A_288 = tpu.memref_slice %arg3[%dma_wait3A_278, %mul3A_277] : memref<2x320000xi32, #tpu.memory_space<hbm>> -> memref<1x128xi32, #tpu.memory_space<hbm>>
        %dma_wait3A_289 = tpu.memref_squeeze %dma_wait3A_288 : memref<1x128xi32, #tpu.memory_space<hbm>> -> memref<128xi32, #tpu.memory_space<hbm>>
        tpu.wait_dma2 semaphore(%arg10 : memref<!tpu.dma_semaphore, #tpu.memory_space<semaphore_mem>>) src(%dma_wait3A_289 : memref<128xi32, #tpu.memory_space<hbm>>) dst(%dma_wait3A_287 : memref<128xi32, #tpu.memory_space<vmem>>)
        %dma_wait3A_290 = arith.constant 1 : i32
        %dma_wait3A_291 = arith.constant 0 : i32
        %dma_wait3A_292 = arith.constant 0 : i32
        %dma_wait3A_293 = tpu.memref_slice %arg7[%dma_wait3A_291, %dma_wait3A_292] : memref<3x128xi32, #tpu.memory_space<vmem>> -> memref<1x128xi32, #tpu.memory_space<vmem>>
        %dma_wait3A_294 = tpu.memref_squeeze %dma_wait3A_293 : memref<1x128xi32, #tpu.memory_space<vmem>> -> memref<128xi32, #tpu.memory_space<vmem>>
        %dma_wait3A_295 = tpu.memref_slice %arg3[%dma_wait3A_290, %mul3A_277] : memref<2x320000xi32, #tpu.memory_space<hbm>> -> memref<1x128xi32, #tpu.memory_space<hbm>>
        %dma_wait3A_296 = tpu.memref_squeeze %dma_wait3A_295 : memref<1x128xi32, #tpu.memory_space<hbm>> -> memref<128xi32, #tpu.memory_space<hbm>>
        %dma_wait3A_297 = arith.constant 0 : i32
        %dma_wait3A_298 = tpu.memref_slice %arg7[%dma_wait3A_291, %dma_wait3A_297] : memref<3x128xi32, #tpu.memory_space<vmem>> -> memref<1x128xi32, #tpu.memory_space<vmem>>
        %dma_wait3A_299 = tpu.memref_squeeze %dma_wait3A_298 : memref<1x128xi32, #tpu.memory_space<vmem>> -> memref<128xi32, #tpu.memory_space<vmem>>
        %dma_wait3A_300 = tpu.memref_slice %arg3[%dma_wait3A_290, %mul3A_277] : memref<2x320000xi32, #tpu.memory_space<hbm>> -> memref<1x128xi32, #tpu.memory_space<hbm>>
        %dma_wait3A_301 = tpu.memref_squeeze %dma_wait3A_300 : memref<1x128xi32, #tpu.memory_space<hbm>> -> memref<128xi32, #tpu.memory_space<hbm>>
        tpu.wait_dma2 semaphore(%arg10 : memref<!tpu.dma_semaphore, #tpu.memory_space<semaphore_mem>>) src(%dma_wait3A_301 : memref<128xi32, #tpu.memory_space<hbm>>) dst(%dma_wait3A_299 : memref<128xi32, #tpu.memory_space<vmem>>)
        %dma_start3A_302 = arith.constant 0 : i32
        %dma_start3A_303 = arith.constant 0 : i32
        %dma_start3A_304 = arith.constant 0 : i32
        %dma_start3A_305 = arith.constant 0 : i32
        %dma_start3A_306 = tpu.memref_slice %arg8[%dma_start3A_303, %dma_start3A_304, %dma_start3A_305] : memref<3x128x128xf32, #tpu.memory_space<vmem>> -> memref<1x128x128xf32, #tpu.memory_space<vmem>>
        %dma_start3A_307 = tpu.memref_squeeze %dma_start3A_306 : memref<1x128x128xf32, #tpu.memory_space<vmem>> -> memref<128x128xf32, #tpu.memory_space<vmem>>
        %dma_start3A_308 = arith.constant 0 : i32
        %dma_start3A_309 = tpu.memref_slice %arg6[%dma_start3A_302, %dma_start3A_308] : memref<3x128xi32, #tpu.memory_space<vmem>> -> memref<1x128xi32, #tpu.memory_space<vmem>>
        %dma_start3A_310 = tpu.memref_squeeze %dma_start3A_309 : memref<1x128xi32, #tpu.memory_space<vmem>> -> memref<128xi32, #tpu.memory_space<vmem>>
        %dma_start3A_311 = arith.constant 0 : i32
        %dma_start3A_312 = arith.constant 0 : i32
        %dma_start3A_313 = tpu.memref_slice %arg2[%dma_start3A_311, %dma_start3A_312] : memref<10000x128xf32, #tpu.memory_space<hbm>> -> memref<10000x128xf32, #tpu.memory_space<hbm>>
        tpu.enqueue_indirect_dma source(%dma_start3A_313 : memref<10000x128xf32, #tpu.memory_space<hbm>>) target(%dma_start3A_307 : memref<128x128xf32, #tpu.memory_space<vmem>>) offsets(%dma_start3A_310 : memref<128xi32, #tpu.memory_space<vmem>>) semaphore(%arg10 : memref<!tpu.dma_semaphore, #tpu.memory_space<semaphore_mem>>)
      } else {
      }
      %dma_wait3A_249 = arith.constant 2 : i32
      %dma_wait3A_250 = arith.constant 2 : i32
      %dma_wait3A_251 = arith.constant 0 : i32
      %dma_wait3A_252 = arith.constant 0 : i32
      %dma_wait3A_253 = tpu.memref_slice %arg8[%dma_wait3A_250, %dma_wait3A_251, %dma_wait3A_252] : memref<3x128x128xf32, #tpu.memory_space<vmem>> -> memref<1x128x128xf32, #tpu.memory_space<vmem>>
      %dma_wait3A_254 = tpu.memref_squeeze %dma_wait3A_253 : memref<1x128x128xf32, #tpu.memory_space<vmem>> -> memref<128x128xf32, #tpu.memory_space<vmem>>
      %dma_wait3A_255 = arith.constant 0 : i32
      %dma_wait3A_256 = tpu.memref_slice %arg6[%dma_wait3A_249, %dma_wait3A_255] : memref<3x128xi32, #tpu.memory_space<vmem>> -> memref<1x128xi32, #tpu.memory_space<vmem>>
      %dma_wait3A_257 = tpu.memref_squeeze %dma_wait3A_256 : memref<1x128xi32, #tpu.memory_space<vmem>> -> memref<128xi32, #tpu.memory_space<vmem>>
      %dma_wait3A_258 = arith.constant 0 : i32
      %dma_wait3A_259 = arith.constant 0 : i32
      %dma_wait3A_260 = tpu.memref_slice %arg2[%dma_wait3A_258, %dma_wait3A_259] : memref<10000x128xf32, #tpu.memory_space<hbm>> -> memref<10000x128xf32, #tpu.memory_space<hbm>>
      tpu.wait_indirect_dma semaphore(%arg12 : memref<!tpu.dma_semaphore, #tpu.memory_space<semaphore_mem>>) src(%dma_wait3A_260 : memref<10000x128xf32, #tpu.memory_space<hbm>>) dst(%dma_wait3A_254 : memref<128x128xf32, #tpu.memory_space<vmem>>)
      %dma_start3A_261 = arith.constant 2 : i32
      %dma_start3A_262 = arith.constant 2 : i32
      %dma_start3A_263 = arith.constant 0 : i32
      %dma_start3A_264 = arith.constant 0 : i32
      %dma_start3A_265 = tpu.memref_slice %arg8[%dma_start3A_261, %dma_start3A_263, %dma_start3A_264] : memref<3x128x128xf32, #tpu.memory_space<vmem>> -> memref<1x128x128xf32, #tpu.memory_space<vmem>>
      %dma_start3A_266 = tpu.memref_squeeze %dma_start3A_265 : memref<1x128x128xf32, #tpu.memory_space<vmem>> -> memref<128x128xf32, #tpu.memory_space<vmem>>
      %dma_start3A_267 = arith.constant 0 : i32
      %dma_start3A_268 = tpu.memref_slice %arg7[%dma_start3A_262, %dma_start3A_267] : memref<3x128xi32, #tpu.memory_space<vmem>> -> memref<1x128xi32, #tpu.memory_space<vmem>>
      %dma_start3A_269 = tpu.memref_squeeze %dma_start3A_268 : memref<1x128xi32, #tpu.memory_space<vmem>> -> memref<128xi32, #tpu.memory_space<vmem>>
      %dma_start3A_270 = arith.constant 0 : i32
      %dma_start3A_271 = arith.constant 0 : i32
      %dma_start3A_272 = tpu.memref_slice %arg9[%dma_start3A_270, %dma_start3A_271] : memref<10112x128xf32, #tpu.memory_space<vmem_shared>> -> memref<10112x128xf32, #tpu.memory_space<vmem_shared>>
      tpu.enqueue_indirect_dma source(%dma_start3A_266 : memref<128x128xf32, #tpu.memory_space<vmem>>) target(%dma_start3A_272 : memref<10112x128xf32, #tpu.memory_space<vmem_shared>>) offsets(%dma_start3A_269 : memref<128xi32, #tpu.memory_space<vmem>>) semaphore(%arg12 : memref<!tpu.dma_semaphore, #tpu.memory_space<semaphore_mem>>) {add = true}
    }
    %scan3A_99 = arith.constant 26 : i32
    %dma_wait3A_100 = arith.constant 2 : i32
    %dma_wait3A_101 = arith.constant 2 : i32
    %dma_wait3A_102 = arith.constant 0 : i32
    %dma_wait3A_103 = arith.constant 0 : i32
    %dma_wait3A_104 = tpu.memref_slice %arg8[%dma_wait3A_100, %dma_wait3A_102, %dma_wait3A_103] : memref<3x128x128xf32, #tpu.memory_space<vmem>> -> memref<1x128x128xf32, #tpu.memory_space<vmem>>
    %dma_wait3A_105 = tpu.memref_squeeze %dma_wait3A_104 : memref<1x128x128xf32, #tpu.memory_space<vmem>> -> memref<128x128xf32, #tpu.memory_space<vmem>>
    %dma_wait3A_106 = arith.constant 0 : i32
    %dma_wait3A_107 = tpu.memref_slice %arg7[%dma_wait3A_101, %dma_wait3A_106] : memref<3x128xi32, #tpu.memory_space<vmem>> -> memref<1x128xi32, #tpu.memory_space<vmem>>
    %dma_wait3A_108 = tpu.memref_squeeze %dma_wait3A_107 : memref<1x128xi32, #tpu.memory_space<vmem>> -> memref<128xi32, #tpu.memory_space<vmem>>
    %dma_wait3A_109 = arith.constant 0 : i32
    %dma_wait3A_110 = arith.constant 0 : i32
    %dma_wait3A_111 = tpu.memref_slice %arg9[%dma_wait3A_109, %dma_wait3A_110] : memref<10112x128xf32, #tpu.memory_space<vmem_shared>> -> memref<10112x128xf32, #tpu.memory_space<vmem_shared>>
    tpu.wait_indirect_dma semaphore(%arg12 : memref<!tpu.dma_semaphore, #tpu.memory_space<semaphore_mem>>) src(%dma_wait3A_105 : memref<128x128xf32, #tpu.memory_space<vmem>>) dst(%dma_wait3A_111 : memref<10112x128xf32, #tpu.memory_space<vmem_shared>>)
    %mul3A_112 = arith.constant 16 : i32
    %mul3A_113 = arith.muli %arg0, %mul3A_112 : i32
    %add3A_114 = arith.addi %mul3A_113, %arg1 : i32
    %lt3A = arith.constant 4 : i32
    %lt3A_115 = arith.cmpi slt, %add3A_114, %lt3A : i32
    %convert_element_type3A = arith.extui %lt3A_115 : i1 to i32
    %cond3A = arith.constant 0 : i32
    %cond3A_116 = arith.cmpi ne, %convert_element_type3A, %cond3A : i32
    scf.if %cond3A_116 {
      %mul3A_118 = arith.constant 16 : i32
      %mul3A_119 = arith.muli %arg0, %mul3A_118 : i32
      %add3A_120 = arith.constant 2496 : i32
      %add3A_121 = arith.addi %add3A_120, %mul3A_119 : i32
      %add3A_122 = arith.addi %add3A_121, %arg1 : i32
      %mul3A_123 = arith.constant 128 : i32
      %mul3A_124 = arith.muli %add3A_122, %mul3A_123 : i32
      %dma_start3A_125 = arith.constant 0 : i32
      %dma_start3A_126 = arith.constant 0 : i32
      %dma_start3A_127 = arith.constant 0 : i32
      %dma_start3A_128 = tpu.memref_slice %arg6[%dma_start3A_126, %dma_start3A_127] : memref<3x128xi32, #tpu.memory_space<vmem>> -> memref<1x128xi32, #tpu.memory_space<vmem>>
      %dma_start3A_129 = tpu.memref_squeeze %dma_start3A_128 : memref<1x128xi32, #tpu.memory_space<vmem>> -> memref<128xi32, #tpu.memory_space<vmem>>
      %dma_start3A_130 = tpu.memref_slice %arg3[%dma_start3A_125, %mul3A_124] : memref<2x320000xi32, #tpu.memory_space<hbm>> -> memref<1x128xi32, #tpu.memory_space<hbm>>
      %dma_start3A_131 = tpu.memref_squeeze %dma_start3A_130 : memref<1x128xi32, #tpu.memory_space<hbm>> -> memref<128xi32, #tpu.memory_space<hbm>>
      %dma_start3A_132 = arith.constant 0 : i32
      %dma_start3A_133 = tpu.memref_slice %arg6[%dma_start3A_126, %dma_start3A_132] : memref<3x128xi32, #tpu.memory_space<vmem>> -> memref<1x128xi32, #tpu.memory_space<vmem>>
      %dma_start3A_134 = tpu.memref_squeeze %dma_start3A_133 : memref<1x128xi32, #tpu.memory_space<vmem>> -> memref<128xi32, #tpu.memory_space<vmem>>
      %dma_start3A_135 = tpu.memref_slice %arg3[%dma_start3A_125, %mul3A_124] : memref<2x320000xi32, #tpu.memory_space<hbm>> -> memref<1x128xi32, #tpu.memory_space<hbm>>
      %dma_start3A_136 = tpu.memref_squeeze %dma_start3A_135 : memref<1x128xi32, #tpu.memory_space<hbm>> -> memref<128xi32, #tpu.memory_space<hbm>>
      tpu.enqueue_dma source(%dma_start3A_136 : memref<128xi32, #tpu.memory_space<hbm>>) target(%dma_start3A_134 : memref<128xi32, #tpu.memory_space<vmem>>) target_semaphore(%arg10 : memref<!tpu.dma_semaphore, #tpu.memory_space<semaphore_mem>>)
      %dma_start3A_137 = arith.constant 1 : i32
      %dma_start3A_138 = arith.constant 0 : i32
      %dma_start3A_139 = arith.constant 0 : i32
      %dma_start3A_140 = tpu.memref_slice %arg7[%dma_start3A_138, %dma_start3A_139] : memref<3x128xi32, #tpu.memory_space<vmem>> -> memref<1x128xi32, #tpu.memory_space<vmem>>
      %dma_start3A_141 = tpu.memref_squeeze %dma_start3A_140 : memref<1x128xi32, #tpu.memory_space<vmem>> -> memref<128xi32, #tpu.memory_space<vmem>>
      %dma_start3A_142 = tpu.memref_slice %arg3[%dma_start3A_137, %mul3A_124] : memref<2x320000xi32, #tpu.memory_space<hbm>> -> memref<1x128xi32, #tpu.memory_space<hbm>>
      %dma_start3A_143 = tpu.memref_squeeze %dma_start3A_142 : memref<1x128xi32, #tpu.memory_space<hbm>> -> memref<128xi32, #tpu.memory_space<hbm>>
      %dma_start3A_144 = arith.constant 0 : i32
      %dma_start3A_145 = tpu.memref_slice %arg7[%dma_start3A_138, %dma_start3A_144] : memref<3x128xi32, #tpu.memory_space<vmem>> -> memref<1x128xi32, #tpu.memory_space<vmem>>
      %dma_start3A_146 = tpu.memref_squeeze %dma_start3A_145 : memref<1x128xi32, #tpu.memory_space<vmem>> -> memref<128xi32, #tpu.memory_space<vmem>>
      %dma_start3A_147 = tpu.memref_slice %arg3[%dma_start3A_137, %mul3A_124] : memref<2x320000xi32, #tpu.memory_space<hbm>> -> memref<1x128xi32, #tpu.memory_space<hbm>>
      %dma_start3A_148 = tpu.memref_squeeze %dma_start3A_147 : memref<1x128xi32, #tpu.memory_space<hbm>> -> memref<128xi32, #tpu.memory_space<hbm>>
      tpu.enqueue_dma source(%dma_start3A_148 : memref<128xi32, #tpu.memory_space<hbm>>) target(%dma_start3A_146 : memref<128xi32, #tpu.memory_space<vmem>>) target_semaphore(%arg10 : memref<!tpu.dma_semaphore, #tpu.memory_space<semaphore_mem>>)
      %mul3A_149 = arith.constant 128 : i32
      %mul3A_150 = arith.muli %add3A_122, %mul3A_149 : i32
      %dma_wait3A_151 = arith.constant 0 : i32
      %dma_wait3A_152 = arith.constant 0 : i32
      %dma_wait3A_153 = arith.constant 0 : i32
      %dma_wait3A_154 = tpu.memref_slice %arg6[%dma_wait3A_152, %dma_wait3A_153] : memref<3x128xi32, #tpu.memory_space<vmem>> -> memref<1x128xi32, #tpu.memory_space<vmem>>
      %dma_wait3A_155 = tpu.memref_squeeze %dma_wait3A_154 : memref<1x128xi32, #tpu.memory_space<vmem>> -> memref<128xi32, #tpu.memory_space<vmem>>
      %dma_wait3A_156 = tpu.memref_slice %arg3[%dma_wait3A_151, %mul3A_150] : memref<2x320000xi32, #tpu.memory_space<hbm>> -> memref<1x128xi32, #tpu.memory_space<hbm>>
      %dma_wait3A_157 = tpu.memref_squeeze %dma_wait3A_156 : memref<1x128xi32, #tpu.memory_space<hbm>> -> memref<128xi32, #tpu.memory_space<hbm>>
      %dma_wait3A_158 = arith.constant 0 : i32
      %dma_wait3A_159 = tpu.memref_slice %arg6[%dma_wait3A_152, %dma_wait3A_158] : memref<3x128xi32, #tpu.memory_space<vmem>> -> memref<1x128xi32, #tpu.memory_space<vmem>>
      %dma_wait3A_160 = tpu.memref_squeeze %dma_wait3A_159 : memref<1x128xi32, #tpu.memory_space<vmem>> -> memref<128xi32, #tpu.memory_space<vmem>>
      %dma_wait3A_161 = tpu.memref_slice %arg3[%dma_wait3A_151, %mul3A_150] : memref<2x320000xi32, #tpu.memory_space<hbm>> -> memref<1x128xi32, #tpu.memory_space<hbm>>
      %dma_wait3A_162 = tpu.memref_squeeze %dma_wait3A_161 : memref<1x128xi32, #tpu.memory_space<hbm>> -> memref<128xi32, #tpu.memory_space<hbm>>
      tpu.wait_dma2 semaphore(%arg10 : memref<!tpu.dma_semaphore, #tpu.memory_space<semaphore_mem>>) src(%dma_wait3A_162 : memref<128xi32, #tpu.memory_space<hbm>>) dst(%dma_wait3A_160 : memref<128xi32, #tpu.memory_space<vmem>>)
      %dma_wait3A_163 = arith.constant 1 : i32
      %dma_wait3A_164 = arith.constant 0 : i32
      %dma_wait3A_165 = arith.constant 0 : i32
      %dma_wait3A_166 = tpu.memref_slice %arg7[%dma_wait3A_164, %dma_wait3A_165] : memref<3x128xi32, #tpu.memory_space<vmem>> -> memref<1x128xi32, #tpu.memory_space<vmem>>
      %dma_wait3A_167 = tpu.memref_squeeze %dma_wait3A_166 : memref<1x128xi32, #tpu.memory_space<vmem>> -> memref<128xi32, #tpu.memory_space<vmem>>
      %dma_wait3A_168 = tpu.memref_slice %arg3[%dma_wait3A_163, %mul3A_150] : memref<2x320000xi32, #tpu.memory_space<hbm>> -> memref<1x128xi32, #tpu.memory_space<hbm>>
      %dma_wait3A_169 = tpu.memref_squeeze %dma_wait3A_168 : memref<1x128xi32, #tpu.memory_space<hbm>> -> memref<128xi32, #tpu.memory_space<hbm>>
      %dma_wait3A_170 = arith.constant 0 : i32
      %dma_wait3A_171 = tpu.memref_slice %arg7[%dma_wait3A_164, %dma_wait3A_170] : memref<3x128xi32, #tpu.memory_space<vmem>> -> memref<1x128xi32, #tpu.memory_space<vmem>>
      %dma_wait3A_172 = tpu.memref_squeeze %dma_wait3A_171 : memref<1x128xi32, #tpu.memory_space<vmem>> -> memref<128xi32, #tpu.memory_space<vmem>>
      %dma_wait3A_173 = tpu.memref_slice %arg3[%dma_wait3A_163, %mul3A_150] : memref<2x320000xi32, #tpu.memory_space<hbm>> -> memref<1x128xi32, #tpu.memory_space<hbm>>
      %dma_wait3A_174 = tpu.memref_squeeze %dma_wait3A_173 : memref<1x128xi32, #tpu.memory_space<hbm>> -> memref<128xi32, #tpu.memory_space<hbm>>
      tpu.wait_dma2 semaphore(%arg10 : memref<!tpu.dma_semaphore, #tpu.memory_space<semaphore_mem>>) src(%dma_wait3A_174 : memref<128xi32, #tpu.memory_space<hbm>>) dst(%dma_wait3A_172 : memref<128xi32, #tpu.memory_space<vmem>>)
      %dma_start3A_175 = arith.constant 0 : i32
      %dma_start3A_176 = arith.constant 0 : i32
      %dma_start3A_177 = arith.constant 0 : i32
      %dma_start3A_178 = arith.constant 0 : i32
      %dma_start3A_179 = tpu.memref_slice %arg8[%dma_start3A_176, %dma_start3A_177, %dma_start3A_178] : memref<3x128x128xf32, #tpu.memory_space<vmem>> -> memref<1x128x128xf32, #tpu.memory_space<vmem>>
      %dma_start3A_180 = tpu.memref_squeeze %dma_start3A_179 : memref<1x128x128xf32, #tpu.memory_space<vmem>> -> memref<128x128xf32, #tpu.memory_space<vmem>>
      %dma_start3A_181 = arith.constant 0 : i32
      %dma_start3A_182 = tpu.memref_slice %arg6[%dma_start3A_175, %dma_start3A_181] : memref<3x128xi32, #tpu.memory_space<vmem>> -> memref<1x128xi32, #tpu.memory_space<vmem>>
      %dma_start3A_183 = tpu.memref_squeeze %dma_start3A_182 : memref<1x128xi32, #tpu.memory_space<vmem>> -> memref<128xi32, #tpu.memory_space<vmem>>
      %dma_start3A_184 = arith.constant 0 : i32
      %dma_start3A_185 = arith.constant 0 : i32
      %dma_start3A_186 = tpu.memref_slice %arg2[%dma_start3A_184, %dma_start3A_185] : memref<10000x128xf32, #tpu.memory_space<hbm>> -> memref<10000x128xf32, #tpu.memory_space<hbm>>
      tpu.enqueue_indirect_dma source(%dma_start3A_186 : memref<10000x128xf32, #tpu.memory_space<hbm>>) target(%dma_start3A_180 : memref<128x128xf32, #tpu.memory_space<vmem>>) offsets(%dma_start3A_183 : memref<128xi32, #tpu.memory_space<vmem>>) semaphore(%arg10 : memref<!tpu.dma_semaphore, #tpu.memory_space<semaphore_mem>>)
      %dma_wait3A_187 = arith.constant 0 : i32
      %dma_wait3A_188 = arith.constant 0 : i32
      %dma_wait3A_189 = arith.constant 0 : i32
      %dma_wait3A_190 = arith.constant 0 : i32
      %dma_wait3A_191 = tpu.memref_slice %arg8[%dma_wait3A_188, %dma_wait3A_189, %dma_wait3A_190] : memref<3x128x128xf32, #tpu.memory_space<vmem>> -> memref<1x128x128xf32, #tpu.memory_space<vmem>>
      %dma_wait3A_192 = tpu.memref_squeeze %dma_wait3A_191 : memref<1x128x128xf32, #tpu.memory_space<vmem>> -> memref<128x128xf32, #tpu.memory_space<vmem>>
      %dma_wait3A_193 = arith.constant 0 : i32
      %dma_wait3A_194 = tpu.memref_slice %arg6[%dma_wait3A_187, %dma_wait3A_193] : memref<3x128xi32, #tpu.memory_space<vmem>> -> memref<1x128xi32, #tpu.memory_space<vmem>>
      %dma_wait3A_195 = tpu.memref_squeeze %dma_wait3A_194 : memref<1x128xi32, #tpu.memory_space<vmem>> -> memref<128xi32, #tpu.memory_space<vmem>>
      %dma_wait3A_196 = arith.constant 0 : i32
      %dma_wait3A_197 = arith.constant 0 : i32
      %dma_wait3A_198 = tpu.memref_slice %arg2[%dma_wait3A_196, %dma_wait3A_197] : memref<10000x128xf32, #tpu.memory_space<hbm>> -> memref<10000x128xf32, #tpu.memory_space<hbm>>
      tpu.wait_indirect_dma semaphore(%arg10 : memref<!tpu.dma_semaphore, #tpu.memory_space<semaphore_mem>>) src(%dma_wait3A_198 : memref<10000x128xf32, #tpu.memory_space<hbm>>) dst(%dma_wait3A_192 : memref<128x128xf32, #tpu.memory_space<vmem>>)
      %dma_start3A_199 = arith.constant 0 : i32
      %dma_start3A_200 = arith.constant 0 : i32
      %dma_start3A_201 = arith.constant 0 : i32
      %dma_start3A_202 = arith.constant 0 : i32
      %dma_start3A_203 = tpu.memref_slice %arg8[%dma_start3A_199, %dma_start3A_201, %dma_start3A_202] : memref<3x128x128xf32, #tpu.memory_space<vmem>> -> memref<1x128x128xf32, #tpu.memory_space<vmem>>
      %dma_start3A_204 = tpu.memref_squeeze %dma_start3A_203 : memref<1x128x128xf32, #tpu.memory_space<vmem>> -> memref<128x128xf32, #tpu.memory_space<vmem>>
      %dma_start3A_205 = arith.constant 0 : i32
      %dma_start3A_206 = tpu.memref_slice %arg7[%dma_start3A_200, %dma_start3A_205] : memref<3x128xi32, #tpu.memory_space<vmem>> -> memref<1x128xi32, #tpu.memory_space<vmem>>
      %dma_start3A_207 = tpu.memref_squeeze %dma_start3A_206 : memref<1x128xi32, #tpu.memory_space<vmem>> -> memref<128xi32, #tpu.memory_space<vmem>>
      %dma_start3A_208 = arith.constant 0 : i32
      %dma_start3A_209 = arith.constant 0 : i32
      %dma_start3A_210 = tpu.memref_slice %arg9[%dma_start3A_208, %dma_start3A_209] : memref<10112x128xf32, #tpu.memory_space<vmem_shared>> -> memref<10112x128xf32, #tpu.memory_space<vmem_shared>>
      tpu.enqueue_indirect_dma source(%dma_start3A_204 : memref<128x128xf32, #tpu.memory_space<vmem>>) target(%dma_start3A_210 : memref<10112x128xf32, #tpu.memory_space<vmem_shared>>) offsets(%dma_start3A_207 : memref<128xi32, #tpu.memory_space<vmem>>) semaphore(%arg10 : memref<!tpu.dma_semaphore, #tpu.memory_space<semaphore_mem>>) {add = true}
      %dma_wait3A_211 = arith.constant 0 : i32
      %dma_wait3A_212 = arith.constant 0 : i32
      %dma_wait3A_213 = arith.constant 0 : i32
      %dma_wait3A_214 = arith.constant 0 : i32
      %dma_wait3A_215 = tpu.memref_slice %arg8[%dma_wait3A_211, %dma_wait3A_213, %dma_wait3A_214] : memref<3x128x128xf32, #tpu.memory_space<vmem>> -> memref<1x128x128xf32, #tpu.memory_space<vmem>>
      %dma_wait3A_216 = tpu.memref_squeeze %dma_wait3A_215 : memref<1x128x128xf32, #tpu.memory_space<vmem>> -> memref<128x128xf32, #tpu.memory_space<vmem>>
      %dma_wait3A_217 = arith.constant 0 : i32
      %dma_wait3A_218 = tpu.memref_slice %arg7[%dma_wait3A_212, %dma_wait3A_217] : memref<3x128xi32, #tpu.memory_space<vmem>> -> memref<1x128xi32, #tpu.memory_space<vmem>>
      %dma_wait3A_219 = tpu.memref_squeeze %dma_wait3A_218 : memref<1x128xi32, #tpu.memory_space<vmem>> -> memref<128xi32, #tpu.memory_space<vmem>>
      %dma_wait3A_220 = arith.constant 0 : i32
      %dma_wait3A_221 = arith.constant 0 : i32
      %dma_wait3A_222 = tpu.memref_slice %arg9[%dma_wait3A_220, %dma_wait3A_221] : memref<10112x128xf32, #tpu.memory_space<vmem_shared>> -> memref<10112x128xf32, #tpu.memory_space<vmem_shared>>
      tpu.wait_indirect_dma semaphore(%arg10 : memref<!tpu.dma_semaphore, #tpu.memory_space<semaphore_mem>>) src(%dma_wait3A_216 : memref<128x128xf32, #tpu.memory_space<vmem>>) dst(%dma_wait3A_222 : memref<10112x128xf32, #tpu.memory_space<vmem_shared>>)
    } else {
    }
    %barrier3A_117 = arith.constant 0 : index
    tpu.barrier barrier_id(%barrier3A_117)
    "tpu.region"() ({
      %run_scoped3A = tpu.sem_alloc : memref<!tpu.dma_semaphore, #tpu.memory_space<semaphore_mem>>
      %dma_start3A_118 = arith.constant 0 : i32
      %dma_start3A_119 = tpu.memref_slice %arg5[%arg0, %mul3A_0, %dma_start3A_118] : memref<2x10112x128xf32, #tpu.memory_space<hbm>> -> memref<1x632x128xf32, #tpu.memory_space<hbm>>
      %dma_start3A_120 = tpu.memref_squeeze %dma_start3A_119 : memref<1x632x128xf32, #tpu.memory_space<hbm>> -> memref<632x128xf32, #tpu.memory_space<hbm>>
      %dma_start3A_121 = arith.constant 0 : i32
      %dma_start3A_122 = tpu.memref_slice %arg9[%mul3A_0, %dma_start3A_121] : memref<10112x128xf32, #tpu.memory_space<vmem_shared>> -> memref<632x128xf32, #tpu.memory_space<vmem_shared>>
      tpu.enqueue_dma source(%dma_start3A_122 : memref<632x128xf32, #tpu.memory_space<vmem_shared>>) target(%dma_start3A_120 : memref<632x128xf32, #tpu.memory_space<hbm>>) target_semaphore(%run_scoped3A : memref<!tpu.dma_semaphore, #tpu.memory_space<semaphore_mem>>)
      %dma_wait3A_123 = arith.constant 0 : i32
      %dma_wait3A_124 = tpu.memref_slice %arg5[%arg0, %mul3A_0, %dma_wait3A_123] : memref<2x10112x128xf32, #tpu.memory_space<hbm>> -> memref<1x632x128xf32, #tpu.memory_space<hbm>>
      %dma_wait3A_125 = tpu.memref_squeeze %dma_wait3A_124 : memref<1x632x128xf32, #tpu.memory_space<hbm>> -> memref<632x128xf32, #tpu.memory_space<hbm>>
      %dma_wait3A_126 = arith.constant 0 : i32
      %dma_wait3A_127 = tpu.memref_slice %arg9[%mul3A_0, %dma_wait3A_126] : memref<10112x128xf32, #tpu.memory_space<vmem_shared>> -> memref<632x128xf32, #tpu.memory_space<vmem_shared>>
      tpu.wait_dma2 semaphore(%run_scoped3A : memref<!tpu.dma_semaphore, #tpu.memory_space<semaphore_mem>>) src(%dma_wait3A_127 : memref<632x128xf32, #tpu.memory_space<vmem_shared>>) dst(%dma_wait3A_125 : memref<632x128xf32, #tpu.memory_space<hbm>>)
      tpu.yield
    }) : () -> ()
    return
  }
}

#map = affine_map<(d0, d1) -> (0, 0)>
#map1 = affine_map<(d0, d1) -> (0, 0, 0)>
module attributes {stable_mosaic.version = 14 : i64} {
  func.func @_sc_agg_body(%arg0: i32, %arg1: i32, %arg2: memref<10000x128xf32, #tpu.memory_space<hbm>>, %arg3: memref<2x320000xi32, #tpu.memory_space<hbm>>, %arg4: memref<632x128xf32, #tpu.memory_space<hbm>>, %arg5: memref<2x10112x128xf32, #tpu.memory_space<hbm>>, %arg6: memref<3x128xi32, #tpu.memory_space<vmem>>, %arg7: memref<3x128xi32, #tpu.memory_space<vmem>>, %arg8: memref<3x128x128xf32, #tpu.memory_space<vmem>>, %arg9: memref<10112x128xf32, #tpu.memory_space<vmem_shared>>, %arg10: memref<!tpu.dma_semaphore, #tpu.memory_space<semaphore_mem>>, %arg11: memref<!tpu.dma_semaphore, #tpu.memory_space<semaphore_mem>>, %arg12: memref<!tpu.dma_semaphore, #tpu.memory_space<semaphore_mem>>) attributes {dimension_semantics = [#tpu.dimension_semantics<core_parallel>, #tpu.dimension_semantics<subcore_parallel>], iteration_bounds = array<i64: 2, 16>, scalar_prefetch = 0 : i64, scratch_operands = 7 : i64, tpu.core_type = #tpu.core_type<sc_vector_subcore>, window_params = [{transform_indices = #map}, {transform_indices = #map}, {transform_indices = #map}, {transform_indices = #map1}]} {
    %mul3A = arith.constant 632 : i32
    %mul3A_0 = arith.muli %arg1, %mul3A : i32
    "tpu.region"() ({
      %run_scoped3A = tpu.sem_alloc : memref<!tpu.dma_semaphore, #tpu.memory_space<semaphore_mem>>
      %dma_start3A_118 = arith.constant 0 : i32
      %dma_start3A_119 = tpu.memref_slice %arg9[%mul3A_0, %dma_start3A_118] : memref<10112x128xf32, #tpu.memory_space<vmem_shared>> -> memref<632x128xf32, #tpu.memory_space<vmem_shared>>
      tpu.enqueue_dma source(%arg4 : memref<632x128xf32, #tpu.memory_space<hbm>>) target(%dma_start3A_119 : memref<632x128xf32, #tpu.memory_space<vmem_shared>>) target_semaphore(%run_scoped3A : memref<!tpu.dma_semaphore, #tpu.memory_space<semaphore_mem>>)
      %dma_wait3A_120 = arith.constant 0 : i32
      %dma_wait3A_121 = tpu.memref_slice %arg9[%mul3A_0, %dma_wait3A_120] : memref<10112x128xf32, #tpu.memory_space<vmem_shared>> -> memref<632x128xf32, #tpu.memory_space<vmem_shared>>
      tpu.wait_dma2 semaphore(%run_scoped3A : memref<!tpu.dma_semaphore, #tpu.memory_space<semaphore_mem>>) src(%arg4 : memref<632x128xf32, #tpu.memory_space<hbm>>) dst(%dma_wait3A_121 : memref<632x128xf32, #tpu.memory_space<vmem_shared>>)
      tpu.yield
    }) : () -> ()
    %barrier3A = arith.constant 0 : index
    tpu.barrier barrier_id(%barrier3A)
    %mul3A_1 = arith.constant 16 : i32
    %mul3A_2 = arith.muli %arg0, %mul3A_1 : i32
    %add3A = arith.addi %mul3A_2, %arg1 : i32
    %mul3A_3 = arith.constant 78 : i32
    %mul3A_4 = arith.muli %add3A, %mul3A_3 : i32
    %mul3A_5 = arith.constant 128 : i32
    %mul3A_6 = arith.muli %mul3A_4, %mul3A_5 : i32
    %dma_start3A = arith.constant 0 : i32
    %dma_start3A_7 = arith.constant 0 : i32
    %dma_start3A_8 = arith.constant 0 : i32
    %dma_start3A_9 = tpu.memref_slice %arg6[%dma_start3A_7, %dma_start3A_8] : memref<3x128xi32, #tpu.memory_space<vmem>> -> memref<1x128xi32, #tpu.memory_space<vmem>>
    %dma_start3A_10 = tpu.memref_squeeze %dma_start3A_9 : memref<1x128xi32, #tpu.memory_space<vmem>> -> memref<128xi32, #tpu.memory_space<vmem>>
    %dma_start3A_11 = tpu.memref_slice %arg3[%dma_start3A, %mul3A_6] : memref<2x320000xi32, #tpu.memory_space<hbm>> -> memref<1x128xi32, #tpu.memory_space<hbm>>
    %dma_start3A_12 = tpu.memref_squeeze %dma_start3A_11 : memref<1x128xi32, #tpu.memory_space<hbm>> -> memref<128xi32, #tpu.memory_space<hbm>>
    %dma_start3A_13 = arith.constant 0 : i32
    %dma_start3A_14 = tpu.memref_slice %arg6[%dma_start3A_7, %dma_start3A_13] : memref<3x128xi32, #tpu.memory_space<vmem>> -> memref<1x128xi32, #tpu.memory_space<vmem>>
    %dma_start3A_15 = tpu.memref_squeeze %dma_start3A_14 : memref<1x128xi32, #tpu.memory_space<vmem>> -> memref<128xi32, #tpu.memory_space<vmem>>
    %dma_start3A_16 = tpu.memref_slice %arg3[%dma_start3A, %mul3A_6] : memref<2x320000xi32, #tpu.memory_space<hbm>> -> memref<1x128xi32, #tpu.memory_space<hbm>>
    %dma_start3A_17 = tpu.memref_squeeze %dma_start3A_16 : memref<1x128xi32, #tpu.memory_space<hbm>> -> memref<128xi32, #tpu.memory_space<hbm>>
    tpu.enqueue_dma source(%dma_start3A_17 : memref<128xi32, #tpu.memory_space<hbm>>) target(%dma_start3A_15 : memref<128xi32, #tpu.memory_space<vmem>>) target_semaphore(%arg10 : memref<!tpu.dma_semaphore, #tpu.memory_space<semaphore_mem>>)
    %dma_start3A_18 = arith.constant 1 : i32
    %dma_start3A_19 = arith.constant 0 : i32
    %dma_start3A_20 = arith.constant 0 : i32
    %dma_start3A_21 = tpu.memref_slice %arg7[%dma_start3A_19, %dma_start3A_20] : memref<3x128xi32, #tpu.memory_space<vmem>> -> memref<1x128xi32, #tpu.memory_space<vmem>>
    %dma_start3A_22 = tpu.memref_squeeze %dma_start3A_21 : memref<1x128xi32, #tpu.memory_space<vmem>> -> memref<128xi32, #tpu.memory_space<vmem>>
    %dma_start3A_23 = tpu.memref_slice %arg3[%dma_start3A_18, %mul3A_6] : memref<2x320000xi32, #tpu.memory_space<hbm>> -> memref<1x128xi32, #tpu.memory_space<hbm>>
    %dma_start3A_24 = tpu.memref_squeeze %dma_start3A_23 : memref<1x128xi32, #tpu.memory_space<hbm>> -> memref<128xi32, #tpu.memory_space<hbm>>
    %dma_start3A_25 = arith.constant 0 : i32
    %dma_start3A_26 = tpu.memref_slice %arg7[%dma_start3A_19, %dma_start3A_25] : memref<3x128xi32, #tpu.memory_space<vmem>> -> memref<1x128xi32, #tpu.memory_space<vmem>>
    %dma_start3A_27 = tpu.memref_squeeze %dma_start3A_26 : memref<1x128xi32, #tpu.memory_space<vmem>> -> memref<128xi32, #tpu.memory_space<vmem>>
    %dma_start3A_28 = tpu.memref_slice %arg3[%dma_start3A_18, %mul3A_6] : memref<2x320000xi32, #tpu.memory_space<hbm>> -> memref<1x128xi32, #tpu.memory_space<hbm>>
    %dma_start3A_29 = tpu.memref_squeeze %dma_start3A_28 : memref<1x128xi32, #tpu.memory_space<hbm>> -> memref<128xi32, #tpu.memory_space<hbm>>
    tpu.enqueue_dma source(%dma_start3A_29 : memref<128xi32, #tpu.memory_space<hbm>>) target(%dma_start3A_27 : memref<128xi32, #tpu.memory_space<vmem>>) target_semaphore(%arg10 : memref<!tpu.dma_semaphore, #tpu.memory_space<semaphore_mem>>)
    %add3A_30 = arith.constant 1 : i32
    %add3A_31 = arith.addi %mul3A_4, %add3A_30 : i32
    %mul3A_32 = arith.constant 128 : i32
    %mul3A_33 = arith.muli %add3A_31, %mul3A_32 : i32
    %dma_start3A_34 = arith.constant 0 : i32
    %dma_start3A_35 = arith.constant 1 : i32
    %dma_start3A_36 = arith.constant 0 : i32
    %dma_start3A_37 = tpu.memref_slice %arg6[%dma_start3A_35, %dma_start3A_36] : memref<3x128xi32, #tpu.memory_space<vmem>> -> memref<1x128xi32, #tpu.memory_space<vmem>>
    %dma_start3A_38 = tpu.memref_squeeze %dma_start3A_37 : memref<1x128xi32, #tpu.memory_space<vmem>> -> memref<128xi32, #tpu.memory_space<vmem>>
    %dma_start3A_39 = tpu.memref_slice %arg3[%dma_start3A_34, %mul3A_33] : memref<2x320000xi32, #tpu.memory_space<hbm>> -> memref<1x128xi32, #tpu.memory_space<hbm>>
    %dma_start3A_40 = tpu.memref_squeeze %dma_start3A_39 : memref<1x128xi32, #tpu.memory_space<hbm>> -> memref<128xi32, #tpu.memory_space<hbm>>
    %dma_start3A_41 = arith.constant 0 : i32
    %dma_start3A_42 = tpu.memref_slice %arg6[%dma_start3A_35, %dma_start3A_41] : memref<3x128xi32, #tpu.memory_space<vmem>> -> memref<1x128xi32, #tpu.memory_space<vmem>>
    %dma_start3A_43 = tpu.memref_squeeze %dma_start3A_42 : memref<1x128xi32, #tpu.memory_space<vmem>> -> memref<128xi32, #tpu.memory_space<vmem>>
    %dma_start3A_44 = tpu.memref_slice %arg3[%dma_start3A_34, %mul3A_33] : memref<2x320000xi32, #tpu.memory_space<hbm>> -> memref<1x128xi32, #tpu.memory_space<hbm>>
    %dma_start3A_45 = tpu.memref_squeeze %dma_start3A_44 : memref<1x128xi32, #tpu.memory_space<hbm>> -> memref<128xi32, #tpu.memory_space<hbm>>
    tpu.enqueue_dma source(%dma_start3A_45 : memref<128xi32, #tpu.memory_space<hbm>>) target(%dma_start3A_43 : memref<128xi32, #tpu.memory_space<vmem>>) target_semaphore(%arg11 : memref<!tpu.dma_semaphore, #tpu.memory_space<semaphore_mem>>)
    %dma_start3A_46 = arith.constant 1 : i32
    %dma_start3A_47 = arith.constant 1 : i32
    %dma_start3A_48 = arith.constant 0 : i32
    %dma_start3A_49 = tpu.memref_slice %arg7[%dma_start3A_47, %dma_start3A_48] : memref<3x128xi32, #tpu.memory_space<vmem>> -> memref<1x128xi32, #tpu.memory_space<vmem>>
    %dma_start3A_50 = tpu.memref_squeeze %dma_start3A_49 : memref<1x128xi32, #tpu.memory_space<vmem>> -> memref<128xi32, #tpu.memory_space<vmem>>
    %dma_start3A_51 = tpu.memref_slice %arg3[%dma_start3A_46, %mul3A_33] : memref<2x320000xi32, #tpu.memory_space<hbm>> -> memref<1x128xi32, #tpu.memory_space<hbm>>
    %dma_start3A_52 = tpu.memref_squeeze %dma_start3A_51 : memref<1x128xi32, #tpu.memory_space<hbm>> -> memref<128xi32, #tpu.memory_space<hbm>>
    %dma_start3A_53 = arith.constant 0 : i32
    %dma_start3A_54 = tpu.memref_slice %arg7[%dma_start3A_47, %dma_start3A_53] : memref<3x128xi32, #tpu.memory_space<vmem>> -> memref<1x128xi32, #tpu.memory_space<vmem>>
    %dma_start3A_55 = tpu.memref_squeeze %dma_start3A_54 : memref<1x128xi32, #tpu.memory_space<vmem>> -> memref<128xi32, #tpu.memory_space<vmem>>
    %dma_start3A_56 = tpu.memref_slice %arg3[%dma_start3A_46, %mul3A_33] : memref<2x320000xi32, #tpu.memory_space<hbm>> -> memref<1x128xi32, #tpu.memory_space<hbm>>
    %dma_start3A_57 = tpu.memref_squeeze %dma_start3A_56 : memref<1x128xi32, #tpu.memory_space<hbm>> -> memref<128xi32, #tpu.memory_space<hbm>>
    tpu.enqueue_dma source(%dma_start3A_57 : memref<128xi32, #tpu.memory_space<hbm>>) target(%dma_start3A_55 : memref<128xi32, #tpu.memory_space<vmem>>) target_semaphore(%arg11 : memref<!tpu.dma_semaphore, #tpu.memory_space<semaphore_mem>>)
    %mul3A_58 = arith.constant 128 : i32
    %mul3A_59 = arith.muli %mul3A_4, %mul3A_58 : i32
    %dma_wait3A = arith.constant 0 : i32
    %dma_wait3A_60 = arith.constant 0 : i32
    %dma_wait3A_61 = arith.constant 0 : i32
    %dma_wait3A_62 = tpu.memref_slice %arg6[%dma_wait3A_60, %dma_wait3A_61] : memref<3x128xi32, #tpu.memory_space<vmem>> -> memref<1x128xi32, #tpu.memory_space<vmem>>
    %dma_wait3A_63 = tpu.memref_squeeze %dma_wait3A_62 : memref<1x128xi32, #tpu.memory_space<vmem>> -> memref<128xi32, #tpu.memory_space<vmem>>
    %dma_wait3A_64 = tpu.memref_slice %arg3[%dma_wait3A, %mul3A_59] : memref<2x320000xi32, #tpu.memory_space<hbm>> -> memref<1x128xi32, #tpu.memory_space<hbm>>
    %dma_wait3A_65 = tpu.memref_squeeze %dma_wait3A_64 : memref<1x128xi32, #tpu.memory_space<hbm>> -> memref<128xi32, #tpu.memory_space<hbm>>
    %dma_wait3A_66 = arith.constant 0 : i32
    %dma_wait3A_67 = tpu.memref_slice %arg6[%dma_wait3A_60, %dma_wait3A_66] : memref<3x128xi32, #tpu.memory_space<vmem>> -> memref<1x128xi32, #tpu.memory_space<vmem>>
    %dma_wait3A_68 = tpu.memref_squeeze %dma_wait3A_67 : memref<1x128xi32, #tpu.memory_space<vmem>> -> memref<128xi32, #tpu.memory_space<vmem>>
    %dma_wait3A_69 = tpu.memref_slice %arg3[%dma_wait3A, %mul3A_59] : memref<2x320000xi32, #tpu.memory_space<hbm>> -> memref<1x128xi32, #tpu.memory_space<hbm>>
    %dma_wait3A_70 = tpu.memref_squeeze %dma_wait3A_69 : memref<1x128xi32, #tpu.memory_space<hbm>> -> memref<128xi32, #tpu.memory_space<hbm>>
    tpu.wait_dma2 semaphore(%arg10 : memref<!tpu.dma_semaphore, #tpu.memory_space<semaphore_mem>>) src(%dma_wait3A_70 : memref<128xi32, #tpu.memory_space<hbm>>) dst(%dma_wait3A_68 : memref<128xi32, #tpu.memory_space<vmem>>)
    %dma_wait3A_71 = arith.constant 1 : i32
    %dma_wait3A_72 = arith.constant 0 : i32
    %dma_wait3A_73 = arith.constant 0 : i32
    %dma_wait3A_74 = tpu.memref_slice %arg7[%dma_wait3A_72, %dma_wait3A_73] : memref<3x128xi32, #tpu.memory_space<vmem>> -> memref<1x128xi32, #tpu.memory_space<vmem>>
    %dma_wait3A_75 = tpu.memref_squeeze %dma_wait3A_74 : memref<1x128xi32, #tpu.memory_space<vmem>> -> memref<128xi32, #tpu.memory_space<vmem>>
    %dma_wait3A_76 = tpu.memref_slice %arg3[%dma_wait3A_71, %mul3A_59] : memref<2x320000xi32, #tpu.memory_space<hbm>> -> memref<1x128xi32, #tpu.memory_space<hbm>>
    %dma_wait3A_77 = tpu.memref_squeeze %dma_wait3A_76 : memref<1x128xi32, #tpu.memory_space<hbm>> -> memref<128xi32, #tpu.memory_space<hbm>>
    %dma_wait3A_78 = arith.constant 0 : i32
    %dma_wait3A_79 = tpu.memref_slice %arg7[%dma_wait3A_72, %dma_wait3A_78] : memref<3x128xi32, #tpu.memory_space<vmem>> -> memref<1x128xi32, #tpu.memory_space<vmem>>
    %dma_wait3A_80 = tpu.memref_squeeze %dma_wait3A_79 : memref<1x128xi32, #tpu.memory_space<vmem>> -> memref<128xi32, #tpu.memory_space<vmem>>
    %dma_wait3A_81 = tpu.memref_slice %arg3[%dma_wait3A_71, %mul3A_59] : memref<2x320000xi32, #tpu.memory_space<hbm>> -> memref<1x128xi32, #tpu.memory_space<hbm>>
    %dma_wait3A_82 = tpu.memref_squeeze %dma_wait3A_81 : memref<1x128xi32, #tpu.memory_space<hbm>> -> memref<128xi32, #tpu.memory_space<hbm>>
    tpu.wait_dma2 semaphore(%arg10 : memref<!tpu.dma_semaphore, #tpu.memory_space<semaphore_mem>>) src(%dma_wait3A_82 : memref<128xi32, #tpu.memory_space<hbm>>) dst(%dma_wait3A_80 : memref<128xi32, #tpu.memory_space<vmem>>)
    %dma_start3A_83 = arith.constant 0 : i32
    %dma_start3A_84 = arith.constant 0 : i32
    %dma_start3A_85 = arith.constant 0 : i32
    %dma_start3A_86 = arith.constant 0 : i32
    %dma_start3A_87 = tpu.memref_slice %arg8[%dma_start3A_84, %dma_start3A_85, %dma_start3A_86] : memref<3x128x128xf32, #tpu.memory_space<vmem>> -> memref<1x128x128xf32, #tpu.memory_space<vmem>>
    %dma_start3A_88 = tpu.memref_squeeze %dma_start3A_87 : memref<1x128x128xf32, #tpu.memory_space<vmem>> -> memref<128x128xf32, #tpu.memory_space<vmem>>
    %dma_start3A_89 = arith.constant 0 : i32
    %dma_start3A_90 = tpu.memref_slice %arg6[%dma_start3A_83, %dma_start3A_89] : memref<3x128xi32, #tpu.memory_space<vmem>> -> memref<1x128xi32, #tpu.memory_space<vmem>>
    %dma_start3A_91 = tpu.memref_squeeze %dma_start3A_90 : memref<1x128xi32, #tpu.memory_space<vmem>> -> memref<128xi32, #tpu.memory_space<vmem>>
    %dma_start3A_92 = arith.constant 0 : i32
    %dma_start3A_93 = arith.constant 0 : i32
    %dma_start3A_94 = tpu.memref_slice %arg2[%dma_start3A_92, %dma_start3A_93] : memref<10000x128xf32, #tpu.memory_space<hbm>> -> memref<10000x128xf32, #tpu.memory_space<hbm>>
    tpu.enqueue_indirect_dma source(%dma_start3A_94 : memref<10000x128xf32, #tpu.memory_space<hbm>>) target(%dma_start3A_88 : memref<128x128xf32, #tpu.memory_space<vmem>>) offsets(%dma_start3A_91 : memref<128xi32, #tpu.memory_space<vmem>>) semaphore(%arg10 : memref<!tpu.dma_semaphore, #tpu.memory_space<semaphore_mem>>)
    %scan3A = arith.constant 0 : i32
    %scan3A_95 = arith.constant 0 : i32
    %scan3A_96 = arith.constant 26 : i32
    %scan3A_97 = arith.addi %scan3A_95, %scan3A_96 : i32
    %scan3A_98 = arith.constant 1 : i32
    scf.for %scan3A_118 = %scan3A_95 to %scan3A_97 step %scan3A_98  : i32 {
      %mul3A_119 = arith.constant 3 : i32
      %mul3A_120 = arith.muli %scan3A_118, %mul3A_119 : i32
      %add3A_121 = arith.constant 0 : i32
      %add3A_122 = arith.addi %mul3A_120, %add3A_121 : i32
      %gt3A = arith.constant 0 : i32
      %gt3A_123 = arith.cmpi sgt, %scan3A_118, %gt3A : i32
      %convert_element_type3A_124 = arith.extui %gt3A_123 : i1 to i32
      %cond3A_125 = arith.constant 0 : i32
      %cond3A_126 = arith.cmpi ne, %convert_element_type3A_124, %cond3A_125 : i32
      scf.if %cond3A_126 {
        %dma_wait3A_273 = arith.constant 2 : i32
        %dma_wait3A_274 = arith.constant 2 : i32
        %dma_wait3A_275 = arith.constant 0 : i32
        %dma_wait3A_276 = arith.constant 0 : i32
        %dma_wait3A_277 = tpu.memref_slice %arg8[%dma_wait3A_273, %dma_wait3A_275, %dma_wait3A_276] : memref<3x128x128xf32, #tpu.memory_space<vmem>> -> memref<1x128x128xf32, #tpu.memory_space<vmem>>
        %dma_wait3A_278 = tpu.memref_squeeze %dma_wait3A_277 : memref<1x128x128xf32, #tpu.memory_space<vmem>> -> memref<128x128xf32, #tpu.memory_space<vmem>>
        %dma_wait3A_279 = arith.constant 0 : i32
        %dma_wait3A_280 = tpu.memref_slice %arg7[%dma_wait3A_274, %dma_wait3A_279] : memref<3x128xi32, #tpu.memory_space<vmem>> -> memref<1x128xi32, #tpu.memory_space<vmem>>
        %dma_wait3A_281 = tpu.memref_squeeze %dma_wait3A_280 : memref<1x128xi32, #tpu.memory_space<vmem>> -> memref<128xi32, #tpu.memory_space<vmem>>
        %dma_wait3A_282 = arith.constant 0 : i32
        %dma_wait3A_283 = arith.constant 0 : i32
        %dma_wait3A_284 = tpu.memref_slice %arg9[%dma_wait3A_282, %dma_wait3A_283] : memref<10112x128xf32, #tpu.memory_space<vmem_shared>> -> memref<10112x128xf32, #tpu.memory_space<vmem_shared>>
        tpu.wait_indirect_dma semaphore(%arg12 : memref<!tpu.dma_semaphore, #tpu.memory_space<semaphore_mem>>) src(%dma_wait3A_278 : memref<128x128xf32, #tpu.memory_space<vmem>>) dst(%dma_wait3A_284 : memref<10112x128xf32, #tpu.memory_space<vmem_shared>>)
      } else {
      }
      %add3A_127 = arith.constant 2 : i32
      %add3A_128 = arith.addi %add3A_122, %add3A_127 : i32
      %lt3A_129 = arith.constant 78 : i32
      %lt3A_130 = arith.cmpi slt, %add3A_128, %lt3A_129 : i32
      %convert_element_type3A_131 = arith.extui %lt3A_130 : i1 to i32
      %cond3A_132 = arith.constant 0 : i32
      %cond3A_133 = arith.cmpi ne, %convert_element_type3A_131, %cond3A_132 : i32
      scf.if %cond3A_133 {
        %add3A_273 = arith.addi %mul3A_4, %add3A_122 : i32
        %add3A_274 = arith.constant 2 : i32
        %add3A_275 = arith.addi %add3A_273, %add3A_274 : i32
        %mul3A_276 = arith.constant 128 : i32
        %mul3A_277 = arith.muli %add3A_275, %mul3A_276 : i32
        %dma_start3A_278 = arith.constant 0 : i32
        %dma_start3A_279 = arith.constant 2 : i32
        %dma_start3A_280 = arith.constant 0 : i32
        %dma_start3A_281 = tpu.memref_slice %arg6[%dma_start3A_279, %dma_start3A_280] : memref<3x128xi32, #tpu.memory_space<vmem>> -> memref<1x128xi32, #tpu.memory_space<vmem>>
        %dma_start3A_282 = tpu.memref_squeeze %dma_start3A_281 : memref<1x128xi32, #tpu.memory_space<vmem>> -> memref<128xi32, #tpu.memory_space<vmem>>
        %dma_start3A_283 = tpu.memref_slice %arg3[%dma_start3A_278, %mul3A_277] : memref<2x320000xi32, #tpu.memory_space<hbm>> -> memref<1x128xi32, #tpu.memory_space<hbm>>
        %dma_start3A_284 = tpu.memref_squeeze %dma_start3A_283 : memref<1x128xi32, #tpu.memory_space<hbm>> -> memref<128xi32, #tpu.memory_space<hbm>>
        %dma_start3A_285 = arith.constant 0 : i32
        %dma_start3A_286 = tpu.memref_slice %arg6[%dma_start3A_279, %dma_start3A_285] : memref<3x128xi32, #tpu.memory_space<vmem>> -> memref<1x128xi32, #tpu.memory_space<vmem>>
        %dma_start3A_287 = tpu.memref_squeeze %dma_start3A_286 : memref<1x128xi32, #tpu.memory_space<vmem>> -> memref<128xi32, #tpu.memory_space<vmem>>
        %dma_start3A_288 = tpu.memref_slice %arg3[%dma_start3A_278, %mul3A_277] : memref<2x320000xi32, #tpu.memory_space<hbm>> -> memref<1x128xi32, #tpu.memory_space<hbm>>
        %dma_start3A_289 = tpu.memref_squeeze %dma_start3A_288 : memref<1x128xi32, #tpu.memory_space<hbm>> -> memref<128xi32, #tpu.memory_space<hbm>>
        tpu.enqueue_dma source(%dma_start3A_289 : memref<128xi32, #tpu.memory_space<hbm>>) target(%dma_start3A_287 : memref<128xi32, #tpu.memory_space<vmem>>) target_semaphore(%arg12 : memref<!tpu.dma_semaphore, #tpu.memory_space<semaphore_mem>>)
        %dma_start3A_290 = arith.constant 1 : i32
        %dma_start3A_291 = arith.constant 2 : i32
        %dma_start3A_292 = arith.constant 0 : i32
        %dma_start3A_293 = tpu.memref_slice %arg7[%dma_start3A_291, %dma_start3A_292] : memref<3x128xi32, #tpu.memory_space<vmem>> -> memref<1x128xi32, #tpu.memory_space<vmem>>
        %dma_start3A_294 = tpu.memref_squeeze %dma_start3A_293 : memref<1x128xi32, #tpu.memory_space<vmem>> -> memref<128xi32, #tpu.memory_space<vmem>>
        %dma_start3A_295 = tpu.memref_slice %arg3[%dma_start3A_290, %mul3A_277] : memref<2x320000xi32, #tpu.memory_space<hbm>> -> memref<1x128xi32, #tpu.memory_space<hbm>>
        %dma_start3A_296 = tpu.memref_squeeze %dma_start3A_295 : memref<1x128xi32, #tpu.memory_space<hbm>> -> memref<128xi32, #tpu.memory_space<hbm>>
        %dma_start3A_297 = arith.constant 0 : i32
        %dma_start3A_298 = tpu.memref_slice %arg7[%dma_start3A_291, %dma_start3A_297] : memref<3x128xi32, #tpu.memory_space<vmem>> -> memref<1x128xi32, #tpu.memory_space<vmem>>
        %dma_start3A_299 = tpu.memref_squeeze %dma_start3A_298 : memref<1x128xi32, #tpu.memory_space<vmem>> -> memref<128xi32, #tpu.memory_space<vmem>>
        %dma_start3A_300 = tpu.memref_slice %arg3[%dma_start3A_290, %mul3A_277] : memref<2x320000xi32, #tpu.memory_space<hbm>> -> memref<1x128xi32, #tpu.memory_space<hbm>>
        %dma_start3A_301 = tpu.memref_squeeze %dma_start3A_300 : memref<1x128xi32, #tpu.memory_space<hbm>> -> memref<128xi32, #tpu.memory_space<hbm>>
        tpu.enqueue_dma source(%dma_start3A_301 : memref<128xi32, #tpu.memory_space<hbm>>) target(%dma_start3A_299 : memref<128xi32, #tpu.memory_space<vmem>>) target_semaphore(%arg12 : memref<!tpu.dma_semaphore, #tpu.memory_space<semaphore_mem>>)
      } else {
      }
      %add3A_134 = arith.constant 1 : i32
      %add3A_135 = arith.addi %add3A_122, %add3A_134 : i32
      %lt3A_136 = arith.constant 78 : i32
      %lt3A_137 = arith.cmpi slt, %add3A_135, %lt3A_136 : i32
      %convert_element_type3A_138 = arith.extui %lt3A_137 : i1 to i32
      %cond3A_139 = arith.constant 0 : i32
      %cond3A_140 = arith.cmpi ne, %convert_element_type3A_138, %cond3A_139 : i32
      scf.if %cond3A_140 {
        %add3A_273 = arith.addi %mul3A_4, %add3A_122 : i32
        %add3A_274 = arith.constant 1 : i32
        %add3A_275 = arith.addi %add3A_273, %add3A_274 : i32
        %mul3A_276 = arith.constant 128 : i32
        %mul3A_277 = arith.muli %add3A_275, %mul3A_276 : i32
        %dma_wait3A_278 = arith.constant 0 : i32
        %dma_wait3A_279 = arith.constant 1 : i32
        %dma_wait3A_280 = arith.constant 0 : i32
        %dma_wait3A_281 = tpu.memref_slice %arg6[%dma_wait3A_279, %dma_wait3A_280] : memref<3x128xi32, #tpu.memory_space<vmem>> -> memref<1x128xi32, #tpu.memory_space<vmem>>
        %dma_wait3A_282 = tpu.memref_squeeze %dma_wait3A_281 : memref<1x128xi32, #tpu.memory_space<vmem>> -> memref<128xi32, #tpu.memory_space<vmem>>
        %dma_wait3A_283 = tpu.memref_slice %arg3[%dma_wait3A_278, %mul3A_277] : memref<2x320000xi32, #tpu.memory_space<hbm>> -> memref<1x128xi32, #tpu.memory_space<hbm>>
        %dma_wait3A_284 = tpu.memref_squeeze %dma_wait3A_283 : memref<1x128xi32, #tpu.memory_space<hbm>> -> memref<128xi32, #tpu.memory_space<hbm>>
        %dma_wait3A_285 = arith.constant 0 : i32
        %dma_wait3A_286 = tpu.memref_slice %arg6[%dma_wait3A_279, %dma_wait3A_285] : memref<3x128xi32, #tpu.memory_space<vmem>> -> memref<1x128xi32, #tpu.memory_space<vmem>>
        %dma_wait3A_287 = tpu.memref_squeeze %dma_wait3A_286 : memref<1x128xi32, #tpu.memory_space<vmem>> -> memref<128xi32, #tpu.memory_space<vmem>>
        %dma_wait3A_288 = tpu.memref_slice %arg3[%dma_wait3A_278, %mul3A_277] : memref<2x320000xi32, #tpu.memory_space<hbm>> -> memref<1x128xi32, #tpu.memory_space<hbm>>
        %dma_wait3A_289 = tpu.memref_squeeze %dma_wait3A_288 : memref<1x128xi32, #tpu.memory_space<hbm>> -> memref<128xi32, #tpu.memory_space<hbm>>
        tpu.wait_dma2 semaphore(%arg11 : memref<!tpu.dma_semaphore, #tpu.memory_space<semaphore_mem>>) src(%dma_wait3A_289 : memref<128xi32, #tpu.memory_space<hbm>>) dst(%dma_wait3A_287 : memref<128xi32, #tpu.memory_space<vmem>>)
        %dma_wait3A_290 = arith.constant 1 : i32
        %dma_wait3A_291 = arith.constant 1 : i32
        %dma_wait3A_292 = arith.constant 0 : i32
        %dma_wait3A_293 = tpu.memref_slice %arg7[%dma_wait3A_291, %dma_wait3A_292] : memref<3x128xi32, #tpu.memory_space<vmem>> -> memref<1x128xi32, #tpu.memory_space<vmem>>
        %dma_wait3A_294 = tpu.memref_squeeze %dma_wait3A_293 : memref<1x128xi32, #tpu.memory_space<vmem>> -> memref<128xi32, #tpu.memory_space<vmem>>
        %dma_wait3A_295 = tpu.memref_slice %arg3[%dma_wait3A_290, %mul3A_277] : memref<2x320000xi32, #tpu.memory_space<hbm>> -> memref<1x128xi32, #tpu.memory_space<hbm>>
        %dma_wait3A_296 = tpu.memref_squeeze %dma_wait3A_295 : memref<1x128xi32, #tpu.memory_space<hbm>> -> memref<128xi32, #tpu.memory_space<hbm>>
        %dma_wait3A_297 = arith.constant 0 : i32
        %dma_wait3A_298 = tpu.memref_slice %arg7[%dma_wait3A_291, %dma_wait3A_297] : memref<3x128xi32, #tpu.memory_space<vmem>> -> memref<1x128xi32, #tpu.memory_space<vmem>>
        %dma_wait3A_299 = tpu.memref_squeeze %dma_wait3A_298 : memref<1x128xi32, #tpu.memory_space<vmem>> -> memref<128xi32, #tpu.memory_space<vmem>>
        %dma_wait3A_300 = tpu.memref_slice %arg3[%dma_wait3A_290, %mul3A_277] : memref<2x320000xi32, #tpu.memory_space<hbm>> -> memref<1x128xi32, #tpu.memory_space<hbm>>
        %dma_wait3A_301 = tpu.memref_squeeze %dma_wait3A_300 : memref<1x128xi32, #tpu.memory_space<hbm>> -> memref<128xi32, #tpu.memory_space<hbm>>
        tpu.wait_dma2 semaphore(%arg11 : memref<!tpu.dma_semaphore, #tpu.memory_space<semaphore_mem>>) src(%dma_wait3A_301 : memref<128xi32, #tpu.memory_space<hbm>>) dst(%dma_wait3A_299 : memref<128xi32, #tpu.memory_space<vmem>>)
        %dma_start3A_302 = arith.constant 1 : i32
        %dma_start3A_303 = arith.constant 1 : i32
        %dma_start3A_304 = arith.constant 0 : i32
        %dma_start3A_305 = arith.constant 0 : i32
        %dma_start3A_306 = tpu.memref_slice %arg8[%dma_start3A_303, %dma_start3A_304, %dma_start3A_305] : memref<3x128x128xf32, #tpu.memory_space<vmem>> -> memref<1x128x128xf32, #tpu.memory_space<vmem>>
        %dma_start3A_307 = tpu.memref_squeeze %dma_start3A_306 : memref<1x128x128xf32, #tpu.memory_space<vmem>> -> memref<128x128xf32, #tpu.memory_space<vmem>>
        %dma_start3A_308 = arith.constant 0 : i32
        %dma_start3A_309 = tpu.memref_slice %arg6[%dma_start3A_302, %dma_start3A_308] : memref<3x128xi32, #tpu.memory_space<vmem>> -> memref<1x128xi32, #tpu.memory_space<vmem>>
        %dma_start3A_310 = tpu.memref_squeeze %dma_start3A_309 : memref<1x128xi32, #tpu.memory_space<vmem>> -> memref<128xi32, #tpu.memory_space<vmem>>
        %dma_start3A_311 = arith.constant 0 : i32
        %dma_start3A_312 = arith.constant 0 : i32
        %dma_start3A_313 = tpu.memref_slice %arg2[%dma_start3A_311, %dma_start3A_312] : memref<10000x128xf32, #tpu.memory_space<hbm>> -> memref<10000x128xf32, #tpu.memory_space<hbm>>
        tpu.enqueue_indirect_dma source(%dma_start3A_313 : memref<10000x128xf32, #tpu.memory_space<hbm>>) target(%dma_start3A_307 : memref<128x128xf32, #tpu.memory_space<vmem>>) offsets(%dma_start3A_310 : memref<128xi32, #tpu.memory_space<vmem>>) semaphore(%arg11 : memref<!tpu.dma_semaphore, #tpu.memory_space<semaphore_mem>>)
      } else {
      }
      %dma_wait3A_141 = arith.constant 0 : i32
      %dma_wait3A_142 = arith.constant 0 : i32
      %dma_wait3A_143 = arith.constant 0 : i32
      %dma_wait3A_144 = arith.constant 0 : i32
      %dma_wait3A_145 = tpu.memref_slice %arg8[%dma_wait3A_142, %dma_wait3A_143, %dma_wait3A_144] : memref<3x128x128xf32, #tpu.memory_space<vmem>> -> memref<1x128x128xf32, #tpu.memory_space<vmem>>
      %dma_wait3A_146 = tpu.memref_squeeze %dma_wait3A_145 : memref<1x128x128xf32, #tpu.memory_space<vmem>> -> memref<128x128xf32, #tpu.memory_space<vmem>>
      %dma_wait3A_147 = arith.constant 0 : i32
      %dma_wait3A_148 = tpu.memref_slice %arg6[%dma_wait3A_141, %dma_wait3A_147] : memref<3x128xi32, #tpu.memory_space<vmem>> -> memref<1x128xi32, #tpu.memory_space<vmem>>
      %dma_wait3A_149 = tpu.memref_squeeze %dma_wait3A_148 : memref<1x128xi32, #tpu.memory_space<vmem>> -> memref<128xi32, #tpu.memory_space<vmem>>
      %dma_wait3A_150 = arith.constant 0 : i32
      %dma_wait3A_151 = arith.constant 0 : i32
      %dma_wait3A_152 = tpu.memref_slice %arg2[%dma_wait3A_150, %dma_wait3A_151] : memref<10000x128xf32, #tpu.memory_space<hbm>> -> memref<10000x128xf32, #tpu.memory_space<hbm>>
      tpu.wait_indirect_dma semaphore(%arg10 : memref<!tpu.dma_semaphore, #tpu.memory_space<semaphore_mem>>) src(%dma_wait3A_152 : memref<10000x128xf32, #tpu.memory_space<hbm>>) dst(%dma_wait3A_146 : memref<128x128xf32, #tpu.memory_space<vmem>>)
      %dma_start3A_153 = arith.constant 0 : i32
      %dma_start3A_154 = arith.constant 0 : i32
      %dma_start3A_155 = arith.constant 0 : i32
      %dma_start3A_156 = arith.constant 0 : i32
      %dma_start3A_157 = tpu.memref_slice %arg8[%dma_start3A_153, %dma_start3A_155, %dma_start3A_156] : memref<3x128x128xf32, #tpu.memory_space<vmem>> -> memref<1x128x128xf32, #tpu.memory_space<vmem>>
      %dma_start3A_158 = tpu.memref_squeeze %dma_start3A_157 : memref<1x128x128xf32, #tpu.memory_space<vmem>> -> memref<128x128xf32, #tpu.memory_space<vmem>>
      %dma_start3A_159 = arith.constant 0 : i32
      %dma_start3A_160 = tpu.memref_slice %arg7[%dma_start3A_154, %dma_start3A_159] : memref<3x128xi32, #tpu.memory_space<vmem>> -> memref<1x128xi32, #tpu.memory_space<vmem>>
      %dma_start3A_161 = tpu.memref_squeeze %dma_start3A_160 : memref<1x128xi32, #tpu.memory_space<vmem>> -> memref<128xi32, #tpu.memory_space<vmem>>
      %dma_start3A_162 = arith.constant 0 : i32
      %dma_start3A_163 = arith.constant 0 : i32
      %dma_start3A_164 = tpu.memref_slice %arg9[%dma_start3A_162, %dma_start3A_163] : memref<10112x128xf32, #tpu.memory_space<vmem_shared>> -> memref<10112x128xf32, #tpu.memory_space<vmem_shared>>
      tpu.enqueue_indirect_dma source(%dma_start3A_158 : memref<128x128xf32, #tpu.memory_space<vmem>>) target(%dma_start3A_164 : memref<10112x128xf32, #tpu.memory_space<vmem_shared>>) offsets(%dma_start3A_161 : memref<128xi32, #tpu.memory_space<vmem>>) semaphore(%arg10 : memref<!tpu.dma_semaphore, #tpu.memory_space<semaphore_mem>>) {add = true}
      %mul3A_165 = arith.constant 3 : i32
      %mul3A_166 = arith.muli %scan3A_118, %mul3A_165 : i32
      %add3A_167 = arith.constant 1 : i32
      %add3A_168 = arith.addi %mul3A_166, %add3A_167 : i32
      %dma_wait3A_169 = arith.constant 0 : i32
      %dma_wait3A_170 = arith.constant 0 : i32
      %dma_wait3A_171 = arith.constant 0 : i32
      %dma_wait3A_172 = arith.constant 0 : i32
      %dma_wait3A_173 = tpu.memref_slice %arg8[%dma_wait3A_169, %dma_wait3A_171, %dma_wait3A_172] : memref<3x128x128xf32, #tpu.memory_space<vmem>> -> memref<1x128x128xf32, #tpu.memory_space<vmem>>
      %dma_wait3A_174 = tpu.memref_squeeze %dma_wait3A_173 : memref<1x128x128xf32, #tpu.memory_space<vmem>> -> memref<128x128xf32, #tpu.memory_space<vmem>>
      %dma_wait3A_175 = arith.constant 0 : i32
      %dma_wait3A_176 = tpu.memref_slice %arg7[%dma_wait3A_170, %dma_wait3A_175] : memref<3x128xi32, #tpu.memory_space<vmem>> -> memref<1x128xi32, #tpu.memory_space<vmem>>
      %dma_wait3A_177 = tpu.memref_squeeze %dma_wait3A_176 : memref<1x128xi32, #tpu.memory_space<vmem>> -> memref<128xi32, #tpu.memory_space<vmem>>
      %dma_wait3A_178 = arith.constant 0 : i32
      %dma_wait3A_179 = arith.constant 0 : i32
      %dma_wait3A_180 = tpu.memref_slice %arg9[%dma_wait3A_178, %dma_wait3A_179] : memref<10112x128xf32, #tpu.memory_space<vmem_shared>> -> memref<10112x128xf32, #tpu.memory_space<vmem_shared>>
      tpu.wait_indirect_dma semaphore(%arg10 : memref<!tpu.dma_semaphore, #tpu.memory_space<semaphore_mem>>) src(%dma_wait3A_174 : memref<128x128xf32, #tpu.memory_space<vmem>>) dst(%dma_wait3A_180 : memref<10112x128xf32, #tpu.memory_space<vmem_shared>>)
      %add3A_181 = arith.constant 2 : i32
      %add3A_182 = arith.addi %add3A_168, %add3A_181 : i32
      %lt3A_183 = arith.constant 78 : i32
      %lt3A_184 = arith.cmpi slt, %add3A_182, %lt3A_183 : i32
      %convert_element_type3A_185 = arith.extui %lt3A_184 : i1 to i32
      %cond3A_186 = arith.constant 0 : i32
      %cond3A_187 = arith.cmpi ne, %convert_element_type3A_185, %cond3A_186 : i32
      scf.if %cond3A_187 {
        %add3A_273 = arith.addi %mul3A_4, %add3A_168 : i32
        %add3A_274 = arith.constant 2 : i32
        %add3A_275 = arith.addi %add3A_273, %add3A_274 : i32
        %mul3A_276 = arith.constant 128 : i32
        %mul3A_277 = arith.muli %add3A_275, %mul3A_276 : i32
        %dma_start3A_278 = arith.constant 0 : i32
        %dma_start3A_279 = arith.constant 0 : i32
        %dma_start3A_280 = arith.constant 0 : i32
        %dma_start3A_281 = tpu.memref_slice %arg6[%dma_start3A_279, %dma_start3A_280] : memref<3x128xi32, #tpu.memory_space<vmem>> -> memref<1x128xi32, #tpu.memory_space<vmem>>
        %dma_start3A_282 = tpu.memref_squeeze %dma_start3A_281 : memref<1x128xi32, #tpu.memory_space<vmem>> -> memref<128xi32, #tpu.memory_space<vmem>>
        %dma_start3A_283 = tpu.memref_slice %arg3[%dma_start3A_278, %mul3A_277] : memref<2x320000xi32, #tpu.memory_space<hbm>> -> memref<1x128xi32, #tpu.memory_space<hbm>>
        %dma_start3A_284 = tpu.memref_squeeze %dma_start3A_283 : memref<1x128xi32, #tpu.memory_space<hbm>> -> memref<128xi32, #tpu.memory_space<hbm>>
        %dma_start3A_285 = arith.constant 0 : i32
        %dma_start3A_286 = tpu.memref_slice %arg6[%dma_start3A_279, %dma_start3A_285] : memref<3x128xi32, #tpu.memory_space<vmem>> -> memref<1x128xi32, #tpu.memory_space<vmem>>
        %dma_start3A_287 = tpu.memref_squeeze %dma_start3A_286 : memref<1x128xi32, #tpu.memory_space<vmem>> -> memref<128xi32, #tpu.memory_space<vmem>>
        %dma_start3A_288 = tpu.memref_slice %arg3[%dma_start3A_278, %mul3A_277] : memref<2x320000xi32, #tpu.memory_space<hbm>> -> memref<1x128xi32, #tpu.memory_space<hbm>>
        %dma_start3A_289 = tpu.memref_squeeze %dma_start3A_288 : memref<1x128xi32, #tpu.memory_space<hbm>> -> memref<128xi32, #tpu.memory_space<hbm>>
        tpu.enqueue_dma source(%dma_start3A_289 : memref<128xi32, #tpu.memory_space<hbm>>) target(%dma_start3A_287 : memref<128xi32, #tpu.memory_space<vmem>>) target_semaphore(%arg10 : memref<!tpu.dma_semaphore, #tpu.memory_space<semaphore_mem>>)
        %dma_start3A_290 = arith.constant 1 : i32
        %dma_start3A_291 = arith.constant 0 : i32
        %dma_start3A_292 = arith.constant 0 : i32
        %dma_start3A_293 = tpu.memref_slice %arg7[%dma_start3A_291, %dma_start3A_292] : memref<3x128xi32, #tpu.memory_space<vmem>> -> memref<1x128xi32, #tpu.memory_space<vmem>>
        %dma_start3A_294 = tpu.memref_squeeze %dma_start3A_293 : memref<1x128xi32, #tpu.memory_space<vmem>> -> memref<128xi32, #tpu.memory_space<vmem>>
        %dma_start3A_295 = tpu.memref_slice %arg3[%dma_start3A_290, %mul3A_277] : memref<2x320000xi32, #tpu.memory_space<hbm>> -> memref<1x128xi32, #tpu.memory_space<hbm>>
        %dma_start3A_296 = tpu.memref_squeeze %dma_start3A_295 : memref<1x128xi32, #tpu.memory_space<hbm>> -> memref<128xi32, #tpu.memory_space<hbm>>
        %dma_start3A_297 = arith.constant 0 : i32
        %dma_start3A_298 = tpu.memref_slice %arg7[%dma_start3A_291, %dma_start3A_297] : memref<3x128xi32, #tpu.memory_space<vmem>> -> memref<1x128xi32, #tpu.memory_space<vmem>>
        %dma_start3A_299 = tpu.memref_squeeze %dma_start3A_298 : memref<1x128xi32, #tpu.memory_space<vmem>> -> memref<128xi32, #tpu.memory_space<vmem>>
        %dma_start3A_300 = tpu.memref_slice %arg3[%dma_start3A_290, %mul3A_277] : memref<2x320000xi32, #tpu.memory_space<hbm>> -> memref<1x128xi32, #tpu.memory_space<hbm>>
        %dma_start3A_301 = tpu.memref_squeeze %dma_start3A_300 : memref<1x128xi32, #tpu.memory_space<hbm>> -> memref<128xi32, #tpu.memory_space<hbm>>
        tpu.enqueue_dma source(%dma_start3A_301 : memref<128xi32, #tpu.memory_space<hbm>>) target(%dma_start3A_299 : memref<128xi32, #tpu.memory_space<vmem>>) target_semaphore(%arg10 : memref<!tpu.dma_semaphore, #tpu.memory_space<semaphore_mem>>)
      } else {
      }
      %add3A_188 = arith.constant 1 : i32
      %add3A_189 = arith.addi %add3A_168, %add3A_188 : i32
      %lt3A_190 = arith.constant 78 : i32
      %lt3A_191 = arith.cmpi slt, %add3A_189, %lt3A_190 : i32
      %convert_element_type3A_192 = arith.extui %lt3A_191 : i1 to i32
      %cond3A_193 = arith.constant 0 : i32
      %cond3A_194 = arith.cmpi ne, %convert_element_type3A_192, %cond3A_193 : i32
      scf.if %cond3A_194 {
        %add3A_273 = arith.addi %mul3A_4, %add3A_168 : i32
        %add3A_274 = arith.constant 1 : i32
        %add3A_275 = arith.addi %add3A_273, %add3A_274 : i32
        %mul3A_276 = arith.constant 128 : i32
        %mul3A_277 = arith.muli %add3A_275, %mul3A_276 : i32
        %dma_wait3A_278 = arith.constant 0 : i32
        %dma_wait3A_279 = arith.constant 2 : i32
        %dma_wait3A_280 = arith.constant 0 : i32
        %dma_wait3A_281 = tpu.memref_slice %arg6[%dma_wait3A_279, %dma_wait3A_280] : memref<3x128xi32, #tpu.memory_space<vmem>> -> memref<1x128xi32, #tpu.memory_space<vmem>>
        %dma_wait3A_282 = tpu.memref_squeeze %dma_wait3A_281 : memref<1x128xi32, #tpu.memory_space<vmem>> -> memref<128xi32, #tpu.memory_space<vmem>>
        %dma_wait3A_283 = tpu.memref_slice %arg3[%dma_wait3A_278, %mul3A_277] : memref<2x320000xi32, #tpu.memory_space<hbm>> -> memref<1x128xi32, #tpu.memory_space<hbm>>
        %dma_wait3A_284 = tpu.memref_squeeze %dma_wait3A_283 : memref<1x128xi32, #tpu.memory_space<hbm>> -> memref<128xi32, #tpu.memory_space<hbm>>
        %dma_wait3A_285 = arith.constant 0 : i32
        %dma_wait3A_286 = tpu.memref_slice %arg6[%dma_wait3A_279, %dma_wait3A_285] : memref<3x128xi32, #tpu.memory_space<vmem>> -> memref<1x128xi32, #tpu.memory_space<vmem>>
        %dma_wait3A_287 = tpu.memref_squeeze %dma_wait3A_286 : memref<1x128xi32, #tpu.memory_space<vmem>> -> memref<128xi32, #tpu.memory_space<vmem>>
        %dma_wait3A_288 = tpu.memref_slice %arg3[%dma_wait3A_278, %mul3A_277] : memref<2x320000xi32, #tpu.memory_space<hbm>> -> memref<1x128xi32, #tpu.memory_space<hbm>>
        %dma_wait3A_289 = tpu.memref_squeeze %dma_wait3A_288 : memref<1x128xi32, #tpu.memory_space<hbm>> -> memref<128xi32, #tpu.memory_space<hbm>>
        tpu.wait_dma2 semaphore(%arg12 : memref<!tpu.dma_semaphore, #tpu.memory_space<semaphore_mem>>) src(%dma_wait3A_289 : memref<128xi32, #tpu.memory_space<hbm>>) dst(%dma_wait3A_287 : memref<128xi32, #tpu.memory_space<vmem>>)
        %dma_wait3A_290 = arith.constant 1 : i32
        %dma_wait3A_291 = arith.constant 2 : i32
        %dma_wait3A_292 = arith.constant 0 : i32
        %dma_wait3A_293 = tpu.memref_slice %arg7[%dma_wait3A_291, %dma_wait3A_292] : memref<3x128xi32, #tpu.memory_space<vmem>> -> memref<1x128xi32, #tpu.memory_space<vmem>>
        %dma_wait3A_294 = tpu.memref_squeeze %dma_wait3A_293 : memref<1x128xi32, #tpu.memory_space<vmem>> -> memref<128xi32, #tpu.memory_space<vmem>>
        %dma_wait3A_295 = tpu.memref_slice %arg3[%dma_wait3A_290, %mul3A_277] : memref<2x320000xi32, #tpu.memory_space<hbm>> -> memref<1x128xi32, #tpu.memory_space<hbm>>
        %dma_wait3A_296 = tpu.memref_squeeze %dma_wait3A_295 : memref<1x128xi32, #tpu.memory_space<hbm>> -> memref<128xi32, #tpu.memory_space<hbm>>
        %dma_wait3A_297 = arith.constant 0 : i32
        %dma_wait3A_298 = tpu.memref_slice %arg7[%dma_wait3A_291, %dma_wait3A_297] : memref<3x128xi32, #tpu.memory_space<vmem>> -> memref<1x128xi32, #tpu.memory_space<vmem>>
        %dma_wait3A_299 = tpu.memref_squeeze %dma_wait3A_298 : memref<1x128xi32, #tpu.memory_space<vmem>> -> memref<128xi32, #tpu.memory_space<vmem>>
        %dma_wait3A_300 = tpu.memref_slice %arg3[%dma_wait3A_290, %mul3A_277] : memref<2x320000xi32, #tpu.memory_space<hbm>> -> memref<1x128xi32, #tpu.memory_space<hbm>>
        %dma_wait3A_301 = tpu.memref_squeeze %dma_wait3A_300 : memref<1x128xi32, #tpu.memory_space<hbm>> -> memref<128xi32, #tpu.memory_space<hbm>>
        tpu.wait_dma2 semaphore(%arg12 : memref<!tpu.dma_semaphore, #tpu.memory_space<semaphore_mem>>) src(%dma_wait3A_301 : memref<128xi32, #tpu.memory_space<hbm>>) dst(%dma_wait3A_299 : memref<128xi32, #tpu.memory_space<vmem>>)
        %dma_start3A_302 = arith.constant 2 : i32
        %dma_start3A_303 = arith.constant 2 : i32
        %dma_start3A_304 = arith.constant 0 : i32
        %dma_start3A_305 = arith.constant 0 : i32
        %dma_start3A_306 = tpu.memref_slice %arg8[%dma_start3A_303, %dma_start3A_304, %dma_start3A_305] : memref<3x128x128xf32, #tpu.memory_space<vmem>> -> memref<1x128x128xf32, #tpu.memory_space<vmem>>
        %dma_start3A_307 = tpu.memref_squeeze %dma_start3A_306 : memref<1x128x128xf32, #tpu.memory_space<vmem>> -> memref<128x128xf32, #tpu.memory_space<vmem>>
        %dma_start3A_308 = arith.constant 0 : i32
        %dma_start3A_309 = tpu.memref_slice %arg6[%dma_start3A_302, %dma_start3A_308] : memref<3x128xi32, #tpu.memory_space<vmem>> -> memref<1x128xi32, #tpu.memory_space<vmem>>
        %dma_start3A_310 = tpu.memref_squeeze %dma_start3A_309 : memref<1x128xi32, #tpu.memory_space<vmem>> -> memref<128xi32, #tpu.memory_space<vmem>>
        %dma_start3A_311 = arith.constant 0 : i32
        %dma_start3A_312 = arith.constant 0 : i32
        %dma_start3A_313 = tpu.memref_slice %arg2[%dma_start3A_311, %dma_start3A_312] : memref<10000x128xf32, #tpu.memory_space<hbm>> -> memref<10000x128xf32, #tpu.memory_space<hbm>>
        tpu.enqueue_indirect_dma source(%dma_start3A_313 : memref<10000x128xf32, #tpu.memory_space<hbm>>) target(%dma_start3A_307 : memref<128x128xf32, #tpu.memory_space<vmem>>) offsets(%dma_start3A_310 : memref<128xi32, #tpu.memory_space<vmem>>) semaphore(%arg12 : memref<!tpu.dma_semaphore, #tpu.memory_space<semaphore_mem>>)
      } else {
      }
      %dma_wait3A_195 = arith.constant 1 : i32
      %dma_wait3A_196 = arith.constant 1 : i32
      %dma_wait3A_197 = arith.constant 0 : i32
      %dma_wait3A_198 = arith.constant 0 : i32
      %dma_wait3A_199 = tpu.memref_slice %arg8[%dma_wait3A_196, %dma_wait3A_197, %dma_wait3A_198] : memref<3x128x128xf32, #tpu.memory_space<vmem>> -> memref<1x128x128xf32, #tpu.memory_space<vmem>>
      %dma_wait3A_200 = tpu.memref_squeeze %dma_wait3A_199 : memref<1x128x128xf32, #tpu.memory_space<vmem>> -> memref<128x128xf32, #tpu.memory_space<vmem>>
      %dma_wait3A_201 = arith.constant 0 : i32
      %dma_wait3A_202 = tpu.memref_slice %arg6[%dma_wait3A_195, %dma_wait3A_201] : memref<3x128xi32, #tpu.memory_space<vmem>> -> memref<1x128xi32, #tpu.memory_space<vmem>>
      %dma_wait3A_203 = tpu.memref_squeeze %dma_wait3A_202 : memref<1x128xi32, #tpu.memory_space<vmem>> -> memref<128xi32, #tpu.memory_space<vmem>>
      %dma_wait3A_204 = arith.constant 0 : i32
      %dma_wait3A_205 = arith.constant 0 : i32
      %dma_wait3A_206 = tpu.memref_slice %arg2[%dma_wait3A_204, %dma_wait3A_205] : memref<10000x128xf32, #tpu.memory_space<hbm>> -> memref<10000x128xf32, #tpu.memory_space<hbm>>
      tpu.wait_indirect_dma semaphore(%arg11 : memref<!tpu.dma_semaphore, #tpu.memory_space<semaphore_mem>>) src(%dma_wait3A_206 : memref<10000x128xf32, #tpu.memory_space<hbm>>) dst(%dma_wait3A_200 : memref<128x128xf32, #tpu.memory_space<vmem>>)
      %dma_start3A_207 = arith.constant 1 : i32
      %dma_start3A_208 = arith.constant 1 : i32
      %dma_start3A_209 = arith.constant 0 : i32
      %dma_start3A_210 = arith.constant 0 : i32
      %dma_start3A_211 = tpu.memref_slice %arg8[%dma_start3A_207, %dma_start3A_209, %dma_start3A_210] : memref<3x128x128xf32, #tpu.memory_space<vmem>> -> memref<1x128x128xf32, #tpu.memory_space<vmem>>
      %dma_start3A_212 = tpu.memref_squeeze %dma_start3A_211 : memref<1x128x128xf32, #tpu.memory_space<vmem>> -> memref<128x128xf32, #tpu.memory_space<vmem>>
      %dma_start3A_213 = arith.constant 0 : i32
      %dma_start3A_214 = tpu.memref_slice %arg7[%dma_start3A_208, %dma_start3A_213] : memref<3x128xi32, #tpu.memory_space<vmem>> -> memref<1x128xi32, #tpu.memory_space<vmem>>
      %dma_start3A_215 = tpu.memref_squeeze %dma_start3A_214 : memref<1x128xi32, #tpu.memory_space<vmem>> -> memref<128xi32, #tpu.memory_space<vmem>>
      %dma_start3A_216 = arith.constant 0 : i32
      %dma_start3A_217 = arith.constant 0 : i32
      %dma_start3A_218 = tpu.memref_slice %arg9[%dma_start3A_216, %dma_start3A_217] : memref<10112x128xf32, #tpu.memory_space<vmem_shared>> -> memref<10112x128xf32, #tpu.memory_space<vmem_shared>>
      tpu.enqueue_indirect_dma source(%dma_start3A_212 : memref<128x128xf32, #tpu.memory_space<vmem>>) target(%dma_start3A_218 : memref<10112x128xf32, #tpu.memory_space<vmem_shared>>) offsets(%dma_start3A_215 : memref<128xi32, #tpu.memory_space<vmem>>) semaphore(%arg11 : memref<!tpu.dma_semaphore, #tpu.memory_space<semaphore_mem>>) {add = true}
      %mul3A_219 = arith.constant 3 : i32
      %mul3A_220 = arith.muli %scan3A_118, %mul3A_219 : i32
      %add3A_221 = arith.constant 2 : i32
      %add3A_222 = arith.addi %mul3A_220, %add3A_221 : i32
      %dma_wait3A_223 = arith.constant 1 : i32
      %dma_wait3A_224 = arith.constant 1 : i32
      %dma_wait3A_225 = arith.constant 0 : i32
      %dma_wait3A_226 = arith.constant 0 : i32
      %dma_wait3A_227 = tpu.memref_slice %arg8[%dma_wait3A_223, %dma_wait3A_225, %dma_wait3A_226] : memref<3x128x128xf32, #tpu.memory_space<vmem>> -> memref<1x128x128xf32, #tpu.memory_space<vmem>>
      %dma_wait3A_228 = tpu.memref_squeeze %dma_wait3A_227 : memref<1x128x128xf32, #tpu.memory_space<vmem>> -> memref<128x128xf32, #tpu.memory_space<vmem>>
      %dma_wait3A_229 = arith.constant 0 : i32
      %dma_wait3A_230 = tpu.memref_slice %arg7[%dma_wait3A_224, %dma_wait3A_229] : memref<3x128xi32, #tpu.memory_space<vmem>> -> memref<1x128xi32, #tpu.memory_space<vmem>>
      %dma_wait3A_231 = tpu.memref_squeeze %dma_wait3A_230 : memref<1x128xi32, #tpu.memory_space<vmem>> -> memref<128xi32, #tpu.memory_space<vmem>>
      %dma_wait3A_232 = arith.constant 0 : i32
      %dma_wait3A_233 = arith.constant 0 : i32
      %dma_wait3A_234 = tpu.memref_slice %arg9[%dma_wait3A_232, %dma_wait3A_233] : memref<10112x128xf32, #tpu.memory_space<vmem_shared>> -> memref<10112x128xf32, #tpu.memory_space<vmem_shared>>
      tpu.wait_indirect_dma semaphore(%arg11 : memref<!tpu.dma_semaphore, #tpu.memory_space<semaphore_mem>>) src(%dma_wait3A_228 : memref<128x128xf32, #tpu.memory_space<vmem>>) dst(%dma_wait3A_234 : memref<10112x128xf32, #tpu.memory_space<vmem_shared>>)
      %add3A_235 = arith.constant 2 : i32
      %add3A_236 = arith.addi %add3A_222, %add3A_235 : i32
      %lt3A_237 = arith.constant 78 : i32
      %lt3A_238 = arith.cmpi slt, %add3A_236, %lt3A_237 : i32
      %convert_element_type3A_239 = arith.extui %lt3A_238 : i1 to i32
      %cond3A_240 = arith.constant 0 : i32
      %cond3A_241 = arith.cmpi ne, %convert_element_type3A_239, %cond3A_240 : i32
      scf.if %cond3A_241 {
        %add3A_273 = arith.addi %mul3A_4, %add3A_222 : i32
        %add3A_274 = arith.constant 2 : i32
        %add3A_275 = arith.addi %add3A_273, %add3A_274 : i32
        %mul3A_276 = arith.constant 128 : i32
        %mul3A_277 = arith.muli %add3A_275, %mul3A_276 : i32
        %dma_start3A_278 = arith.constant 0 : i32
        %dma_start3A_279 = arith.constant 1 : i32
        %dma_start3A_280 = arith.constant 0 : i32
        %dma_start3A_281 = tpu.memref_slice %arg6[%dma_start3A_279, %dma_start3A_280] : memref<3x128xi32, #tpu.memory_space<vmem>> -> memref<1x128xi32, #tpu.memory_space<vmem>>
        %dma_start3A_282 = tpu.memref_squeeze %dma_start3A_281 : memref<1x128xi32, #tpu.memory_space<vmem>> -> memref<128xi32, #tpu.memory_space<vmem>>
        %dma_start3A_283 = tpu.memref_slice %arg3[%dma_start3A_278, %mul3A_277] : memref<2x320000xi32, #tpu.memory_space<hbm>> -> memref<1x128xi32, #tpu.memory_space<hbm>>
        %dma_start3A_284 = tpu.memref_squeeze %dma_start3A_283 : memref<1x128xi32, #tpu.memory_space<hbm>> -> memref<128xi32, #tpu.memory_space<hbm>>
        %dma_start3A_285 = arith.constant 0 : i32
        %dma_start3A_286 = tpu.memref_slice %arg6[%dma_start3A_279, %dma_start3A_285] : memref<3x128xi32, #tpu.memory_space<vmem>> -> memref<1x128xi32, #tpu.memory_space<vmem>>
        %dma_start3A_287 = tpu.memref_squeeze %dma_start3A_286 : memref<1x128xi32, #tpu.memory_space<vmem>> -> memref<128xi32, #tpu.memory_space<vmem>>
        %dma_start3A_288 = tpu.memref_slice %arg3[%dma_start3A_278, %mul3A_277] : memref<2x320000xi32, #tpu.memory_space<hbm>> -> memref<1x128xi32, #tpu.memory_space<hbm>>
        %dma_start3A_289 = tpu.memref_squeeze %dma_start3A_288 : memref<1x128xi32, #tpu.memory_space<hbm>> -> memref<128xi32, #tpu.memory_space<hbm>>
        tpu.enqueue_dma source(%dma_start3A_289 : memref<128xi32, #tpu.memory_space<hbm>>) target(%dma_start3A_287 : memref<128xi32, #tpu.memory_space<vmem>>) target_semaphore(%arg11 : memref<!tpu.dma_semaphore, #tpu.memory_space<semaphore_mem>>)
        %dma_start3A_290 = arith.constant 1 : i32
        %dma_start3A_291 = arith.constant 1 : i32
        %dma_start3A_292 = arith.constant 0 : i32
        %dma_start3A_293 = tpu.memref_slice %arg7[%dma_start3A_291, %dma_start3A_292] : memref<3x128xi32, #tpu.memory_space<vmem>> -> memref<1x128xi32, #tpu.memory_space<vmem>>
        %dma_start3A_294 = tpu.memref_squeeze %dma_start3A_293 : memref<1x128xi32, #tpu.memory_space<vmem>> -> memref<128xi32, #tpu.memory_space<vmem>>
        %dma_start3A_295 = tpu.memref_slice %arg3[%dma_start3A_290, %mul3A_277] : memref<2x320000xi32, #tpu.memory_space<hbm>> -> memref<1x128xi32, #tpu.memory_space<hbm>>
        %dma_start3A_296 = tpu.memref_squeeze %dma_start3A_295 : memref<1x128xi32, #tpu.memory_space<hbm>> -> memref<128xi32, #tpu.memory_space<hbm>>
        %dma_start3A_297 = arith.constant 0 : i32
        %dma_start3A_298 = tpu.memref_slice %arg7[%dma_start3A_291, %dma_start3A_297] : memref<3x128xi32, #tpu.memory_space<vmem>> -> memref<1x128xi32, #tpu.memory_space<vmem>>
        %dma_start3A_299 = tpu.memref_squeeze %dma_start3A_298 : memref<1x128xi32, #tpu.memory_space<vmem>> -> memref<128xi32, #tpu.memory_space<vmem>>
        %dma_start3A_300 = tpu.memref_slice %arg3[%dma_start3A_290, %mul3A_277] : memref<2x320000xi32, #tpu.memory_space<hbm>> -> memref<1x128xi32, #tpu.memory_space<hbm>>
        %dma_start3A_301 = tpu.memref_squeeze %dma_start3A_300 : memref<1x128xi32, #tpu.memory_space<hbm>> -> memref<128xi32, #tpu.memory_space<hbm>>
        tpu.enqueue_dma source(%dma_start3A_301 : memref<128xi32, #tpu.memory_space<hbm>>) target(%dma_start3A_299 : memref<128xi32, #tpu.memory_space<vmem>>) target_semaphore(%arg11 : memref<!tpu.dma_semaphore, #tpu.memory_space<semaphore_mem>>)
      } else {
      }
      %add3A_242 = arith.constant 1 : i32
      %add3A_243 = arith.addi %add3A_222, %add3A_242 : i32
      %lt3A_244 = arith.constant 78 : i32
      %lt3A_245 = arith.cmpi slt, %add3A_243, %lt3A_244 : i32
      %convert_element_type3A_246 = arith.extui %lt3A_245 : i1 to i32
      %cond3A_247 = arith.constant 0 : i32
      %cond3A_248 = arith.cmpi ne, %convert_element_type3A_246, %cond3A_247 : i32
      scf.if %cond3A_248 {
        %add3A_273 = arith.addi %mul3A_4, %add3A_222 : i32
        %add3A_274 = arith.constant 1 : i32
        %add3A_275 = arith.addi %add3A_273, %add3A_274 : i32
        %mul3A_276 = arith.constant 128 : i32
        %mul3A_277 = arith.muli %add3A_275, %mul3A_276 : i32
        %dma_wait3A_278 = arith.constant 0 : i32
        %dma_wait3A_279 = arith.constant 0 : i32
        %dma_wait3A_280 = arith.constant 0 : i32
        %dma_wait3A_281 = tpu.memref_slice %arg6[%dma_wait3A_279, %dma_wait3A_280] : memref<3x128xi32, #tpu.memory_space<vmem>> -> memref<1x128xi32, #tpu.memory_space<vmem>>
        %dma_wait3A_282 = tpu.memref_squeeze %dma_wait3A_281 : memref<1x128xi32, #tpu.memory_space<vmem>> -> memref<128xi32, #tpu.memory_space<vmem>>
        %dma_wait3A_283 = tpu.memref_slice %arg3[%dma_wait3A_278, %mul3A_277] : memref<2x320000xi32, #tpu.memory_space<hbm>> -> memref<1x128xi32, #tpu.memory_space<hbm>>
        %dma_wait3A_284 = tpu.memref_squeeze %dma_wait3A_283 : memref<1x128xi32, #tpu.memory_space<hbm>> -> memref<128xi32, #tpu.memory_space<hbm>>
        %dma_wait3A_285 = arith.constant 0 : i32
        %dma_wait3A_286 = tpu.memref_slice %arg6[%dma_wait3A_279, %dma_wait3A_285] : memref<3x128xi32, #tpu.memory_space<vmem>> -> memref<1x128xi32, #tpu.memory_space<vmem>>
        %dma_wait3A_287 = tpu.memref_squeeze %dma_wait3A_286 : memref<1x128xi32, #tpu.memory_space<vmem>> -> memref<128xi32, #tpu.memory_space<vmem>>
        %dma_wait3A_288 = tpu.memref_slice %arg3[%dma_wait3A_278, %mul3A_277] : memref<2x320000xi32, #tpu.memory_space<hbm>> -> memref<1x128xi32, #tpu.memory_space<hbm>>
        %dma_wait3A_289 = tpu.memref_squeeze %dma_wait3A_288 : memref<1x128xi32, #tpu.memory_space<hbm>> -> memref<128xi32, #tpu.memory_space<hbm>>
        tpu.wait_dma2 semaphore(%arg10 : memref<!tpu.dma_semaphore, #tpu.memory_space<semaphore_mem>>) src(%dma_wait3A_289 : memref<128xi32, #tpu.memory_space<hbm>>) dst(%dma_wait3A_287 : memref<128xi32, #tpu.memory_space<vmem>>)
        %dma_wait3A_290 = arith.constant 1 : i32
        %dma_wait3A_291 = arith.constant 0 : i32
        %dma_wait3A_292 = arith.constant 0 : i32
        %dma_wait3A_293 = tpu.memref_slice %arg7[%dma_wait3A_291, %dma_wait3A_292] : memref<3x128xi32, #tpu.memory_space<vmem>> -> memref<1x128xi32, #tpu.memory_space<vmem>>
        %dma_wait3A_294 = tpu.memref_squeeze %dma_wait3A_293 : memref<1x128xi32, #tpu.memory_space<vmem>> -> memref<128xi32, #tpu.memory_space<vmem>>
        %dma_wait3A_295 = tpu.memref_slice %arg3[%dma_wait3A_290, %mul3A_277] : memref<2x320000xi32, #tpu.memory_space<hbm>> -> memref<1x128xi32, #tpu.memory_space<hbm>>
        %dma_wait3A_296 = tpu.memref_squeeze %dma_wait3A_295 : memref<1x128xi32, #tpu.memory_space<hbm>> -> memref<128xi32, #tpu.memory_space<hbm>>
        %dma_wait3A_297 = arith.constant 0 : i32
        %dma_wait3A_298 = tpu.memref_slice %arg7[%dma_wait3A_291, %dma_wait3A_297] : memref<3x128xi32, #tpu.memory_space<vmem>> -> memref<1x128xi32, #tpu.memory_space<vmem>>
        %dma_wait3A_299 = tpu.memref_squeeze %dma_wait3A_298 : memref<1x128xi32, #tpu.memory_space<vmem>> -> memref<128xi32, #tpu.memory_space<vmem>>
        %dma_wait3A_300 = tpu.memref_slice %arg3[%dma_wait3A_290, %mul3A_277] : memref<2x320000xi32, #tpu.memory_space<hbm>> -> memref<1x128xi32, #tpu.memory_space<hbm>>
        %dma_wait3A_301 = tpu.memref_squeeze %dma_wait3A_300 : memref<1x128xi32, #tpu.memory_space<hbm>> -> memref<128xi32, #tpu.memory_space<hbm>>
        tpu.wait_dma2 semaphore(%arg10 : memref<!tpu.dma_semaphore, #tpu.memory_space<semaphore_mem>>) src(%dma_wait3A_301 : memref<128xi32, #tpu.memory_space<hbm>>) dst(%dma_wait3A_299 : memref<128xi32, #tpu.memory_space<vmem>>)
        %dma_start3A_302 = arith.constant 0 : i32
        %dma_start3A_303 = arith.constant 0 : i32
        %dma_start3A_304 = arith.constant 0 : i32
        %dma_start3A_305 = arith.constant 0 : i32
        %dma_start3A_306 = tpu.memref_slice %arg8[%dma_start3A_303, %dma_start3A_304, %dma_start3A_305] : memref<3x128x128xf32, #tpu.memory_space<vmem>> -> memref<1x128x128xf32, #tpu.memory_space<vmem>>
        %dma_start3A_307 = tpu.memref_squeeze %dma_start3A_306 : memref<1x128x128xf32, #tpu.memory_space<vmem>> -> memref<128x128xf32, #tpu.memory_space<vmem>>
        %dma_start3A_308 = arith.constant 0 : i32
        %dma_start3A_309 = tpu.memref_slice %arg6[%dma_start3A_302, %dma_start3A_308] : memref<3x128xi32, #tpu.memory_space<vmem>> -> memref<1x128xi32, #tpu.memory_space<vmem>>
        %dma_start3A_310 = tpu.memref_squeeze %dma_start3A_309 : memref<1x128xi32, #tpu.memory_space<vmem>> -> memref<128xi32, #tpu.memory_space<vmem>>
        %dma_start3A_311 = arith.constant 0 : i32
        %dma_start3A_312 = arith.constant 0 : i32
        %dma_start3A_313 = tpu.memref_slice %arg2[%dma_start3A_311, %dma_start3A_312] : memref<10000x128xf32, #tpu.memory_space<hbm>> -> memref<10000x128xf32, #tpu.memory_space<hbm>>
        tpu.enqueue_indirect_dma source(%dma_start3A_313 : memref<10000x128xf32, #tpu.memory_space<hbm>>) target(%dma_start3A_307 : memref<128x128xf32, #tpu.memory_space<vmem>>) offsets(%dma_start3A_310 : memref<128xi32, #tpu.memory_space<vmem>>) semaphore(%arg10 : memref<!tpu.dma_semaphore, #tpu.memory_space<semaphore_mem>>)
      } else {
      }
      %dma_wait3A_249 = arith.constant 2 : i32
      %dma_wait3A_250 = arith.constant 2 : i32
      %dma_wait3A_251 = arith.constant 0 : i32
      %dma_wait3A_252 = arith.constant 0 : i32
      %dma_wait3A_253 = tpu.memref_slice %arg8[%dma_wait3A_250, %dma_wait3A_251, %dma_wait3A_252] : memref<3x128x128xf32, #tpu.memory_space<vmem>> -> memref<1x128x128xf32, #tpu.memory_space<vmem>>
      %dma_wait3A_254 = tpu.memref_squeeze %dma_wait3A_253 : memref<1x128x128xf32, #tpu.memory_space<vmem>> -> memref<128x128xf32, #tpu.memory_space<vmem>>
      %dma_wait3A_255 = arith.constant 0 : i32
      %dma_wait3A_256 = tpu.memref_slice %arg6[%dma_wait3A_249, %dma_wait3A_255] : memref<3x128xi32, #tpu.memory_space<vmem>> -> memref<1x128xi32, #tpu.memory_space<vmem>>
      %dma_wait3A_257 = tpu.memref_squeeze %dma_wait3A_256 : memref<1x128xi32, #tpu.memory_space<vmem>> -> memref<128xi32, #tpu.memory_space<vmem>>
      %dma_wait3A_258 = arith.constant 0 : i32
      %dma_wait3A_259 = arith.constant 0 : i32
      %dma_wait3A_260 = tpu.memref_slice %arg2[%dma_wait3A_258, %dma_wait3A_259] : memref<10000x128xf32, #tpu.memory_space<hbm>> -> memref<10000x128xf32, #tpu.memory_space<hbm>>
      tpu.wait_indirect_dma semaphore(%arg12 : memref<!tpu.dma_semaphore, #tpu.memory_space<semaphore_mem>>) src(%dma_wait3A_260 : memref<10000x128xf32, #tpu.memory_space<hbm>>) dst(%dma_wait3A_254 : memref<128x128xf32, #tpu.memory_space<vmem>>)
      %dma_start3A_261 = arith.constant 2 : i32
      %dma_start3A_262 = arith.constant 2 : i32
      %dma_start3A_263 = arith.constant 0 : i32
      %dma_start3A_264 = arith.constant 0 : i32
      %dma_start3A_265 = tpu.memref_slice %arg8[%dma_start3A_261, %dma_start3A_263, %dma_start3A_264] : memref<3x128x128xf32, #tpu.memory_space<vmem>> -> memref<1x128x128xf32, #tpu.memory_space<vmem>>
      %dma_start3A_266 = tpu.memref_squeeze %dma_start3A_265 : memref<1x128x128xf32, #tpu.memory_space<vmem>> -> memref<128x128xf32, #tpu.memory_space<vmem>>
      %dma_start3A_267 = arith.constant 0 : i32
      %dma_start3A_268 = tpu.memref_slice %arg7[%dma_start3A_262, %dma_start3A_267] : memref<3x128xi32, #tpu.memory_space<vmem>> -> memref<1x128xi32, #tpu.memory_space<vmem>>
      %dma_start3A_269 = tpu.memref_squeeze %dma_start3A_268 : memref<1x128xi32, #tpu.memory_space<vmem>> -> memref<128xi32, #tpu.memory_space<vmem>>
      %dma_start3A_270 = arith.constant 0 : i32
      %dma_start3A_271 = arith.constant 0 : i32
      %dma_start3A_272 = tpu.memref_slice %arg9[%dma_start3A_270, %dma_start3A_271] : memref<10112x128xf32, #tpu.memory_space<vmem_shared>> -> memref<10112x128xf32, #tpu.memory_space<vmem_shared>>
      tpu.enqueue_indirect_dma source(%dma_start3A_266 : memref<128x128xf32, #tpu.memory_space<vmem>>) target(%dma_start3A_272 : memref<10112x128xf32, #tpu.memory_space<vmem_shared>>) offsets(%dma_start3A_269 : memref<128xi32, #tpu.memory_space<vmem>>) semaphore(%arg12 : memref<!tpu.dma_semaphore, #tpu.memory_space<semaphore_mem>>) {add = true}
    }
    %scan3A_99 = arith.constant 26 : i32
    %dma_wait3A_100 = arith.constant 2 : i32
    %dma_wait3A_101 = arith.constant 2 : i32
    %dma_wait3A_102 = arith.constant 0 : i32
    %dma_wait3A_103 = arith.constant 0 : i32
    %dma_wait3A_104 = tpu.memref_slice %arg8[%dma_wait3A_100, %dma_wait3A_102, %dma_wait3A_103] : memref<3x128x128xf32, #tpu.memory_space<vmem>> -> memref<1x128x128xf32, #tpu.memory_space<vmem>>
    %dma_wait3A_105 = tpu.memref_squeeze %dma_wait3A_104 : memref<1x128x128xf32, #tpu.memory_space<vmem>> -> memref<128x128xf32, #tpu.memory_space<vmem>>
    %dma_wait3A_106 = arith.constant 0 : i32
    %dma_wait3A_107 = tpu.memref_slice %arg7[%dma_wait3A_101, %dma_wait3A_106] : memref<3x128xi32, #tpu.memory_space<vmem>> -> memref<1x128xi32, #tpu.memory_space<vmem>>
    %dma_wait3A_108 = tpu.memref_squeeze %dma_wait3A_107 : memref<1x128xi32, #tpu.memory_space<vmem>> -> memref<128xi32, #tpu.memory_space<vmem>>
    %dma_wait3A_109 = arith.constant 0 : i32
    %dma_wait3A_110 = arith.constant 0 : i32
    %dma_wait3A_111 = tpu.memref_slice %arg9[%dma_wait3A_109, %dma_wait3A_110] : memref<10112x128xf32, #tpu.memory_space<vmem_shared>> -> memref<10112x128xf32, #tpu.memory_space<vmem_shared>>
    tpu.wait_indirect_dma semaphore(%arg12 : memref<!tpu.dma_semaphore, #tpu.memory_space<semaphore_mem>>) src(%dma_wait3A_105 : memref<128x128xf32, #tpu.memory_space<vmem>>) dst(%dma_wait3A_111 : memref<10112x128xf32, #tpu.memory_space<vmem_shared>>)
    %mul3A_112 = arith.constant 16 : i32
    %mul3A_113 = arith.muli %arg0, %mul3A_112 : i32
    %add3A_114 = arith.addi %mul3A_113, %arg1 : i32
    %lt3A = arith.constant 4 : i32
    %lt3A_115 = arith.cmpi slt, %add3A_114, %lt3A : i32
    %convert_element_type3A = arith.extui %lt3A_115 : i1 to i32
    %cond3A = arith.constant 0 : i32
    %cond3A_116 = arith.cmpi ne, %convert_element_type3A, %cond3A : i32
    scf.if %cond3A_116 {
      %mul3A_118 = arith.constant 16 : i32
      %mul3A_119 = arith.muli %arg0, %mul3A_118 : i32
      %add3A_120 = arith.constant 2496 : i32
      %add3A_121 = arith.addi %add3A_120, %mul3A_119 : i32
      %add3A_122 = arith.addi %add3A_121, %arg1 : i32
      %mul3A_123 = arith.constant 128 : i32
      %mul3A_124 = arith.muli %add3A_122, %mul3A_123 : i32
      %dma_start3A_125 = arith.constant 0 : i32
      %dma_start3A_126 = arith.constant 0 : i32
      %dma_start3A_127 = arith.constant 0 : i32
      %dma_start3A_128 = tpu.memref_slice %arg6[%dma_start3A_126, %dma_start3A_127] : memref<3x128xi32, #tpu.memory_space<vmem>> -> memref<1x128xi32, #tpu.memory_space<vmem>>
      %dma_start3A_129 = tpu.memref_squeeze %dma_start3A_128 : memref<1x128xi32, #tpu.memory_space<vmem>> -> memref<128xi32, #tpu.memory_space<vmem>>
      %dma_start3A_130 = tpu.memref_slice %arg3[%dma_start3A_125, %mul3A_124] : memref<2x320000xi32, #tpu.memory_space<hbm>> -> memref<1x128xi32, #tpu.memory_space<hbm>>
      %dma_start3A_131 = tpu.memref_squeeze %dma_start3A_130 : memref<1x128xi32, #tpu.memory_space<hbm>> -> memref<128xi32, #tpu.memory_space<hbm>>
      %dma_start3A_132 = arith.constant 0 : i32
      %dma_start3A_133 = tpu.memref_slice %arg6[%dma_start3A_126, %dma_start3A_132] : memref<3x128xi32, #tpu.memory_space<vmem>> -> memref<1x128xi32, #tpu.memory_space<vmem>>
      %dma_start3A_134 = tpu.memref_squeeze %dma_start3A_133 : memref<1x128xi32, #tpu.memory_space<vmem>> -> memref<128xi32, #tpu.memory_space<vmem>>
      %dma_start3A_135 = tpu.memref_slice %arg3[%dma_start3A_125, %mul3A_124] : memref<2x320000xi32, #tpu.memory_space<hbm>> -> memref<1x128xi32, #tpu.memory_space<hbm>>
      %dma_start3A_136 = tpu.memref_squeeze %dma_start3A_135 : memref<1x128xi32, #tpu.memory_space<hbm>> -> memref<128xi32, #tpu.memory_space<hbm>>
      tpu.enqueue_dma source(%dma_start3A_136 : memref<128xi32, #tpu.memory_space<hbm>>) target(%dma_start3A_134 : memref<128xi32, #tpu.memory_space<vmem>>) target_semaphore(%arg10 : memref<!tpu.dma_semaphore, #tpu.memory_space<semaphore_mem>>)
      %dma_start3A_137 = arith.constant 1 : i32
      %dma_start3A_138 = arith.constant 0 : i32
      %dma_start3A_139 = arith.constant 0 : i32
      %dma_start3A_140 = tpu.memref_slice %arg7[%dma_start3A_138, %dma_start3A_139] : memref<3x128xi32, #tpu.memory_space<vmem>> -> memref<1x128xi32, #tpu.memory_space<vmem>>
      %dma_start3A_141 = tpu.memref_squeeze %dma_start3A_140 : memref<1x128xi32, #tpu.memory_space<vmem>> -> memref<128xi32, #tpu.memory_space<vmem>>
      %dma_start3A_142 = tpu.memref_slice %arg3[%dma_start3A_137, %mul3A_124] : memref<2x320000xi32, #tpu.memory_space<hbm>> -> memref<1x128xi32, #tpu.memory_space<hbm>>
      %dma_start3A_143 = tpu.memref_squeeze %dma_start3A_142 : memref<1x128xi32, #tpu.memory_space<hbm>> -> memref<128xi32, #tpu.memory_space<hbm>>
      %dma_start3A_144 = arith.constant 0 : i32
      %dma_start3A_145 = tpu.memref_slice %arg7[%dma_start3A_138, %dma_start3A_144] : memref<3x128xi32, #tpu.memory_space<vmem>> -> memref<1x128xi32, #tpu.memory_space<vmem>>
      %dma_start3A_146 = tpu.memref_squeeze %dma_start3A_145 : memref<1x128xi32, #tpu.memory_space<vmem>> -> memref<128xi32, #tpu.memory_space<vmem>>
      %dma_start3A_147 = tpu.memref_slice %arg3[%dma_start3A_137, %mul3A_124] : memref<2x320000xi32, #tpu.memory_space<hbm>> -> memref<1x128xi32, #tpu.memory_space<hbm>>
      %dma_start3A_148 = tpu.memref_squeeze %dma_start3A_147 : memref<1x128xi32, #tpu.memory_space<hbm>> -> memref<128xi32, #tpu.memory_space<hbm>>
      tpu.enqueue_dma source(%dma_start3A_148 : memref<128xi32, #tpu.memory_space<hbm>>) target(%dma_start3A_146 : memref<128xi32, #tpu.memory_space<vmem>>) target_semaphore(%arg10 : memref<!tpu.dma_semaphore, #tpu.memory_space<semaphore_mem>>)
      %mul3A_149 = arith.constant 128 : i32
      %mul3A_150 = arith.muli %add3A_122, %mul3A_149 : i32
      %dma_wait3A_151 = arith.constant 0 : i32
      %dma_wait3A_152 = arith.constant 0 : i32
      %dma_wait3A_153 = arith.constant 0 : i32
      %dma_wait3A_154 = tpu.memref_slice %arg6[%dma_wait3A_152, %dma_wait3A_153] : memref<3x128xi32, #tpu.memory_space<vmem>> -> memref<1x128xi32, #tpu.memory_space<vmem>>
      %dma_wait3A_155 = tpu.memref_squeeze %dma_wait3A_154 : memref<1x128xi32, #tpu.memory_space<vmem>> -> memref<128xi32, #tpu.memory_space<vmem>>
      %dma_wait3A_156 = tpu.memref_slice %arg3[%dma_wait3A_151, %mul3A_150] : memref<2x320000xi32, #tpu.memory_space<hbm>> -> memref<1x128xi32, #tpu.memory_space<hbm>>
      %dma_wait3A_157 = tpu.memref_squeeze %dma_wait3A_156 : memref<1x128xi32, #tpu.memory_space<hbm>> -> memref<128xi32, #tpu.memory_space<hbm>>
      %dma_wait3A_158 = arith.constant 0 : i32
      %dma_wait3A_159 = tpu.memref_slice %arg6[%dma_wait3A_152, %dma_wait3A_158] : memref<3x128xi32, #tpu.memory_space<vmem>> -> memref<1x128xi32, #tpu.memory_space<vmem>>
      %dma_wait3A_160 = tpu.memref_squeeze %dma_wait3A_159 : memref<1x128xi32, #tpu.memory_space<vmem>> -> memref<128xi32, #tpu.memory_space<vmem>>
      %dma_wait3A_161 = tpu.memref_slice %arg3[%dma_wait3A_151, %mul3A_150] : memref<2x320000xi32, #tpu.memory_space<hbm>> -> memref<1x128xi32, #tpu.memory_space<hbm>>
      %dma_wait3A_162 = tpu.memref_squeeze %dma_wait3A_161 : memref<1x128xi32, #tpu.memory_space<hbm>> -> memref<128xi32, #tpu.memory_space<hbm>>
      tpu.wait_dma2 semaphore(%arg10 : memref<!tpu.dma_semaphore, #tpu.memory_space<semaphore_mem>>) src(%dma_wait3A_162 : memref<128xi32, #tpu.memory_space<hbm>>) dst(%dma_wait3A_160 : memref<128xi32, #tpu.memory_space<vmem>>)
      %dma_wait3A_163 = arith.constant 1 : i32
      %dma_wait3A_164 = arith.constant 0 : i32
      %dma_wait3A_165 = arith.constant 0 : i32
      %dma_wait3A_166 = tpu.memref_slice %arg7[%dma_wait3A_164, %dma_wait3A_165] : memref<3x128xi32, #tpu.memory_space<vmem>> -> memref<1x128xi32, #tpu.memory_space<vmem>>
      %dma_wait3A_167 = tpu.memref_squeeze %dma_wait3A_166 : memref<1x128xi32, #tpu.memory_space<vmem>> -> memref<128xi32, #tpu.memory_space<vmem>>
      %dma_wait3A_168 = tpu.memref_slice %arg3[%dma_wait3A_163, %mul3A_150] : memref<2x320000xi32, #tpu.memory_space<hbm>> -> memref<1x128xi32, #tpu.memory_space<hbm>>
      %dma_wait3A_169 = tpu.memref_squeeze %dma_wait3A_168 : memref<1x128xi32, #tpu.memory_space<hbm>> -> memref<128xi32, #tpu.memory_space<hbm>>
      %dma_wait3A_170 = arith.constant 0 : i32
      %dma_wait3A_171 = tpu.memref_slice %arg7[%dma_wait3A_164, %dma_wait3A_170] : memref<3x128xi32, #tpu.memory_space<vmem>> -> memref<1x128xi32, #tpu.memory_space<vmem>>
      %dma_wait3A_172 = tpu.memref_squeeze %dma_wait3A_171 : memref<1x128xi32, #tpu.memory_space<vmem>> -> memref<128xi32, #tpu.memory_space<vmem>>
      %dma_wait3A_173 = tpu.memref_slice %arg3[%dma_wait3A_163, %mul3A_150] : memref<2x320000xi32, #tpu.memory_space<hbm>> -> memref<1x128xi32, #tpu.memory_space<hbm>>
      %dma_wait3A_174 = tpu.memref_squeeze %dma_wait3A_173 : memref<1x128xi32, #tpu.memory_space<hbm>> -> memref<128xi32, #tpu.memory_space<hbm>>
      tpu.wait_dma2 semaphore(%arg10 : memref<!tpu.dma_semaphore, #tpu.memory_space<semaphore_mem>>) src(%dma_wait3A_174 : memref<128xi32, #tpu.memory_space<hbm>>) dst(%dma_wait3A_172 : memref<128xi32, #tpu.memory_space<vmem>>)
      %dma_start3A_175 = arith.constant 0 : i32
      %dma_start3A_176 = arith.constant 0 : i32
      %dma_start3A_177 = arith.constant 0 : i32
      %dma_start3A_178 = arith.constant 0 : i32
      %dma_start3A_179 = tpu.memref_slice %arg8[%dma_start3A_176, %dma_start3A_177, %dma_start3A_178] : memref<3x128x128xf32, #tpu.memory_space<vmem>> -> memref<1x128x128xf32, #tpu.memory_space<vmem>>
      %dma_start3A_180 = tpu.memref_squeeze %dma_start3A_179 : memref<1x128x128xf32, #tpu.memory_space<vmem>> -> memref<128x128xf32, #tpu.memory_space<vmem>>
      %dma_start3A_181 = arith.constant 0 : i32
      %dma_start3A_182 = tpu.memref_slice %arg6[%dma_start3A_175, %dma_start3A_181] : memref<3x128xi32, #tpu.memory_space<vmem>> -> memref<1x128xi32, #tpu.memory_space<vmem>>
      %dma_start3A_183 = tpu.memref_squeeze %dma_start3A_182 : memref<1x128xi32, #tpu.memory_space<vmem>> -> memref<128xi32, #tpu.memory_space<vmem>>
      %dma_start3A_184 = arith.constant 0 : i32
      %dma_start3A_185 = arith.constant 0 : i32
      %dma_start3A_186 = tpu.memref_slice %arg2[%dma_start3A_184, %dma_start3A_185] : memref<10000x128xf32, #tpu.memory_space<hbm>> -> memref<10000x128xf32, #tpu.memory_space<hbm>>
      tpu.enqueue_indirect_dma source(%dma_start3A_186 : memref<10000x128xf32, #tpu.memory_space<hbm>>) target(%dma_start3A_180 : memref<128x128xf32, #tpu.memory_space<vmem>>) offsets(%dma_start3A_183 : memref<128xi32, #tpu.memory_space<vmem>>) semaphore(%arg10 : memref<!tpu.dma_semaphore, #tpu.memory_space<semaphore_mem>>)
      %dma_wait3A_187 = arith.constant 0 : i32
      %dma_wait3A_188 = arith.constant 0 : i32
      %dma_wait3A_189 = arith.constant 0 : i32
      %dma_wait3A_190 = arith.constant 0 : i32
      %dma_wait3A_191 = tpu.memref_slice %arg8[%dma_wait3A_188, %dma_wait3A_189, %dma_wait3A_190] : memref<3x128x128xf32, #tpu.memory_space<vmem>> -> memref<1x128x128xf32, #tpu.memory_space<vmem>>
      %dma_wait3A_192 = tpu.memref_squeeze %dma_wait3A_191 : memref<1x128x128xf32, #tpu.memory_space<vmem>> -> memref<128x128xf32, #tpu.memory_space<vmem>>
      %dma_wait3A_193 = arith.constant 0 : i32
      %dma_wait3A_194 = tpu.memref_slice %arg6[%dma_wait3A_187, %dma_wait3A_193] : memref<3x128xi32, #tpu.memory_space<vmem>> -> memref<1x128xi32, #tpu.memory_space<vmem>>
      %dma_wait3A_195 = tpu.memref_squeeze %dma_wait3A_194 : memref<1x128xi32, #tpu.memory_space<vmem>> -> memref<128xi32, #tpu.memory_space<vmem>>
      %dma_wait3A_196 = arith.constant 0 : i32
      %dma_wait3A_197 = arith.constant 0 : i32
      %dma_wait3A_198 = tpu.memref_slice %arg2[%dma_wait3A_196, %dma_wait3A_197] : memref<10000x128xf32, #tpu.memory_space<hbm>> -> memref<10000x128xf32, #tpu.memory_space<hbm>>
      tpu.wait_indirect_dma semaphore(%arg10 : memref<!tpu.dma_semaphore, #tpu.memory_space<semaphore_mem>>) src(%dma_wait3A_198 : memref<10000x128xf32, #tpu.memory_space<hbm>>) dst(%dma_wait3A_192 : memref<128x128xf32, #tpu.memory_space<vmem>>)
      %dma_start3A_199 = arith.constant 0 : i32
      %dma_start3A_200 = arith.constant 0 : i32
      %dma_start3A_201 = arith.constant 0 : i32
      %dma_start3A_202 = arith.constant 0 : i32
      %dma_start3A_203 = tpu.memref_slice %arg8[%dma_start3A_199, %dma_start3A_201, %dma_start3A_202] : memref<3x128x128xf32, #tpu.memory_space<vmem>> -> memref<1x128x128xf32, #tpu.memory_space<vmem>>
      %dma_start3A_204 = tpu.memref_squeeze %dma_start3A_203 : memref<1x128x128xf32, #tpu.memory_space<vmem>> -> memref<128x128xf32, #tpu.memory_space<vmem>>
      %dma_start3A_205 = arith.constant 0 : i32
      %dma_start3A_206 = tpu.memref_slice %arg7[%dma_start3A_200, %dma_start3A_205] : memref<3x128xi32, #tpu.memory_space<vmem>> -> memref<1x128xi32, #tpu.memory_space<vmem>>
      %dma_start3A_207 = tpu.memref_squeeze %dma_start3A_206 : memref<1x128xi32, #tpu.memory_space<vmem>> -> memref<128xi32, #tpu.memory_space<vmem>>
      %dma_start3A_208 = arith.constant 0 : i32
      %dma_start3A_209 = arith.constant 0 : i32
      %dma_start3A_210 = tpu.memref_slice %arg9[%dma_start3A_208, %dma_start3A_209] : memref<10112x128xf32, #tpu.memory_space<vmem_shared>> -> memref<10112x128xf32, #tpu.memory_space<vmem_shared>>
      tpu.enqueue_indirect_dma source(%dma_start3A_204 : memref<128x128xf32, #tpu.memory_space<vmem>>) target(%dma_start3A_210 : memref<10112x128xf32, #tpu.memory_space<vmem_shared>>) offsets(%dma_start3A_207 : memref<128xi32, #tpu.memory_space<vmem>>) semaphore(%arg10 : memref<!tpu.dma_semaphore, #tpu.memory_space<semaphore_mem>>) {add = true}
      %dma_wait3A_211 = arith.constant 0 : i32
      %dma_wait3A_212 = arith.constant 0 : i32
      %dma_wait3A_213 = arith.constant 0 : i32
      %dma_wait3A_214 = arith.constant 0 : i32
      %dma_wait3A_215 = tpu.memref_slice %arg8[%dma_wait3A_211, %dma_wait3A_213, %dma_wait3A_214] : memref<3x128x128xf32, #tpu.memory_space<vmem>> -> memref<1x128x128xf32, #tpu.memory_space<vmem>>
      %dma_wait3A_216 = tpu.memref_squeeze %dma_wait3A_215 : memref<1x128x128xf32, #tpu.memory_space<vmem>> -> memref<128x128xf32, #tpu.memory_space<vmem>>
      %dma_wait3A_217 = arith.constant 0 : i32
      %dma_wait3A_218 = tpu.memref_slice %arg7[%dma_wait3A_212, %dma_wait3A_217] : memref<3x128xi32, #tpu.memory_space<vmem>> -> memref<1x128xi32, #tpu.memory_space<vmem>>
      %dma_wait3A_219 = tpu.memref_squeeze %dma_wait3A_218 : memref<1x128xi32, #tpu.memory_space<vmem>> -> memref<128xi32, #tpu.memory_space<vmem>>
      %dma_wait3A_220 = arith.constant 0 : i32
      %dma_wait3A_221 = arith.constant 0 : i32
      %dma_wait3A_222 = tpu.memref_slice %arg9[%dma_wait3A_220, %dma_wait3A_221] : memref<10112x128xf32, #tpu.memory_space<vmem_shared>> -> memref<10112x128xf32, #tpu.memory_space<vmem_shared>>
      tpu.wait_indirect_dma semaphore(%arg10 : memref<!tpu.dma_semaphore, #tpu.memory_space<semaphore_mem>>) src(%dma_wait3A_216 : memref<128x128xf32, #tpu.memory_space<vmem>>) dst(%dma_wait3A_222 : memref<10112x128xf32, #tpu.memory_space<vmem_shared>>)
    } else {
    }
    %barrier3A_117 = arith.constant 0 : index
    tpu.barrier barrier_id(%barrier3A_117)
    "tpu.region"() ({
      %run_scoped3A = tpu.sem_alloc : memref<!tpu.dma_semaphore, #tpu.memory_space<semaphore_mem>>
      %dma_start3A_118 = arith.constant 0 : i32
      %dma_start3A_119 = tpu.memref_slice %arg5[%arg0, %mul3A_0, %dma_start3A_118] : memref<2x10112x128xf32, #tpu.memory_space<hbm>> -> memref<1x632x128xf32, #tpu.memory_space<hbm>>
      %dma_start3A_120 = tpu.memref_squeeze %dma_start3A_119 : memref<1x632x128xf32, #tpu.memory_space<hbm>> -> memref<632x128xf32, #tpu.memory_space<hbm>>
      %dma_start3A_121 = arith.constant 0 : i32
      %dma_start3A_122 = tpu.memref_slice %arg9[%mul3A_0, %dma_start3A_121] : memref<10112x128xf32, #tpu.memory_space<vmem_shared>> -> memref<632x128xf32, #tpu.memory_space<vmem_shared>>
      tpu.enqueue_dma source(%dma_start3A_122 : memref<632x128xf32, #tpu.memory_space<vmem_shared>>) target(%dma_start3A_120 : memref<632x128xf32, #tpu.memory_space<hbm>>) target_semaphore(%run_scoped3A : memref<!tpu.dma_semaphore, #tpu.memory_space<semaphore_mem>>)
      %dma_wait3A_123 = arith.constant 0 : i32
      %dma_wait3A_124 = tpu.memref_slice %arg5[%arg0, %mul3A_0, %dma_wait3A_123] : memref<2x10112x128xf32, #tpu.memory_space<hbm>> -> memref<1x632x128xf32, #tpu.memory_space<hbm>>
      %dma_wait3A_125 = tpu.memref_squeeze %dma_wait3A_124 : memref<1x632x128xf32, #tpu.memory_space<hbm>> -> memref<632x128xf32, #tpu.memory_space<hbm>>
      %dma_wait3A_126 = arith.constant 0 : i32
      %dma_wait3A_127 = tpu.memref_slice %arg9[%mul3A_0, %dma_wait3A_126] : memref<10112x128xf32, #tpu.memory_space<vmem_shared>> -> memref<632x128xf32, #tpu.memory_space<vmem_shared>>
      tpu.wait_dma2 semaphore(%run_scoped3A : memref<!tpu.dma_semaphore, #tpu.memory_space<semaphore_mem>>) src(%dma_wait3A_127 : memref<632x128xf32, #tpu.memory_space<vmem_shared>>) dst(%dma_wait3A_125 : memref<632x128xf32, #tpu.memory_space<hbm>>)
      tpu.yield
    }) : () -> ()
    return
  }
}

#map = affine_map<(d0, d1) -> (0, 0)>
#map1 = affine_map<(d0, d1) -> (0, 0, 0)>
module attributes {stable_mosaic.version = 14 : i64} {
  func.func @_sc_agg_body(%arg0: i32, %arg1: i32, %arg2: memref<10000x128xf32, #tpu.memory_space<hbm>>, %arg3: memref<2x320000xi32, #tpu.memory_space<hbm>>, %arg4: memref<632x128xf32, #tpu.memory_space<hbm>>, %arg5: memref<2x10112x128xf32, #tpu.memory_space<hbm>>, %arg6: memref<3x128xi32, #tpu.memory_space<vmem>>, %arg7: memref<3x128xi32, #tpu.memory_space<vmem>>, %arg8: memref<3x128x128xf32, #tpu.memory_space<vmem>>, %arg9: memref<10112x128xf32, #tpu.memory_space<vmem_shared>>, %arg10: memref<!tpu.dma_semaphore, #tpu.memory_space<semaphore_mem>>, %arg11: memref<!tpu.dma_semaphore, #tpu.memory_space<semaphore_mem>>, %arg12: memref<!tpu.dma_semaphore, #tpu.memory_space<semaphore_mem>>) attributes {dimension_semantics = [#tpu.dimension_semantics<core_parallel>, #tpu.dimension_semantics<subcore_parallel>], iteration_bounds = array<i64: 2, 16>, scalar_prefetch = 0 : i64, scratch_operands = 7 : i64, tpu.core_type = #tpu.core_type<sc_vector_subcore>, window_params = [{transform_indices = #map}, {transform_indices = #map}, {transform_indices = #map}, {transform_indices = #map1}]} {
    %mul3A = arith.constant 632 : i32
    %mul3A_0 = arith.muli %arg1, %mul3A : i32
    "tpu.region"() ({
      %run_scoped3A = tpu.sem_alloc : memref<!tpu.dma_semaphore, #tpu.memory_space<semaphore_mem>>
      %dma_start3A_118 = arith.constant 0 : i32
      %dma_start3A_119 = tpu.memref_slice %arg9[%mul3A_0, %dma_start3A_118] : memref<10112x128xf32, #tpu.memory_space<vmem_shared>> -> memref<632x128xf32, #tpu.memory_space<vmem_shared>>
      tpu.enqueue_dma source(%arg4 : memref<632x128xf32, #tpu.memory_space<hbm>>) target(%dma_start3A_119 : memref<632x128xf32, #tpu.memory_space<vmem_shared>>) target_semaphore(%run_scoped3A : memref<!tpu.dma_semaphore, #tpu.memory_space<semaphore_mem>>)
      %dma_wait3A_120 = arith.constant 0 : i32
      %dma_wait3A_121 = tpu.memref_slice %arg9[%mul3A_0, %dma_wait3A_120] : memref<10112x128xf32, #tpu.memory_space<vmem_shared>> -> memref<632x128xf32, #tpu.memory_space<vmem_shared>>
      tpu.wait_dma2 semaphore(%run_scoped3A : memref<!tpu.dma_semaphore, #tpu.memory_space<semaphore_mem>>) src(%arg4 : memref<632x128xf32, #tpu.memory_space<hbm>>) dst(%dma_wait3A_121 : memref<632x128xf32, #tpu.memory_space<vmem_shared>>)
      tpu.yield
    }) : () -> ()
    %barrier3A = arith.constant 0 : index
    tpu.barrier barrier_id(%barrier3A)
    %mul3A_1 = arith.constant 16 : i32
    %mul3A_2 = arith.muli %arg0, %mul3A_1 : i32
    %add3A = arith.addi %mul3A_2, %arg1 : i32
    %mul3A_3 = arith.constant 78 : i32
    %mul3A_4 = arith.muli %add3A, %mul3A_3 : i32
    %mul3A_5 = arith.constant 128 : i32
    %mul3A_6 = arith.muli %mul3A_4, %mul3A_5 : i32
    %dma_start3A = arith.constant 0 : i32
    %dma_start3A_7 = arith.constant 0 : i32
    %dma_start3A_8 = arith.constant 0 : i32
    %dma_start3A_9 = tpu.memref_slice %arg6[%dma_start3A_7, %dma_start3A_8] : memref<3x128xi32, #tpu.memory_space<vmem>> -> memref<1x128xi32, #tpu.memory_space<vmem>>
    %dma_start3A_10 = tpu.memref_squeeze %dma_start3A_9 : memref<1x128xi32, #tpu.memory_space<vmem>> -> memref<128xi32, #tpu.memory_space<vmem>>
    %dma_start3A_11 = tpu.memref_slice %arg3[%dma_start3A, %mul3A_6] : memref<2x320000xi32, #tpu.memory_space<hbm>> -> memref<1x128xi32, #tpu.memory_space<hbm>>
    %dma_start3A_12 = tpu.memref_squeeze %dma_start3A_11 : memref<1x128xi32, #tpu.memory_space<hbm>> -> memref<128xi32, #tpu.memory_space<hbm>>
    %dma_start3A_13 = arith.constant 0 : i32
    %dma_start3A_14 = tpu.memref_slice %arg6[%dma_start3A_7, %dma_start3A_13] : memref<3x128xi32, #tpu.memory_space<vmem>> -> memref<1x128xi32, #tpu.memory_space<vmem>>
    %dma_start3A_15 = tpu.memref_squeeze %dma_start3A_14 : memref<1x128xi32, #tpu.memory_space<vmem>> -> memref<128xi32, #tpu.memory_space<vmem>>
    %dma_start3A_16 = tpu.memref_slice %arg3[%dma_start3A, %mul3A_6] : memref<2x320000xi32, #tpu.memory_space<hbm>> -> memref<1x128xi32, #tpu.memory_space<hbm>>
    %dma_start3A_17 = tpu.memref_squeeze %dma_start3A_16 : memref<1x128xi32, #tpu.memory_space<hbm>> -> memref<128xi32, #tpu.memory_space<hbm>>
    tpu.enqueue_dma source(%dma_start3A_17 : memref<128xi32, #tpu.memory_space<hbm>>) target(%dma_start3A_15 : memref<128xi32, #tpu.memory_space<vmem>>) target_semaphore(%arg10 : memref<!tpu.dma_semaphore, #tpu.memory_space<semaphore_mem>>)
    %dma_start3A_18 = arith.constant 1 : i32
    %dma_start3A_19 = arith.constant 0 : i32
    %dma_start3A_20 = arith.constant 0 : i32
    %dma_start3A_21 = tpu.memref_slice %arg7[%dma_start3A_19, %dma_start3A_20] : memref<3x128xi32, #tpu.memory_space<vmem>> -> memref<1x128xi32, #tpu.memory_space<vmem>>
    %dma_start3A_22 = tpu.memref_squeeze %dma_start3A_21 : memref<1x128xi32, #tpu.memory_space<vmem>> -> memref<128xi32, #tpu.memory_space<vmem>>
    %dma_start3A_23 = tpu.memref_slice %arg3[%dma_start3A_18, %mul3A_6] : memref<2x320000xi32, #tpu.memory_space<hbm>> -> memref<1x128xi32, #tpu.memory_space<hbm>>
    %dma_start3A_24 = tpu.memref_squeeze %dma_start3A_23 : memref<1x128xi32, #tpu.memory_space<hbm>> -> memref<128xi32, #tpu.memory_space<hbm>>
    %dma_start3A_25 = arith.constant 0 : i32
    %dma_start3A_26 = tpu.memref_slice %arg7[%dma_start3A_19, %dma_start3A_25] : memref<3x128xi32, #tpu.memory_space<vmem>> -> memref<1x128xi32, #tpu.memory_space<vmem>>
    %dma_start3A_27 = tpu.memref_squeeze %dma_start3A_26 : memref<1x128xi32, #tpu.memory_space<vmem>> -> memref<128xi32, #tpu.memory_space<vmem>>
    %dma_start3A_28 = tpu.memref_slice %arg3[%dma_start3A_18, %mul3A_6] : memref<2x320000xi32, #tpu.memory_space<hbm>> -> memref<1x128xi32, #tpu.memory_space<hbm>>
    %dma_start3A_29 = tpu.memref_squeeze %dma_start3A_28 : memref<1x128xi32, #tpu.memory_space<hbm>> -> memref<128xi32, #tpu.memory_space<hbm>>
    tpu.enqueue_dma source(%dma_start3A_29 : memref<128xi32, #tpu.memory_space<hbm>>) target(%dma_start3A_27 : memref<128xi32, #tpu.memory_space<vmem>>) target_semaphore(%arg10 : memref<!tpu.dma_semaphore, #tpu.memory_space<semaphore_mem>>)
    %add3A_30 = arith.constant 1 : i32
    %add3A_31 = arith.addi %mul3A_4, %add3A_30 : i32
    %mul3A_32 = arith.constant 128 : i32
    %mul3A_33 = arith.muli %add3A_31, %mul3A_32 : i32
    %dma_start3A_34 = arith.constant 0 : i32
    %dma_start3A_35 = arith.constant 1 : i32
    %dma_start3A_36 = arith.constant 0 : i32
    %dma_start3A_37 = tpu.memref_slice %arg6[%dma_start3A_35, %dma_start3A_36] : memref<3x128xi32, #tpu.memory_space<vmem>> -> memref<1x128xi32, #tpu.memory_space<vmem>>
    %dma_start3A_38 = tpu.memref_squeeze %dma_start3A_37 : memref<1x128xi32, #tpu.memory_space<vmem>> -> memref<128xi32, #tpu.memory_space<vmem>>
    %dma_start3A_39 = tpu.memref_slice %arg3[%dma_start3A_34, %mul3A_33] : memref<2x320000xi32, #tpu.memory_space<hbm>> -> memref<1x128xi32, #tpu.memory_space<hbm>>
    %dma_start3A_40 = tpu.memref_squeeze %dma_start3A_39 : memref<1x128xi32, #tpu.memory_space<hbm>> -> memref<128xi32, #tpu.memory_space<hbm>>
    %dma_start3A_41 = arith.constant 0 : i32
    %dma_start3A_42 = tpu.memref_slice %arg6[%dma_start3A_35, %dma_start3A_41] : memref<3x128xi32, #tpu.memory_space<vmem>> -> memref<1x128xi32, #tpu.memory_space<vmem>>
    %dma_start3A_43 = tpu.memref_squeeze %dma_start3A_42 : memref<1x128xi32, #tpu.memory_space<vmem>> -> memref<128xi32, #tpu.memory_space<vmem>>
    %dma_start3A_44 = tpu.memref_slice %arg3[%dma_start3A_34, %mul3A_33] : memref<2x320000xi32, #tpu.memory_space<hbm>> -> memref<1x128xi32, #tpu.memory_space<hbm>>
    %dma_start3A_45 = tpu.memref_squeeze %dma_start3A_44 : memref<1x128xi32, #tpu.memory_space<hbm>> -> memref<128xi32, #tpu.memory_space<hbm>>
    tpu.enqueue_dma source(%dma_start3A_45 : memref<128xi32, #tpu.memory_space<hbm>>) target(%dma_start3A_43 : memref<128xi32, #tpu.memory_space<vmem>>) target_semaphore(%arg11 : memref<!tpu.dma_semaphore, #tpu.memory_space<semaphore_mem>>)
    %dma_start3A_46 = arith.constant 1 : i32
    %dma_start3A_47 = arith.constant 1 : i32
    %dma_start3A_48 = arith.constant 0 : i32
    %dma_start3A_49 = tpu.memref_slice %arg7[%dma_start3A_47, %dma_start3A_48] : memref<3x128xi32, #tpu.memory_space<vmem>> -> memref<1x128xi32, #tpu.memory_space<vmem>>
    %dma_start3A_50 = tpu.memref_squeeze %dma_start3A_49 : memref<1x128xi32, #tpu.memory_space<vmem>> -> memref<128xi32, #tpu.memory_space<vmem>>
    %dma_start3A_51 = tpu.memref_slice %arg3[%dma_start3A_46, %mul3A_33] : memref<2x320000xi32, #tpu.memory_space<hbm>> -> memref<1x128xi32, #tpu.memory_space<hbm>>
    %dma_start3A_52 = tpu.memref_squeeze %dma_start3A_51 : memref<1x128xi32, #tpu.memory_space<hbm>> -> memref<128xi32, #tpu.memory_space<hbm>>
    %dma_start3A_53 = arith.constant 0 : i32
    %dma_start3A_54 = tpu.memref_slice %arg7[%dma_start3A_47, %dma_start3A_53] : memref<3x128xi32, #tpu.memory_space<vmem>> -> memref<1x128xi32, #tpu.memory_space<vmem>>
    %dma_start3A_55 = tpu.memref_squeeze %dma_start3A_54 : memref<1x128xi32, #tpu.memory_space<vmem>> -> memref<128xi32, #tpu.memory_space<vmem>>
    %dma_start3A_56 = tpu.memref_slice %arg3[%dma_start3A_46, %mul3A_33] : memref<2x320000xi32, #tpu.memory_space<hbm>> -> memref<1x128xi32, #tpu.memory_space<hbm>>
    %dma_start3A_57 = tpu.memref_squeeze %dma_start3A_56 : memref<1x128xi32, #tpu.memory_space<hbm>> -> memref<128xi32, #tpu.memory_space<hbm>>
    tpu.enqueue_dma source(%dma_start3A_57 : memref<128xi32, #tpu.memory_space<hbm>>) target(%dma_start3A_55 : memref<128xi32, #tpu.memory_space<vmem>>) target_semaphore(%arg11 : memref<!tpu.dma_semaphore, #tpu.memory_space<semaphore_mem>>)
    %mul3A_58 = arith.constant 128 : i32
    %mul3A_59 = arith.muli %mul3A_4, %mul3A_58 : i32
    %dma_wait3A = arith.constant 0 : i32
    %dma_wait3A_60 = arith.constant 0 : i32
    %dma_wait3A_61 = arith.constant 0 : i32
    %dma_wait3A_62 = tpu.memref_slice %arg6[%dma_wait3A_60, %dma_wait3A_61] : memref<3x128xi32, #tpu.memory_space<vmem>> -> memref<1x128xi32, #tpu.memory_space<vmem>>
    %dma_wait3A_63 = tpu.memref_squeeze %dma_wait3A_62 : memref<1x128xi32, #tpu.memory_space<vmem>> -> memref<128xi32, #tpu.memory_space<vmem>>
    %dma_wait3A_64 = tpu.memref_slice %arg3[%dma_wait3A, %mul3A_59] : memref<2x320000xi32, #tpu.memory_space<hbm>> -> memref<1x128xi32, #tpu.memory_space<hbm>>
    %dma_wait3A_65 = tpu.memref_squeeze %dma_wait3A_64 : memref<1x128xi32, #tpu.memory_space<hbm>> -> memref<128xi32, #tpu.memory_space<hbm>>
    %dma_wait3A_66 = arith.constant 0 : i32
    %dma_wait3A_67 = tpu.memref_slice %arg6[%dma_wait3A_60, %dma_wait3A_66] : memref<3x128xi32, #tpu.memory_space<vmem>> -> memref<1x128xi32, #tpu.memory_space<vmem>>
    %dma_wait3A_68 = tpu.memref_squeeze %dma_wait3A_67 : memref<1x128xi32, #tpu.memory_space<vmem>> -> memref<128xi32, #tpu.memory_space<vmem>>
    %dma_wait3A_69 = tpu.memref_slice %arg3[%dma_wait3A, %mul3A_59] : memref<2x320000xi32, #tpu.memory_space<hbm>> -> memref<1x128xi32, #tpu.memory_space<hbm>>
    %dma_wait3A_70 = tpu.memref_squeeze %dma_wait3A_69 : memref<1x128xi32, #tpu.memory_space<hbm>> -> memref<128xi32, #tpu.memory_space<hbm>>
    tpu.wait_dma2 semaphore(%arg10 : memref<!tpu.dma_semaphore, #tpu.memory_space<semaphore_mem>>) src(%dma_wait3A_70 : memref<128xi32, #tpu.memory_space<hbm>>) dst(%dma_wait3A_68 : memref<128xi32, #tpu.memory_space<vmem>>)
    %dma_wait3A_71 = arith.constant 1 : i32
    %dma_wait3A_72 = arith.constant 0 : i32
    %dma_wait3A_73 = arith.constant 0 : i32
    %dma_wait3A_74 = tpu.memref_slice %arg7[%dma_wait3A_72, %dma_wait3A_73] : memref<3x128xi32, #tpu.memory_space<vmem>> -> memref<1x128xi32, #tpu.memory_space<vmem>>
    %dma_wait3A_75 = tpu.memref_squeeze %dma_wait3A_74 : memref<1x128xi32, #tpu.memory_space<vmem>> -> memref<128xi32, #tpu.memory_space<vmem>>
    %dma_wait3A_76 = tpu.memref_slice %arg3[%dma_wait3A_71, %mul3A_59] : memref<2x320000xi32, #tpu.memory_space<hbm>> -> memref<1x128xi32, #tpu.memory_space<hbm>>
    %dma_wait3A_77 = tpu.memref_squeeze %dma_wait3A_76 : memref<1x128xi32, #tpu.memory_space<hbm>> -> memref<128xi32, #tpu.memory_space<hbm>>
    %dma_wait3A_78 = arith.constant 0 : i32
    %dma_wait3A_79 = tpu.memref_slice %arg7[%dma_wait3A_72, %dma_wait3A_78] : memref<3x128xi32, #tpu.memory_space<vmem>> -> memref<1x128xi32, #tpu.memory_space<vmem>>
    %dma_wait3A_80 = tpu.memref_squeeze %dma_wait3A_79 : memref<1x128xi32, #tpu.memory_space<vmem>> -> memref<128xi32, #tpu.memory_space<vmem>>
    %dma_wait3A_81 = tpu.memref_slice %arg3[%dma_wait3A_71, %mul3A_59] : memref<2x320000xi32, #tpu.memory_space<hbm>> -> memref<1x128xi32, #tpu.memory_space<hbm>>
    %dma_wait3A_82 = tpu.memref_squeeze %dma_wait3A_81 : memref<1x128xi32, #tpu.memory_space<hbm>> -> memref<128xi32, #tpu.memory_space<hbm>>
    tpu.wait_dma2 semaphore(%arg10 : memref<!tpu.dma_semaphore, #tpu.memory_space<semaphore_mem>>) src(%dma_wait3A_82 : memref<128xi32, #tpu.memory_space<hbm>>) dst(%dma_wait3A_80 : memref<128xi32, #tpu.memory_space<vmem>>)
    %dma_start3A_83 = arith.constant 0 : i32
    %dma_start3A_84 = arith.constant 0 : i32
    %dma_start3A_85 = arith.constant 0 : i32
    %dma_start3A_86 = arith.constant 0 : i32
    %dma_start3A_87 = tpu.memref_slice %arg8[%dma_start3A_84, %dma_start3A_85, %dma_start3A_86] : memref<3x128x128xf32, #tpu.memory_space<vmem>> -> memref<1x128x128xf32, #tpu.memory_space<vmem>>
    %dma_start3A_88 = tpu.memref_squeeze %dma_start3A_87 : memref<1x128x128xf32, #tpu.memory_space<vmem>> -> memref<128x128xf32, #tpu.memory_space<vmem>>
    %dma_start3A_89 = arith.constant 0 : i32
    %dma_start3A_90 = tpu.memref_slice %arg6[%dma_start3A_83, %dma_start3A_89] : memref<3x128xi32, #tpu.memory_space<vmem>> -> memref<1x128xi32, #tpu.memory_space<vmem>>
    %dma_start3A_91 = tpu.memref_squeeze %dma_start3A_90 : memref<1x128xi32, #tpu.memory_space<vmem>> -> memref<128xi32, #tpu.memory_space<vmem>>
    %dma_start3A_92 = arith.constant 0 : i32
    %dma_start3A_93 = arith.constant 0 : i32
    %dma_start3A_94 = tpu.memref_slice %arg2[%dma_start3A_92, %dma_start3A_93] : memref<10000x128xf32, #tpu.memory_space<hbm>> -> memref<10000x128xf32, #tpu.memory_space<hbm>>
    tpu.enqueue_indirect_dma source(%dma_start3A_94 : memref<10000x128xf32, #tpu.memory_space<hbm>>) target(%dma_start3A_88 : memref<128x128xf32, #tpu.memory_space<vmem>>) offsets(%dma_start3A_91 : memref<128xi32, #tpu.memory_space<vmem>>) semaphore(%arg10 : memref<!tpu.dma_semaphore, #tpu.memory_space<semaphore_mem>>)
    %scan3A = arith.constant 0 : i32
    %scan3A_95 = arith.constant 0 : i32
    %scan3A_96 = arith.constant 26 : i32
    %scan3A_97 = arith.addi %scan3A_95, %scan3A_96 : i32
    %scan3A_98 = arith.constant 1 : i32
    scf.for %scan3A_118 = %scan3A_95 to %scan3A_97 step %scan3A_98  : i32 {
      %mul3A_119 = arith.constant 3 : i32
      %mul3A_120 = arith.muli %scan3A_118, %mul3A_119 : i32
      %add3A_121 = arith.constant 0 : i32
      %add3A_122 = arith.addi %mul3A_120, %add3A_121 : i32
      %gt3A = arith.constant 0 : i32
      %gt3A_123 = arith.cmpi sgt, %scan3A_118, %gt3A : i32
      %convert_element_type3A_124 = arith.extui %gt3A_123 : i1 to i32
      %cond3A_125 = arith.constant 0 : i32
      %cond3A_126 = arith.cmpi ne, %convert_element_type3A_124, %cond3A_125 : i32
      scf.if %cond3A_126 {
        %dma_wait3A_273 = arith.constant 2 : i32
        %dma_wait3A_274 = arith.constant 2 : i32
        %dma_wait3A_275 = arith.constant 0 : i32
        %dma_wait3A_276 = arith.constant 0 : i32
        %dma_wait3A_277 = tpu.memref_slice %arg8[%dma_wait3A_273, %dma_wait3A_275, %dma_wait3A_276] : memref<3x128x128xf32, #tpu.memory_space<vmem>> -> memref<1x128x128xf32, #tpu.memory_space<vmem>>
        %dma_wait3A_278 = tpu.memref_squeeze %dma_wait3A_277 : memref<1x128x128xf32, #tpu.memory_space<vmem>> -> memref<128x128xf32, #tpu.memory_space<vmem>>
        %dma_wait3A_279 = arith.constant 0 : i32
        %dma_wait3A_280 = tpu.memref_slice %arg7[%dma_wait3A_274, %dma_wait3A_279] : memref<3x128xi32, #tpu.memory_space<vmem>> -> memref<1x128xi32, #tpu.memory_space<vmem>>
        %dma_wait3A_281 = tpu.memref_squeeze %dma_wait3A_280 : memref<1x128xi32, #tpu.memory_space<vmem>> -> memref<128xi32, #tpu.memory_space<vmem>>
        %dma_wait3A_282 = arith.constant 0 : i32
        %dma_wait3A_283 = arith.constant 0 : i32
        %dma_wait3A_284 = tpu.memref_slice %arg9[%dma_wait3A_282, %dma_wait3A_283] : memref<10112x128xf32, #tpu.memory_space<vmem_shared>> -> memref<10112x128xf32, #tpu.memory_space<vmem_shared>>
        tpu.wait_indirect_dma semaphore(%arg12 : memref<!tpu.dma_semaphore, #tpu.memory_space<semaphore_mem>>) src(%dma_wait3A_278 : memref<128x128xf32, #tpu.memory_space<vmem>>) dst(%dma_wait3A_284 : memref<10112x128xf32, #tpu.memory_space<vmem_shared>>)
      } else {
      }
      %add3A_127 = arith.constant 2 : i32
      %add3A_128 = arith.addi %add3A_122, %add3A_127 : i32
      %lt3A_129 = arith.constant 78 : i32
      %lt3A_130 = arith.cmpi slt, %add3A_128, %lt3A_129 : i32
      %convert_element_type3A_131 = arith.extui %lt3A_130 : i1 to i32
      %cond3A_132 = arith.constant 0 : i32
      %cond3A_133 = arith.cmpi ne, %convert_element_type3A_131, %cond3A_132 : i32
      scf.if %cond3A_133 {
        %add3A_273 = arith.addi %mul3A_4, %add3A_122 : i32
        %add3A_274 = arith.constant 2 : i32
        %add3A_275 = arith.addi %add3A_273, %add3A_274 : i32
        %mul3A_276 = arith.constant 128 : i32
        %mul3A_277 = arith.muli %add3A_275, %mul3A_276 : i32
        %dma_start3A_278 = arith.constant 0 : i32
        %dma_start3A_279 = arith.constant 2 : i32
        %dma_start3A_280 = arith.constant 0 : i32
        %dma_start3A_281 = tpu.memref_slice %arg6[%dma_start3A_279, %dma_start3A_280] : memref<3x128xi32, #tpu.memory_space<vmem>> -> memref<1x128xi32, #tpu.memory_space<vmem>>
        %dma_start3A_282 = tpu.memref_squeeze %dma_start3A_281 : memref<1x128xi32, #tpu.memory_space<vmem>> -> memref<128xi32, #tpu.memory_space<vmem>>
        %dma_start3A_283 = tpu.memref_slice %arg3[%dma_start3A_278, %mul3A_277] : memref<2x320000xi32, #tpu.memory_space<hbm>> -> memref<1x128xi32, #tpu.memory_space<hbm>>
        %dma_start3A_284 = tpu.memref_squeeze %dma_start3A_283 : memref<1x128xi32, #tpu.memory_space<hbm>> -> memref<128xi32, #tpu.memory_space<hbm>>
        %dma_start3A_285 = arith.constant 0 : i32
        %dma_start3A_286 = tpu.memref_slice %arg6[%dma_start3A_279, %dma_start3A_285] : memref<3x128xi32, #tpu.memory_space<vmem>> -> memref<1x128xi32, #tpu.memory_space<vmem>>
        %dma_start3A_287 = tpu.memref_squeeze %dma_start3A_286 : memref<1x128xi32, #tpu.memory_space<vmem>> -> memref<128xi32, #tpu.memory_space<vmem>>
        %dma_start3A_288 = tpu.memref_slice %arg3[%dma_start3A_278, %mul3A_277] : memref<2x320000xi32, #tpu.memory_space<hbm>> -> memref<1x128xi32, #tpu.memory_space<hbm>>
        %dma_start3A_289 = tpu.memref_squeeze %dma_start3A_288 : memref<1x128xi32, #tpu.memory_space<hbm>> -> memref<128xi32, #tpu.memory_space<hbm>>
        tpu.enqueue_dma source(%dma_start3A_289 : memref<128xi32, #tpu.memory_space<hbm>>) target(%dma_start3A_287 : memref<128xi32, #tpu.memory_space<vmem>>) target_semaphore(%arg12 : memref<!tpu.dma_semaphore, #tpu.memory_space<semaphore_mem>>)
        %dma_start3A_290 = arith.constant 1 : i32
        %dma_start3A_291 = arith.constant 2 : i32
        %dma_start3A_292 = arith.constant 0 : i32
        %dma_start3A_293 = tpu.memref_slice %arg7[%dma_start3A_291, %dma_start3A_292] : memref<3x128xi32, #tpu.memory_space<vmem>> -> memref<1x128xi32, #tpu.memory_space<vmem>>
        %dma_start3A_294 = tpu.memref_squeeze %dma_start3A_293 : memref<1x128xi32, #tpu.memory_space<vmem>> -> memref<128xi32, #tpu.memory_space<vmem>>
        %dma_start3A_295 = tpu.memref_slice %arg3[%dma_start3A_290, %mul3A_277] : memref<2x320000xi32, #tpu.memory_space<hbm>> -> memref<1x128xi32, #tpu.memory_space<hbm>>
        %dma_start3A_296 = tpu.memref_squeeze %dma_start3A_295 : memref<1x128xi32, #tpu.memory_space<hbm>> -> memref<128xi32, #tpu.memory_space<hbm>>
        %dma_start3A_297 = arith.constant 0 : i32
        %dma_start3A_298 = tpu.memref_slice %arg7[%dma_start3A_291, %dma_start3A_297] : memref<3x128xi32, #tpu.memory_space<vmem>> -> memref<1x128xi32, #tpu.memory_space<vmem>>
        %dma_start3A_299 = tpu.memref_squeeze %dma_start3A_298 : memref<1x128xi32, #tpu.memory_space<vmem>> -> memref<128xi32, #tpu.memory_space<vmem>>
        %dma_start3A_300 = tpu.memref_slice %arg3[%dma_start3A_290, %mul3A_277] : memref<2x320000xi32, #tpu.memory_space<hbm>> -> memref<1x128xi32, #tpu.memory_space<hbm>>
        %dma_start3A_301 = tpu.memref_squeeze %dma_start3A_300 : memref<1x128xi32, #tpu.memory_space<hbm>> -> memref<128xi32, #tpu.memory_space<hbm>>
        tpu.enqueue_dma source(%dma_start3A_301 : memref<128xi32, #tpu.memory_space<hbm>>) target(%dma_start3A_299 : memref<128xi32, #tpu.memory_space<vmem>>) target_semaphore(%arg12 : memref<!tpu.dma_semaphore, #tpu.memory_space<semaphore_mem>>)
      } else {
      }
      %add3A_134 = arith.constant 1 : i32
      %add3A_135 = arith.addi %add3A_122, %add3A_134 : i32
      %lt3A_136 = arith.constant 78 : i32
      %lt3A_137 = arith.cmpi slt, %add3A_135, %lt3A_136 : i32
      %convert_element_type3A_138 = arith.extui %lt3A_137 : i1 to i32
      %cond3A_139 = arith.constant 0 : i32
      %cond3A_140 = arith.cmpi ne, %convert_element_type3A_138, %cond3A_139 : i32
      scf.if %cond3A_140 {
        %add3A_273 = arith.addi %mul3A_4, %add3A_122 : i32
        %add3A_274 = arith.constant 1 : i32
        %add3A_275 = arith.addi %add3A_273, %add3A_274 : i32
        %mul3A_276 = arith.constant 128 : i32
        %mul3A_277 = arith.muli %add3A_275, %mul3A_276 : i32
        %dma_wait3A_278 = arith.constant 0 : i32
        %dma_wait3A_279 = arith.constant 1 : i32
        %dma_wait3A_280 = arith.constant 0 : i32
        %dma_wait3A_281 = tpu.memref_slice %arg6[%dma_wait3A_279, %dma_wait3A_280] : memref<3x128xi32, #tpu.memory_space<vmem>> -> memref<1x128xi32, #tpu.memory_space<vmem>>
        %dma_wait3A_282 = tpu.memref_squeeze %dma_wait3A_281 : memref<1x128xi32, #tpu.memory_space<vmem>> -> memref<128xi32, #tpu.memory_space<vmem>>
        %dma_wait3A_283 = tpu.memref_slice %arg3[%dma_wait3A_278, %mul3A_277] : memref<2x320000xi32, #tpu.memory_space<hbm>> -> memref<1x128xi32, #tpu.memory_space<hbm>>
        %dma_wait3A_284 = tpu.memref_squeeze %dma_wait3A_283 : memref<1x128xi32, #tpu.memory_space<hbm>> -> memref<128xi32, #tpu.memory_space<hbm>>
        %dma_wait3A_285 = arith.constant 0 : i32
        %dma_wait3A_286 = tpu.memref_slice %arg6[%dma_wait3A_279, %dma_wait3A_285] : memref<3x128xi32, #tpu.memory_space<vmem>> -> memref<1x128xi32, #tpu.memory_space<vmem>>
        %dma_wait3A_287 = tpu.memref_squeeze %dma_wait3A_286 : memref<1x128xi32, #tpu.memory_space<vmem>> -> memref<128xi32, #tpu.memory_space<vmem>>
        %dma_wait3A_288 = tpu.memref_slice %arg3[%dma_wait3A_278, %mul3A_277] : memref<2x320000xi32, #tpu.memory_space<hbm>> -> memref<1x128xi32, #tpu.memory_space<hbm>>
        %dma_wait3A_289 = tpu.memref_squeeze %dma_wait3A_288 : memref<1x128xi32, #tpu.memory_space<hbm>> -> memref<128xi32, #tpu.memory_space<hbm>>
        tpu.wait_dma2 semaphore(%arg11 : memref<!tpu.dma_semaphore, #tpu.memory_space<semaphore_mem>>) src(%dma_wait3A_289 : memref<128xi32, #tpu.memory_space<hbm>>) dst(%dma_wait3A_287 : memref<128xi32, #tpu.memory_space<vmem>>)
        %dma_wait3A_290 = arith.constant 1 : i32
        %dma_wait3A_291 = arith.constant 1 : i32
        %dma_wait3A_292 = arith.constant 0 : i32
        %dma_wait3A_293 = tpu.memref_slice %arg7[%dma_wait3A_291, %dma_wait3A_292] : memref<3x128xi32, #tpu.memory_space<vmem>> -> memref<1x128xi32, #tpu.memory_space<vmem>>
        %dma_wait3A_294 = tpu.memref_squeeze %dma_wait3A_293 : memref<1x128xi32, #tpu.memory_space<vmem>> -> memref<128xi32, #tpu.memory_space<vmem>>
        %dma_wait3A_295 = tpu.memref_slice %arg3[%dma_wait3A_290, %mul3A_277] : memref<2x320000xi32, #tpu.memory_space<hbm>> -> memref<1x128xi32, #tpu.memory_space<hbm>>
        %dma_wait3A_296 = tpu.memref_squeeze %dma_wait3A_295 : memref<1x128xi32, #tpu.memory_space<hbm>> -> memref<128xi32, #tpu.memory_space<hbm>>
        %dma_wait3A_297 = arith.constant 0 : i32
        %dma_wait3A_298 = tpu.memref_slice %arg7[%dma_wait3A_291, %dma_wait3A_297] : memref<3x128xi32, #tpu.memory_space<vmem>> -> memref<1x128xi32, #tpu.memory_space<vmem>>
        %dma_wait3A_299 = tpu.memref_squeeze %dma_wait3A_298 : memref<1x128xi32, #tpu.memory_space<vmem>> -> memref<128xi32, #tpu.memory_space<vmem>>
        %dma_wait3A_300 = tpu.memref_slice %arg3[%dma_wait3A_290, %mul3A_277] : memref<2x320000xi32, #tpu.memory_space<hbm>> -> memref<1x128xi32, #tpu.memory_space<hbm>>
        %dma_wait3A_301 = tpu.memref_squeeze %dma_wait3A_300 : memref<1x128xi32, #tpu.memory_space<hbm>> -> memref<128xi32, #tpu.memory_space<hbm>>
        tpu.wait_dma2 semaphore(%arg11 : memref<!tpu.dma_semaphore, #tpu.memory_space<semaphore_mem>>) src(%dma_wait3A_301 : memref<128xi32, #tpu.memory_space<hbm>>) dst(%dma_wait3A_299 : memref<128xi32, #tpu.memory_space<vmem>>)
        %dma_start3A_302 = arith.constant 1 : i32
        %dma_start3A_303 = arith.constant 1 : i32
        %dma_start3A_304 = arith.constant 0 : i32
        %dma_start3A_305 = arith.constant 0 : i32
        %dma_start3A_306 = tpu.memref_slice %arg8[%dma_start3A_303, %dma_start3A_304, %dma_start3A_305] : memref<3x128x128xf32, #tpu.memory_space<vmem>> -> memref<1x128x128xf32, #tpu.memory_space<vmem>>
        %dma_start3A_307 = tpu.memref_squeeze %dma_start3A_306 : memref<1x128x128xf32, #tpu.memory_space<vmem>> -> memref<128x128xf32, #tpu.memory_space<vmem>>
        %dma_start3A_308 = arith.constant 0 : i32
        %dma_start3A_309 = tpu.memref_slice %arg6[%dma_start3A_302, %dma_start3A_308] : memref<3x128xi32, #tpu.memory_space<vmem>> -> memref<1x128xi32, #tpu.memory_space<vmem>>
        %dma_start3A_310 = tpu.memref_squeeze %dma_start3A_309 : memref<1x128xi32, #tpu.memory_space<vmem>> -> memref<128xi32, #tpu.memory_space<vmem>>
        %dma_start3A_311 = arith.constant 0 : i32
        %dma_start3A_312 = arith.constant 0 : i32
        %dma_start3A_313 = tpu.memref_slice %arg2[%dma_start3A_311, %dma_start3A_312] : memref<10000x128xf32, #tpu.memory_space<hbm>> -> memref<10000x128xf32, #tpu.memory_space<hbm>>
        tpu.enqueue_indirect_dma source(%dma_start3A_313 : memref<10000x128xf32, #tpu.memory_space<hbm>>) target(%dma_start3A_307 : memref<128x128xf32, #tpu.memory_space<vmem>>) offsets(%dma_start3A_310 : memref<128xi32, #tpu.memory_space<vmem>>) semaphore(%arg11 : memref<!tpu.dma_semaphore, #tpu.memory_space<semaphore_mem>>)
      } else {
      }
      %dma_wait3A_141 = arith.constant 0 : i32
      %dma_wait3A_142 = arith.constant 0 : i32
      %dma_wait3A_143 = arith.constant 0 : i32
      %dma_wait3A_144 = arith.constant 0 : i32
      %dma_wait3A_145 = tpu.memref_slice %arg8[%dma_wait3A_142, %dma_wait3A_143, %dma_wait3A_144] : memref<3x128x128xf32, #tpu.memory_space<vmem>> -> memref<1x128x128xf32, #tpu.memory_space<vmem>>
      %dma_wait3A_146 = tpu.memref_squeeze %dma_wait3A_145 : memref<1x128x128xf32, #tpu.memory_space<vmem>> -> memref<128x128xf32, #tpu.memory_space<vmem>>
      %dma_wait3A_147 = arith.constant 0 : i32
      %dma_wait3A_148 = tpu.memref_slice %arg6[%dma_wait3A_141, %dma_wait3A_147] : memref<3x128xi32, #tpu.memory_space<vmem>> -> memref<1x128xi32, #tpu.memory_space<vmem>>
      %dma_wait3A_149 = tpu.memref_squeeze %dma_wait3A_148 : memref<1x128xi32, #tpu.memory_space<vmem>> -> memref<128xi32, #tpu.memory_space<vmem>>
      %dma_wait3A_150 = arith.constant 0 : i32
      %dma_wait3A_151 = arith.constant 0 : i32
      %dma_wait3A_152 = tpu.memref_slice %arg2[%dma_wait3A_150, %dma_wait3A_151] : memref<10000x128xf32, #tpu.memory_space<hbm>> -> memref<10000x128xf32, #tpu.memory_space<hbm>>
      tpu.wait_indirect_dma semaphore(%arg10 : memref<!tpu.dma_semaphore, #tpu.memory_space<semaphore_mem>>) src(%dma_wait3A_152 : memref<10000x128xf32, #tpu.memory_space<hbm>>) dst(%dma_wait3A_146 : memref<128x128xf32, #tpu.memory_space<vmem>>)
      %dma_start3A_153 = arith.constant 0 : i32
      %dma_start3A_154 = arith.constant 0 : i32
      %dma_start3A_155 = arith.constant 0 : i32
      %dma_start3A_156 = arith.constant 0 : i32
      %dma_start3A_157 = tpu.memref_slice %arg8[%dma_start3A_153, %dma_start3A_155, %dma_start3A_156] : memref<3x128x128xf32, #tpu.memory_space<vmem>> -> memref<1x128x128xf32, #tpu.memory_space<vmem>>
      %dma_start3A_158 = tpu.memref_squeeze %dma_start3A_157 : memref<1x128x128xf32, #tpu.memory_space<vmem>> -> memref<128x128xf32, #tpu.memory_space<vmem>>
      %dma_start3A_159 = arith.constant 0 : i32
      %dma_start3A_160 = tpu.memref_slice %arg7[%dma_start3A_154, %dma_start3A_159] : memref<3x128xi32, #tpu.memory_space<vmem>> -> memref<1x128xi32, #tpu.memory_space<vmem>>
      %dma_start3A_161 = tpu.memref_squeeze %dma_start3A_160 : memref<1x128xi32, #tpu.memory_space<vmem>> -> memref<128xi32, #tpu.memory_space<vmem>>
      %dma_start3A_162 = arith.constant 0 : i32
      %dma_start3A_163 = arith.constant 0 : i32
      %dma_start3A_164 = tpu.memref_slice %arg9[%dma_start3A_162, %dma_start3A_163] : memref<10112x128xf32, #tpu.memory_space<vmem_shared>> -> memref<10112x128xf32, #tpu.memory_space<vmem_shared>>
      tpu.enqueue_indirect_dma source(%dma_start3A_158 : memref<128x128xf32, #tpu.memory_space<vmem>>) target(%dma_start3A_164 : memref<10112x128xf32, #tpu.memory_space<vmem_shared>>) offsets(%dma_start3A_161 : memref<128xi32, #tpu.memory_space<vmem>>) semaphore(%arg10 : memref<!tpu.dma_semaphore, #tpu.memory_space<semaphore_mem>>) {add = true}
      %mul3A_165 = arith.constant 3 : i32
      %mul3A_166 = arith.muli %scan3A_118, %mul3A_165 : i32
      %add3A_167 = arith.constant 1 : i32
      %add3A_168 = arith.addi %mul3A_166, %add3A_167 : i32
      %dma_wait3A_169 = arith.constant 0 : i32
      %dma_wait3A_170 = arith.constant 0 : i32
      %dma_wait3A_171 = arith.constant 0 : i32
      %dma_wait3A_172 = arith.constant 0 : i32
      %dma_wait3A_173 = tpu.memref_slice %arg8[%dma_wait3A_169, %dma_wait3A_171, %dma_wait3A_172] : memref<3x128x128xf32, #tpu.memory_space<vmem>> -> memref<1x128x128xf32, #tpu.memory_space<vmem>>
      %dma_wait3A_174 = tpu.memref_squeeze %dma_wait3A_173 : memref<1x128x128xf32, #tpu.memory_space<vmem>> -> memref<128x128xf32, #tpu.memory_space<vmem>>
      %dma_wait3A_175 = arith.constant 0 : i32
      %dma_wait3A_176 = tpu.memref_slice %arg7[%dma_wait3A_170, %dma_wait3A_175] : memref<3x128xi32, #tpu.memory_space<vmem>> -> memref<1x128xi32, #tpu.memory_space<vmem>>
      %dma_wait3A_177 = tpu.memref_squeeze %dma_wait3A_176 : memref<1x128xi32, #tpu.memory_space<vmem>> -> memref<128xi32, #tpu.memory_space<vmem>>
      %dma_wait3A_178 = arith.constant 0 : i32
      %dma_wait3A_179 = arith.constant 0 : i32
      %dma_wait3A_180 = tpu.memref_slice %arg9[%dma_wait3A_178, %dma_wait3A_179] : memref<10112x128xf32, #tpu.memory_space<vmem_shared>> -> memref<10112x128xf32, #tpu.memory_space<vmem_shared>>
      tpu.wait_indirect_dma semaphore(%arg10 : memref<!tpu.dma_semaphore, #tpu.memory_space<semaphore_mem>>) src(%dma_wait3A_174 : memref<128x128xf32, #tpu.memory_space<vmem>>) dst(%dma_wait3A_180 : memref<10112x128xf32, #tpu.memory_space<vmem_shared>>)
      %add3A_181 = arith.constant 2 : i32
      %add3A_182 = arith.addi %add3A_168, %add3A_181 : i32
      %lt3A_183 = arith.constant 78 : i32
      %lt3A_184 = arith.cmpi slt, %add3A_182, %lt3A_183 : i32
      %convert_element_type3A_185 = arith.extui %lt3A_184 : i1 to i32
      %cond3A_186 = arith.constant 0 : i32
      %cond3A_187 = arith.cmpi ne, %convert_element_type3A_185, %cond3A_186 : i32
      scf.if %cond3A_187 {
        %add3A_273 = arith.addi %mul3A_4, %add3A_168 : i32
        %add3A_274 = arith.constant 2 : i32
        %add3A_275 = arith.addi %add3A_273, %add3A_274 : i32
        %mul3A_276 = arith.constant 128 : i32
        %mul3A_277 = arith.muli %add3A_275, %mul3A_276 : i32
        %dma_start3A_278 = arith.constant 0 : i32
        %dma_start3A_279 = arith.constant 0 : i32
        %dma_start3A_280 = arith.constant 0 : i32
        %dma_start3A_281 = tpu.memref_slice %arg6[%dma_start3A_279, %dma_start3A_280] : memref<3x128xi32, #tpu.memory_space<vmem>> -> memref<1x128xi32, #tpu.memory_space<vmem>>
        %dma_start3A_282 = tpu.memref_squeeze %dma_start3A_281 : memref<1x128xi32, #tpu.memory_space<vmem>> -> memref<128xi32, #tpu.memory_space<vmem>>
        %dma_start3A_283 = tpu.memref_slice %arg3[%dma_start3A_278, %mul3A_277] : memref<2x320000xi32, #tpu.memory_space<hbm>> -> memref<1x128xi32, #tpu.memory_space<hbm>>
        %dma_start3A_284 = tpu.memref_squeeze %dma_start3A_283 : memref<1x128xi32, #tpu.memory_space<hbm>> -> memref<128xi32, #tpu.memory_space<hbm>>
        %dma_start3A_285 = arith.constant 0 : i32
        %dma_start3A_286 = tpu.memref_slice %arg6[%dma_start3A_279, %dma_start3A_285] : memref<3x128xi32, #tpu.memory_space<vmem>> -> memref<1x128xi32, #tpu.memory_space<vmem>>
        %dma_start3A_287 = tpu.memref_squeeze %dma_start3A_286 : memref<1x128xi32, #tpu.memory_space<vmem>> -> memref<128xi32, #tpu.memory_space<vmem>>
        %dma_start3A_288 = tpu.memref_slice %arg3[%dma_start3A_278, %mul3A_277] : memref<2x320000xi32, #tpu.memory_space<hbm>> -> memref<1x128xi32, #tpu.memory_space<hbm>>
        %dma_start3A_289 = tpu.memref_squeeze %dma_start3A_288 : memref<1x128xi32, #tpu.memory_space<hbm>> -> memref<128xi32, #tpu.memory_space<hbm>>
        tpu.enqueue_dma source(%dma_start3A_289 : memref<128xi32, #tpu.memory_space<hbm>>) target(%dma_start3A_287 : memref<128xi32, #tpu.memory_space<vmem>>) target_semaphore(%arg10 : memref<!tpu.dma_semaphore, #tpu.memory_space<semaphore_mem>>)
        %dma_start3A_290 = arith.constant 1 : i32
        %dma_start3A_291 = arith.constant 0 : i32
        %dma_start3A_292 = arith.constant 0 : i32
        %dma_start3A_293 = tpu.memref_slice %arg7[%dma_start3A_291, %dma_start3A_292] : memref<3x128xi32, #tpu.memory_space<vmem>> -> memref<1x128xi32, #tpu.memory_space<vmem>>
        %dma_start3A_294 = tpu.memref_squeeze %dma_start3A_293 : memref<1x128xi32, #tpu.memory_space<vmem>> -> memref<128xi32, #tpu.memory_space<vmem>>
        %dma_start3A_295 = tpu.memref_slice %arg3[%dma_start3A_290, %mul3A_277] : memref<2x320000xi32, #tpu.memory_space<hbm>> -> memref<1x128xi32, #tpu.memory_space<hbm>>
        %dma_start3A_296 = tpu.memref_squeeze %dma_start3A_295 : memref<1x128xi32, #tpu.memory_space<hbm>> -> memref<128xi32, #tpu.memory_space<hbm>>
        %dma_start3A_297 = arith.constant 0 : i32
        %dma_start3A_298 = tpu.memref_slice %arg7[%dma_start3A_291, %dma_start3A_297] : memref<3x128xi32, #tpu.memory_space<vmem>> -> memref<1x128xi32, #tpu.memory_space<vmem>>
        %dma_start3A_299 = tpu.memref_squeeze %dma_start3A_298 : memref<1x128xi32, #tpu.memory_space<vmem>> -> memref<128xi32, #tpu.memory_space<vmem>>
        %dma_start3A_300 = tpu.memref_slice %arg3[%dma_start3A_290, %mul3A_277] : memref<2x320000xi32, #tpu.memory_space<hbm>> -> memref<1x128xi32, #tpu.memory_space<hbm>>
        %dma_start3A_301 = tpu.memref_squeeze %dma_start3A_300 : memref<1x128xi32, #tpu.memory_space<hbm>> -> memref<128xi32, #tpu.memory_space<hbm>>
        tpu.enqueue_dma source(%dma_start3A_301 : memref<128xi32, #tpu.memory_space<hbm>>) target(%dma_start3A_299 : memref<128xi32, #tpu.memory_space<vmem>>) target_semaphore(%arg10 : memref<!tpu.dma_semaphore, #tpu.memory_space<semaphore_mem>>)
      } else {
      }
      %add3A_188 = arith.constant 1 : i32
      %add3A_189 = arith.addi %add3A_168, %add3A_188 : i32
      %lt3A_190 = arith.constant 78 : i32
      %lt3A_191 = arith.cmpi slt, %add3A_189, %lt3A_190 : i32
      %convert_element_type3A_192 = arith.extui %lt3A_191 : i1 to i32
      %cond3A_193 = arith.constant 0 : i32
      %cond3A_194 = arith.cmpi ne, %convert_element_type3A_192, %cond3A_193 : i32
      scf.if %cond3A_194 {
        %add3A_273 = arith.addi %mul3A_4, %add3A_168 : i32
        %add3A_274 = arith.constant 1 : i32
        %add3A_275 = arith.addi %add3A_273, %add3A_274 : i32
        %mul3A_276 = arith.constant 128 : i32
        %mul3A_277 = arith.muli %add3A_275, %mul3A_276 : i32
        %dma_wait3A_278 = arith.constant 0 : i32
        %dma_wait3A_279 = arith.constant 2 : i32
        %dma_wait3A_280 = arith.constant 0 : i32
        %dma_wait3A_281 = tpu.memref_slice %arg6[%dma_wait3A_279, %dma_wait3A_280] : memref<3x128xi32, #tpu.memory_space<vmem>> -> memref<1x128xi32, #tpu.memory_space<vmem>>
        %dma_wait3A_282 = tpu.memref_squeeze %dma_wait3A_281 : memref<1x128xi32, #tpu.memory_space<vmem>> -> memref<128xi32, #tpu.memory_space<vmem>>
        %dma_wait3A_283 = tpu.memref_slice %arg3[%dma_wait3A_278, %mul3A_277] : memref<2x320000xi32, #tpu.memory_space<hbm>> -> memref<1x128xi32, #tpu.memory_space<hbm>>
        %dma_wait3A_284 = tpu.memref_squeeze %dma_wait3A_283 : memref<1x128xi32, #tpu.memory_space<hbm>> -> memref<128xi32, #tpu.memory_space<hbm>>
        %dma_wait3A_285 = arith.constant 0 : i32
        %dma_wait3A_286 = tpu.memref_slice %arg6[%dma_wait3A_279, %dma_wait3A_285] : memref<3x128xi32, #tpu.memory_space<vmem>> -> memref<1x128xi32, #tpu.memory_space<vmem>>
        %dma_wait3A_287 = tpu.memref_squeeze %dma_wait3A_286 : memref<1x128xi32, #tpu.memory_space<vmem>> -> memref<128xi32, #tpu.memory_space<vmem>>
        %dma_wait3A_288 = tpu.memref_slice %arg3[%dma_wait3A_278, %mul3A_277] : memref<2x320000xi32, #tpu.memory_space<hbm>> -> memref<1x128xi32, #tpu.memory_space<hbm>>
        %dma_wait3A_289 = tpu.memref_squeeze %dma_wait3A_288 : memref<1x128xi32, #tpu.memory_space<hbm>> -> memref<128xi32, #tpu.memory_space<hbm>>
        tpu.wait_dma2 semaphore(%arg12 : memref<!tpu.dma_semaphore, #tpu.memory_space<semaphore_mem>>) src(%dma_wait3A_289 : memref<128xi32, #tpu.memory_space<hbm>>) dst(%dma_wait3A_287 : memref<128xi32, #tpu.memory_space<vmem>>)
        %dma_wait3A_290 = arith.constant 1 : i32
        %dma_wait3A_291 = arith.constant 2 : i32
        %dma_wait3A_292 = arith.constant 0 : i32
        %dma_wait3A_293 = tpu.memref_slice %arg7[%dma_wait3A_291, %dma_wait3A_292] : memref<3x128xi32, #tpu.memory_space<vmem>> -> memref<1x128xi32, #tpu.memory_space<vmem>>
        %dma_wait3A_294 = tpu.memref_squeeze %dma_wait3A_293 : memref<1x128xi32, #tpu.memory_space<vmem>> -> memref<128xi32, #tpu.memory_space<vmem>>
        %dma_wait3A_295 = tpu.memref_slice %arg3[%dma_wait3A_290, %mul3A_277] : memref<2x320000xi32, #tpu.memory_space<hbm>> -> memref<1x128xi32, #tpu.memory_space<hbm>>
        %dma_wait3A_296 = tpu.memref_squeeze %dma_wait3A_295 : memref<1x128xi32, #tpu.memory_space<hbm>> -> memref<128xi32, #tpu.memory_space<hbm>>
        %dma_wait3A_297 = arith.constant 0 : i32
        %dma_wait3A_298 = tpu.memref_slice %arg7[%dma_wait3A_291, %dma_wait3A_297] : memref<3x128xi32, #tpu.memory_space<vmem>> -> memref<1x128xi32, #tpu.memory_space<vmem>>
        %dma_wait3A_299 = tpu.memref_squeeze %dma_wait3A_298 : memref<1x128xi32, #tpu.memory_space<vmem>> -> memref<128xi32, #tpu.memory_space<vmem>>
        %dma_wait3A_300 = tpu.memref_slice %arg3[%dma_wait3A_290, %mul3A_277] : memref<2x320000xi32, #tpu.memory_space<hbm>> -> memref<1x128xi32, #tpu.memory_space<hbm>>
        %dma_wait3A_301 = tpu.memref_squeeze %dma_wait3A_300 : memref<1x128xi32, #tpu.memory_space<hbm>> -> memref<128xi32, #tpu.memory_space<hbm>>
        tpu.wait_dma2 semaphore(%arg12 : memref<!tpu.dma_semaphore, #tpu.memory_space<semaphore_mem>>) src(%dma_wait3A_301 : memref<128xi32, #tpu.memory_space<hbm>>) dst(%dma_wait3A_299 : memref<128xi32, #tpu.memory_space<vmem>>)
        %dma_start3A_302 = arith.constant 2 : i32
        %dma_start3A_303 = arith.constant 2 : i32
        %dma_start3A_304 = arith.constant 0 : i32
        %dma_start3A_305 = arith.constant 0 : i32
        %dma_start3A_306 = tpu.memref_slice %arg8[%dma_start3A_303, %dma_start3A_304, %dma_start3A_305] : memref<3x128x128xf32, #tpu.memory_space<vmem>> -> memref<1x128x128xf32, #tpu.memory_space<vmem>>
        %dma_start3A_307 = tpu.memref_squeeze %dma_start3A_306 : memref<1x128x128xf32, #tpu.memory_space<vmem>> -> memref<128x128xf32, #tpu.memory_space<vmem>>
        %dma_start3A_308 = arith.constant 0 : i32
        %dma_start3A_309 = tpu.memref_slice %arg6[%dma_start3A_302, %dma_start3A_308] : memref<3x128xi32, #tpu.memory_space<vmem>> -> memref<1x128xi32, #tpu.memory_space<vmem>>
        %dma_start3A_310 = tpu.memref_squeeze %dma_start3A_309 : memref<1x128xi32, #tpu.memory_space<vmem>> -> memref<128xi32, #tpu.memory_space<vmem>>
        %dma_start3A_311 = arith.constant 0 : i32
        %dma_start3A_312 = arith.constant 0 : i32
        %dma_start3A_313 = tpu.memref_slice %arg2[%dma_start3A_311, %dma_start3A_312] : memref<10000x128xf32, #tpu.memory_space<hbm>> -> memref<10000x128xf32, #tpu.memory_space<hbm>>
        tpu.enqueue_indirect_dma source(%dma_start3A_313 : memref<10000x128xf32, #tpu.memory_space<hbm>>) target(%dma_start3A_307 : memref<128x128xf32, #tpu.memory_space<vmem>>) offsets(%dma_start3A_310 : memref<128xi32, #tpu.memory_space<vmem>>) semaphore(%arg12 : memref<!tpu.dma_semaphore, #tpu.memory_space<semaphore_mem>>)
      } else {
      }
      %dma_wait3A_195 = arith.constant 1 : i32
      %dma_wait3A_196 = arith.constant 1 : i32
      %dma_wait3A_197 = arith.constant 0 : i32
      %dma_wait3A_198 = arith.constant 0 : i32
      %dma_wait3A_199 = tpu.memref_slice %arg8[%dma_wait3A_196, %dma_wait3A_197, %dma_wait3A_198] : memref<3x128x128xf32, #tpu.memory_space<vmem>> -> memref<1x128x128xf32, #tpu.memory_space<vmem>>
      %dma_wait3A_200 = tpu.memref_squeeze %dma_wait3A_199 : memref<1x128x128xf32, #tpu.memory_space<vmem>> -> memref<128x128xf32, #tpu.memory_space<vmem>>
      %dma_wait3A_201 = arith.constant 0 : i32
      %dma_wait3A_202 = tpu.memref_slice %arg6[%dma_wait3A_195, %dma_wait3A_201] : memref<3x128xi32, #tpu.memory_space<vmem>> -> memref<1x128xi32, #tpu.memory_space<vmem>>
      %dma_wait3A_203 = tpu.memref_squeeze %dma_wait3A_202 : memref<1x128xi32, #tpu.memory_space<vmem>> -> memref<128xi32, #tpu.memory_space<vmem>>
      %dma_wait3A_204 = arith.constant 0 : i32
      %dma_wait3A_205 = arith.constant 0 : i32
      %dma_wait3A_206 = tpu.memref_slice %arg2[%dma_wait3A_204, %dma_wait3A_205] : memref<10000x128xf32, #tpu.memory_space<hbm>> -> memref<10000x128xf32, #tpu.memory_space<hbm>>
      tpu.wait_indirect_dma semaphore(%arg11 : memref<!tpu.dma_semaphore, #tpu.memory_space<semaphore_mem>>) src(%dma_wait3A_206 : memref<10000x128xf32, #tpu.memory_space<hbm>>) dst(%dma_wait3A_200 : memref<128x128xf32, #tpu.memory_space<vmem>>)
      %dma_start3A_207 = arith.constant 1 : i32
      %dma_start3A_208 = arith.constant 1 : i32
      %dma_start3A_209 = arith.constant 0 : i32
      %dma_start3A_210 = arith.constant 0 : i32
      %dma_start3A_211 = tpu.memref_slice %arg8[%dma_start3A_207, %dma_start3A_209, %dma_start3A_210] : memref<3x128x128xf32, #tpu.memory_space<vmem>> -> memref<1x128x128xf32, #tpu.memory_space<vmem>>
      %dma_start3A_212 = tpu.memref_squeeze %dma_start3A_211 : memref<1x128x128xf32, #tpu.memory_space<vmem>> -> memref<128x128xf32, #tpu.memory_space<vmem>>
      %dma_start3A_213 = arith.constant 0 : i32
      %dma_start3A_214 = tpu.memref_slice %arg7[%dma_start3A_208, %dma_start3A_213] : memref<3x128xi32, #tpu.memory_space<vmem>> -> memref<1x128xi32, #tpu.memory_space<vmem>>
      %dma_start3A_215 = tpu.memref_squeeze %dma_start3A_214 : memref<1x128xi32, #tpu.memory_space<vmem>> -> memref<128xi32, #tpu.memory_space<vmem>>
      %dma_start3A_216 = arith.constant 0 : i32
      %dma_start3A_217 = arith.constant 0 : i32
      %dma_start3A_218 = tpu.memref_slice %arg9[%dma_start3A_216, %dma_start3A_217] : memref<10112x128xf32, #tpu.memory_space<vmem_shared>> -> memref<10112x128xf32, #tpu.memory_space<vmem_shared>>
      tpu.enqueue_indirect_dma source(%dma_start3A_212 : memref<128x128xf32, #tpu.memory_space<vmem>>) target(%dma_start3A_218 : memref<10112x128xf32, #tpu.memory_space<vmem_shared>>) offsets(%dma_start3A_215 : memref<128xi32, #tpu.memory_space<vmem>>) semaphore(%arg11 : memref<!tpu.dma_semaphore, #tpu.memory_space<semaphore_mem>>) {add = true}
      %mul3A_219 = arith.constant 3 : i32
      %mul3A_220 = arith.muli %scan3A_118, %mul3A_219 : i32
      %add3A_221 = arith.constant 2 : i32
      %add3A_222 = arith.addi %mul3A_220, %add3A_221 : i32
      %dma_wait3A_223 = arith.constant 1 : i32
      %dma_wait3A_224 = arith.constant 1 : i32
      %dma_wait3A_225 = arith.constant 0 : i32
      %dma_wait3A_226 = arith.constant 0 : i32
      %dma_wait3A_227 = tpu.memref_slice %arg8[%dma_wait3A_223, %dma_wait3A_225, %dma_wait3A_226] : memref<3x128x128xf32, #tpu.memory_space<vmem>> -> memref<1x128x128xf32, #tpu.memory_space<vmem>>
      %dma_wait3A_228 = tpu.memref_squeeze %dma_wait3A_227 : memref<1x128x128xf32, #tpu.memory_space<vmem>> -> memref<128x128xf32, #tpu.memory_space<vmem>>
      %dma_wait3A_229 = arith.constant 0 : i32
      %dma_wait3A_230 = tpu.memref_slice %arg7[%dma_wait3A_224, %dma_wait3A_229] : memref<3x128xi32, #tpu.memory_space<vmem>> -> memref<1x128xi32, #tpu.memory_space<vmem>>
      %dma_wait3A_231 = tpu.memref_squeeze %dma_wait3A_230 : memref<1x128xi32, #tpu.memory_space<vmem>> -> memref<128xi32, #tpu.memory_space<vmem>>
      %dma_wait3A_232 = arith.constant 0 : i32
      %dma_wait3A_233 = arith.constant 0 : i32
      %dma_wait3A_234 = tpu.memref_slice %arg9[%dma_wait3A_232, %dma_wait3A_233] : memref<10112x128xf32, #tpu.memory_space<vmem_shared>> -> memref<10112x128xf32, #tpu.memory_space<vmem_shared>>
      tpu.wait_indirect_dma semaphore(%arg11 : memref<!tpu.dma_semaphore, #tpu.memory_space<semaphore_mem>>) src(%dma_wait3A_228 : memref<128x128xf32, #tpu.memory_space<vmem>>) dst(%dma_wait3A_234 : memref<10112x128xf32, #tpu.memory_space<vmem_shared>>)
      %add3A_235 = arith.constant 2 : i32
      %add3A_236 = arith.addi %add3A_222, %add3A_235 : i32
      %lt3A_237 = arith.constant 78 : i32
      %lt3A_238 = arith.cmpi slt, %add3A_236, %lt3A_237 : i32
      %convert_element_type3A_239 = arith.extui %lt3A_238 : i1 to i32
      %cond3A_240 = arith.constant 0 : i32
      %cond3A_241 = arith.cmpi ne, %convert_element_type3A_239, %cond3A_240 : i32
      scf.if %cond3A_241 {
        %add3A_273 = arith.addi %mul3A_4, %add3A_222 : i32
        %add3A_274 = arith.constant 2 : i32
        %add3A_275 = arith.addi %add3A_273, %add3A_274 : i32
        %mul3A_276 = arith.constant 128 : i32
        %mul3A_277 = arith.muli %add3A_275, %mul3A_276 : i32
        %dma_start3A_278 = arith.constant 0 : i32
        %dma_start3A_279 = arith.constant 1 : i32
        %dma_start3A_280 = arith.constant 0 : i32
        %dma_start3A_281 = tpu.memref_slice %arg6[%dma_start3A_279, %dma_start3A_280] : memref<3x128xi32, #tpu.memory_space<vmem>> -> memref<1x128xi32, #tpu.memory_space<vmem>>
        %dma_start3A_282 = tpu.memref_squeeze %dma_start3A_281 : memref<1x128xi32, #tpu.memory_space<vmem>> -> memref<128xi32, #tpu.memory_space<vmem>>
        %dma_start3A_283 = tpu.memref_slice %arg3[%dma_start3A_278, %mul3A_277] : memref<2x320000xi32, #tpu.memory_space<hbm>> -> memref<1x128xi32, #tpu.memory_space<hbm>>
        %dma_start3A_284 = tpu.memref_squeeze %dma_start3A_283 : memref<1x128xi32, #tpu.memory_space<hbm>> -> memref<128xi32, #tpu.memory_space<hbm>>
        %dma_start3A_285 = arith.constant 0 : i32
        %dma_start3A_286 = tpu.memref_slice %arg6[%dma_start3A_279, %dma_start3A_285] : memref<3x128xi32, #tpu.memory_space<vmem>> -> memref<1x128xi32, #tpu.memory_space<vmem>>
        %dma_start3A_287 = tpu.memref_squeeze %dma_start3A_286 : memref<1x128xi32, #tpu.memory_space<vmem>> -> memref<128xi32, #tpu.memory_space<vmem>>
        %dma_start3A_288 = tpu.memref_slice %arg3[%dma_start3A_278, %mul3A_277] : memref<2x320000xi32, #tpu.memory_space<hbm>> -> memref<1x128xi32, #tpu.memory_space<hbm>>
        %dma_start3A_289 = tpu.memref_squeeze %dma_start3A_288 : memref<1x128xi32, #tpu.memory_space<hbm>> -> memref<128xi32, #tpu.memory_space<hbm>>
        tpu.enqueue_dma source(%dma_start3A_289 : memref<128xi32, #tpu.memory_space<hbm>>) target(%dma_start3A_287 : memref<128xi32, #tpu.memory_space<vmem>>) target_semaphore(%arg11 : memref<!tpu.dma_semaphore, #tpu.memory_space<semaphore_mem>>)
        %dma_start3A_290 = arith.constant 1 : i32
        %dma_start3A_291 = arith.constant 1 : i32
        %dma_start3A_292 = arith.constant 0 : i32
        %dma_start3A_293 = tpu.memref_slice %arg7[%dma_start3A_291, %dma_start3A_292] : memref<3x128xi32, #tpu.memory_space<vmem>> -> memref<1x128xi32, #tpu.memory_space<vmem>>
        %dma_start3A_294 = tpu.memref_squeeze %dma_start3A_293 : memref<1x128xi32, #tpu.memory_space<vmem>> -> memref<128xi32, #tpu.memory_space<vmem>>
        %dma_start3A_295 = tpu.memref_slice %arg3[%dma_start3A_290, %mul3A_277] : memref<2x320000xi32, #tpu.memory_space<hbm>> -> memref<1x128xi32, #tpu.memory_space<hbm>>
        %dma_start3A_296 = tpu.memref_squeeze %dma_start3A_295 : memref<1x128xi32, #tpu.memory_space<hbm>> -> memref<128xi32, #tpu.memory_space<hbm>>
        %dma_start3A_297 = arith.constant 0 : i32
        %dma_start3A_298 = tpu.memref_slice %arg7[%dma_start3A_291, %dma_start3A_297] : memref<3x128xi32, #tpu.memory_space<vmem>> -> memref<1x128xi32, #tpu.memory_space<vmem>>
        %dma_start3A_299 = tpu.memref_squeeze %dma_start3A_298 : memref<1x128xi32, #tpu.memory_space<vmem>> -> memref<128xi32, #tpu.memory_space<vmem>>
        %dma_start3A_300 = tpu.memref_slice %arg3[%dma_start3A_290, %mul3A_277] : memref<2x320000xi32, #tpu.memory_space<hbm>> -> memref<1x128xi32, #tpu.memory_space<hbm>>
        %dma_start3A_301 = tpu.memref_squeeze %dma_start3A_300 : memref<1x128xi32, #tpu.memory_space<hbm>> -> memref<128xi32, #tpu.memory_space<hbm>>
        tpu.enqueue_dma source(%dma_start3A_301 : memref<128xi32, #tpu.memory_space<hbm>>) target(%dma_start3A_299 : memref<128xi32, #tpu.memory_space<vmem>>) target_semaphore(%arg11 : memref<!tpu.dma_semaphore, #tpu.memory_space<semaphore_mem>>)
      } else {
      }
      %add3A_242 = arith.constant 1 : i32
      %add3A_243 = arith.addi %add3A_222, %add3A_242 : i32
      %lt3A_244 = arith.constant 78 : i32
      %lt3A_245 = arith.cmpi slt, %add3A_243, %lt3A_244 : i32
      %convert_element_type3A_246 = arith.extui %lt3A_245 : i1 to i32
      %cond3A_247 = arith.constant 0 : i32
      %cond3A_248 = arith.cmpi ne, %convert_element_type3A_246, %cond3A_247 : i32
      scf.if %cond3A_248 {
        %add3A_273 = arith.addi %mul3A_4, %add3A_222 : i32
        %add3A_274 = arith.constant 1 : i32
        %add3A_275 = arith.addi %add3A_273, %add3A_274 : i32
        %mul3A_276 = arith.constant 128 : i32
        %mul3A_277 = arith.muli %add3A_275, %mul3A_276 : i32
        %dma_wait3A_278 = arith.constant 0 : i32
        %dma_wait3A_279 = arith.constant 0 : i32
        %dma_wait3A_280 = arith.constant 0 : i32
        %dma_wait3A_281 = tpu.memref_slice %arg6[%dma_wait3A_279, %dma_wait3A_280] : memref<3x128xi32, #tpu.memory_space<vmem>> -> memref<1x128xi32, #tpu.memory_space<vmem>>
        %dma_wait3A_282 = tpu.memref_squeeze %dma_wait3A_281 : memref<1x128xi32, #tpu.memory_space<vmem>> -> memref<128xi32, #tpu.memory_space<vmem>>
        %dma_wait3A_283 = tpu.memref_slice %arg3[%dma_wait3A_278, %mul3A_277] : memref<2x320000xi32, #tpu.memory_space<hbm>> -> memref<1x128xi32, #tpu.memory_space<hbm>>
        %dma_wait3A_284 = tpu.memref_squeeze %dma_wait3A_283 : memref<1x128xi32, #tpu.memory_space<hbm>> -> memref<128xi32, #tpu.memory_space<hbm>>
        %dma_wait3A_285 = arith.constant 0 : i32
        %dma_wait3A_286 = tpu.memref_slice %arg6[%dma_wait3A_279, %dma_wait3A_285] : memref<3x128xi32, #tpu.memory_space<vmem>> -> memref<1x128xi32, #tpu.memory_space<vmem>>
        %dma_wait3A_287 = tpu.memref_squeeze %dma_wait3A_286 : memref<1x128xi32, #tpu.memory_space<vmem>> -> memref<128xi32, #tpu.memory_space<vmem>>
        %dma_wait3A_288 = tpu.memref_slice %arg3[%dma_wait3A_278, %mul3A_277] : memref<2x320000xi32, #tpu.memory_space<hbm>> -> memref<1x128xi32, #tpu.memory_space<hbm>>
        %dma_wait3A_289 = tpu.memref_squeeze %dma_wait3A_288 : memref<1x128xi32, #tpu.memory_space<hbm>> -> memref<128xi32, #tpu.memory_space<hbm>>
        tpu.wait_dma2 semaphore(%arg10 : memref<!tpu.dma_semaphore, #tpu.memory_space<semaphore_mem>>) src(%dma_wait3A_289 : memref<128xi32, #tpu.memory_space<hbm>>) dst(%dma_wait3A_287 : memref<128xi32, #tpu.memory_space<vmem>>)
        %dma_wait3A_290 = arith.constant 1 : i32
        %dma_wait3A_291 = arith.constant 0 : i32
        %dma_wait3A_292 = arith.constant 0 : i32
        %dma_wait3A_293 = tpu.memref_slice %arg7[%dma_wait3A_291, %dma_wait3A_292] : memref<3x128xi32, #tpu.memory_space<vmem>> -> memref<1x128xi32, #tpu.memory_space<vmem>>
        %dma_wait3A_294 = tpu.memref_squeeze %dma_wait3A_293 : memref<1x128xi32, #tpu.memory_space<vmem>> -> memref<128xi32, #tpu.memory_space<vmem>>
        %dma_wait3A_295 = tpu.memref_slice %arg3[%dma_wait3A_290, %mul3A_277] : memref<2x320000xi32, #tpu.memory_space<hbm>> -> memref<1x128xi32, #tpu.memory_space<hbm>>
        %dma_wait3A_296 = tpu.memref_squeeze %dma_wait3A_295 : memref<1x128xi32, #tpu.memory_space<hbm>> -> memref<128xi32, #tpu.memory_space<hbm>>
        %dma_wait3A_297 = arith.constant 0 : i32
        %dma_wait3A_298 = tpu.memref_slice %arg7[%dma_wait3A_291, %dma_wait3A_297] : memref<3x128xi32, #tpu.memory_space<vmem>> -> memref<1x128xi32, #tpu.memory_space<vmem>>
        %dma_wait3A_299 = tpu.memref_squeeze %dma_wait3A_298 : memref<1x128xi32, #tpu.memory_space<vmem>> -> memref<128xi32, #tpu.memory_space<vmem>>
        %dma_wait3A_300 = tpu.memref_slice %arg3[%dma_wait3A_290, %mul3A_277] : memref<2x320000xi32, #tpu.memory_space<hbm>> -> memref<1x128xi32, #tpu.memory_space<hbm>>
        %dma_wait3A_301 = tpu.memref_squeeze %dma_wait3A_300 : memref<1x128xi32, #tpu.memory_space<hbm>> -> memref<128xi32, #tpu.memory_space<hbm>>
        tpu.wait_dma2 semaphore(%arg10 : memref<!tpu.dma_semaphore, #tpu.memory_space<semaphore_mem>>) src(%dma_wait3A_301 : memref<128xi32, #tpu.memory_space<hbm>>) dst(%dma_wait3A_299 : memref<128xi32, #tpu.memory_space<vmem>>)
        %dma_start3A_302 = arith.constant 0 : i32
        %dma_start3A_303 = arith.constant 0 : i32
        %dma_start3A_304 = arith.constant 0 : i32
        %dma_start3A_305 = arith.constant 0 : i32
        %dma_start3A_306 = tpu.memref_slice %arg8[%dma_start3A_303, %dma_start3A_304, %dma_start3A_305] : memref<3x128x128xf32, #tpu.memory_space<vmem>> -> memref<1x128x128xf32, #tpu.memory_space<vmem>>
        %dma_start3A_307 = tpu.memref_squeeze %dma_start3A_306 : memref<1x128x128xf32, #tpu.memory_space<vmem>> -> memref<128x128xf32, #tpu.memory_space<vmem>>
        %dma_start3A_308 = arith.constant 0 : i32
        %dma_start3A_309 = tpu.memref_slice %arg6[%dma_start3A_302, %dma_start3A_308] : memref<3x128xi32, #tpu.memory_space<vmem>> -> memref<1x128xi32, #tpu.memory_space<vmem>>
        %dma_start3A_310 = tpu.memref_squeeze %dma_start3A_309 : memref<1x128xi32, #tpu.memory_space<vmem>> -> memref<128xi32, #tpu.memory_space<vmem>>
        %dma_start3A_311 = arith.constant 0 : i32
        %dma_start3A_312 = arith.constant 0 : i32
        %dma_start3A_313 = tpu.memref_slice %arg2[%dma_start3A_311, %dma_start3A_312] : memref<10000x128xf32, #tpu.memory_space<hbm>> -> memref<10000x128xf32, #tpu.memory_space<hbm>>
        tpu.enqueue_indirect_dma source(%dma_start3A_313 : memref<10000x128xf32, #tpu.memory_space<hbm>>) target(%dma_start3A_307 : memref<128x128xf32, #tpu.memory_space<vmem>>) offsets(%dma_start3A_310 : memref<128xi32, #tpu.memory_space<vmem>>) semaphore(%arg10 : memref<!tpu.dma_semaphore, #tpu.memory_space<semaphore_mem>>)
      } else {
      }
      %dma_wait3A_249 = arith.constant 2 : i32
      %dma_wait3A_250 = arith.constant 2 : i32
      %dma_wait3A_251 = arith.constant 0 : i32
      %dma_wait3A_252 = arith.constant 0 : i32
      %dma_wait3A_253 = tpu.memref_slice %arg8[%dma_wait3A_250, %dma_wait3A_251, %dma_wait3A_252] : memref<3x128x128xf32, #tpu.memory_space<vmem>> -> memref<1x128x128xf32, #tpu.memory_space<vmem>>
      %dma_wait3A_254 = tpu.memref_squeeze %dma_wait3A_253 : memref<1x128x128xf32, #tpu.memory_space<vmem>> -> memref<128x128xf32, #tpu.memory_space<vmem>>
      %dma_wait3A_255 = arith.constant 0 : i32
      %dma_wait3A_256 = tpu.memref_slice %arg6[%dma_wait3A_249, %dma_wait3A_255] : memref<3x128xi32, #tpu.memory_space<vmem>> -> memref<1x128xi32, #tpu.memory_space<vmem>>
      %dma_wait3A_257 = tpu.memref_squeeze %dma_wait3A_256 : memref<1x128xi32, #tpu.memory_space<vmem>> -> memref<128xi32, #tpu.memory_space<vmem>>
      %dma_wait3A_258 = arith.constant 0 : i32
      %dma_wait3A_259 = arith.constant 0 : i32
      %dma_wait3A_260 = tpu.memref_slice %arg2[%dma_wait3A_258, %dma_wait3A_259] : memref<10000x128xf32, #tpu.memory_space<hbm>> -> memref<10000x128xf32, #tpu.memory_space<hbm>>
      tpu.wait_indirect_dma semaphore(%arg12 : memref<!tpu.dma_semaphore, #tpu.memory_space<semaphore_mem>>) src(%dma_wait3A_260 : memref<10000x128xf32, #tpu.memory_space<hbm>>) dst(%dma_wait3A_254 : memref<128x128xf32, #tpu.memory_space<vmem>>)
      %dma_start3A_261 = arith.constant 2 : i32
      %dma_start3A_262 = arith.constant 2 : i32
      %dma_start3A_263 = arith.constant 0 : i32
      %dma_start3A_264 = arith.constant 0 : i32
      %dma_start3A_265 = tpu.memref_slice %arg8[%dma_start3A_261, %dma_start3A_263, %dma_start3A_264] : memref<3x128x128xf32, #tpu.memory_space<vmem>> -> memref<1x128x128xf32, #tpu.memory_space<vmem>>
      %dma_start3A_266 = tpu.memref_squeeze %dma_start3A_265 : memref<1x128x128xf32, #tpu.memory_space<vmem>> -> memref<128x128xf32, #tpu.memory_space<vmem>>
      %dma_start3A_267 = arith.constant 0 : i32
      %dma_start3A_268 = tpu.memref_slice %arg7[%dma_start3A_262, %dma_start3A_267] : memref<3x128xi32, #tpu.memory_space<vmem>> -> memref<1x128xi32, #tpu.memory_space<vmem>>
      %dma_start3A_269 = tpu.memref_squeeze %dma_start3A_268 : memref<1x128xi32, #tpu.memory_space<vmem>> -> memref<128xi32, #tpu.memory_space<vmem>>
      %dma_start3A_270 = arith.constant 0 : i32
      %dma_start3A_271 = arith.constant 0 : i32
      %dma_start3A_272 = tpu.memref_slice %arg9[%dma_start3A_270, %dma_start3A_271] : memref<10112x128xf32, #tpu.memory_space<vmem_shared>> -> memref<10112x128xf32, #tpu.memory_space<vmem_shared>>
      tpu.enqueue_indirect_dma source(%dma_start3A_266 : memref<128x128xf32, #tpu.memory_space<vmem>>) target(%dma_start3A_272 : memref<10112x128xf32, #tpu.memory_space<vmem_shared>>) offsets(%dma_start3A_269 : memref<128xi32, #tpu.memory_space<vmem>>) semaphore(%arg12 : memref<!tpu.dma_semaphore, #tpu.memory_space<semaphore_mem>>) {add = true}
    }
    %scan3A_99 = arith.constant 26 : i32
    %dma_wait3A_100 = arith.constant 2 : i32
    %dma_wait3A_101 = arith.constant 2 : i32
    %dma_wait3A_102 = arith.constant 0 : i32
    %dma_wait3A_103 = arith.constant 0 : i32
    %dma_wait3A_104 = tpu.memref_slice %arg8[%dma_wait3A_100, %dma_wait3A_102, %dma_wait3A_103] : memref<3x128x128xf32, #tpu.memory_space<vmem>> -> memref<1x128x128xf32, #tpu.memory_space<vmem>>
    %dma_wait3A_105 = tpu.memref_squeeze %dma_wait3A_104 : memref<1x128x128xf32, #tpu.memory_space<vmem>> -> memref<128x128xf32, #tpu.memory_space<vmem>>
    %dma_wait3A_106 = arith.constant 0 : i32
    %dma_wait3A_107 = tpu.memref_slice %arg7[%dma_wait3A_101, %dma_wait3A_106] : memref<3x128xi32, #tpu.memory_space<vmem>> -> memref<1x128xi32, #tpu.memory_space<vmem>>
    %dma_wait3A_108 = tpu.memref_squeeze %dma_wait3A_107 : memref<1x128xi32, #tpu.memory_space<vmem>> -> memref<128xi32, #tpu.memory_space<vmem>>
    %dma_wait3A_109 = arith.constant 0 : i32
    %dma_wait3A_110 = arith.constant 0 : i32
    %dma_wait3A_111 = tpu.memref_slice %arg9[%dma_wait3A_109, %dma_wait3A_110] : memref<10112x128xf32, #tpu.memory_space<vmem_shared>> -> memref<10112x128xf32, #tpu.memory_space<vmem_shared>>
    tpu.wait_indirect_dma semaphore(%arg12 : memref<!tpu.dma_semaphore, #tpu.memory_space<semaphore_mem>>) src(%dma_wait3A_105 : memref<128x128xf32, #tpu.memory_space<vmem>>) dst(%dma_wait3A_111 : memref<10112x128xf32, #tpu.memory_space<vmem_shared>>)
    %mul3A_112 = arith.constant 16 : i32
    %mul3A_113 = arith.muli %arg0, %mul3A_112 : i32
    %add3A_114 = arith.addi %mul3A_113, %arg1 : i32
    %lt3A = arith.constant 4 : i32
    %lt3A_115 = arith.cmpi slt, %add3A_114, %lt3A : i32
    %convert_element_type3A = arith.extui %lt3A_115 : i1 to i32
    %cond3A = arith.constant 0 : i32
    %cond3A_116 = arith.cmpi ne, %convert_element_type3A, %cond3A : i32
    scf.if %cond3A_116 {
      %mul3A_118 = arith.constant 16 : i32
      %mul3A_119 = arith.muli %arg0, %mul3A_118 : i32
      %add3A_120 = arith.constant 2496 : i32
      %add3A_121 = arith.addi %add3A_120, %mul3A_119 : i32
      %add3A_122 = arith.addi %add3A_121, %arg1 : i32
      %mul3A_123 = arith.constant 128 : i32
      %mul3A_124 = arith.muli %add3A_122, %mul3A_123 : i32
      %dma_start3A_125 = arith.constant 0 : i32
      %dma_start3A_126 = arith.constant 0 : i32
      %dma_start3A_127 = arith.constant 0 : i32
      %dma_start3A_128 = tpu.memref_slice %arg6[%dma_start3A_126, %dma_start3A_127] : memref<3x128xi32, #tpu.memory_space<vmem>> -> memref<1x128xi32, #tpu.memory_space<vmem>>
      %dma_start3A_129 = tpu.memref_squeeze %dma_start3A_128 : memref<1x128xi32, #tpu.memory_space<vmem>> -> memref<128xi32, #tpu.memory_space<vmem>>
      %dma_start3A_130 = tpu.memref_slice %arg3[%dma_start3A_125, %mul3A_124] : memref<2x320000xi32, #tpu.memory_space<hbm>> -> memref<1x128xi32, #tpu.memory_space<hbm>>
      %dma_start3A_131 = tpu.memref_squeeze %dma_start3A_130 : memref<1x128xi32, #tpu.memory_space<hbm>> -> memref<128xi32, #tpu.memory_space<hbm>>
      %dma_start3A_132 = arith.constant 0 : i32
      %dma_start3A_133 = tpu.memref_slice %arg6[%dma_start3A_126, %dma_start3A_132] : memref<3x128xi32, #tpu.memory_space<vmem>> -> memref<1x128xi32, #tpu.memory_space<vmem>>
      %dma_start3A_134 = tpu.memref_squeeze %dma_start3A_133 : memref<1x128xi32, #tpu.memory_space<vmem>> -> memref<128xi32, #tpu.memory_space<vmem>>
      %dma_start3A_135 = tpu.memref_slice %arg3[%dma_start3A_125, %mul3A_124] : memref<2x320000xi32, #tpu.memory_space<hbm>> -> memref<1x128xi32, #tpu.memory_space<hbm>>
      %dma_start3A_136 = tpu.memref_squeeze %dma_start3A_135 : memref<1x128xi32, #tpu.memory_space<hbm>> -> memref<128xi32, #tpu.memory_space<hbm>>
      tpu.enqueue_dma source(%dma_start3A_136 : memref<128xi32, #tpu.memory_space<hbm>>) target(%dma_start3A_134 : memref<128xi32, #tpu.memory_space<vmem>>) target_semaphore(%arg10 : memref<!tpu.dma_semaphore, #tpu.memory_space<semaphore_mem>>)
      %dma_start3A_137 = arith.constant 1 : i32
      %dma_start3A_138 = arith.constant 0 : i32
      %dma_start3A_139 = arith.constant 0 : i32
      %dma_start3A_140 = tpu.memref_slice %arg7[%dma_start3A_138, %dma_start3A_139] : memref<3x128xi32, #tpu.memory_space<vmem>> -> memref<1x128xi32, #tpu.memory_space<vmem>>
      %dma_start3A_141 = tpu.memref_squeeze %dma_start3A_140 : memref<1x128xi32, #tpu.memory_space<vmem>> -> memref<128xi32, #tpu.memory_space<vmem>>
      %dma_start3A_142 = tpu.memref_slice %arg3[%dma_start3A_137, %mul3A_124] : memref<2x320000xi32, #tpu.memory_space<hbm>> -> memref<1x128xi32, #tpu.memory_space<hbm>>
      %dma_start3A_143 = tpu.memref_squeeze %dma_start3A_142 : memref<1x128xi32, #tpu.memory_space<hbm>> -> memref<128xi32, #tpu.memory_space<hbm>>
      %dma_start3A_144 = arith.constant 0 : i32
      %dma_start3A_145 = tpu.memref_slice %arg7[%dma_start3A_138, %dma_start3A_144] : memref<3x128xi32, #tpu.memory_space<vmem>> -> memref<1x128xi32, #tpu.memory_space<vmem>>
      %dma_start3A_146 = tpu.memref_squeeze %dma_start3A_145 : memref<1x128xi32, #tpu.memory_space<vmem>> -> memref<128xi32, #tpu.memory_space<vmem>>
      %dma_start3A_147 = tpu.memref_slice %arg3[%dma_start3A_137, %mul3A_124] : memref<2x320000xi32, #tpu.memory_space<hbm>> -> memref<1x128xi32, #tpu.memory_space<hbm>>
      %dma_start3A_148 = tpu.memref_squeeze %dma_start3A_147 : memref<1x128xi32, #tpu.memory_space<hbm>> -> memref<128xi32, #tpu.memory_space<hbm>>
      tpu.enqueue_dma source(%dma_start3A_148 : memref<128xi32, #tpu.memory_space<hbm>>) target(%dma_start3A_146 : memref<128xi32, #tpu.memory_space<vmem>>) target_semaphore(%arg10 : memref<!tpu.dma_semaphore, #tpu.memory_space<semaphore_mem>>)
      %mul3A_149 = arith.constant 128 : i32
      %mul3A_150 = arith.muli %add3A_122, %mul3A_149 : i32
      %dma_wait3A_151 = arith.constant 0 : i32
      %dma_wait3A_152 = arith.constant 0 : i32
      %dma_wait3A_153 = arith.constant 0 : i32
      %dma_wait3A_154 = tpu.memref_slice %arg6[%dma_wait3A_152, %dma_wait3A_153] : memref<3x128xi32, #tpu.memory_space<vmem>> -> memref<1x128xi32, #tpu.memory_space<vmem>>
      %dma_wait3A_155 = tpu.memref_squeeze %dma_wait3A_154 : memref<1x128xi32, #tpu.memory_space<vmem>> -> memref<128xi32, #tpu.memory_space<vmem>>
      %dma_wait3A_156 = tpu.memref_slice %arg3[%dma_wait3A_151, %mul3A_150] : memref<2x320000xi32, #tpu.memory_space<hbm>> -> memref<1x128xi32, #tpu.memory_space<hbm>>
      %dma_wait3A_157 = tpu.memref_squeeze %dma_wait3A_156 : memref<1x128xi32, #tpu.memory_space<hbm>> -> memref<128xi32, #tpu.memory_space<hbm>>
      %dma_wait3A_158 = arith.constant 0 : i32
      %dma_wait3A_159 = tpu.memref_slice %arg6[%dma_wait3A_152, %dma_wait3A_158] : memref<3x128xi32, #tpu.memory_space<vmem>> -> memref<1x128xi32, #tpu.memory_space<vmem>>
      %dma_wait3A_160 = tpu.memref_squeeze %dma_wait3A_159 : memref<1x128xi32, #tpu.memory_space<vmem>> -> memref<128xi32, #tpu.memory_space<vmem>>
      %dma_wait3A_161 = tpu.memref_slice %arg3[%dma_wait3A_151, %mul3A_150] : memref<2x320000xi32, #tpu.memory_space<hbm>> -> memref<1x128xi32, #tpu.memory_space<hbm>>
      %dma_wait3A_162 = tpu.memref_squeeze %dma_wait3A_161 : memref<1x128xi32, #tpu.memory_space<hbm>> -> memref<128xi32, #tpu.memory_space<hbm>>
      tpu.wait_dma2 semaphore(%arg10 : memref<!tpu.dma_semaphore, #tpu.memory_space<semaphore_mem>>) src(%dma_wait3A_162 : memref<128xi32, #tpu.memory_space<hbm>>) dst(%dma_wait3A_160 : memref<128xi32, #tpu.memory_space<vmem>>)
      %dma_wait3A_163 = arith.constant 1 : i32
      %dma_wait3A_164 = arith.constant 0 : i32
      %dma_wait3A_165 = arith.constant 0 : i32
      %dma_wait3A_166 = tpu.memref_slice %arg7[%dma_wait3A_164, %dma_wait3A_165] : memref<3x128xi32, #tpu.memory_space<vmem>> -> memref<1x128xi32, #tpu.memory_space<vmem>>
      %dma_wait3A_167 = tpu.memref_squeeze %dma_wait3A_166 : memref<1x128xi32, #tpu.memory_space<vmem>> -> memref<128xi32, #tpu.memory_space<vmem>>
      %dma_wait3A_168 = tpu.memref_slice %arg3[%dma_wait3A_163, %mul3A_150] : memref<2x320000xi32, #tpu.memory_space<hbm>> -> memref<1x128xi32, #tpu.memory_space<hbm>>
      %dma_wait3A_169 = tpu.memref_squeeze %dma_wait3A_168 : memref<1x128xi32, #tpu.memory_space<hbm>> -> memref<128xi32, #tpu.memory_space<hbm>>
      %dma_wait3A_170 = arith.constant 0 : i32
      %dma_wait3A_171 = tpu.memref_slice %arg7[%dma_wait3A_164, %dma_wait3A_170] : memref<3x128xi32, #tpu.memory_space<vmem>> -> memref<1x128xi32, #tpu.memory_space<vmem>>
      %dma_wait3A_172 = tpu.memref_squeeze %dma_wait3A_171 : memref<1x128xi32, #tpu.memory_space<vmem>> -> memref<128xi32, #tpu.memory_space<vmem>>
      %dma_wait3A_173 = tpu.memref_slice %arg3[%dma_wait3A_163, %mul3A_150] : memref<2x320000xi32, #tpu.memory_space<hbm>> -> memref<1x128xi32, #tpu.memory_space<hbm>>
      %dma_wait3A_174 = tpu.memref_squeeze %dma_wait3A_173 : memref<1x128xi32, #tpu.memory_space<hbm>> -> memref<128xi32, #tpu.memory_space<hbm>>
      tpu.wait_dma2 semaphore(%arg10 : memref<!tpu.dma_semaphore, #tpu.memory_space<semaphore_mem>>) src(%dma_wait3A_174 : memref<128xi32, #tpu.memory_space<hbm>>) dst(%dma_wait3A_172 : memref<128xi32, #tpu.memory_space<vmem>>)
      %dma_start3A_175 = arith.constant 0 : i32
      %dma_start3A_176 = arith.constant 0 : i32
      %dma_start3A_177 = arith.constant 0 : i32
      %dma_start3A_178 = arith.constant 0 : i32
      %dma_start3A_179 = tpu.memref_slice %arg8[%dma_start3A_176, %dma_start3A_177, %dma_start3A_178] : memref<3x128x128xf32, #tpu.memory_space<vmem>> -> memref<1x128x128xf32, #tpu.memory_space<vmem>>
      %dma_start3A_180 = tpu.memref_squeeze %dma_start3A_179 : memref<1x128x128xf32, #tpu.memory_space<vmem>> -> memref<128x128xf32, #tpu.memory_space<vmem>>
      %dma_start3A_181 = arith.constant 0 : i32
      %dma_start3A_182 = tpu.memref_slice %arg6[%dma_start3A_175, %dma_start3A_181] : memref<3x128xi32, #tpu.memory_space<vmem>> -> memref<1x128xi32, #tpu.memory_space<vmem>>
      %dma_start3A_183 = tpu.memref_squeeze %dma_start3A_182 : memref<1x128xi32, #tpu.memory_space<vmem>> -> memref<128xi32, #tpu.memory_space<vmem>>
      %dma_start3A_184 = arith.constant 0 : i32
      %dma_start3A_185 = arith.constant 0 : i32
      %dma_start3A_186 = tpu.memref_slice %arg2[%dma_start3A_184, %dma_start3A_185] : memref<10000x128xf32, #tpu.memory_space<hbm>> -> memref<10000x128xf32, #tpu.memory_space<hbm>>
      tpu.enqueue_indirect_dma source(%dma_start3A_186 : memref<10000x128xf32, #tpu.memory_space<hbm>>) target(%dma_start3A_180 : memref<128x128xf32, #tpu.memory_space<vmem>>) offsets(%dma_start3A_183 : memref<128xi32, #tpu.memory_space<vmem>>) semaphore(%arg10 : memref<!tpu.dma_semaphore, #tpu.memory_space<semaphore_mem>>)
      %dma_wait3A_187 = arith.constant 0 : i32
      %dma_wait3A_188 = arith.constant 0 : i32
      %dma_wait3A_189 = arith.constant 0 : i32
      %dma_wait3A_190 = arith.constant 0 : i32
      %dma_wait3A_191 = tpu.memref_slice %arg8[%dma_wait3A_188, %dma_wait3A_189, %dma_wait3A_190] : memref<3x128x128xf32, #tpu.memory_space<vmem>> -> memref<1x128x128xf32, #tpu.memory_space<vmem>>
      %dma_wait3A_192 = tpu.memref_squeeze %dma_wait3A_191 : memref<1x128x128xf32, #tpu.memory_space<vmem>> -> memref<128x128xf32, #tpu.memory_space<vmem>>
      %dma_wait3A_193 = arith.constant 0 : i32
      %dma_wait3A_194 = tpu.memref_slice %arg6[%dma_wait3A_187, %dma_wait3A_193] : memref<3x128xi32, #tpu.memory_space<vmem>> -> memref<1x128xi32, #tpu.memory_space<vmem>>
      %dma_wait3A_195 = tpu.memref_squeeze %dma_wait3A_194 : memref<1x128xi32, #tpu.memory_space<vmem>> -> memref<128xi32, #tpu.memory_space<vmem>>
      %dma_wait3A_196 = arith.constant 0 : i32
      %dma_wait3A_197 = arith.constant 0 : i32
      %dma_wait3A_198 = tpu.memref_slice %arg2[%dma_wait3A_196, %dma_wait3A_197] : memref<10000x128xf32, #tpu.memory_space<hbm>> -> memref<10000x128xf32, #tpu.memory_space<hbm>>
      tpu.wait_indirect_dma semaphore(%arg10 : memref<!tpu.dma_semaphore, #tpu.memory_space<semaphore_mem>>) src(%dma_wait3A_198 : memref<10000x128xf32, #tpu.memory_space<hbm>>) dst(%dma_wait3A_192 : memref<128x128xf32, #tpu.memory_space<vmem>>)
      %dma_start3A_199 = arith.constant 0 : i32
      %dma_start3A_200 = arith.constant 0 : i32
      %dma_start3A_201 = arith.constant 0 : i32
      %dma_start3A_202 = arith.constant 0 : i32
      %dma_start3A_203 = tpu.memref_slice %arg8[%dma_start3A_199, %dma_start3A_201, %dma_start3A_202] : memref<3x128x128xf32, #tpu.memory_space<vmem>> -> memref<1x128x128xf32, #tpu.memory_space<vmem>>
      %dma_start3A_204 = tpu.memref_squeeze %dma_start3A_203 : memref<1x128x128xf32, #tpu.memory_space<vmem>> -> memref<128x128xf32, #tpu.memory_space<vmem>>
      %dma_start3A_205 = arith.constant 0 : i32
      %dma_start3A_206 = tpu.memref_slice %arg7[%dma_start3A_200, %dma_start3A_205] : memref<3x128xi32, #tpu.memory_space<vmem>> -> memref<1x128xi32, #tpu.memory_space<vmem>>
      %dma_start3A_207 = tpu.memref_squeeze %dma_start3A_206 : memref<1x128xi32, #tpu.memory_space<vmem>> -> memref<128xi32, #tpu.memory_space<vmem>>
      %dma_start3A_208 = arith.constant 0 : i32
      %dma_start3A_209 = arith.constant 0 : i32
      %dma_start3A_210 = tpu.memref_slice %arg9[%dma_start3A_208, %dma_start3A_209] : memref<10112x128xf32, #tpu.memory_space<vmem_shared>> -> memref<10112x128xf32, #tpu.memory_space<vmem_shared>>
      tpu.enqueue_indirect_dma source(%dma_start3A_204 : memref<128x128xf32, #tpu.memory_space<vmem>>) target(%dma_start3A_210 : memref<10112x128xf32, #tpu.memory_space<vmem_shared>>) offsets(%dma_start3A_207 : memref<128xi32, #tpu.memory_space<vmem>>) semaphore(%arg10 : memref<!tpu.dma_semaphore, #tpu.memory_space<semaphore_mem>>) {add = true}
      %dma_wait3A_211 = arith.constant 0 : i32
      %dma_wait3A_212 = arith.constant 0 : i32
      %dma_wait3A_213 = arith.constant 0 : i32
      %dma_wait3A_214 = arith.constant 0 : i32
      %dma_wait3A_215 = tpu.memref_slice %arg8[%dma_wait3A_211, %dma_wait3A_213, %dma_wait3A_214] : memref<3x128x128xf32, #tpu.memory_space<vmem>> -> memref<1x128x128xf32, #tpu.memory_space<vmem>>
      %dma_wait3A_216 = tpu.memref_squeeze %dma_wait3A_215 : memref<1x128x128xf32, #tpu.memory_space<vmem>> -> memref<128x128xf32, #tpu.memory_space<vmem>>
      %dma_wait3A_217 = arith.constant 0 : i32
      %dma_wait3A_218 = tpu.memref_slice %arg7[%dma_wait3A_212, %dma_wait3A_217] : memref<3x128xi32, #tpu.memory_space<vmem>> -> memref<1x128xi32, #tpu.memory_space<vmem>>
      %dma_wait3A_219 = tpu.memref_squeeze %dma_wait3A_218 : memref<1x128xi32, #tpu.memory_space<vmem>> -> memref<128xi32, #tpu.memory_space<vmem>>
      %dma_wait3A_220 = arith.constant 0 : i32
      %dma_wait3A_221 = arith.constant 0 : i32
      %dma_wait3A_222 = tpu.memref_slice %arg9[%dma_wait3A_220, %dma_wait3A_221] : memref<10112x128xf32, #tpu.memory_space<vmem_shared>> -> memref<10112x128xf32, #tpu.memory_space<vmem_shared>>
      tpu.wait_indirect_dma semaphore(%arg10 : memref<!tpu.dma_semaphore, #tpu.memory_space<semaphore_mem>>) src(%dma_wait3A_216 : memref<128x128xf32, #tpu.memory_space<vmem>>) dst(%dma_wait3A_222 : memref<10112x128xf32, #tpu.memory_space<vmem_shared>>)
    } else {
    }
    %barrier3A_117 = arith.constant 0 : index
    tpu.barrier barrier_id(%barrier3A_117)
    "tpu.region"() ({
      %run_scoped3A = tpu.sem_alloc : memref<!tpu.dma_semaphore, #tpu.memory_space<semaphore_mem>>
      %dma_start3A_118 = arith.constant 0 : i32
      %dma_start3A_119 = tpu.memref_slice %arg5[%arg0, %mul3A_0, %dma_start3A_118] : memref<2x10112x128xf32, #tpu.memory_space<hbm>> -> memref<1x632x128xf32, #tpu.memory_space<hbm>>
      %dma_start3A_120 = tpu.memref_squeeze %dma_start3A_119 : memref<1x632x128xf32, #tpu.memory_space<hbm>> -> memref<632x128xf32, #tpu.memory_space<hbm>>
      %dma_start3A_121 = arith.constant 0 : i32
      %dma_start3A_122 = tpu.memref_slice %arg9[%mul3A_0, %dma_start3A_121] : memref<10112x128xf32, #tpu.memory_space<vmem_shared>> -> memref<632x128xf32, #tpu.memory_space<vmem_shared>>
      tpu.enqueue_dma source(%dma_start3A_122 : memref<632x128xf32, #tpu.memory_space<vmem_shared>>) target(%dma_start3A_120 : memref<632x128xf32, #tpu.memory_space<hbm>>) target_semaphore(%run_scoped3A : memref<!tpu.dma_semaphore, #tpu.memory_space<semaphore_mem>>)
      %dma_wait3A_123 = arith.constant 0 : i32
      %dma_wait3A_124 = tpu.memref_slice %arg5[%arg0, %mul3A_0, %dma_wait3A_123] : memref<2x10112x128xf32, #tpu.memory_space<hbm>> -> memref<1x632x128xf32, #tpu.memory_space<hbm>>
      %dma_wait3A_125 = tpu.memref_squeeze %dma_wait3A_124 : memref<1x632x128xf32, #tpu.memory_space<hbm>> -> memref<632x128xf32, #tpu.memory_space<hbm>>
      %dma_wait3A_126 = arith.constant 0 : i32
      %dma_wait3A_127 = tpu.memref_slice %arg9[%mul3A_0, %dma_wait3A_126] : memref<10112x128xf32, #tpu.memory_space<vmem_shared>> -> memref<632x128xf32, #tpu.memory_space<vmem_shared>>
      tpu.wait_dma2 semaphore(%run_scoped3A : memref<!tpu.dma_semaphore, #tpu.memory_space<semaphore_mem>>) src(%dma_wait3A_127 : memref<632x128xf32, #tpu.memory_space<vmem_shared>>) dst(%dma_wait3A_125 : memref<632x128xf32, #tpu.memory_space<hbm>>)
      tpu.yield
    }) : () -> ()
    return
  }
}

module attributes {stable_mosaic.version = 14 : i64} {
  func.func @_mlp_body(%arg0: i32, %arg1: memref<2x2000x128xf32, #tpu.memory_space<vmem>>, %arg2: memref<2000x128xf32, #tpu.memory_space<vmem>>, %arg3: memref<128x128xf32, #tpu.memory_space<vmem>>, %arg4: memref<1x128xf32, #tpu.memory_space<vmem>>, %arg5: memref<128x128xf32, #tpu.memory_space<vmem>>, %arg6: memref<1x128xf32, #tpu.memory_space<vmem>>, %arg7: memref<2000x128xf32, #tpu.memory_space<vmem>>) attributes {dimension_semantics = [#tpu.dimension_semantics<arbitrary>], iteration_bounds = array<i64: 5>, scalar_prefetch = 0 : i64, scratch_operands = 0 : i64, tpu.core_type = #tpu.core_type<tc>, window_params = [{transform_indices = @transform_0, window_bounds = array<i64: 2, 2000, 128>}, {transform_indices = @transform_1, window_bounds = array<i64: 2000, 128>}, {pipeline_mode = #tpu.pipeline_mode<synchronous>, transform_indices = @transform_2, window_bounds = array<i64: 128, 128>}, {pipeline_mode = #tpu.pipeline_mode<synchronous>, transform_indices = @transform_3, window_bounds = array<i64: 1, 128>}, {pipeline_mode = #tpu.pipeline_mode<synchronous>, transform_indices = @transform_4, window_bounds = array<i64: 128, 128>}, {pipeline_mode = #tpu.pipeline_mode<synchronous>, transform_indices = @transform_5, window_bounds = array<i64: 1, 128>}, {transform_indices = @transform_6, window_bounds = array<i64: 2000, 128>}]} {
    %get3A = arith.constant 0 : index
    %get3A_0 = arith.constant 0 : index
    %get3A_1 = arith.constant 0 : index
    %get3A_2 = vector.load %arg1[%get3A, %get3A_0, %get3A_1] : memref<2x2000x128xf32, #tpu.memory_space<vmem>>, vector<1x2000x128xf32>
    %get3A_3 = vector.shape_cast %get3A_2 : vector<1x2000x128xf32> to vector<2000x128xf32>
    %get3A_4 = arith.constant 1 : index
    %get3A_5 = arith.constant 0 : index
    %get3A_6 = arith.constant 0 : index
    %get3A_7 = vector.load %arg1[%get3A_4, %get3A_5, %get3A_6] : memref<2x2000x128xf32, #tpu.memory_space<vmem>>, vector<1x2000x128xf32>
    %get3A_8 = vector.shape_cast %get3A_7 : vector<1x2000x128xf32> to vector<2000x128xf32>
    %add3A = arith.addf %get3A_3, %get3A_8 : vector<2000x128xf32>
    %get3A_9 = arith.constant 0 : index
    %get3A_10 = arith.constant 0 : index
    %get3A_11 = vector.load %arg2[%get3A_9, %get3A_10] : memref<2000x128xf32, #tpu.memory_space<vmem>>, vector<2000x128xf32>
    %add3A_12 = arith.addf %add3A, %get3A_11 : vector<2000x128xf32>
    %get3A_13 = arith.constant 0 : index
    %get3A_14 = arith.constant 0 : index
    %get3A_15 = vector.load %arg3[%get3A_13, %get3A_14] : memref<128x128xf32, #tpu.memory_space<vmem>>, vector<128x128xf32>
    %dot_general3A = arith.constant dense<0.000000e+00> : vector<2000x128xf32>
    %dot_general3A_16 = tpu.matmul %add3A_12, %get3A_15, %dot_general3A {dimension_numbers = #tpu.dot_dimension_numbers<[1], [0], [0], [1], [0, 0, 1, 1], [], []>, transpose_lhs_hint = false} : vector<2000x128xf32>, vector<128x128xf32>, vector<2000x128xf32> -> vector<2000x128xf32>
    %get3A_17 = arith.constant 0 : index
    %get3A_18 = arith.constant 0 : index
    %get3A_19 = vector.load %arg4[%get3A_17, %get3A_18] : memref<1x128xf32, #tpu.memory_space<vmem>>, vector<1x128xf32>
    %add3A_20 = vector.broadcast %get3A_19 : vector<1x128xf32> to vector<2000x128xf32>
    %add3A_21 = arith.addf %dot_general3A_16, %add3A_20 : vector<2000x128xf32>
    %max3A = arith.constant 0.000000e+00 : f32
    %max3A_22 = vector.broadcast %max3A : f32 to vector<2000x128xf32>
    %max3A_23 = arith.maximumf %add3A_21, %max3A_22 : vector<2000x128xf32>
    %get3A_24 = arith.constant 0 : index
    %get3A_25 = arith.constant 0 : index
    %get3A_26 = vector.load %arg5[%get3A_24, %get3A_25] : memref<128x128xf32, #tpu.memory_space<vmem>>, vector<128x128xf32>
    %dot_general3A_27 = arith.constant dense<0.000000e+00> : vector<2000x128xf32>
    %dot_general3A_28 = tpu.matmul %max3A_23, %get3A_26, %dot_general3A_27 {dimension_numbers = #tpu.dot_dimension_numbers<[1], [0], [0], [1], [0, 0, 1, 1], [], []>, transpose_lhs_hint = false} : vector<2000x128xf32>, vector<128x128xf32>, vector<2000x128xf32> -> vector<2000x128xf32>
    %get3A_29 = arith.constant 0 : index
    %get3A_30 = arith.constant 0 : index
    %get3A_31 = vector.load %arg6[%get3A_29, %get3A_30] : memref<1x128xf32, #tpu.memory_space<vmem>>, vector<1x128xf32>
    %add3A_32 = vector.broadcast %get3A_31 : vector<1x128xf32> to vector<2000x128xf32>
    %add3A_33 = arith.addf %dot_general3A_28, %add3A_32 : vector<2000x128xf32>
    %swap3A = arith.constant 0 : index
    %swap3A_34 = arith.constant 0 : index
    %swap3A_35 = vector.load %arg7[%swap3A, %swap3A_34] : memref<2000x128xf32, #tpu.memory_space<vmem>>, vector<2000x128xf32>
    tpu.vector_store %arg7[%swap3A, %swap3A_34], %add3A_33 {strides = array<i32>} : memref<2000x128xf32, #tpu.memory_space<vmem>>, vector<2000x128xf32>,
    return
  }
  func.func @transform_0(%arg0: i32) -> (i32, i32, i32) {
    %c0_i32 = arith.constant 0 : i32
    %c0_i32_0 = arith.constant 0 : i32
    %c0_i32_1 = arith.constant 0 : i32
    return %c0_i32, %arg0, %c0_i32_0 : i32, i32, i32
  }
  func.func @transform_1(%arg0: i32) -> (i32, i32) {
    %c0_i32 = arith.constant 0 : i32
    %c0_i32_0 = arith.constant 0 : i32
    return %arg0, %c0_i32 : i32, i32
  }
  func.func @transform_2(%arg0: i32) -> (i32, i32) {
    %c0_i32 = arith.constant 0 : i32
    %c0_i32_0 = arith.constant 0 : i32
    %c0_i32_1 = arith.constant 0 : i32
    return %c0_i32, %c0_i32_0 : i32, i32
  }
  func.func @transform_3(%arg0: i32) -> (i32, i32) {
    %c0_i32 = arith.constant 0 : i32
    %c0_i32_0 = arith.constant 0 : i32
    %c0_i32_1 = arith.constant 0 : i32
    return %c0_i32, %c0_i32_0 : i32, i32
  }
  func.func @transform_4(%arg0: i32) -> (i32, i32) {
    %c0_i32 = arith.constant 0 : i32
    %c0_i32_0 = arith.constant 0 : i32
    %c0_i32_1 = arith.constant 0 : i32
    return %c0_i32, %c0_i32_0 : i32, i32
  }
  func.func @transform_5(%arg0: i32) -> (i32, i32) {
    %c0_i32 = arith.constant 0 : i32
    %c0_i32_0 = arith.constant 0 : i32
    %c0_i32_1 = arith.constant 0 : i32
    return %c0_i32, %c0_i32_0 : i32, i32
  }
  func.func @transform_6(%arg0: i32) -> (i32, i32) {
    %c0_i32 = arith.constant 0 : i32
    %c0_i32_0 = arith.constant 0 : i32
    return %arg0, %c0_i32 : i32, i32
  }
}

module attributes {stable_mosaic.version = 14 : i64} {
  func.func @_mlp_body(%arg0: i32, %arg1: memref<2x2000x128xf32, #tpu.memory_space<vmem>>, %arg2: memref<2000x128xf32, #tpu.memory_space<vmem>>, %arg3: memref<128x128xf32, #tpu.memory_space<vmem>>, %arg4: memref<1x128xf32, #tpu.memory_space<vmem>>, %arg5: memref<128x128xf32, #tpu.memory_space<vmem>>, %arg6: memref<1x128xf32, #tpu.memory_space<vmem>>, %arg7: memref<2000x128xf32, #tpu.memory_space<vmem>>) attributes {dimension_semantics = [#tpu.dimension_semantics<arbitrary>], iteration_bounds = array<i64: 5>, scalar_prefetch = 0 : i64, scratch_operands = 0 : i64, tpu.core_type = #tpu.core_type<tc>, window_params = [{transform_indices = @transform_0, window_bounds = array<i64: 2, 2000, 128>}, {transform_indices = @transform_1, window_bounds = array<i64: 2000, 128>}, {pipeline_mode = #tpu.pipeline_mode<synchronous>, transform_indices = @transform_2, window_bounds = array<i64: 128, 128>}, {pipeline_mode = #tpu.pipeline_mode<synchronous>, transform_indices = @transform_3, window_bounds = array<i64: 1, 128>}, {pipeline_mode = #tpu.pipeline_mode<synchronous>, transform_indices = @transform_4, window_bounds = array<i64: 128, 128>}, {pipeline_mode = #tpu.pipeline_mode<synchronous>, transform_indices = @transform_5, window_bounds = array<i64: 1, 128>}, {transform_indices = @transform_6, window_bounds = array<i64: 2000, 128>}]} {
    %get3A = arith.constant 0 : index
    %get3A_0 = arith.constant 0 : index
    %get3A_1 = arith.constant 0 : index
    %get3A_2 = vector.load %arg1[%get3A, %get3A_0, %get3A_1] : memref<2x2000x128xf32, #tpu.memory_space<vmem>>, vector<1x2000x128xf32>
    %get3A_3 = vector.shape_cast %get3A_2 : vector<1x2000x128xf32> to vector<2000x128xf32>
    %get3A_4 = arith.constant 1 : index
    %get3A_5 = arith.constant 0 : index
    %get3A_6 = arith.constant 0 : index
    %get3A_7 = vector.load %arg1[%get3A_4, %get3A_5, %get3A_6] : memref<2x2000x128xf32, #tpu.memory_space<vmem>>, vector<1x2000x128xf32>
    %get3A_8 = vector.shape_cast %get3A_7 : vector<1x2000x128xf32> to vector<2000x128xf32>
    %add3A = arith.addf %get3A_3, %get3A_8 : vector<2000x128xf32>
    %get3A_9 = arith.constant 0 : index
    %get3A_10 = arith.constant 0 : index
    %get3A_11 = vector.load %arg2[%get3A_9, %get3A_10] : memref<2000x128xf32, #tpu.memory_space<vmem>>, vector<2000x128xf32>
    %add3A_12 = arith.addf %add3A, %get3A_11 : vector<2000x128xf32>
    %get3A_13 = arith.constant 0 : index
    %get3A_14 = arith.constant 0 : index
    %get3A_15 = vector.load %arg3[%get3A_13, %get3A_14] : memref<128x128xf32, #tpu.memory_space<vmem>>, vector<128x128xf32>
    %dot_general3A = arith.constant dense<0.000000e+00> : vector<2000x128xf32>
    %dot_general3A_16 = tpu.matmul %add3A_12, %get3A_15, %dot_general3A {dimension_numbers = #tpu.dot_dimension_numbers<[1], [0], [0], [1], [0, 0, 1, 1], [], []>, transpose_lhs_hint = false} : vector<2000x128xf32>, vector<128x128xf32>, vector<2000x128xf32> -> vector<2000x128xf32>
    %get3A_17 = arith.constant 0 : index
    %get3A_18 = arith.constant 0 : index
    %get3A_19 = vector.load %arg4[%get3A_17, %get3A_18] : memref<1x128xf32, #tpu.memory_space<vmem>>, vector<1x128xf32>
    %add3A_20 = vector.broadcast %get3A_19 : vector<1x128xf32> to vector<2000x128xf32>
    %add3A_21 = arith.addf %dot_general3A_16, %add3A_20 : vector<2000x128xf32>
    %max3A = arith.constant 0.000000e+00 : f32
    %max3A_22 = vector.broadcast %max3A : f32 to vector<2000x128xf32>
    %max3A_23 = arith.maximumf %add3A_21, %max3A_22 : vector<2000x128xf32>
    %get3A_24 = arith.constant 0 : index
    %get3A_25 = arith.constant 0 : index
    %get3A_26 = vector.load %arg5[%get3A_24, %get3A_25] : memref<128x128xf32, #tpu.memory_space<vmem>>, vector<128x128xf32>
    %dot_general3A_27 = arith.constant dense<0.000000e+00> : vector<2000x128xf32>
    %dot_general3A_28 = tpu.matmul %max3A_23, %get3A_26, %dot_general3A_27 {dimension_numbers = #tpu.dot_dimension_numbers<[1], [0], [0], [1], [0, 0, 1, 1], [], []>, transpose_lhs_hint = false} : vector<2000x128xf32>, vector<128x128xf32>, vector<2000x128xf32> -> vector<2000x128xf32>
    %get3A_29 = arith.constant 0 : index
    %get3A_30 = arith.constant 0 : index
    %get3A_31 = vector.load %arg6[%get3A_29, %get3A_30] : memref<1x128xf32, #tpu.memory_space<vmem>>, vector<1x128xf32>
    %add3A_32 = vector.broadcast %get3A_31 : vector<1x128xf32> to vector<2000x128xf32>
    %add3A_33 = arith.addf %dot_general3A_28, %add3A_32 : vector<2000x128xf32>
    %swap3A = arith.constant 0 : index
    %swap3A_34 = arith.constant 0 : index
    %swap3A_35 = vector.load %arg7[%swap3A, %swap3A_34] : memref<2000x128xf32, #tpu.memory_space<vmem>>, vector<2000x128xf32>
    tpu.vector_store %arg7[%swap3A, %swap3A_34], %add3A_33 {strides = array<i32>} : memref<2000x128xf32, #tpu.memory_space<vmem>>, vector<2000x128xf32>,
    return
  }
  func.func @transform_0(%arg0: i32) -> (i32, i32, i32) {
    %c0_i32 = arith.constant 0 : i32
    %c0_i32_0 = arith.constant 0 : i32
    %c0_i32_1 = arith.constant 0 : i32
    return %c0_i32, %arg0, %c0_i32_0 : i32, i32, i32
  }
  func.func @transform_1(%arg0: i32) -> (i32, i32) {
    %c0_i32 = arith.constant 0 : i32
    %c0_i32_0 = arith.constant 0 : i32
    return %arg0, %c0_i32 : i32, i32
  }
  func.func @transform_2(%arg0: i32) -> (i32, i32) {
    %c0_i32 = arith.constant 0 : i32
    %c0_i32_0 = arith.constant 0 : i32
    %c0_i32_1 = arith.constant 0 : i32
    return %c0_i32, %c0_i32_0 : i32, i32
  }
  func.func @transform_3(%arg0: i32) -> (i32, i32) {
    %c0_i32 = arith.constant 0 : i32
    %c0_i32_0 = arith.constant 0 : i32
    %c0_i32_1 = arith.constant 0 : i32
    return %c0_i32, %c0_i32_0 : i32, i32
  }
  func.func @transform_4(%arg0: i32) -> (i32, i32) {
    %c0_i32 = arith.constant 0 : i32
    %c0_i32_0 = arith.constant 0 : i32
    %c0_i32_1 = arith.constant 0 : i32
    return %c0_i32, %c0_i32_0 : i32, i32
  }
  func.func @transform_5(%arg0: i32) -> (i32, i32) {
    %c0_i32 = arith.constant 0 : i32
    %c0_i32_0 = arith.constant 0 : i32
    %c0_i32_1 = arith.constant 0 : i32
    return %c0_i32, %c0_i32_0 : i32, i32
  }
  func.func @transform_6(%arg0: i32) -> (i32, i32) {
    %c0_i32 = arith.constant 0 : i32
    %c0_i32_0 = arith.constant 0 : i32
    return %arg0, %c0_i32 : i32, i32
  }
}

</mosaic_0001>

<sc_bundles>
// kernel: kernel.11.cloned.1.call-start
scs
__scs_entry_jumppad:
0x0: {  	(pc) =	sbr.rel $0x88, $3  }
0x1: {  	(tag) =	ssettag $0x0;
	lr =	simm.s32 $0x1  }
0x2: {  	[smem:$0x3F93] =	sst lr;
	_ =	strace $0xD0000000  }
0x3: {  	_ = 	snop  }
0x4: {  	_ = 	snop  }
0x5: {  	_ = 	snop  }
0x6: {  	_ = 	snop  }
0x7: {  	_ = 	snop  }
__scs_overlays_trampoline_lowered:
0x8: {  	[smem:$0x3FA2] =	sst s0  }
0x9: {  	[smem:$0x3FA3] =	sst s1  }
0xa: {  	[smem:$0x3FA4] =	sst s2  }
0xb: {  	[smem:$0x3FA5] =	sst s3  }
0xc: {  	[smem:$0x3FA6] =	sst s4  }
0xd: {  	[smem:$0x3FA7] =	sst s5  }
0xe: {  	[smem:$0x3FA8] =	sst s6  }
0xf: {  	[smem:$0x3FA9] =	sst s7  }
0x10: {  	[smem:$0x3FAA] =	sst s8  }
0x11: {  	[smem:$0x3FAB] =	sst s9;
	s0 =	simm.s32 @!p0 $0x0  }
0x12: {  	s1 =	sld [smem:$0x3F91];
	s0 =	simm.s32 @p0 $0x1  }
0x13: {  	[smem:$0x3FAC] =	sst s0;
	s0 =	simm.s32 @!p1 $0x0  }
0x14: {  	s2 =	sld [smem:$0x3F90];
	s0 =	simm.s32 @p1 $0x1  }
0x15: {  	[smem:$0x3FAD] =	sst s0;
	s0 =	simm.s32 @!p2 $0x0  }
0x16: {  	s3 =	sld [smem:$0x3FDB];
	s0 =	simm.s32 @p2 $0x1  }
0x17: {  	s4 =	simm.s32 $0x1BF5;
	[smem:$0x3FAF] =	sst s0  }
0x18: {  	s0 =	sld [smem:$0x3F92];
	_ =	swait.ge [sflag:s4], $0x0  }
0x19: {  	s7 =	sld [smem:$0x3F93]  }
0x1a: {  	s8 =	sadd.s32 $0xFFFFE003, lr  }
0x1b: {  	s9 =	sadd.s32 $0xFFFFFEF7, lr;
	s5 =	simm.s32 $0xFFFFFFFF;
	p2 =	slt.u32 s8, $0xFFFFF086  }
0x1c: {  	p1 =	slt.u32 s9, $0xF7A;
	s5 =	simm.s32 @!p2 $0x0  }
0x1d: {  	s5 =	simm.s32 @p1 $0x1;
	p0 =	seq.s32 s7, s2  }
0x1e: {  	s7 =	smul.u32 @!p0 $0xF7A, s2;
	p2 =	seq.s32 @!p0 s5, $0x0  }
0x1f: {  	s9 =	smul.u32 $0xF7A, s1;
	s8 =	simm.s32 @!p0 $0x1BF5;
	p2 =	por !p2, p0  }
0x20: {  	[sflag:s8] =	ssyncset.s32 @!p0 $0xFFFFF086;
	s6 =	sadd.s32 @!p0 s3, s7;
	s7 =	simm.s32 @!p0 $0x108  }
0x21: {  	s3 =	sadd.s32 s3, s9;
	s6 =	sadd.s32 @!p0 $0x88, s6;
	s7 =	simm.s32 @p2 $0x1082  }
0x22: {  	[simem:s7], [sflag:s8] =	dma.local @!p0 [hbm:s6], $0xF7A  }
0x23: {  	s9 =	sor.u32 $0xD0000000, s2;
	s6 =	simm.s32 $0x108;
	_ =	swait.ge @!p0 [sflag:s8], $0x0  }
0x24: {  	s3 =	sadd.s32 $0x88, s3;
	s6 =	simm.s32 @!p1 $0x1082;
	[sflag:s4] =	ssyncset.s32 $0xFFFFF086  }
0x25: {  	[simem:s6], [sflag:s4] =	dma.local [hbm:s3], $0xF7A  }
0x26: {  	[smem:$0x3F93] =	sst s1;
	(tag) =	ssettag s2;
	_ =	strace s9  }
0x27: {  	s1 =	sld [smem:$0x3FA3]  }
0x28: {  	s2 =	sld [smem:$0x3FA4]  }
0x29: {  	s4 =	sld [smem:$0x3FA6]  }
0x2a: {  	p0 =	seq.s32 s5, $0x0;
	s5 =	sld [smem:$0x3FA7]  }
0x2b: {  	s6 =	sld [smem:$0x3FA8]  }
0x2c: {  	s7 =	sld [smem:$0x3FA9]  }
0x2d: {  	s3 =	simm.s32 $0x108;
	s8 =	sld [smem:$0x3FAA]  }
0x2e: {  	s3 =	simm.s32 @!p0 $0x1082;
	s9 =	sld [smem:$0x3FAB]  }
0x2f: {  	lr =	sadd.s32 s0, s3;
	s0 =	sld [smem:$0x3FA2]  }
0x30: {  	s3 =	sld [smem:$0x3FA5]  }
0x31: {  	[smem:$0x3FAE] =	sst s10  }
0x32: {  	s10 =	sld [smem:$0x3FAC];
	_ =	sdelay $0x3  }
0x33: {  	p0 =	seq.s32 s10, $0x1;
	s10 =	sld [smem:$0x3FAE];
	_ =	sdelay $0x3  }
0x34: {  	[smem:$0x3FAE] =	sst s10  }
0x35: {  	s10 =	sld [smem:$0x3FAD];
	_ =	sdelay $0x3  }
0x36: {  	p1 =	seq.s32 s10, $0x1;
	s10 =	sld [smem:$0x3FAE];
	_ =	sdelay $0x3  }
0x37: {  	[smem:$0x3FAE] =	sst s10  }
0x38: {  	s10 =	sld [smem:$0x3FAF]  }
0x39: {  	_ = 	snop;
	(pc) =	sbr.ind lr, $3  }
0x3a: {  	_ = 	snop  }
0x3b: {  	_ = 	snop  }
0x3c: {  	p2 =	seq.s32 s10, $0x1;
	s10 =	sld [smem:$0x3FAE]  }
0x3d: {  	_ =	shalt  }
0x3e: {  	_ =	shalt  }
0x3f: {  	_ =	shalt  }
0x40: {  	_ =	shalt  }
0x41: {  	_ =	shalt  }
0x42: {  	_ =	shalt  }
0x43: {  	_ =	shalt  }
0x44: {  	_ =	shalt  }
0x45: {  	_ =	shalt  }
0x46: {  	_ =	shalt  }
0x47: {  	_ =	shalt  }
0x48: {  	_ =	shalt  }
0x49: {  	_ =	shalt  }
0x4a: {  	_ =	shalt  }
0x4b: {  	_ =	shalt  }
0x4c: {  	_ =	shalt  }
0x4d: {  	_ =	shalt  }
0x4e: {  	_ =	shalt  }
0x4f: {  	_ =	shalt  }
0x50: {  	_ =	shalt  }
0x51: {  	_ =	shalt  }
0x52: {  	_ =	shalt  }
0x53: {  	_ =	shalt  }
0x54: {  	_ =	shalt  }
0x55: {  	_ =	shalt  }
0x56: {  	_ =	shalt  }
0x57: {  	_ =	shalt  }
0x58: {  	_ =	shalt  }
0x59: {  	_ =	shalt  }
0x5a: {  	_ =	shalt  }
0x5b: {  	_ =	shalt  }
0x5c: {  	_ =	shalt  }
0x5d: {  	_ =	shalt  }
0x5e: {  	_ =	shalt  }
0x5f: {  	_ =	shalt  }
0x60: {  	_ =	shalt  }
0x61: {  	_ =	shalt  }
0x62: {  	_ =	shalt  }
0x63: {  	_ =	shalt  }
0x64: {  	_ =	shalt  }
0x65: {  	_ =	shalt  }
0x66: {  	_ =	shalt  }
0x67: {  	_ =	shalt  }
0x68: {  	_ =	shalt  }
0x69: {  	_ =	shalt  }
0x6a: {  	_ =	shalt  }
0x6b: {  	_ =	shalt  }
0x6c: {  	_ =	shalt  }
0x6d: {  	_ =	shalt  }
0x6e: {  	_ =	shalt  }
0x6f: {  	_ =	shalt  }
0x70: {  	_ =	shalt  }
0x71: {  	_ =	shalt  }
0x72: {  	_ =	shalt  }
0x73: {  	_ =	shalt  }
0x74: {  	_ =	shalt  }
0x75: {  	_ =	shalt  }
0x76: {  	_ =	shalt  }
0x77: {  	_ =	shalt  }
0x78: {  	_ =	shalt  }
0x79: {  	_ =	shalt  }
0x7a: {  	_ =	shalt  }
0x7b: {  	_ =	shalt  }
0x7c: {  	_ =	shalt  }
0x7d: {  	_ =	shalt  }
0x7e: {  	_ =	shalt  }
0x7f: {  	_ =	shalt  }
0x80: {  	_ =	shalt  }
0x81: {  	_ =	shalt  }
0x82: {  	_ =	shalt  }
0x83: {  	_ =	shalt  }
0x84: {  	_ =	shalt  }
0x85: {  	_ =	shalt  }
0x86: {  	_ =	shalt  }
0x87: {  	_ =	shalt  }
.Lfunc_end0:
.L_simem_size_0:
called_computation.1_lowered:
.L_overlay_start_0:
0x88: {  	s2 =	sld [smem:$0x3FD9]  }
0x89: {  	s3 =	sld [smem:$0x3FFE];
	_ =	sdelay $0x1  }
0x8a: {  	s1 =	srdreg.scid  }
0x8b: {  	s0 =	sand.u32 $0x1, s1  }
0x8c: {  	s17 =	sshll.u32 s0, $0xA;
	s2 =	sadd.s32 s3, s2  }
0x8d: {  	s2 =	sadd.s32 s2, s17  }
0x8e: {  	[smem:$0x3FBA] =	sst s2  }
0x8f: {  	_ = 	snop  }
0x90: {  	s2 =	sld [smem:$0x3FC8]  }
0x91: {  	s18 =	sld [smem:$0x3FD0];
	(tm) =	ssettm $0x1  }
0x92: {  	s4 =	sld [smem:$0x3FFB];
	_ =	sdelay $0x3  }
0x93: {  	_ =	strace s4  }
0x94: {  	s4 =	sld [smem:$0x3FFC];
	_ =	sdelay $0x3  }
0x95: {  	_ =	strace s4  }
0x96: {  	s4 =	sld [smem:$0x3FFD];
	_ =	sdelay $0x3  }
0x97: {  	_ =	strace s4  }
0x98: {  	_ =	strace $0x8FFFFFFF  }
0x99: {  	s19 =	sld [smem:$0x3FDB];
	_ =	sdelay $0x1  }
0x9a: {  	s5 =	simm.s32 $_scs_section_size  }
0x9b: {  	s6 =	simm.s32 $_size__tile_overlayer_lowered;
	s7 =	simm.s32 $_tile_overlayer_lowered  }
0x9c: {  	s22 =	simm.s32 $0x1BFF;
	s21 =	sshll.u32 s7, $0x1;
	s4 =	sadd.s32 s5, s19  }
0x9d: {  	s8 =	simm.s32 $0x0;
	s20 =	sshll.u32 s6, $0x1;
	s6 =	sadd.s32 s21, s4  }
0x9e: {  	[timem:s8], [sflag:s22] =	dma.local [hbm:s6], s20  }
0x9f: {  	_ =	swait.ge [sflag:s22], s20  }
0xa0: {  	s5 =	ssub.s32 $0x0, s20;
	[sflag:s22] =	ssyncset.done $0x0  }
0xa1: {  	[sflag:s22] =	ssyncadd.s32 s5;
	_ =	sdelay $0x1  }
0xa2: {  	s23 =	simm.s32 $0x1B8B  }
0xa3: {  	_ =	swait.ge [sflag:s23], $0x1  }
0xa4: {  	[sflag:s23] =	ssyncset.done $0x0  }
0xa5: {  	s25 =	simm.s32 $0x1B8E;
	s24 =	sld [smem:$0x3FFE];
	[sflag:s23] =	ssyncadd.s32 $0xFFFFFFFF  }
0xa6: {  	s26 =	simm.s32 $execute0_lowered;
	[smem:$0x3FD2] =	sst s25  }
0xa7: {  	s6 =	sshll.u32 s26, $0x1;
	_ =	strace $0x80000049;
	[dreg:$0x1] =	wrdreg $0xFFFFFFFF  }
0xa8: {  	s28 =	simm.s32 $_size_execute0_lowered;
	s4 =	sadd.s32 s4, s6;
	[dreg:$0x0] =	wrdreg $0x0  }
0xa9: {  	s6 =	sshll.u32 s28, $0x1;
	[dreg:$0x2] =	wrdreg s4  }
0xaa: {  	[dreg:$0x3] =	wrdreg s6  }
0xab: {  	[dreg:$0x4] =	wrdreg $0xC0  }
0xac: {  	_ =	task [dreg:s8], $0x5FFFF  }
0xad: {  	[dreg:$0x1] =	wrdreg $0xFFFFFFFF  }
0xae: {  	[dreg:$0x0] =	wrdreg $0x60  }
0xaf: {  	[dreg:$0x2] =	wrdreg s18  }
0xb0: {  	[dreg:$0x3] =	wrdreg s2  }
0xb1: {  	[dreg:$0x4] =	wrdreg s24  }
0xb2: {  	[dreg:$0x5] =	wrdreg $0xC4000  }
0xb3: {  	[dreg:$0x6] =	wrdreg $0x9  }
0xb4: {  	_ =	task.clear_ibuf [dreg:s8], $0x7FFFF;
	_ =	strace $0x90000049  }
0xb5: {  	s29 =	simm.s32 $0x9;
	_ =	strace $0x8000004B  }
0xb6: {  	_ =	swait.ge [sflag:s29], $0x1  }
0xb7: {  	[sflag:s29] =	ssyncadd.s32 $0xFFFFFFFF  }
0xb8: {  	_ =	strace $0x9000004B  }
0xb9: {  	_ =	sfence  }
0xba: {  	s30 =	sld [smem:$0x0];
	_ =	sdelay $0x2  }
0xbb: {  	s31 =	sshll.u32 s1, $0xD;
	s1 =	sshrl.u32 s1, $0x2  }
0xbc: {  	s3 =	sand.u32 $0x4000, s31;
	s1 =	sadd.s32 s1, s30  }
0xbd: {  	s0 =	sor.u32 s3, s0;
	s1 =	sshll.u32 s1, $0x11  }
0xbe: {  	s0 =	sor.u32 s1, s0  }
0xbf: {  	s0 =	sadd.s32 $0x8F2B, s0  }
0xc0: {  	[sflag:s0] =	ssyncadd.remote.s32 $0x1  }
0xc1: {  	_ =	sfence.sel $0xFFFF  }
0xc2: {  	[dreg:$0x0] =	wrdreg $0xFFFFFFFF;
	(pc) =	sbr.abs _section_cstart, $3  }
0xc3: {  	[dreg:$0x1] =	wrdreg $0xFFFFFFFF  }
0xc4: {  	_ =	task.clear_ibuf [dreg:s8], $0x2FFFF;
	_ =	strace $0x9FFFFFFF  }
0xc5: {  	(tm) =	ssettm $0x7FFFFFFF  }
tec
execute0_lowered:
.L_overlay_start_1:
0x0: {  	(tag) =	ssettag $0x1  }
0x1: {  	s0 =	rddreg [dreg:$0x0]  }
0x2: {  	s2 =	rddreg [dreg:$0x1]  }
0x3: {  	s1 =	srdreg.scid;
	s3 =	rddreg [dreg:$0x2]  }
0x4: {  	s12 =	stileid.u32;
	s4 =	rddreg [dreg:$0x3];
	s5 =	simm.s32 $0x0  }
0x5: {  	s28 =	simm.s32 $0x2;
	s29 =	simm.s32 $0x4400;
	s7 =	smul.u32 $0x13C00, s12  }
0x6: {  	s30 =	simm.s32 $0x3;
	s31 =	simm.s32 $0x8400;
	s8 =	smul.u32 $0x4F000, s12  }
0x7: {  	s1 =	sand.u32 $0x1, s1;
	[smem:$0x7FF] =	sst s5;
	s11 =	smul.u32 $0x4E00, s12  }
0x8: {  	s19 =	sadd.s32 $0x3400, s3;
	s24 =	sshll.u32 s12, $0x6;
	s6 =	smul.u32 $0x13C000, s1  }
0x9: {  	_ =	strace $0x8000004A;
	[dreg:$0x9] =	wrdreg s19;
	s20 =	ssub.s32 $0x2, s1  }
0xa: {  	s9 =	sshll.u32 s1, $0x4;
	s1 =	smul.u32 $0x4E000, s1;
	s21 =	sshrl.u32 s20, $0x1  }
0xb: {  	s9 =	sor.u32 s12, s9;
	s22 =	sshrl.u32 s8, $0x2;
	s12 =	sshll.u32 s12, $0x5  }
0xc: {  	s6 =	sadd.s32 s7, s6;
	s23 =	smul.u32 $0x9C0, s9;
	s10 =	sadd.s32 s22, s4  }
0xd: {  	s7 =	sor.u32 $0x1C04, s24;
	s12 =	sadd.s32 s12, s2;
	s1 =	sadd.s32 s11, s1  }
0xe: {  	p0 =	sgt.u32 s9, $0x3;
	s6 =	sshrl.u32 s6, $0x3;
	s14 =	sadd.s32 $0x13800, s12  }
0xf: {  	s15 =	sadd.s32 $0x13810, s12;
	s16 =	sadd.s32 $0x480, s1;
	s18 =	sadd.s32 $0x400, s1  }
0x10: {  	s24 =	sadd.s32 $0x200, s1;
	s3 =	sadd.s32 s6, s3;
	[dreg:$0xd] =	wrdreg s14  }
0x11: {  	s6 =	ssub.s32 s20, s21;
	s8 =	sadd.s32 s2, s23;
	[dreg:$0xe] =	wrdreg s15  }
0x12: {  	s17 =	sshrl.u32 s16, $0x3;
	s19 =	sshrl.u32 s18, $0x3;
	s21 =	sadd.s32 $0x380, s1  }
0x13: {  	s23 =	sadd.s32 $0x280, s1;
	s16 =	sadd.s32 $0x300, s1;
	s18 =	sshrl.u32 s10, $0x3  }
0x14: {  	s13 =	sadd.s32 $0x10, s8;
	s25 =	sadd.s32 $0x20, s8;
	s26 =	sadd.s32 $0x30, s8  }
0x15: {  	s3 =	sadd.s32 $0x5C00, s3;
	s15 =	smax.u32 s6, $0x1;
	[dreg:$0xa] =	wrdreg s13  }
0x16: {  	s20 =	sadd.s32 s19, s2;
	s22 =	sshrl.u32 s21, $0x3;
	[dreg:$0xb] =	wrdreg s25  }
0x17: {  	s6 =	sshrl.u32 s23, $0x3;
	s19 =	simm.s32 $0x4;
	[dreg:$0xc] =	wrdreg s26  }
0x18: {  	s21 =	simm.s32 $0x80;
	s23 =	simm.s32 $0x1;
	[dreg:$0xf] =	wrdreg s3  }
0x19: {  	s3 =	sadd.s32 s17, s2;
	[dreg:$0x6] =	wrdreg s20;
	s25 =	sadd.s32 s6, s2  }
0x1a: {  	s26 =	sshrl.u32 s24, $0x3;
	s20 =	simm.s32 $0x200;
	[dreg:$0x5] =	wrdreg s3  }
0x1b: {  	s24 =	simm.s32 $0x400;
	s3 =	sadd.s32 s22, s2;
	[dreg:$0x8] =	wrdreg s25  }
0x1c: {  	s17 =	sadd.s32 s26, s2;
	s22 =	simm.s32 $0x280;
	s25 =	simm.s32 $0x100  }
0x1d: {  	s26 =	simm.s32 $0x300;
	[dreg:$0x7] =	wrdreg s3;
	s3 =	simm.s32 $0x0  }
.LBB2_1:
0x1e: {  	s1 =	rddreg [dreg:$0x9]  }
0x1f: {  	[spmem:s18], [sflag:s7] =	dma.local [hbm:s1], $0x2780  }
0x20: {  	_ =	swait.ge [sflag:s19], $0x2780  }
0x21: {  	[sflag:s19] =	ssyncset.done $0x0  }
0x22: {  	[sflag:s19] =	ssyncadd.s32 $0xFFFFD880  }
0x23: {  	[bflag:$0x0] =	sbarrier.arrive $0xFFFF  }
0x24: {  	[tilespmem:s5], [sflag:$0x1] =	stream.linear.gather [hbm4b:s8+s5], $0x80, $0x38;
	v63 =	vld [tilespmem:$0x0]  }
0x25: {  	s10 =	rddreg [dreg:$0xa]  }
0x26: {  	[tilespmem:s20], [sflag:$0x1] =	stream.linear.gather [hbm4b:s10+s5], $0x80, $0x38;
	v63 =	vld [tilespmem:$0x0]  }
0x27: {  	s11 =	rddreg [dreg:$0xb]  }
0x28: {  	[tilespmem:s21], [sflag:$0x2] =	stream.linear.gather [hbm4b:s11+s5], $0x80, $0x38;
	v63 =	vld [tilespmem:$0x0]  }
0x29: {  	s12 =	rddreg [dreg:$0xc]  }
0x2a: {  	[tilespmem:s22], [sflag:$0x2] =	stream.linear.gather [hbm4b:s12+s5], $0x80, $0x38;
	v63 =	vld [tilespmem:$0x0]  }
0x2b: {  	_ =	swait.ge [sflag:s23], $0x80  }
0x2c: {  	[sflag:s23] =	ssyncset.done $0x0  }
0x2d: {  	[sflag:s23] =	ssyncadd.s32 $0xFFFFFF80  }
0x2e: {  	_ =	swait.ge [sflag:s23], $0x80  }
0x2f: {  	p1 =	por $0x1, $0x1;
	[sflag:s23] =	ssyncset.done $0x0  }
0x30: {  	s1 =	simm.s32 @!p1 $0x3;
	[sflag:s23] =	ssyncadd.s32 $0xFFFFFF80  }
0x31: {  	[tilespmem:s24], [sflag:$0x1] =	stream.indirect.gather [hbm4b:s0+s21], $0x80, s5, s21, $0xb8;
	v63 =	vld [tilespmem:$0x0]  }
0x32: {  	_ =	swait.ge @!p1 [sflag:s1], $0x4000  }
0x33: {  	[sflag:s1] =	ssyncset.done @!p1 $0x0  }
0x34: {  	s13 =	sadd.s32 $0x0, s17;
	s6 =	rddreg [dreg:$0x8];
	[sflag:s1] =	ssyncadd.s32 @!p1 $0xFFFFC000  }
0x35: {  	[tilespmem:s25], [sflag:$0x3] =	stream.linear.gather [hbm4b:s13+s5], $0x80, $0x38;
	v63 =	vld [tilespmem:$0x0]  }
0x36: {  	s14 =	sadd.s32 $0x0, s6  }
0x37: {  	[tilespmem:s26], [sflag:$0x3] =	stream.linear.gather [hbm4b:s14+s5], $0x80, $0x38;
	v63 =	vld [tilespmem:$0x0]  }
0x38: {  	_ =	swait.ge [sflag:s28], $0x80  }
0x39: {  	[sflag:s28] =	ssyncset.done $0x0  }
0x3a: {  	[sflag:s28] =	ssyncadd.s32 $0xFFFFFF80  }
0x3b: {  	_ =	swait.ge [sflag:s28], $0x80  }
0x3c: {  	[sflag:s28] =	ssyncset.done $0x0  }
0x3d: {  	[sflag:s28] =	ssyncadd.s32 $0xFFFFFF80  }
0x3e: {  	[tilespmem:s29], [sflag:$0x2] =	stream.indirect.gather [hbm4b:s0+s21], $0x80, s21, s21, $0xb8;
	v63 =	vld [tilespmem:$0x0]  }
0x3f: {  	_ =	swait.ge [sflag:s23], $0x4000  }
0x40: {  	[sflag:s23] =	ssyncset.done $0x0  }
0x41: {  	[sflag:s23] =	ssyncadd.s32 $0xFFFFC000  }
0x42: {  	[spmem:s4] =	stream.indirect.scatter.add.f32 [tilespmem:s24], [sflag:$0x1], $0x80, s20, s21, $0xb8;
	v63 =	vld [tilespmem:$0x0]  }
0x43: {  	p1 =	por $0x0, $0x0;
	_ =	swait.ge [sflag:s23], $0x4000  }
0x44: {  	s1 =	sshrl.u32 @!p1 s16, $0x3;
	s9 =	simm.s32 @!p1 $0x0;
	[sflag:s23] =	ssyncset.done $0x0  }
0x45: {  	s1 =	sadd.s32 @!p1 s2, s1;
	s6 =	rddreg [dreg:$0x7];
	[sflag:s23] =	ssyncadd.s32 $0xFFFFC000  }
0x46: {  	[tilespmem:s9], [sflag:$0x1] =	stream.linear.gather @!p1 [hbm4b:s1+s9], $0x80, $0x38;
	v63 =	vld [tilespmem:$0x0]  }
0x47: {  	s1 =	sadd.s32 @!p1 $0x0, s6;
	s6 =	simm.s32 @!p1 $0x200  }
0x48: {  	[tilespmem:s6], [sflag:$0x1] =	stream.linear.gather @!p1 [hbm4b:s1+s9], $0x80, $0x38;
	v63 =	vld [tilespmem:$0x0]  }
0x49: {  	_ =	swait.ge [sflag:s30], $0x80  }
0x4a: {  	[sflag:s30] =	ssyncset.done $0x0  }
0x4b: {  	[sflag:s30] =	ssyncadd.s32 $0xFFFFFF80  }
0x4c: {  	_ =	swait.ge [sflag:s30], $0x80  }
0x4d: {  	[sflag:s30] =	ssyncset.done $0x0  }
0x4e: {  	[sflag:s30] =	ssyncadd.s32 $0xFFFFFF80  }
0x4f: {  	[tilespmem:s31], [sflag:$0x3] =	stream.indirect.gather [hbm4b:s0+s21], $0x80, s25, s21, $0xb8;
	v63 =	vld [tilespmem:$0x0]  }
0x50: {  	_ =	swait.ge [sflag:s28], $0x4000  }
0x51: {  	[sflag:s28] =	ssyncset.done $0x0  }
0x52: {  	[sflag:s28] =	ssyncadd.s32 $0xFFFFC000  }
0x53: {  	[spmem:s4] =	stream.indirect.scatter.add.f32 [tilespmem:s29], [sflag:$0x2], $0x80, s22, s21, $0xb8;
	v63 =	vld [tilespmem:$0x0]  }
0x54: {  	_ =	swait.ge [sflag:s28], $0x4000  }
0x55: {  	s10 =	simm.s32 @!p1 $0x80;
	s1 =	rddreg [dreg:$0x6];
	[sflag:s28] =	ssyncset.done $0x0  }
0x56: {  	s6 =	rddreg [dreg:$0x5];
	[sflag:s28] =	ssyncadd.s32 $0xFFFFC000;
	s1 =	sadd.s32 @!p1 $0x0, s1  }
0x57: {  	[tilespmem:s10], [sflag:$0x2] =	stream.linear.gather @!p1 [hbm4b:s1+s9], $0x80, $0x38;
	v63 =	vld [tilespmem:$0x0]  }
0x58: {  	s1 =	sadd.s32 @!p1 $0x0, s6;
	s6 =	simm.s32 @!p1 $0x280  }
0x59: {  	[tilespmem:s6], [sflag:$0x2] =	stream.linear.gather @!p1 [hbm4b:s1+s9], $0x80, $0x38;
	v63 =	vld [tilespmem:$0x0]  }
0x5a: {  	s1 =	simm.s32 @!p1 $0x1  }
0x5b: {  	_ =	swait.ge @!p1 [sflag:s1], $0x80  }
0x5c: {  	[sflag:s1] =	ssyncset.done @!p1 $0x0  }
0x5d: {  	[sflag:s1] =	ssyncadd.s32 @!p1 $0xFFFFFF80  }
0x5e: {  	_ =	swait.ge @!p1 [sflag:s1], $0x80  }
0x5f: {  	[sflag:s1] =	ssyncset.done @!p1 $0x0  }
0x60: {  	[sflag:s1] =	ssyncadd.s32 @!p1 $0xFFFFFF80;
	s1 =	simm.s32 @!p1 $0x400  }
0x61: {  	[tilespmem:s1], [sflag:$0x1] =	stream.indirect.gather @!p1 [hbm4b:s0+s10], $0x80, s9, s10, $0xb8;
	v63 =	vld [tilespmem:$0x0]  }
0x62: {  	p2 =	por $0x0, $0x0;
	s6 =	sadd.s32 $0x300, s16;
	_ =	swait.ge [sflag:s30], $0x4000  }
0x63: {  	s1 =	simm.s32 $0x60;
	s9 =	simm.s32 $0xC0;
	[sflag:s30] =	ssyncset.done $0x0  }
.LBB2_2:
0x64: {  	s11 =	simm.s32 @!p2 $0x3;
	[sflag:s30] =	ssyncadd.s32 $0xFFFFC000  }
0x65: {  	[spmem:s4] =	stream.indirect.scatter.add.f32 [tilespmem:s31], [sflag:$0x3], $0x80, s26, s21, $0xb8;
	v63 =	vld [tilespmem:$0x0]  }
0x66: {  	_ =	swait.ge @!p2 [sflag:s11], $0x4000  }
0x67: {  	[sflag:s11] =	ssyncset.done @!p2 $0x0  }
0x68: {  	s13 =	sadd.s32 s1, s17;
	s12 =	rddreg [dreg:$0x8];
	[sflag:s11] =	ssyncadd.s32 @!p2 $0xFFFFC000  }
0x69: {  	[tilespmem:s25], [sflag:$0x3] =	stream.linear.gather [hbm4b:s13+s5], $0x80, $0x38;
	v63 =	vld [tilespmem:$0x0]  }
0x6a: {  	s14 =	sadd.s32 s1, s12  }
0x6b: {  	[tilespmem:s26], [sflag:$0x3] =	stream.linear.gather [hbm4b:s14+s5], $0x80, $0x38;
	v63 =	vld [tilespmem:$0x0]  }
0x6c: {  	_ =	swait.ge [sflag:s28], $0x80  }
0x6d: {  	[sflag:s28] =	ssyncset.done $0x0  }
0x6e: {  	[sflag:s28] =	ssyncadd.s32 $0xFFFFFF80  }
0x6f: {  	_ =	swait.ge [sflag:s28], $0x80  }
0x70: {  	[sflag:s28] =	ssyncset.done $0x0  }
0x71: {  	[sflag:s28] =	ssyncadd.s32 $0xFFFFFF80  }
0x72: {  	[tilespmem:s29], [sflag:$0x2] =	stream.indirect.gather [hbm4b:s0+s21], $0x80, s21, s21, $0xb8;
	v63 =	vld [tilespmem:$0x0]  }
0x73: {  	_ =	swait.ge [sflag:s23], $0x4000  }
0x74: {  	[sflag:s23] =	ssyncset.done $0x0  }
0x75: {  	p2 =	seq.s32 s1, $0x960;
	[sflag:s23] =	ssyncadd.s32 $0xFFFFC000  }
0x76: {  	[spmem:s4] =	stream.indirect.scatter.add.f32 [tilespmem:s24], [sflag:$0x1], $0x80, s20, s21, $0xb8;
	v63 =	vld [tilespmem:$0x0]  }
0x77: {  	s11 =	sshrl.u32 @!p2 s6, $0x3;
	_ =	swait.ge [sflag:s23], $0x4000  }
0x78: {  	s13 =	sadd.s32 @!p2 s2, s11;
	[sflag:s23] =	ssyncset.done $0x0  }
0x79: {  	s11 =	simm.s32 @!p2 $0x0;
	s12 =	rddreg [dreg:$0x7];
	[sflag:s23] =	ssyncadd.s32 $0xFFFFC000  }
0x7a: {  	[tilespmem:s11], [sflag:$0x1] =	stream.linear.gather @!p2 [hbm4b:s13+s11], $0x80, $0x38;
	v63 =	vld [tilespmem:$0x0]  }
0x7b: {  	s12 =	sadd.s32 @!p2 s1, s12;
	s13 =	simm.s32 @!p2 $0x200  }
0x7c: {  	[tilespmem:s13], [sflag:$0x1] =	stream.linear.gather @!p2 [hbm4b:s12+s11], $0x80, $0x38;
	v63 =	vld [tilespmem:$0x0]  }
0x7d: {  	_ =	swait.ge [sflag:s30], $0x80  }
0x7e: {  	[sflag:s30] =	ssyncset.done $0x0  }
0x7f: {  	[sflag:s30] =	ssyncadd.s32 $0xFFFFFF80  }
0x80: {  	_ =	swait.ge [sflag:s30], $0x80  }
0x81: {  	[sflag:s30] =	ssyncset.done $0x0  }
0x82: {  	[sflag:s30] =	ssyncadd.s32 $0xFFFFFF80  }
0x83: {  	[tilespmem:s31], [sflag:$0x3] =	stream.indirect.gather [hbm4b:s0+s21], $0x80, s25, s21, $0xb8;
	v63 =	vld [tilespmem:$0x0]  }
0x84: {  	_ =	swait.ge [sflag:s28], $0x4000  }
0x85: {  	[sflag:s28] =	ssyncset.done $0x0  }
0x86: {  	[sflag:s28] =	ssyncadd.s32 $0xFFFFC000  }
0x87: {  	[spmem:s4] =	stream.indirect.scatter.add.f32 [tilespmem:s29], [sflag:$0x2], $0x80, s22, s21, $0xb8;
	v63 =	vld [tilespmem:$0x0]  }
0x88: {  	_ =	swait.ge [sflag:s28], $0x4000  }
0x89: {  	s14 =	simm.s32 @!p2 $0x80;
	s12 =	rddreg [dreg:$0x6];
	[sflag:s28] =	ssyncset.done $0x0  }
0x8a: {  	s13 =	rddreg [dreg:$0x5];
	[sflag:s28] =	ssyncadd.s32 $0xFFFFC000;
	s12 =	sadd.s32 @!p2 s1, s12  }
0x8b: {  	[tilespmem:s14], [sflag:$0x2] =	stream.linear.gather @!p2 [hbm4b:s12+s11], $0x80, $0x38;
	v63 =	vld [tilespmem:$0x0]  }
0x8c: {  	s1 =	sadd.s32 @!p2 s1, s13;
	s13 =	simm.s32 @!p2 $0x1;
	s12 =	simm.s32 @!p2 $0x280  }
0x8d: {  	[tilespmem:s12], [sflag:$0x2] =	stream.linear.gather @!p2 [hbm4b:s1+s11], $0x80, $0x38;
	v63 =	vld [tilespmem:$0x0]  }
0x8e: {  	_ =	swait.ge @!p2 [sflag:s13], $0x80  }
0x8f: {  	[sflag:s13] =	ssyncset.done @!p2 $0x0  }
0x90: {  	s10 =	smov.u32 s9;
	s9 =	sadd.s32 $0x60, s9;
	[sflag:s13] =	ssyncadd.s32 @!p2 $0xFFFFFF80  }
0x91: {  	p1 =	sne.s32 s9, $0x9C0;
	_ =	swait.ge @!p2 [sflag:s13], $0x80  }
.Ltmp0:
0x92: {  	[sflag:s13] =	ssyncset.done @!p2 $0x0;
	(pc) =	sbr.rel @p1 .LBB2_2-.Ltmp0, $4  }
0x93: {  	s1 =	smov.u32 s10;
	s10 =	simm.s32 @!p2 $0x400;
	[sflag:s13] =	ssyncadd.s32 @!p2 $0xFFFFFF80  }
0x94: {  	[tilespmem:s10], [sflag:$0x1] =	stream.indirect.gather @!p2 [hbm4b:s0+s14], $0x80, s11, s14, $0xb8;
	v63 =	vld [tilespmem:$0x0]  }
0x95: {  	_ =	swait.ge [sflag:s30], $0x4000  }
0x96: {  	s6 =	sadd.s32 $0x300, s6;
	p2 =	seq.s32 s1, $0x0;
	[sflag:s30] =	ssyncset.done $0x0  }
0x97: {  	s9 =	simm.s32 @!p2 $0x3;
	[sflag:s30] =	ssyncadd.s32 $0xFFFFC000  }
0x98: {  	[spmem:s4] =	stream.indirect.scatter.add.f32 [tilespmem:s31], [sflag:$0x3], $0x80, s26, s21, $0xb8;
	v63 =	vld [tilespmem:$0x0]  }
0x99: {  	_ =	swait.ge @!p2 [sflag:s9], $0x4000  }
0x9a: {  	[sflag:s9] =	ssyncset.done @!p2 $0x0  }
0x9b: {  	s12 =	sadd.s32 s1, s17;
	s10 =	rddreg [dreg:$0x8];
	[sflag:s9] =	ssyncadd.s32 @!p2 $0xFFFFC000  }
0x9c: {  	[tilespmem:s25], [sflag:$0x3] =	stream.linear.gather [hbm4b:s12+s5], $0x80, $0x38;
	v63 =	vld [tilespmem:$0x0]  }
0x9d: {  	s13 =	sadd.s32 s1, s10  }
0x9e: {  	[tilespmem:s26], [sflag:$0x3] =	stream.linear.gather [hbm4b:s13+s5], $0x80, $0x38;
	v63 =	vld [tilespmem:$0x0]  }
0x9f: {  	_ =	swait.ge [sflag:s28], $0x80  }
0xa0: {  	[sflag:s28] =	ssyncset.done $0x0  }
0xa1: {  	[sflag:s28] =	ssyncadd.s32 $0xFFFFFF80  }
0xa2: {  	_ =	swait.ge [sflag:s28], $0x80  }
0xa3: {  	[sflag:s28] =	ssyncset.done $0x0  }
0xa4: {  	[sflag:s28] =	ssyncadd.s32 $0xFFFFFF80  }
0xa5: {  	[tilespmem:s29], [sflag:$0x2] =	stream.indirect.gather [hbm4b:s0+s21], $0x80, s21, s21, $0xb8;
	v63 =	vld [tilespmem:$0x0]  }
0xa6: {  	_ =	swait.ge [sflag:s23], $0x4000  }
0xa7: {  	[sflag:s23] =	ssyncset.done $0x0  }
0xa8: {  	p1 =	seq.s32 s1, $0x960;
	[sflag:s23] =	ssyncadd.s32 $0xFFFFC000  }
0xa9: {  	[spmem:s4] =	stream.indirect.scatter.add.f32 [tilespmem:s24], [sflag:$0x1], $0x80, s20, s21, $0xb8;
	v63 =	vld [tilespmem:$0x0]  }
0xaa: {  	s6 =	sshrl.u32 @!p1 s6, $0x3;
	_ =	swait.ge [sflag:s23], $0x4000  }
0xab: {  	s6 =	sadd.s32 @!p1 s2, s6;
	[sflag:s23] =	ssyncset.done $0x0  }
0xac: {  	s10 =	simm.s32 @!p1 $0x0;
	s9 =	rddreg [dreg:$0x7];
	[sflag:s23] =	ssyncadd.s32 $0xFFFFC000  }
0xad: {  	[tilespmem:s10], [sflag:$0x1] =	stream.linear.gather @!p1 [hbm4b:s6+s10], $0x80, $0x38;
	v63 =	vld [tilespmem:$0x0]  }
0xae: {  	s6 =	sadd.s32 @!p1 s1, s9;
	s9 =	simm.s32 @!p1 $0x200  }
0xaf: {  	[tilespmem:s9], [sflag:$0x1] =	stream.linear.gather @!p1 [hbm4b:s6+s10], $0x80, $0x38;
	v63 =	vld [tilespmem:$0x0]  }
0xb0: {  	_ =	swait.ge [sflag:s30], $0x80  }
0xb1: {  	[sflag:s30] =	ssyncset.done $0x0  }
0xb2: {  	[sflag:s30] =	ssyncadd.s32 $0xFFFFFF80  }
0xb3: {  	_ =	swait.ge [sflag:s30], $0x80  }
0xb4: {  	[sflag:s30] =	ssyncset.done $0x0  }
0xb5: {  	[sflag:s30] =	ssyncadd.s32 $0xFFFFFF80  }
0xb6: {  	[tilespmem:s31], [sflag:$0x3] =	stream.indirect.gather [hbm4b:s0+s21], $0x80, s25, s21, $0xb8;
	v63 =	vld [tilespmem:$0x0]  }
0xb7: {  	_ =	swait.ge [sflag:s28], $0x4000  }
0xb8: {  	[sflag:s28] =	ssyncset.done $0x0  }
0xb9: {  	[sflag:s28] =	ssyncadd.s32 $0xFFFFC000  }
0xba: {  	[spmem:s4] =	stream.indirect.scatter.add.f32 [tilespmem:s29], [sflag:$0x2], $0x80, s22, s21, $0xb8;
	v63 =	vld [tilespmem:$0x0]  }
0xbb: {  	_ =	swait.ge [sflag:s28], $0x4000  }
0xbc: {  	s11 =	simm.s32 @!p1 $0x80;
	s6 =	rddreg [dreg:$0x6];
	[sflag:s28] =	ssyncset.done $0x0  }
0xbd: {  	s9 =	rddreg [dreg:$0x5];
	[sflag:s28] =	ssyncadd.s32 $0xFFFFC000;
	s6 =	sadd.s32 @!p1 s1, s6  }
0xbe: {  	[tilespmem:s11], [sflag:$0x2] =	stream.linear.gather @!p1 [hbm4b:s6+s10], $0x80, $0x38;
	v63 =	vld [tilespmem:$0x0]  }
0xbf: {  	s1 =	sadd.s32 @!p1 s1, s9;
	s9 =	simm.s32 @!p1 $0x1;
	s6 =	simm.s32 @!p1 $0x280  }
0xc0: {  	[tilespmem:s6], [sflag:$0x2] =	stream.linear.gather @!p1 [hbm4b:s1+s10], $0x80, $0x38;
	v63 =	vld [tilespmem:$0x0]  }
0xc1: {  	_ =	swait.ge @!p1 [sflag:s9], $0x80  }
0xc2: {  	[sflag:s9] =	ssyncset.done @!p1 $0x0  }
0xc3: {  	[sflag:s9] =	ssyncadd.s32 @!p1 $0xFFFFFF80  }
0xc4: {  	_ =	swait.ge @!p1 [sflag:s9], $0x80  }
0xc5: {  	[sflag:s9] =	ssyncset.done @!p1 $0x0  }
0xc6: {  	s1 =	simm.s32 @!p1 $0x400;
	[sflag:s9] =	ssyncadd.s32 @!p1 $0xFFFFFF80  }
0xc7: {  	[tilespmem:s1], [sflag:$0x1] =	stream.indirect.gather @!p1 [hbm4b:s0+s11], $0x80, s10, s11, $0xb8;
	v63 =	vld [tilespmem:$0x0]  }
0xc8: {  	_ =	swait.ge [sflag:s30], $0x4000  }
0xc9: {  	[sflag:s30] =	ssyncset.done $0x0  }
0xca: {  	[sflag:s30] =	ssyncadd.s32 $0xFFFFC000  }
0xcb: {  	[spmem:s4] =	stream.indirect.scatter.add.f32 [tilespmem:s31], [sflag:$0x3], $0x80, s26, s21, $0xb8;
	v63 =	vld [tilespmem:$0x0]  }
0xcc: {  	_ =	swait.ge [sflag:s30], $0x4000  }
0xcd: {  	[sflag:s30] =	ssyncset.done $0x0  }
0xce: {  	s1 =	simm.s32 @!p0 $0x0;
	s6 =	rddreg [dreg:$0xd];
	[sflag:s30] =	ssyncadd.s32 $0xFFFFC000  }
0xcf: {  	[tilespmem:s1], [sflag:$0x1] =	stream.linear.gather @!p0 [hbm4b:s6+s1], $0x80, $0x38;
	v63 =	vld [tilespmem:$0x0]  }
0xd0: {  	s9 =	rddreg [dreg:$0xe];
	s6 =	simm.s32 @!p0 $0x200  }
0xd1: {  	[tilespmem:s6], [sflag:$0x1] =	stream.linear.gather @!p0 [hbm4b:s9+s1], $0x80, $0x38;
	v63 =	vld [tilespmem:$0x0]  }
0xd2: {  	s9 =	simm.s32 @!p0 $0x1  }
0xd3: {  	_ =	swait.ge @!p0 [sflag:s9], $0x80  }
0xd4: {  	[sflag:s9] =	ssyncset.done @!p0 $0x0  }
0xd5: {  	[sflag:s9] =	ssyncadd.s32 @!p0 $0xFFFFFF80  }
0xd6: {  	_ =	swait.ge @!p0 [sflag:s9], $0x80  }
0xd7: {  	[sflag:s9] =	ssyncset.done @!p0 $0x0  }
0xd8: {  	s10 =	simm.s32 @!p0 $0x80;
	s11 =	simm.s32 @!p0 $0x400;
	[sflag:s9] =	ssyncadd.s32 @!p0 $0xFFFFFF80  }
0xd9: {  	[tilespmem:s11], [sflag:$0x1] =	stream.indirect.gather @!p0 [hbm4b:s0+s10], $0x80, s1, s10, $0xb8;
	v63 =	vld [tilespmem:$0x0]  }
0xda: {  	_ =	swait.ge @!p0 [sflag:s9], $0x4000  }
0xdb: {  	[sflag:s9] =	ssyncset.done @!p0 $0x0  }
0xdc: {  	[sflag:s9] =	ssyncadd.s32 @!p0 $0xFFFFC000  }
0xdd: {  	[spmem:s4] =	stream.indirect.scatter.add.f32 @!p0 [tilespmem:s11], [sflag:$0x1], $0x80, s6, s10, $0xb8;
	v63 =	vld [tilespmem:$0x0]  }
0xde: {  	_ =	swait.ge @!p0 [sflag:s9], $0x4000  }
0xdf: {  	[sflag:s9] =	ssyncset.done @!p0 $0x0  }
0xe0: {  	s3 =	sadd.s32 $0x1, s3;
	[sflag:s9] =	ssyncadd.s32 @!p0 $0xFFFFC000  }
0xe1: {  	p1 =	sne.s32 s3, s15;
	[bflag:$0x0] =	sbarrier.arrive $0xFFFF  }
.Ltmp1:
0xe2: {  	s14 =	rddreg [dreg:$0xf];
	(pc) =	sbr.rel @p1 .LBB2_1-.Ltmp1, $4  }
0xe3: {  	[hbm:s14], [sflag:s7] =	dma.local [spmem:s18], $0x2780  }
0xe4: {  	_ =	swait.ge [sflag:s19], $0x2780  }
0xe5: {  	[sflag:s19] =	ssyncset.done $0x0  }
0xe6: {  	[sflag:s19] =	ssyncadd.s32 $0xFFFFD880  }
0xe7: {  	_ =	sfence.sel $0x180000  }
0xe8: {  	[bflag:$0x0] =	sbarrier.arrive $0xFFFF  }
0xe9: {  	_ =	strace $0x9000004A  }
0xea: {  	s0 =	stileid.u32;
	[bflag:$0x2] =	sbarrier.arrive $0xFFFF  }
0xeb: {  	p0 =	sne.s32 s0, $0x0;
	s0 =	rddreg [dreg:$0x4]  }
0xec: {  	s0 =	sadd.s32 @!p0 $0x100000, s0  }
0xed: {  	[sflag:s0] =	ssyncadd.tile.s32 @!p0 $0x1;
	_ =	shalt  }
.Lfunc_end2:
_tile_overlayer_lowered:
.L_overlay_start_2:
0xee: {  	(tag) =	ssettag $0x2  }
0xef: {  	s0 =	rddreg [dreg:$0x0];
	s2 =	stileid.u32  }
0xf0: {  	s1 =	rddreg [dreg:$0x1];
	p0 =	sne.s32 s2, $0x0  }
0xf1: {  	s3 =	rddreg [dreg:$0x2];
	[bflag:$0x3] =	sbarrier.arrive $0xFFFF;
	s2 =	simm.s32 @!p0 $0x1C04  }
0xf2: {  	[timem:s3], [sflag:s2] =	dma.local @!p0 [hbm:s0], s1  }
0xf3: {  	s0 =	simm.s32 @!p0 $0x4  }
0xf4: {  	_ =	swait.ge @!p0 [sflag:s0], s1  }
0xf5: {  	s1 =	ssub.s32 @!p0 $0x0, s1;
	[sflag:s0] =	ssyncset.done @!p0 $0x0  }
0xf6: {  	[sflag:s0] =	ssyncadd.s32 @!p0 s1  }
0xf7: {  	[bflag:$0x3] =	sbarrier.arrive $0xFFFF  }
0xf8: {  	_ =	shalt  }

// kernel: kernel.14.cloned.1.call-start
scs
__scs_entry_jumppad:
0x0: {  	(pc) =	sbr.rel $0x88, $3  }
0x1: {  	(tag) =	ssettag $0x0;
	lr =	simm.s32 $0x1  }
0x2: {  	[smem:$0x3F93] =	sst lr;
	_ =	strace $0xD0000000  }
0x3: {  	_ = 	snop  }
0x4: {  	_ = 	snop  }
0x5: {  	_ = 	snop  }
0x6: {  	_ = 	snop  }
0x7: {  	_ = 	snop  }
__scs_overlays_trampoline_lowered:
0x8: {  	[smem:$0x3FA2] =	sst s0  }
0x9: {  	[smem:$0x3FA3] =	sst s1  }
0xa: {  	[smem:$0x3FA4] =	sst s2  }
0xb: {  	[smem:$0x3FA5] =	sst s3  }
0xc: {  	[smem:$0x3FA6] =	sst s4  }
0xd: {  	[smem:$0x3FA7] =	sst s5  }
0xe: {  	[smem:$0x3FA8] =	sst s6  }
0xf: {  	[smem:$0x3FA9] =	sst s7  }
0x10: {  	[smem:$0x3FAA] =	sst s8  }
0x11: {  	[smem:$0x3FAB] =	sst s9;
	s0 =	simm.s32 @!p0 $0x0  }
0x12: {  	s1 =	sld [smem:$0x3F91];
	s0 =	simm.s32 @p0 $0x1  }
0x13: {  	[smem:$0x3FAC] =	sst s0;
	s0 =	simm.s32 @!p1 $0x0  }
0x14: {  	s2 =	sld [smem:$0x3F90];
	s0 =	simm.s32 @p1 $0x1  }
0x15: {  	[smem:$0x3FAD] =	sst s0;
	s0 =	simm.s32 @!p2 $0x0  }
0x16: {  	s3 =	sld [smem:$0x3FDB];
	s0 =	simm.s32 @p2 $0x1  }
0x17: {  	s4 =	simm.s32 $0x1BF5;
	[smem:$0x3FAF] =	sst s0  }
0x18: {  	s0 =	sld [smem:$0x3F92];
	_ =	swait.ge [sflag:s4], $0x0  }
0x19: {  	s7 =	sld [smem:$0x3F93]  }
0x1a: {  	s8 =	sadd.s32 $0xFFFFE003, lr  }
0x1b: {  	s9 =	sadd.s32 $0xFFFFFEF7, lr;
	s5 =	simm.s32 $0xFFFFFFFF;
	p2 =	slt.u32 s8, $0xFFFFF086  }
0x1c: {  	p1 =	slt.u32 s9, $0xF7A;
	s5 =	simm.s32 @!p2 $0x0  }
0x1d: {  	s5 =	simm.s32 @p1 $0x1;
	p0 =	seq.s32 s7, s2  }
0x1e: {  	s7 =	smul.u32 @!p0 $0xF7A, s2;
	p2 =	seq.s32 @!p0 s5, $0x0  }
0x1f: {  	s9 =	smul.u32 $0xF7A, s1;
	s8 =	simm.s32 @!p0 $0x1BF5;
	p2 =	por !p2, p0  }
0x20: {  	[sflag:s8] =	ssyncset.s32 @!p0 $0xFFFFF086;
	s6 =	sadd.s32 @!p0 s3, s7;
	s7 =	simm.s32 @!p0 $0x108  }
0x21: {  	s3 =	sadd.s32 s3, s9;
	s6 =	sadd.s32 @!p0 $0x88, s6;
	s7 =	simm.s32 @p2 $0x1082  }
0x22: {  	[simem:s7], [sflag:s8] =	dma.local @!p0 [hbm:s6], $0xF7A  }
0x23: {  	s9 =	sor.u32 $0xD0000000, s2;
	s6 =	simm.s32 $0x108;
	_ =	swait.ge @!p0 [sflag:s8], $0x0  }
0x24: {  	s3 =	sadd.s32 $0x88, s3;
	s6 =	simm.s32 @!p1 $0x1082;
	[sflag:s4] =	ssyncset.s32 $0xFFFFF086  }
0x25: {  	[simem:s6], [sflag:s4] =	dma.local [hbm:s3], $0xF7A  }
0x26: {  	[smem:$0x3F93] =	sst s1;
	(tag) =	ssettag s2;
	_ =	strace s9  }
0x27: {  	s1 =	sld [smem:$0x3FA3]  }
0x28: {  	s2 =	sld [smem:$0x3FA4]  }
0x29: {  	s4 =	sld [smem:$0x3FA6]  }
0x2a: {  	p0 =	seq.s32 s5, $0x0;
	s5 =	sld [smem:$0x3FA7]  }
0x2b: {  	s6 =	sld [smem:$0x3FA8]  }
0x2c: {  	s7 =	sld [smem:$0x3FA9]  }
0x2d: {  	s3 =	simm.s32 $0x108;
	s8 =	sld [smem:$0x3FAA]  }
0x2e: {  	s3 =	simm.s32 @!p0 $0x1082;
	s9 =	sld [smem:$0x3FAB]  }
0x2f: {  	lr =	sadd.s32 s0, s3;
	s0 =	sld [smem:$0x3FA2]  }
0x30: {  	s3 =	sld [smem:$0x3FA5]  }
0x31: {  	[smem:$0x3FAE] =	sst s10  }
0x32: {  	s10 =	sld [smem:$0x3FAC];
	_ =	sdelay $0x3  }
0x33: {  	p0 =	seq.s32 s10, $0x1;
	s10 =	sld [smem:$0x3FAE];
	_ =	sdelay $0x3  }
0x34: {  	[smem:$0x3FAE] =	sst s10  }
0x35: {  	s10 =	sld [smem:$0x3FAD];
	_ =	sdelay $0x3  }
0x36: {  	p1 =	seq.s32 s10, $0x1;
	s10 =	sld [smem:$0x3FAE];
	_ =	sdelay $0x3  }
0x37: {  	[smem:$0x3FAE] =	sst s10  }
0x38: {  	s10 =	sld [smem:$0x3FAF]  }
0x39: {  	_ = 	snop;
	(pc) =	sbr.ind lr, $3  }
0x3a: {  	_ = 	snop  }
0x3b: {  	_ = 	snop  }
0x3c: {  	p2 =	seq.s32 s10, $0x1;
	s10 =	sld [smem:$0x3FAE]  }
0x3d: {  	_ =	shalt  }
0x3e: {  	_ =	shalt  }
0x3f: {  	_ =	shalt  }
0x40: {  	_ =	shalt  }
0x41: {  	_ =	shalt  }
0x42: {  	_ =	shalt  }
0x43: {  	_ =	shalt  }
0x44: {  	_ =	shalt  }
0x45: {  	_ =	shalt  }
0x46: {  	_ =	shalt  }
0x47: {  	_ =	shalt  }
0x48: {  	_ =	shalt  }
0x49: {  	_ =	shalt  }
0x4a: {  	_ =	shalt  }
0x4b: {  	_ =	shalt  }
0x4c: {  	_ =	shalt  }
0x4d: {  	_ =	shalt  }
0x4e: {  	_ =	shalt  }
0x4f: {  	_ =	shalt  }
0x50: {  	_ =	shalt  }
0x51: {  	_ =	shalt  }
0x52: {  	_ =	shalt  }
0x53: {  	_ =	shalt  }
0x54: {  	_ =	shalt  }
0x55: {  	_ =	shalt  }
0x56: {  	_ =	shalt  }
0x57: {  	_ =	shalt  }
0x58: {  	_ =	shalt  }
0x59: {  	_ =	shalt  }
0x5a: {  	_ =	shalt  }
0x5b: {  	_ =	shalt  }
0x5c: {  	_ =	shalt  }
0x5d: {  	_ =	shalt  }
0x5e: {  	_ =	shalt  }
0x5f: {  	_ =	shalt  }
0x60: {  	_ =	shalt  }
0x61: {  	_ =	shalt  }
0x62: {  	_ =	shalt  }
0x63: {  	_ =	shalt  }
0x64: {  	_ =	shalt  }
0x65: {  	_ =	shalt  }
0x66: {  	_ =	shalt  }
0x67: {  	_ =	shalt  }
0x68: {  	_ =	shalt  }
0x69: {  	_ =	shalt  }
0x6a: {  	_ =	shalt  }
0x6b: {  	_ =	shalt  }
0x6c: {  	_ =	shalt  }
0x6d: {  	_ =	shalt  }
0x6e: {  	_ =	shalt  }
0x6f: {  	_ =	shalt  }
0x70: {  	_ =	shalt  }
0x71: {  	_ =	shalt  }
0x72: {  	_ =	shalt  }
0x73: {  	_ =	shalt  }
0x74: {  	_ =	shalt  }
0x75: {  	_ =	shalt  }
0x76: {  	_ =	shalt  }
0x77: {  	_ =	shalt  }
0x78: {  	_ =	shalt  }
0x79: {  	_ =	shalt  }
0x7a: {  	_ =	shalt  }
0x7b: {  	_ =	shalt  }
0x7c: {  	_ =	shalt  }
0x7d: {  	_ =	shalt  }
0x7e: {  	_ =	shalt  }
0x7f: {  	_ =	shalt  }
0x80: {  	_ =	shalt  }
0x81: {  	_ =	shalt  }
0x82: {  	_ =	shalt  }
0x83: {  	_ =	shalt  }
0x84: {  	_ =	shalt  }
0x85: {  	_ =	shalt  }
0x86: {  	_ =	shalt  }
0x87: {  	_ =	shalt  }
.Lfunc_end0:
.L_simem_size_0:
called_computation.2_lowered:
.L_overlay_start_0:
0x88: {  	s2 =	sld [smem:$0x3FD9]  }
0x89: {  	s3 =	sld [smem:$0x3FFE];
	_ =	sdelay $0x1  }
0x8a: {  	s1 =	srdreg.scid  }
0x8b: {  	s0 =	sand.u32 $0x1, s1  }
0x8c: {  	s17 =	sshll.u32 s0, $0xA;
	s2 =	sadd.s32 s3, s2  }
0x8d: {  	s2 =	sadd.s32 s2, s17  }
0x8e: {  	[smem:$0x3FBA] =	sst s2  }
0x8f: {  	_ = 	snop  }
0x90: {  	s2 =	sld [smem:$0x3FC8]  }
0x91: {  	s18 =	sld [smem:$0x3FD0];
	(tm) =	ssettm $0x1  }
0x92: {  	s4 =	sld [smem:$0x3FFB];
	_ =	sdelay $0x3  }
0x93: {  	_ =	strace s4  }
0x94: {  	s4 =	sld [smem:$0x3FFC];
	_ =	sdelay $0x3  }
0x95: {  	_ =	strace s4  }
0x96: {  	s4 =	sld [smem:$0x3FFD];
	_ =	sdelay $0x3  }
0x97: {  	_ =	strace s4  }
0x98: {  	_ =	strace $0x8FFFFFFF  }
0x99: {  	s19 =	sld [smem:$0x3FDB];
	_ =	sdelay $0x1  }
0x9a: {  	s5 =	simm.s32 $_scs_section_size  }
0x9b: {  	s6 =	simm.s32 $_size__tile_overlayer_lowered;
	s7 =	simm.s32 $_tile_overlayer_lowered  }
0x9c: {  	s22 =	simm.s32 $0x1BFF;
	s21 =	sshll.u32 s7, $0x1;
	s4 =	sadd.s32 s5, s19  }
0x9d: {  	s8 =	simm.s32 $0x0;
	s20 =	sshll.u32 s6, $0x1;
	s6 =	sadd.s32 s21, s4  }
0x9e: {  	[timem:s8], [sflag:s22] =	dma.local [hbm:s6], s20  }
0x9f: {  	_ =	swait.ge [sflag:s22], s20  }
0xa0: {  	s5 =	ssub.s32 $0x0, s20;
	[sflag:s22] =	ssyncset.done $0x0  }
0xa1: {  	[sflag:s22] =	ssyncadd.s32 s5;
	_ =	sdelay $0x1  }
0xa2: {  	s23 =	simm.s32 $0x1B8B  }
0xa3: {  	_ =	swait.ge [sflag:s23], $0x1  }
0xa4: {  	[sflag:s23] =	ssyncset.done $0x0  }
0xa5: {  	s25 =	simm.s32 $0x1B8E;
	s24 =	sld [smem:$0x3FFE];
	[sflag:s23] =	ssyncadd.s32 $0xFFFFFFFF  }
0xa6: {  	s26 =	simm.s32 $execute0_lowered;
	[smem:$0x3FD2] =	sst s25  }
0xa7: {  	s6 =	sshll.u32 s26, $0x1;
	_ =	strace $0x8000004C;
	[dreg:$0x1] =	wrdreg $0xFFFFFFFF  }
0xa8: {  	s28 =	simm.s32 $_size_execute0_lowered;
	s4 =	sadd.s32 s4, s6;
	[dreg:$0x0] =	wrdreg $0x0  }
0xa9: {  	s6 =	sshll.u32 s28, $0x1;
	[dreg:$0x2] =	wrdreg s4  }
0xaa: {  	[dreg:$0x3] =	wrdreg s6  }
0xab: {  	[dreg:$0x4] =	wrdreg $0xC0  }
0xac: {  	_ =	task [dreg:s8], $0x5FFFF  }
0xad: {  	[dreg:$0x1] =	wrdreg $0xFFFFFFFF  }
0xae: {  	[dreg:$0x0] =	wrdreg $0x60  }
0xaf: {  	[dreg:$0x2] =	wrdreg s18  }
0xb0: {  	[dreg:$0x3] =	wrdreg s2  }
0xb1: {  	[dreg:$0x4] =	wrdreg s24  }
0xb2: {  	[dreg:$0x5] =	wrdreg $0xC4000  }
0xb3: {  	[dreg:$0x6] =	wrdreg $0x9  }
0xb4: {  	_ =	task.clear_ibuf [dreg:s8], $0x7FFFF;
	_ =	strace $0x9000004C  }
0xb5: {  	s29 =	simm.s32 $0x9;
	_ =	strace $0x8000004E  }
0xb6: {  	_ =	swait.ge [sflag:s29], $0x1  }
0xb7: {  	[sflag:s29] =	ssyncadd.s32 $0xFFFFFFFF  }
0xb8: {  	_ =	strace $0x9000004E  }
0xb9: {  	_ =	sfence  }
0xba: {  	s30 =	sld [smem:$0x0];
	_ =	sdelay $0x2  }
0xbb: {  	s31 =	sshll.u32 s1, $0xD;
	s1 =	sshrl.u32 s1, $0x2  }
0xbc: {  	s3 =	sand.u32 $0x4000, s31;
	s1 =	sadd.s32 s1, s30  }
0xbd: {  	s0 =	sor.u32 s3, s0;
	s1 =	sshll.u32 s1, $0x11  }
0xbe: {  	s0 =	sor.u32 s1, s0  }
0xbf: {  	s0 =	sadd.s32 $0x8F2B, s0  }
0xc0: {  	[sflag:s0] =	ssyncadd.remote.s32 $0x1  }
0xc1: {  	_ =	sfence.sel $0xFFFF  }
0xc2: {  	[dreg:$0x0] =	wrdreg $0xFFFFFFFF;
	(pc) =	sbr.abs _section_cstart, $3  }
0xc3: {  	[dreg:$0x1] =	wrdreg $0xFFFFFFFF  }
0xc4: {  	_ =	task.clear_ibuf [dreg:s8], $0x2FFFF;
	_ =	strace $0x9FFFFFFF  }
0xc5: {  	(tm) =	ssettm $0x7FFFFFFF  }
tec
execute0_lowered:
.L_overlay_start_1:
0x0: {  	(tag) =	ssettag $0x1  }
0x1: {  	s0 =	rddreg [dreg:$0x0]  }
0x2: {  	s2 =	rddreg [dreg:$0x1]  }
0x3: {  	s1 =	srdreg.scid;
	s3 =	rddreg [dreg:$0x2]  }
0x4: {  	s12 =	stileid.u32;
	s4 =	rddreg [dreg:$0x3];
	s5 =	simm.s32 $0x0  }
0x5: {  	s28 =	simm.s32 $0x2;
	s29 =	simm.s32 $0x4400;
	s7 =	smul.u32 $0x13C00, s12  }
0x6: {  	s30 =	simm.s32 $0x3;
	s31 =	simm.s32 $0x8400;
	s8 =	smul.u32 $0x4F000, s12  }
0x7: {  	s1 =	sand.u32 $0x1, s1;
	[smem:$0x7FF] =	sst s5;
	s11 =	smul.u32 $0x4E00, s12  }
0x8: {  	s19 =	sadd.s32 $0x3400, s3;
	s24 =	sshll.u32 s12, $0x6;
	s6 =	smul.u32 $0x13C000, s1  }
0x9: {  	_ =	strace $0x8000004D;
	[dreg:$0x9] =	wrdreg s19;
	s20 =	ssub.s32 $0x2, s1  }
0xa: {  	s9 =	sshll.u32 s1, $0x4;
	s1 =	smul.u32 $0x4E000, s1;
	s21 =	sshrl.u32 s20, $0x1  }
0xb: {  	s9 =	sor.u32 s12, s9;
	s22 =	sshrl.u32 s8, $0x2;
	s12 =	sshll.u32 s12, $0x5  }
0xc: {  	s6 =	sadd.s32 s7, s6;
	s23 =	smul.u32 $0x9C0, s9;
	s10 =	sadd.s32 s22, s4  }
0xd: {  	s7 =	sor.u32 $0x1C04, s24;
	s12 =	sadd.s32 s12, s2;
	s1 =	sadd.s32 s11, s1  }
0xe: {  	p0 =	sgt.u32 s9, $0x3;
	s6 =	sshrl.u32 s6, $0x3;
	s14 =	sadd.s32 $0x13800, s12  }
0xf: {  	s15 =	sadd.s32 $0x13810, s12;
	s16 =	sadd.s32 $0x480, s1;
	s18 =	sadd.s32 $0x400, s1  }
0x10: {  	s24 =	sadd.s32 $0x200, s1;
	s3 =	sadd.s32 s6, s3;
	[dreg:$0xd] =	wrdreg s14  }
0x11: {  	s6 =	ssub.s32 s20, s21;
	s8 =	sadd.s32 s2, s23;
	[dreg:$0xe] =	wrdreg s15  }
0x12: {  	s17 =	sshrl.u32 s16, $0x3;
	s19 =	sshrl.u32 s18, $0x3;
	s21 =	sadd.s32 $0x380, s1  }
0x13: {  	s23 =	sadd.s32 $0x280, s1;
	s16 =	sadd.s32 $0x300, s1;
	s18 =	sshrl.u32 s10, $0x3  }
0x14: {  	s13 =	sadd.s32 $0x10, s8;
	s25 =	sadd.s32 $0x20, s8;
	s26 =	sadd.s32 $0x30, s8  }
0x15: {  	s3 =	sadd.s32 $0x5C00, s3;
	s15 =	smax.u32 s6, $0x1;
	[dreg:$0xa] =	wrdreg s13  }
0x16: {  	s20 =	sadd.s32 s19, s2;
	s22 =	sshrl.u32 s21, $0x3;
	[dreg:$0xb] =	wrdreg s25  }
0x17: {  	s6 =	sshrl.u32 s23, $0x3;
	s19 =	simm.s32 $0x4;
	[dreg:$0xc] =	wrdreg s26  }
0x18: {  	s21 =	simm.s32 $0x80;
	s23 =	simm.s32 $0x1;
	[dreg:$0xf] =	wrdreg s3  }
0x19: {  	s3 =	sadd.s32 s17, s2;
	[dreg:$0x6] =	wrdreg s20;
	s25 =	sadd.s32 s6, s2  }
0x1a: {  	s26 =	sshrl.u32 s24, $0x3;
	s20 =	simm.s32 $0x200;
	[dreg:$0x5] =	wrdreg s3  }
0x1b: {  	s24 =	simm.s32 $0x400;
	s3 =	sadd.s32 s22, s2;
	[dreg:$0x8] =	wrdreg s25  }
0x1c: {  	s17 =	sadd.s32 s26, s2;
	s22 =	simm.s32 $0x280;
	s25 =	simm.s32 $0x100  }
0x1d: {  	s26 =	simm.s32 $0x300;
	[dreg:$0x7] =	wrdreg s3;
	s3 =	simm.s32 $0x0  }
.LBB2_1:
0x1e: {  	s1 =	rddreg [dreg:$0x9]  }
0x1f: {  	[spmem:s18], [sflag:s7] =	dma.local [hbm:s1], $0x2780  }
0x20: {  	_ =	swait.ge [sflag:s19], $0x2780  }
0x21: {  	[sflag:s19] =	ssyncset.done $0x0  }
0x22: {  	[sflag:s19] =	ssyncadd.s32 $0xFFFFD880  }
0x23: {  	[bflag:$0x0] =	sbarrier.arrive $0xFFFF  }
0x24: {  	[tilespmem:s5], [sflag:$0x1] =	stream.linear.gather [hbm4b:s8+s5], $0x80, $0x38;
	v63 =	vld [tilespmem:$0x0]  }
0x25: {  	s10 =	rddreg [dreg:$0xa]  }
0x26: {  	[tilespmem:s20], [sflag:$0x1] =	stream.linear.gather [hbm4b:s10+s5], $0x80, $0x38;
	v63 =	vld [tilespmem:$0x0]  }
0x27: {  	s11 =	rddreg [dreg:$0xb]  }
0x28: {  	[tilespmem:s21], [sflag:$0x2] =	stream.linear.gather [hbm4b:s11+s5], $0x80, $0x38;
	v63 =	vld [tilespmem:$0x0]  }
0x29: {  	s12 =	rddreg [dreg:$0xc]  }
0x2a: {  	[tilespmem:s22], [sflag:$0x2] =	stream.linear.gather [hbm4b:s12+s5], $0x80, $0x38;
	v63 =	vld [tilespmem:$0x0]  }
0x2b: {  	_ =	swait.ge [sflag:s23], $0x80  }
0x2c: {  	[sflag:s23] =	ssyncset.done $0x0  }
0x2d: {  	[sflag:s23] =	ssyncadd.s32 $0xFFFFFF80  }
0x2e: {  	_ =	swait.ge [sflag:s23], $0x80  }
0x2f: {  	p1 =	por $0x1, $0x1;
	[sflag:s23] =	ssyncset.done $0x0  }
0x30: {  	s1 =	simm.s32 @!p1 $0x3;
	[sflag:s23] =	ssyncadd.s32 $0xFFFFFF80  }
0x31: {  	[tilespmem:s24], [sflag:$0x1] =	stream.indirect.gather [hbm4b:s0+s21], $0x80, s5, s21, $0xb8;
	v63 =	vld [tilespmem:$0x0]  }
0x32: {  	_ =	swait.ge @!p1 [sflag:s1], $0x4000  }
0x33: {  	[sflag:s1] =	ssyncset.done @!p1 $0x0  }
0x34: {  	s13 =	sadd.s32 $0x0, s17;
	s6 =	rddreg [dreg:$0x8];
	[sflag:s1] =	ssyncadd.s32 @!p1 $0xFFFFC000  }
0x35: {  	[tilespmem:s25], [sflag:$0x3] =	stream.linear.gather [hbm4b:s13+s5], $0x80, $0x38;
	v63 =	vld [tilespmem:$0x0]  }
0x36: {  	s14 =	sadd.s32 $0x0, s6  }
0x37: {  	[tilespmem:s26], [sflag:$0x3] =	stream.linear.gather [hbm4b:s14+s5], $0x80, $0x38;
	v63 =	vld [tilespmem:$0x0]  }
0x38: {  	_ =	swait.ge [sflag:s28], $0x80  }
0x39: {  	[sflag:s28] =	ssyncset.done $0x0  }
0x3a: {  	[sflag:s28] =	ssyncadd.s32 $0xFFFFFF80  }
0x3b: {  	_ =	swait.ge [sflag:s28], $0x80  }
0x3c: {  	[sflag:s28] =	ssyncset.done $0x0  }
0x3d: {  	[sflag:s28] =	ssyncadd.s32 $0xFFFFFF80  }
0x3e: {  	[tilespmem:s29], [sflag:$0x2] =	stream.indirect.gather [hbm4b:s0+s21], $0x80, s21, s21, $0xb8;
	v63 =	vld [tilespmem:$0x0]  }
0x3f: {  	_ =	swait.ge [sflag:s23], $0x4000  }
0x40: {  	[sflag:s23] =	ssyncset.done $0x0  }
0x41: {  	[sflag:s23] =	ssyncadd.s32 $0xFFFFC000  }
0x42: {  	[spmem:s4] =	stream.indirect.scatter.add.f32 [tilespmem:s24], [sflag:$0x1], $0x80, s20, s21, $0xb8;
	v63 =	vld [tilespmem:$0x0]  }
0x43: {  	p1 =	por $0x0, $0x0;
	_ =	swait.ge [sflag:s23], $0x4000  }
0x44: {  	s1 =	sshrl.u32 @!p1 s16, $0x3;
	s9 =	simm.s32 @!p1 $0x0;
	[sflag:s23] =	ssyncset.done $0x0  }
0x45: {  	s1 =	sadd.s32 @!p1 s2, s1;
	s6 =	rddreg [dreg:$0x7];
	[sflag:s23] =	ssyncadd.s32 $0xFFFFC000  }
0x46: {  	[tilespmem:s9], [sflag:$0x1] =	stream.linear.gather @!p1 [hbm4b:s1+s9], $0x80, $0x38;
	v63 =	vld [tilespmem:$0x0]  }
0x47: {  	s1 =	sadd.s32 @!p1 $0x0, s6;
	s6 =	simm.s32 @!p1 $0x200  }
0x48: {  	[tilespmem:s6], [sflag:$0x1] =	stream.linear.gather @!p1 [hbm4b:s1+s9], $0x80, $0x38;
	v63 =	vld [tilespmem:$0x0]  }
0x49: {  	_ =	swait.ge [sflag:s30], $0x80  }
0x4a: {  	[sflag:s30] =	ssyncset.done $0x0  }
0x4b: {  	[sflag:s30] =	ssyncadd.s32 $0xFFFFFF80  }
0x4c: {  	_ =	swait.ge [sflag:s30], $0x80  }
0x4d: {  	[sflag:s30] =	ssyncset.done $0x0  }
0x4e: {  	[sflag:s30] =	ssyncadd.s32 $0xFFFFFF80  }
0x4f: {  	[tilespmem:s31], [sflag:$0x3] =	stream.indirect.gather [hbm4b:s0+s21], $0x80, s25, s21, $0xb8;
	v63 =	vld [tilespmem:$0x0]  }
0x50: {  	_ =	swait.ge [sflag:s28], $0x4000  }
0x51: {  	[sflag:s28] =	ssyncset.done $0x0  }
0x52: {  	[sflag:s28] =	ssyncadd.s32 $0xFFFFC000  }
0x53: {  	[spmem:s4] =	stream.indirect.scatter.add.f32 [tilespmem:s29], [sflag:$0x2], $0x80, s22, s21, $0xb8;
	v63 =	vld [tilespmem:$0x0]  }
0x54: {  	_ =	swait.ge [sflag:s28], $0x4000  }
0x55: {  	s10 =	simm.s32 @!p1 $0x80;
	s1 =	rddreg [dreg:$0x6];
	[sflag:s28] =	ssyncset.done $0x0  }
0x56: {  	s6 =	rddreg [dreg:$0x5];
	[sflag:s28] =	ssyncadd.s32 $0xFFFFC000;
	s1 =	sadd.s32 @!p1 $0x0, s1  }
0x57: {  	[tilespmem:s10], [sflag:$0x2] =	stream.linear.gather @!p1 [hbm4b:s1+s9], $0x80, $0x38;
	v63 =	vld [tilespmem:$0x0]  }
0x58: {  	s1 =	sadd.s32 @!p1 $0x0, s6;
	s6 =	simm.s32 @!p1 $0x280  }
0x59: {  	[tilespmem:s6], [sflag:$0x2] =	stream.linear.gather @!p1 [hbm4b:s1+s9], $0x80, $0x38;
	v63 =	vld [tilespmem:$0x0]  }
0x5a: {  	s1 =	simm.s32 @!p1 $0x1  }
0x5b: {  	_ =	swait.ge @!p1 [sflag:s1], $0x80  }
0x5c: {  	[sflag:s1] =	ssyncset.done @!p1 $0x0  }
0x5d: {  	[sflag:s1] =	ssyncadd.s32 @!p1 $0xFFFFFF80  }
0x5e: {  	_ =	swait.ge @!p1 [sflag:s1], $0x80  }
0x5f: {  	[sflag:s1] =	ssyncset.done @!p1 $0x0  }
0x60: {  	[sflag:s1] =	ssyncadd.s32 @!p1 $0xFFFFFF80;
	s1 =	simm.s32 @!p1 $0x400  }
0x61: {  	[tilespmem:s1], [sflag:$0x1] =	stream.indirect.gather @!p1 [hbm4b:s0+s10], $0x80, s9, s10, $0xb8;
	v63 =	vld [tilespmem:$0x0]  }
0x62: {  	p2 =	por $0x0, $0x0;
	s6 =	sadd.s32 $0x300, s16;
	_ =	swait.ge [sflag:s30], $0x4000  }
0x63: {  	s1 =	simm.s32 $0x60;
	s9 =	simm.s32 $0xC0;
	[sflag:s30] =	ssyncset.done $0x0  }
.LBB2_2:
0x64: {  	s11 =	simm.s32 @!p2 $0x3;
	[sflag:s30] =	ssyncadd.s32 $0xFFFFC000  }
0x65: {  	[spmem:s4] =	stream.indirect.scatter.add.f32 [tilespmem:s31], [sflag:$0x3], $0x80, s26, s21, $0xb8;
	v63 =	vld [tilespmem:$0x0]  }
0x66: {  	_ =	swait.ge @!p2 [sflag:s11], $0x4000  }
0x67: {  	[sflag:s11] =	ssyncset.done @!p2 $0x0  }
0x68: {  	s13 =	sadd.s32 s1, s17;
	s12 =	rddreg [dreg:$0x8];
	[sflag:s11] =	ssyncadd.s32 @!p2 $0xFFFFC000  }
0x69: {  	[tilespmem:s25], [sflag:$0x3] =	stream.linear.gather [hbm4b:s13+s5], $0x80, $0x38;
	v63 =	vld [tilespmem:$0x0]  }
0x6a: {  	s14 =	sadd.s32 s1, s12  }
0x6b: {  	[tilespmem:s26], [sflag:$0x3] =	stream.linear.gather [hbm4b:s14+s5], $0x80, $0x38;
	v63 =	vld [tilespmem:$0x0]  }
0x6c: {  	_ =	swait.ge [sflag:s28], $0x80  }
0x6d: {  	[sflag:s28] =	ssyncset.done $0x0  }
0x6e: {  	[sflag:s28] =	ssyncadd.s32 $0xFFFFFF80  }
0x6f: {  	_ =	swait.ge [sflag:s28], $0x80  }
0x70: {  	[sflag:s28] =	ssyncset.done $0x0  }
0x71: {  	[sflag:s28] =	ssyncadd.s32 $0xFFFFFF80  }
0x72: {  	[tilespmem:s29], [sflag:$0x2] =	stream.indirect.gather [hbm4b:s0+s21], $0x80, s21, s21, $0xb8;
	v63 =	vld [tilespmem:$0x0]  }
0x73: {  	_ =	swait.ge [sflag:s23], $0x4000  }
0x74: {  	[sflag:s23] =	ssyncset.done $0x0  }
0x75: {  	p2 =	seq.s32 s1, $0x960;
	[sflag:s23] =	ssyncadd.s32 $0xFFFFC000  }
0x76: {  	[spmem:s4] =	stream.indirect.scatter.add.f32 [tilespmem:s24], [sflag:$0x1], $0x80, s20, s21, $0xb8;
	v63 =	vld [tilespmem:$0x0]  }
0x77: {  	s11 =	sshrl.u32 @!p2 s6, $0x3;
	_ =	swait.ge [sflag:s23], $0x4000  }
0x78: {  	s13 =	sadd.s32 @!p2 s2, s11;
	[sflag:s23] =	ssyncset.done $0x0  }
0x79: {  	s11 =	simm.s32 @!p2 $0x0;
	s12 =	rddreg [dreg:$0x7];
	[sflag:s23] =	ssyncadd.s32 $0xFFFFC000  }
0x7a: {  	[tilespmem:s11], [sflag:$0x1] =	stream.linear.gather @!p2 [hbm4b:s13+s11], $0x80, $0x38;
	v63 =	vld [tilespmem:$0x0]  }
0x7b: {  	s12 =	sadd.s32 @!p2 s1, s12;
	s13 =	simm.s32 @!p2 $0x200  }
0x7c: {  	[tilespmem:s13], [sflag:$0x1] =	stream.linear.gather @!p2 [hbm4b:s12+s11], $0x80, $0x38;
	v63 =	vld [tilespmem:$0x0]  }
0x7d: {  	_ =	swait.ge [sflag:s30], $0x80  }
0x7e: {  	[sflag:s30] =	ssyncset.done $0x0  }
0x7f: {  	[sflag:s30] =	ssyncadd.s32 $0xFFFFFF80  }
0x80: {  	_ =	swait.ge [sflag:s30], $0x80  }
0x81: {  	[sflag:s30] =	ssyncset.done $0x0  }
0x82: {  	[sflag:s30] =	ssyncadd.s32 $0xFFFFFF80  }
0x83: {  	[tilespmem:s31], [sflag:$0x3] =	stream.indirect.gather [hbm4b:s0+s21], $0x80, s25, s21, $0xb8;
	v63 =	vld [tilespmem:$0x0]  }
0x84: {  	_ =	swait.ge [sflag:s28], $0x4000  }
0x85: {  	[sflag:s28] =	ssyncset.done $0x0  }
0x86: {  	[sflag:s28] =	ssyncadd.s32 $0xFFFFC000  }
0x87: {  	[spmem:s4] =	stream.indirect.scatter.add.f32 [tilespmem:s29], [sflag:$0x2], $0x80, s22, s21, $0xb8;
	v63 =	vld [tilespmem:$0x0]  }
0x88: {  	_ =	swait.ge [sflag:s28], $0x4000  }
0x89: {  	s14 =	simm.s32 @!p2 $0x80;
	s12 =	rddreg [dreg:$0x6];
	[sflag:s28] =	ssyncset.done $0x0  }
0x8a: {  	s13 =	rddreg [dreg:$0x5];
	[sflag:s28] =	ssyncadd.s32 $0xFFFFC000;
	s12 =	sadd.s32 @!p2 s1, s12  }
0x8b: {  	[tilespmem:s14], [sflag:$0x2] =	stream.linear.gather @!p2 [hbm4b:s12+s11], $0x80, $0x38;
	v63 =	vld [tilespmem:$0x0]  }
0x8c: {  	s1 =	sadd.s32 @!p2 s1, s13;
	s13 =	simm.s32 @!p2 $0x1;
	s12 =	simm.s32 @!p2 $0x280  }
0x8d: {  	[tilespmem:s12], [sflag:$0x2] =	stream.linear.gather @!p2 [hbm4b:s1+s11], $0x80, $0x38;
	v63 =	vld [tilespmem:$0x0]  }
0x8e: {  	_ =	swait.ge @!p2 [sflag:s13], $0x80  }
0x8f: {  	[sflag:s13] =	ssyncset.done @!p2 $0x0  }
0x90: {  	s10 =	smov.u32 s9;
	s9 =	sadd.s32 $0x60, s9;
	[sflag:s13] =	ssyncadd.s32 @!p2 $0xFFFFFF80  }
0x91: {  	p1 =	sne.s32 s9, $0x9C0;
	_ =	swait.ge @!p2 [sflag:s13], $0x80  }
.Ltmp0:
0x92: {  	[sflag:s13] =	ssyncset.done @!p2 $0x0;
	(pc) =	sbr.rel @p1 .LBB2_2-.Ltmp0, $4  }
0x93: {  	s1 =	smov.u32 s10;
	s10 =	simm.s32 @!p2 $0x400;
	[sflag:s13] =	ssyncadd.s32 @!p2 $0xFFFFFF80  }
0x94: {  	[tilespmem:s10], [sflag:$0x1] =	stream.indirect.gather @!p2 [hbm4b:s0+s14], $0x80, s11, s14, $0xb8;
	v63 =	vld [tilespmem:$0x0]  }
0x95: {  	_ =	swait.ge [sflag:s30], $0x4000  }
0x96: {  	s6 =	sadd.s32 $0x300, s6;
	p2 =	seq.s32 s1, $0x0;
	[sflag:s30] =	ssyncset.done $0x0  }
0x97: {  	s9 =	simm.s32 @!p2 $0x3;
	[sflag:s30] =	ssyncadd.s32 $0xFFFFC000  }
0x98: {  	[spmem:s4] =	stream.indirect.scatter.add.f32 [tilespmem:s31], [sflag:$0x3], $0x80, s26, s21, $0xb8;
	v63 =	vld [tilespmem:$0x0]  }
0x99: {  	_ =	swait.ge @!p2 [sflag:s9], $0x4000  }
0x9a: {  	[sflag:s9] =	ssyncset.done @!p2 $0x0  }
0x9b: {  	s12 =	sadd.s32 s1, s17;
	s10 =	rddreg [dreg:$0x8];
	[sflag:s9] =	ssyncadd.s32 @!p2 $0xFFFFC000  }
0x9c: {  	[tilespmem:s25], [sflag:$0x3] =	stream.linear.gather [hbm4b:s12+s5], $0x80, $0x38;
	v63 =	vld [tilespmem:$0x0]  }
0x9d: {  	s13 =	sadd.s32 s1, s10  }
0x9e: {  	[tilespmem:s26], [sflag:$0x3] =	stream.linear.gather [hbm4b:s13+s5], $0x80, $0x38;
	v63 =	vld [tilespmem:$0x0]  }
0x9f: {  	_ =	swait.ge [sflag:s28], $0x80  }
0xa0: {  	[sflag:s28] =	ssyncset.done $0x0  }
0xa1: {  	[sflag:s28] =	ssyncadd.s32 $0xFFFFFF80  }
0xa2: {  	_ =	swait.ge [sflag:s28], $0x80  }
0xa3: {  	[sflag:s28] =	ssyncset.done $0x0  }
0xa4: {  	[sflag:s28] =	ssyncadd.s32 $0xFFFFFF80  }
0xa5: {  	[tilespmem:s29], [sflag:$0x2] =	stream.indirect.gather [hbm4b:s0+s21], $0x80, s21, s21, $0xb8;
	v63 =	vld [tilespmem:$0x0]  }
0xa6: {  	_ =	swait.ge [sflag:s23], $0x4000  }
0xa7: {  	[sflag:s23] =	ssyncset.done $0x0  }
0xa8: {  	p1 =	seq.s32 s1, $0x960;
	[sflag:s23] =	ssyncadd.s32 $0xFFFFC000  }
0xa9: {  	[spmem:s4] =	stream.indirect.scatter.add.f32 [tilespmem:s24], [sflag:$0x1], $0x80, s20, s21, $0xb8;
	v63 =	vld [tilespmem:$0x0]  }
0xaa: {  	s6 =	sshrl.u32 @!p1 s6, $0x3;
	_ =	swait.ge [sflag:s23], $0x4000  }
0xab: {  	s6 =	sadd.s32 @!p1 s2, s6;
	[sflag:s23] =	ssyncset.done $0x0  }
0xac: {  	s10 =	simm.s32 @!p1 $0x0;
	s9 =	rddreg [dreg:$0x7];
	[sflag:s23] =	ssyncadd.s32 $0xFFFFC000  }
0xad: {  	[tilespmem:s10], [sflag:$0x1] =	stream.linear.gather @!p1 [hbm4b:s6+s10], $0x80, $0x38;
	v63 =	vld [tilespmem:$0x0]  }
0xae: {  	s6 =	sadd.s32 @!p1 s1, s9;
	s9 =	simm.s32 @!p1 $0x200  }
0xaf: {  	[tilespmem:s9], [sflag:$0x1] =	stream.linear.gather @!p1 [hbm4b:s6+s10], $0x80, $0x38;
	v63 =	vld [tilespmem:$0x0]  }
0xb0: {  	_ =	swait.ge [sflag:s30], $0x80  }
0xb1: {  	[sflag:s30] =	ssyncset.done $0x0  }
0xb2: {  	[sflag:s30] =	ssyncadd.s32 $0xFFFFFF80  }
0xb3: {  	_ =	swait.ge [sflag:s30], $0x80  }
0xb4: {  	[sflag:s30] =	ssyncset.done $0x0  }
0xb5: {  	[sflag:s30] =	ssyncadd.s32 $0xFFFFFF80  }
0xb6: {  	[tilespmem:s31], [sflag:$0x3] =	stream.indirect.gather [hbm4b:s0+s21], $0x80, s25, s21, $0xb8;
	v63 =	vld [tilespmem:$0x0]  }
0xb7: {  	_ =	swait.ge [sflag:s28], $0x4000  }
0xb8: {  	[sflag:s28] =	ssyncset.done $0x0  }
0xb9: {  	[sflag:s28] =	ssyncadd.s32 $0xFFFFC000  }
0xba: {  	[spmem:s4] =	stream.indirect.scatter.add.f32 [tilespmem:s29], [sflag:$0x2], $0x80, s22, s21, $0xb8;
	v63 =	vld [tilespmem:$0x0]  }
0xbb: {  	_ =	swait.ge [sflag:s28], $0x4000  }
0xbc: {  	s11 =	simm.s32 @!p1 $0x80;
	s6 =	rddreg [dreg:$0x6];
	[sflag:s28] =	ssyncset.done $0x0  }
0xbd: {  	s9 =	rddreg [dreg:$0x5];
	[sflag:s28] =	ssyncadd.s32 $0xFFFFC000;
	s6 =	sadd.s32 @!p1 s1, s6  }
0xbe: {  	[tilespmem:s11], [sflag:$0x2] =	stream.linear.gather @!p1 [hbm4b:s6+s10], $0x80, $0x38;
	v63 =	vld [tilespmem:$0x0]  }
0xbf: {  	s1 =	sadd.s32 @!p1 s1, s9;
	s9 =	simm.s32 @!p1 $0x1;
	s6 =	simm.s32 @!p1 $0x280  }
0xc0: {  	[tilespmem:s6], [sflag:$0x2] =	stream.linear.gather @!p1 [hbm4b:s1+s10], $0x80, $0x38;
	v63 =	vld [tilespmem:$0x0]  }
0xc1: {  	_ =	swait.ge @!p1 [sflag:s9], $0x80  }
0xc2: {  	[sflag:s9] =	ssyncset.done @!p1 $0x0  }
0xc3: {  	[sflag:s9] =	ssyncadd.s32 @!p1 $0xFFFFFF80  }
0xc4: {  	_ =	swait.ge @!p1 [sflag:s9], $0x80  }
0xc5: {  	[sflag:s9] =	ssyncset.done @!p1 $0x0  }
0xc6: {  	s1 =	simm.s32 @!p1 $0x400;
	[sflag:s9] =	ssyncadd.s32 @!p1 $0xFFFFFF80  }
0xc7: {  	[tilespmem:s1], [sflag:$0x1] =	stream.indirect.gather @!p1 [hbm4b:s0+s11], $0x80, s10, s11, $0xb8;
	v63 =	vld [tilespmem:$0x0]  }
0xc8: {  	_ =	swait.ge [sflag:s30], $0x4000  }
0xc9: {  	[sflag:s30] =	ssyncset.done $0x0  }
0xca: {  	[sflag:s30] =	ssyncadd.s32 $0xFFFFC000  }
0xcb: {  	[spmem:s4] =	stream.indirect.scatter.add.f32 [tilespmem:s31], [sflag:$0x3], $0x80, s26, s21, $0xb8;
	v63 =	vld [tilespmem:$0x0]  }
0xcc: {  	_ =	swait.ge [sflag:s30], $0x4000  }
0xcd: {  	[sflag:s30] =	ssyncset.done $0x0  }
0xce: {  	s1 =	simm.s32 @!p0 $0x0;
	s6 =	rddreg [dreg:$0xd];
	[sflag:s30] =	ssyncadd.s32 $0xFFFFC000  }
0xcf: {  	[tilespmem:s1], [sflag:$0x1] =	stream.linear.gather @!p0 [hbm4b:s6+s1], $0x80, $0x38;
	v63 =	vld [tilespmem:$0x0]  }
0xd0: {  	s9 =	rddreg [dreg:$0xe];
	s6 =	simm.s32 @!p0 $0x200  }
0xd1: {  	[tilespmem:s6], [sflag:$0x1] =	stream.linear.gather @!p0 [hbm4b:s9+s1], $0x80, $0x38;
	v63 =	vld [tilespmem:$0x0]  }
0xd2: {  	s9 =	simm.s32 @!p0 $0x1  }
0xd3: {  	_ =	swait.ge @!p0 [sflag:s9], $0x80  }
0xd4: {  	[sflag:s9] =	ssyncset.done @!p0 $0x0  }
0xd5: {  	[sflag:s9] =	ssyncadd.s32 @!p0 $0xFFFFFF80  }
0xd6: {  	_ =	swait.ge @!p0 [sflag:s9], $0x80  }
0xd7: {  	[sflag:s9] =	ssyncset.done @!p0 $0x0  }
0xd8: {  	s10 =	simm.s32 @!p0 $0x80;
	s11 =	simm.s32 @!p0 $0x400;
	[sflag:s9] =	ssyncadd.s32 @!p0 $0xFFFFFF80  }
0xd9: {  	[tilespmem:s11], [sflag:$0x1] =	stream.indirect.gather @!p0 [hbm4b:s0+s10], $0x80, s1, s10, $0xb8;
	v63 =	vld [tilespmem:$0x0]  }
0xda: {  	_ =	swait.ge @!p0 [sflag:s9], $0x4000  }
0xdb: {  	[sflag:s9] =	ssyncset.done @!p0 $0x0  }
0xdc: {  	[sflag:s9] =	ssyncadd.s32 @!p0 $0xFFFFC000  }
0xdd: {  	[spmem:s4] =	stream.indirect.scatter.add.f32 @!p0 [tilespmem:s11], [sflag:$0x1], $0x80, s6, s10, $0xb8;
	v63 =	vld [tilespmem:$0x0]  }
0xde: {  	_ =	swait.ge @!p0 [sflag:s9], $0x4000  }
0xdf: {  	[sflag:s9] =	ssyncset.done @!p0 $0x0  }
0xe0: {  	s3 =	sadd.s32 $0x1, s3;
	[sflag:s9] =	ssyncadd.s32 @!p0 $0xFFFFC000  }
0xe1: {  	p1 =	sne.s32 s3, s15;
	[bflag:$0x0] =	sbarrier.arrive $0xFFFF  }
.Ltmp1:
0xe2: {  	s14 =	rddreg [dreg:$0xf];
	(pc) =	sbr.rel @p1 .LBB2_1-.Ltmp1, $4  }
0xe3: {  	[hbm:s14], [sflag:s7] =	dma.local [spmem:s18], $0x2780  }
0xe4: {  	_ =	swait.ge [sflag:s19], $0x2780  }
0xe5: {  	[sflag:s19] =	ssyncset.done $0x0  }
0xe6: {  	[sflag:s19] =	ssyncadd.s32 $0xFFFFD880  }
0xe7: {  	_ =	sfence.sel $0x180000  }
0xe8: {  	[bflag:$0x0] =	sbarrier.arrive $0xFFFF  }
0xe9: {  	_ =	strace $0x9000004D  }
0xea: {  	s0 =	stileid.u32;
	[bflag:$0x2] =	sbarrier.arrive $0xFFFF  }
0xeb: {  	p0 =	sne.s32 s0, $0x0;
	s0 =	rddreg [dreg:$0x4]  }
0xec: {  	s0 =	sadd.s32 @!p0 $0x100000, s0  }
0xed: {  	[sflag:s0] =	ssyncadd.tile.s32 @!p0 $0x1;
	_ =	shalt  }
.Lfunc_end2:
_tile_overlayer_lowered:
.L_overlay_start_2:
0xee: {  	(tag) =	ssettag $0x2  }
0xef: {  	s0 =	rddreg [dreg:$0x0];
	s2 =	stileid.u32  }
0xf0: {  	s1 =	rddreg [dreg:$0x1];
	p0 =	sne.s32 s2, $0x0  }
0xf1: {  	s3 =	rddreg [dreg:$0x2];
	[bflag:$0x3] =	sbarrier.arrive $0xFFFF;
	s2 =	simm.s32 @!p0 $0x1C04  }
0xf2: {  	[timem:s3], [sflag:s2] =	dma.local @!p0 [hbm:s0], s1  }
0xf3: {  	s0 =	simm.s32 @!p0 $0x4  }
0xf4: {  	_ =	swait.ge @!p0 [sflag:s0], s1  }
0xf5: {  	s1 =	ssub.s32 @!p0 $0x0, s1;
	[sflag:s0] =	ssyncset.done @!p0 $0x0  }
0xf6: {  	[sflag:s0] =	ssyncadd.s32 @!p0 s1  }
0xf7: {  	[bflag:$0x3] =	sbarrier.arrive $0xFFFF  }
0xf8: {  	_ =	shalt  }

// kernel: kernel.8.cloned.1.call-start
scs
__scs_entry_jumppad:
0x0: {  	(pc) =	sbr.rel $0x88, $3  }
0x1: {  	(tag) =	ssettag $0x0;
	lr =	simm.s32 $0x1  }
0x2: {  	[smem:$0x3F93] =	sst lr;
	_ =	strace $0xD0000000  }
0x3: {  	_ = 	snop  }
0x4: {  	_ = 	snop  }
0x5: {  	_ = 	snop  }
0x6: {  	_ = 	snop  }
0x7: {  	_ = 	snop  }
__scs_overlays_trampoline_lowered:
0x8: {  	[smem:$0x3FA2] =	sst s0  }
0x9: {  	[smem:$0x3FA3] =	sst s1  }
0xa: {  	[smem:$0x3FA4] =	sst s2  }
0xb: {  	[smem:$0x3FA5] =	sst s3  }
0xc: {  	[smem:$0x3FA6] =	sst s4  }
0xd: {  	[smem:$0x3FA7] =	sst s5  }
0xe: {  	[smem:$0x3FA8] =	sst s6  }
0xf: {  	[smem:$0x3FA9] =	sst s7  }
0x10: {  	[smem:$0x3FAA] =	sst s8  }
0x11: {  	[smem:$0x3FAB] =	sst s9;
	s0 =	simm.s32 @!p0 $0x0  }
0x12: {  	s1 =	sld [smem:$0x3F91];
	s0 =	simm.s32 @p0 $0x1  }
0x13: {  	[smem:$0x3FAC] =	sst s0;
	s0 =	simm.s32 @!p1 $0x0  }
0x14: {  	s2 =	sld [smem:$0x3F90];
	s0 =	simm.s32 @p1 $0x1  }
0x15: {  	[smem:$0x3FAD] =	sst s0;
	s0 =	simm.s32 @!p2 $0x0  }
0x16: {  	s3 =	sld [smem:$0x3FDB];
	s0 =	simm.s32 @p2 $0x1  }
0x17: {  	s4 =	simm.s32 $0x1BF5;
	[smem:$0x3FAF] =	sst s0  }
0x18: {  	s0 =	sld [smem:$0x3F92];
	_ =	swait.ge [sflag:s4], $0x0  }
0x19: {  	s7 =	sld [smem:$0x3F93]  }
0x1a: {  	s8 =	sadd.s32 $0xFFFFE003, lr  }
0x1b: {  	s9 =	sadd.s32 $0xFFFFFEF7, lr;
	s5 =	simm.s32 $0xFFFFFFFF;
	p2 =	slt.u32 s8, $0xFFFFF086  }
0x1c: {  	p1 =	slt.u32 s9, $0xF7A;
	s5 =	simm.s32 @!p2 $0x0  }
0x1d: {  	s5 =	simm.s32 @p1 $0x1;
	p0 =	seq.s32 s7, s2  }
0x1e: {  	s7 =	smul.u32 @!p0 $0xF7A, s2;
	p2 =	seq.s32 @!p0 s5, $0x0  }
0x1f: {  	s9 =	smul.u32 $0xF7A, s1;
	s8 =	simm.s32 @!p0 $0x1BF5;
	p2 =	por !p2, p0  }
0x20: {  	[sflag:s8] =	ssyncset.s32 @!p0 $0xFFFFF086;
	s6 =	sadd.s32 @!p0 s3, s7;
	s7 =	simm.s32 @!p0 $0x108  }
0x21: {  	s3 =	sadd.s32 s3, s9;
	s6 =	sadd.s32 @!p0 $0x88, s6;
	s7 =	simm.s32 @p2 $0x1082  }
0x22: {  	[simem:s7], [sflag:s8] =	dma.local @!p0 [hbm:s6], $0xF7A  }
0x23: {  	s9 =	sor.u32 $0xD0000000, s2;
	s6 =	simm.s32 $0x108;
	_ =	swait.ge @!p0 [sflag:s8], $0x0  }
0x24: {  	s3 =	sadd.s32 $0x88, s3;
	s6 =	simm.s32 @!p1 $0x1082;
	[sflag:s4] =	ssyncset.s32 $0xFFFFF086  }
0x25: {  	[simem:s6], [sflag:s4] =	dma.local [hbm:s3], $0xF7A  }
0x26: {  	[smem:$0x3F93] =	sst s1;
	(tag) =	ssettag s2;
	_ =	strace s9  }
0x27: {  	s1 =	sld [smem:$0x3FA3]  }
0x28: {  	s2 =	sld [smem:$0x3FA4]  }
0x29: {  	s4 =	sld [smem:$0x3FA6]  }
0x2a: {  	p0 =	seq.s32 s5, $0x0;
	s5 =	sld [smem:$0x3FA7]  }
0x2b: {  	s6 =	sld [smem:$0x3FA8]  }
0x2c: {  	s7 =	sld [smem:$0x3FA9]  }
0x2d: {  	s3 =	simm.s32 $0x108;
	s8 =	sld [smem:$0x3FAA]  }
0x2e: {  	s3 =	simm.s32 @!p0 $0x1082;
	s9 =	sld [smem:$0x3FAB]  }
0x2f: {  	lr =	sadd.s32 s0, s3;
	s0 =	sld [smem:$0x3FA2]  }
0x30: {  	s3 =	sld [smem:$0x3FA5]  }
0x31: {  	[smem:$0x3FAE] =	sst s10  }
0x32: {  	s10 =	sld [smem:$0x3FAC];
	_ =	sdelay $0x3  }
0x33: {  	p0 =	seq.s32 s10, $0x1;
	s10 =	sld [smem:$0x3FAE];
	_ =	sdelay $0x3  }
0x34: {  	[smem:$0x3FAE] =	sst s10  }
0x35: {  	s10 =	sld [smem:$0x3FAD];
	_ =	sdelay $0x3  }
0x36: {  	p1 =	seq.s32 s10, $0x1;
	s10 =	sld [smem:$0x3FAE];
	_ =	sdelay $0x3  }
0x37: {  	[smem:$0x3FAE] =	sst s10  }
0x38: {  	s10 =	sld [smem:$0x3FAF]  }
0x39: {  	_ = 	snop;
	(pc) =	sbr.ind lr, $3  }
0x3a: {  	_ = 	snop  }
0x3b: {  	_ = 	snop  }
0x3c: {  	p2 =	seq.s32 s10, $0x1;
	s10 =	sld [smem:$0x3FAE]  }
0x3d: {  	_ =	shalt  }
0x3e: {  	_ =	shalt  }
0x3f: {  	_ =	shalt  }
0x40: {  	_ =	shalt  }
0x41: {  	_ =	shalt  }
0x42: {  	_ =	shalt  }
0x43: {  	_ =	shalt  }
0x44: {  	_ =	shalt  }
0x45: {  	_ =	shalt  }
0x46: {  	_ =	shalt  }
0x47: {  	_ =	shalt  }
0x48: {  	_ =	shalt  }
0x49: {  	_ =	shalt  }
0x4a: {  	_ =	shalt  }
0x4b: {  	_ =	shalt  }
0x4c: {  	_ =	shalt  }
0x4d: {  	_ =	shalt  }
0x4e: {  	_ =	shalt  }
0x4f: {  	_ =	shalt  }
0x50: {  	_ =	shalt  }
0x51: {  	_ =	shalt  }
0x52: {  	_ =	shalt  }
0x53: {  	_ =	shalt  }
0x54: {  	_ =	shalt  }
0x55: {  	_ =	shalt  }
0x56: {  	_ =	shalt  }
0x57: {  	_ =	shalt  }
0x58: {  	_ =	shalt  }
0x59: {  	_ =	shalt  }
0x5a: {  	_ =	shalt  }
0x5b: {  	_ =	shalt  }
0x5c: {  	_ =	shalt  }
0x5d: {  	_ =	shalt  }
0x5e: {  	_ =	shalt  }
0x5f: {  	_ =	shalt  }
0x60: {  	_ =	shalt  }
0x61: {  	_ =	shalt  }
0x62: {  	_ =	shalt  }
0x63: {  	_ =	shalt  }
0x64: {  	_ =	shalt  }
0x65: {  	_ =	shalt  }
0x66: {  	_ =	shalt  }
0x67: {  	_ =	shalt  }
0x68: {  	_ =	shalt  }
0x69: {  	_ =	shalt  }
0x6a: {  	_ =	shalt  }
0x6b: {  	_ =	shalt  }
0x6c: {  	_ =	shalt  }
0x6d: {  	_ =	shalt  }
0x6e: {  	_ =	shalt  }
0x6f: {  	_ =	shalt  }
0x70: {  	_ =	shalt  }
0x71: {  	_ =	shalt  }
0x72: {  	_ =	shalt  }
0x73: {  	_ =	shalt  }
0x74: {  	_ =	shalt  }
0x75: {  	_ =	shalt  }
0x76: {  	_ =	shalt  }
0x77: {  	_ =	shalt  }
0x78: {  	_ =	shalt  }
0x79: {  	_ =	shalt  }
0x7a: {  	_ =	shalt  }
0x7b: {  	_ =	shalt  }
0x7c: {  	_ =	shalt  }
0x7d: {  	_ =	shalt  }
0x7e: {  	_ =	shalt  }
0x7f: {  	_ =	shalt  }
0x80: {  	_ =	shalt  }
0x81: {  	_ =	shalt  }
0x82: {  	_ =	shalt  }
0x83: {  	_ =	shalt  }
0x84: {  	_ =	shalt  }
0x85: {  	_ =	shalt  }
0x86: {  	_ =	shalt  }
0x87: {  	_ =	shalt  }
.Lfunc_end0:
.L_simem_size_0:
called_computation_lowered:
.L_overlay_start_0:
0x88: {  	s2 =	sld [smem:$0x3FD9]  }
0x89: {  	s3 =	sld [smem:$0x3FFE];
	_ =	sdelay $0x1  }
0x8a: {  	s1 =	srdreg.scid  }
0x8b: {  	s0 =	sand.u32 $0x1, s1  }
0x8c: {  	s17 =	sshll.u32 s0, $0xA;
	s2 =	sadd.s32 s3, s2  }
0x8d: {  	s2 =	sadd.s32 s2, s17  }
0x8e: {  	[smem:$0x3FBA] =	sst s2  }
0x8f: {  	_ = 	snop  }
0x90: {  	s2 =	sld [smem:$0x3FC9]  }
0x91: {  	s18 =	sld [smem:$0x3FC8];
	(tm) =	ssettm $0x1  }
0x92: {  	s4 =	sld [smem:$0x3FFB];
	_ =	sdelay $0x3  }
0x93: {  	_ =	strace s4  }
0x94: {  	s4 =	sld [smem:$0x3FFC];
	_ =	sdelay $0x3  }
0x95: {  	_ =	strace s4  }
0x96: {  	s4 =	sld [smem:$0x3FFD];
	_ =	sdelay $0x3  }
0x97: {  	_ =	strace s4  }
0x98: {  	_ =	strace $0x8FFFFFFF  }
0x99: {  	s19 =	sld [smem:$0x3FDB];
	_ =	sdelay $0x1  }
0x9a: {  	s5 =	simm.s32 $_scs_section_size  }
0x9b: {  	s6 =	simm.s32 $_size__tile_overlayer_lowered;
	s7 =	simm.s32 $_tile_overlayer_lowered  }
0x9c: {  	s22 =	simm.s32 $0x1BFF;
	s21 =	sshll.u32 s7, $0x1;
	s4 =	sadd.s32 s5, s19  }
0x9d: {  	s8 =	simm.s32 $0x0;
	s20 =	sshll.u32 s6, $0x1;
	s6 =	sadd.s32 s21, s4  }
0x9e: {  	[timem:s8], [sflag:s22] =	dma.local [hbm:s6], s20  }
0x9f: {  	_ =	swait.ge [sflag:s22], s20  }
0xa0: {  	s5 =	ssub.s32 $0x0, s20;
	[sflag:s22] =	ssyncset.done $0x0  }
0xa1: {  	[sflag:s22] =	ssyncadd.s32 s5;
	_ =	sdelay $0x1  }
0xa2: {  	s23 =	simm.s32 $0x1B8B  }
0xa3: {  	_ =	swait.ge [sflag:s23], $0x1  }
0xa4: {  	[sflag:s23] =	ssyncset.done $0x0  }
0xa5: {  	s25 =	simm.s32 $0x1B8E;
	s24 =	sld [smem:$0x3FFE];
	[sflag:s23] =	ssyncadd.s32 $0xFFFFFFFF  }
0xa6: {  	s26 =	simm.s32 $execute0_lowered;
	[smem:$0x3FD2] =	sst s25  }
0xa7: {  	s6 =	sshll.u32 s26, $0x1;
	_ =	strace $0x80000046;
	[dreg:$0x1] =	wrdreg $0xFFFFFFFF  }
0xa8: {  	s28 =	simm.s32 $_size_execute0_lowered;
	s4 =	sadd.s32 s4, s6;
	[dreg:$0x0] =	wrdreg $0x0  }
0xa9: {  	s6 =	sshll.u32 s28, $0x1;
	[dreg:$0x2] =	wrdreg s4  }
0xaa: {  	[dreg:$0x3] =	wrdreg s6  }
0xab: {  	[dreg:$0x4] =	wrdreg $0xC0  }
0xac: {  	_ =	task [dreg:s8], $0x5FFFF  }
0xad: {  	[dreg:$0x1] =	wrdreg $0xFFFFFFFF  }
0xae: {  	[dreg:$0x0] =	wrdreg $0x60  }
0xaf: {  	[dreg:$0x2] =	wrdreg s2  }
0xb0: {  	[dreg:$0x3] =	wrdreg s18  }
0xb1: {  	[dreg:$0x4] =	wrdreg s24  }
0xb2: {  	[dreg:$0x5] =	wrdreg $0xC4000  }
0xb3: {  	[dreg:$0x6] =	wrdreg $0x9  }
0xb4: {  	_ =	task.clear_ibuf [dreg:s8], $0x7FFFF;
	_ =	strace $0x90000046  }
0xb5: {  	s29 =	simm.s32 $0x9;
	_ =	strace $0x80000048  }
0xb6: {  	_ =	swait.ge [sflag:s29], $0x1  }
0xb7: {  	[sflag:s29] =	ssyncadd.s32 $0xFFFFFFFF  }
0xb8: {  	_ =	strace $0x90000048  }
0xb9: {  	_ =	sfence  }
0xba: {  	s30 =	sld [smem:$0x0];
	_ =	sdelay $0x2  }
0xbb: {  	s31 =	sshll.u32 s1, $0xD;
	s1 =	sshrl.u32 s1, $0x2  }
0xbc: {  	s3 =	sand.u32 $0x4000, s31;
	s1 =	sadd.s32 s1, s30  }
0xbd: {  	s0 =	sor.u32 s3, s0;
	s1 =	sshll.u32 s1, $0x11  }
0xbe: {  	s0 =	sor.u32 s1, s0  }
0xbf: {  	s0 =	sadd.s32 $0x8F2B, s0  }
0xc0: {  	[sflag:s0] =	ssyncadd.remote.s32 $0x1  }
0xc1: {  	_ =	sfence.sel $0xFFFF  }
0xc2: {  	[dreg:$0x0] =	wrdreg $0xFFFFFFFF;
	(pc) =	sbr.abs _section_cstart, $3  }
0xc3: {  	[dreg:$0x1] =	wrdreg $0xFFFFFFFF  }
0xc4: {  	_ =	task.clear_ibuf [dreg:s8], $0x2FFFF;
	_ =	strace $0x9FFFFFFF  }
0xc5: {  	(tm) =	ssettm $0x7FFFFFFF  }
tec
execute0_lowered:
.L_overlay_start_1:
0x0: {  	(tag) =	ssettag $0x1  }
0x1: {  	s0 =	rddreg [dreg:$0x0]  }
0x2: {  	s2 =	rddreg [dreg:$0x1]  }
0x3: {  	s1 =	srdreg.scid;
	s3 =	rddreg [dreg:$0x2]  }
0x4: {  	s12 =	stileid.u32;
	s4 =	rddreg [dreg:$0x3];
	s5 =	simm.s32 $0x0  }
0x5: {  	s28 =	simm.s32 $0x2;
	s29 =	simm.s32 $0x4400;
	s7 =	smul.u32 $0x13C00, s12  }
0x6: {  	s30 =	simm.s32 $0x3;
	s31 =	simm.s32 $0x8400;
	s8 =	smul.u32 $0x4F000, s12  }
0x7: {  	s1 =	sand.u32 $0x1, s1;
	[smem:$0x7FF] =	sst s5;
	s11 =	smul.u32 $0x4E00, s12  }
0x8: {  	s19 =	sadd.s32 $0x3400, s3;
	s24 =	sshll.u32 s12, $0x6;
	s6 =	smul.u32 $0x13C000, s1  }
0x9: {  	_ =	strace $0x80000047;
	[dreg:$0x9] =	wrdreg s19;
	s20 =	ssub.s32 $0x2, s1  }
0xa: {  	s9 =	sshll.u32 s1, $0x4;
	s1 =	smul.u32 $0x4E000, s1;
	s21 =	sshrl.u32 s20, $0x1  }
0xb: {  	s9 =	sor.u32 s12, s9;
	s22 =	sshrl.u32 s8, $0x2;
	s12 =	sshll.u32 s12, $0x5  }
0xc: {  	s6 =	sadd.s32 s7, s6;
	s23 =	smul.u32 $0x9C0, s9;
	s10 =	sadd.s32 s22, s4  }
0xd: {  	s7 =	sor.u32 $0x1C04, s24;
	s12 =	sadd.s32 s12, s2;
	s1 =	sadd.s32 s11, s1  }
0xe: {  	p0 =	sgt.u32 s9, $0x3;
	s6 =	sshrl.u32 s6, $0x3;
	s14 =	sadd.s32 $0x13800, s12  }
0xf: {  	s15 =	sadd.s32 $0x13810, s12;
	s16 =	sadd.s32 $0x480, s1;
	s18 =	sadd.s32 $0x400, s1  }
0x10: {  	s24 =	sadd.s32 $0x200, s1;
	s3 =	sadd.s32 s6, s3;
	[dreg:$0xd] =	wrdreg s14  }
0x11: {  	s6 =	ssub.s32 s20, s21;
	s8 =	sadd.s32 s2, s23;
	[dreg:$0xe] =	wrdreg s15  }
0x12: {  	s17 =	sshrl.u32 s16, $0x3;
	s19 =	sshrl.u32 s18, $0x3;
	s21 =	sadd.s32 $0x380, s1  }
0x13: {  	s23 =	sadd.s32 $0x280, s1;
	s16 =	sadd.s32 $0x300, s1;
	s18 =	sshrl.u32 s10, $0x3  }
0x14: {  	s13 =	sadd.s32 $0x10, s8;
	s25 =	sadd.s32 $0x20, s8;
	s26 =	sadd.s32 $0x30, s8  }
0x15: {  	s3 =	sadd.s32 $0x5C00, s3;
	s15 =	smax.u32 s6, $0x1;
	[dreg:$0xa] =	wrdreg s13  }
0x16: {  	s20 =	sadd.s32 s19, s2;
	s22 =	sshrl.u32 s21, $0x3;
	[dreg:$0xb] =	wrdreg s25  }
0x17: {  	s6 =	sshrl.u32 s23, $0x3;
	s19 =	simm.s32 $0x4;
	[dreg:$0xc] =	wrdreg s26  }
0x18: {  	s21 =	simm.s32 $0x80;
	s23 =	simm.s32 $0x1;
	[dreg:$0xf] =	wrdreg s3  }
0x19: {  	s3 =	sadd.s32 s17, s2;
	[dreg:$0x6] =	wrdreg s20;
	s25 =	sadd.s32 s6, s2  }
0x1a: {  	s26 =	sshrl.u32 s24, $0x3;
	s20 =	simm.s32 $0x200;
	[dreg:$0x5] =	wrdreg s3  }
0x1b: {  	s24 =	simm.s32 $0x400;
	s3 =	sadd.s32 s22, s2;
	[dreg:$0x8] =	wrdreg s25  }
0x1c: {  	s17 =	sadd.s32 s26, s2;
	s22 =	simm.s32 $0x280;
	s25 =	simm.s32 $0x100  }
0x1d: {  	s26 =	simm.s32 $0x300;
	[dreg:$0x7] =	wrdreg s3;
	s3 =	simm.s32 $0x0  }
.LBB2_1:
0x1e: {  	s1 =	rddreg [dreg:$0x9]  }
0x1f: {  	[spmem:s18], [sflag:s7] =	dma.local [hbm:s1], $0x2780  }
0x20: {  	_ =	swait.ge [sflag:s19], $0x2780  }
0x21: {  	[sflag:s19] =	ssyncset.done $0x0  }
0x22: {  	[sflag:s19] =	ssyncadd.s32 $0xFFFFD880  }
0x23: {  	[bflag:$0x0] =	sbarrier.arrive $0xFFFF  }
0x24: {  	[tilespmem:s5], [sflag:$0x1] =	stream.linear.gather [hbm4b:s8+s5], $0x80, $0x38;
	v63 =	vld [tilespmem:$0x0]  }
0x25: {  	s10 =	rddreg [dreg:$0xa]  }
0x26: {  	[tilespmem:s20], [sflag:$0x1] =	stream.linear.gather [hbm4b:s10+s5], $0x80, $0x38;
	v63 =	vld [tilespmem:$0x0]  }
0x27: {  	s11 =	rddreg [dreg:$0xb]  }
0x28: {  	[tilespmem:s21], [sflag:$0x2] =	stream.linear.gather [hbm4b:s11+s5], $0x80, $0x38;
	v63 =	vld [tilespmem:$0x0]  }
0x29: {  	s12 =	rddreg [dreg:$0xc]  }
0x2a: {  	[tilespmem:s22], [sflag:$0x2] =	stream.linear.gather [hbm4b:s12+s5], $0x80, $0x38;
	v63 =	vld [tilespmem:$0x0]  }
0x2b: {  	_ =	swait.ge [sflag:s23], $0x80  }
0x2c: {  	[sflag:s23] =	ssyncset.done $0x0  }
0x2d: {  	[sflag:s23] =	ssyncadd.s32 $0xFFFFFF80  }
0x2e: {  	_ =	swait.ge [sflag:s23], $0x80  }
0x2f: {  	p1 =	por $0x1, $0x1;
	[sflag:s23] =	ssyncset.done $0x0  }
0x30: {  	s1 =	simm.s32 @!p1 $0x3;
	[sflag:s23] =	ssyncadd.s32 $0xFFFFFF80  }
0x31: {  	[tilespmem:s24], [sflag:$0x1] =	stream.indirect.gather [hbm4b:s0+s21], $0x80, s5, s21, $0xb8;
	v63 =	vld [tilespmem:$0x0]  }
0x32: {  	_ =	swait.ge @!p1 [sflag:s1], $0x4000  }
0x33: {  	[sflag:s1] =	ssyncset.done @!p1 $0x0  }
0x34: {  	s13 =	sadd.s32 $0x0, s17;
	s6 =	rddreg [dreg:$0x8];
	[sflag:s1] =	ssyncadd.s32 @!p1 $0xFFFFC000  }
0x35: {  	[tilespmem:s25], [sflag:$0x3] =	stream.linear.gather [hbm4b:s13+s5], $0x80, $0x38;
	v63 =	vld [tilespmem:$0x0]  }
0x36: {  	s14 =	sadd.s32 $0x0, s6  }
0x37: {  	[tilespmem:s26], [sflag:$0x3] =	stream.linear.gather [hbm4b:s14+s5], $0x80, $0x38;
	v63 =	vld [tilespmem:$0x0]  }
0x38: {  	_ =	swait.ge [sflag:s28], $0x80  }
0x39: {  	[sflag:s28] =	ssyncset.done $0x0  }
0x3a: {  	[sflag:s28] =	ssyncadd.s32 $0xFFFFFF80  }
0x3b: {  	_ =	swait.ge [sflag:s28], $0x80  }
0x3c: {  	[sflag:s28] =	ssyncset.done $0x0  }
0x3d: {  	[sflag:s28] =	ssyncadd.s32 $0xFFFFFF80  }
0x3e: {  	[tilespmem:s29], [sflag:$0x2] =	stream.indirect.gather [hbm4b:s0+s21], $0x80, s21, s21, $0xb8;
	v63 =	vld [tilespmem:$0x0]  }
0x3f: {  	_ =	swait.ge [sflag:s23], $0x4000  }
0x40: {  	[sflag:s23] =	ssyncset.done $0x0  }
0x41: {  	[sflag:s23] =	ssyncadd.s32 $0xFFFFC000  }
0x42: {  	[spmem:s4] =	stream.indirect.scatter.add.f32 [tilespmem:s24], [sflag:$0x1], $0x80, s20, s21, $0xb8;
	v63 =	vld [tilespmem:$0x0]  }
0x43: {  	p1 =	por $0x0, $0x0;
	_ =	swait.ge [sflag:s23], $0x4000  }
0x44: {  	s1 =	sshrl.u32 @!p1 s16, $0x3;
	s9 =	simm.s32 @!p1 $0x0;
	[sflag:s23] =	ssyncset.done $0x0  }
0x45: {  	s1 =	sadd.s32 @!p1 s2, s1;
	s6 =	rddreg [dreg:$0x7];
	[sflag:s23] =	ssyncadd.s32 $0xFFFFC000  }
0x46: {  	[tilespmem:s9], [sflag:$0x1] =	stream.linear.gather @!p1 [hbm4b:s1+s9], $0x80, $0x38;
	v63 =	vld [tilespmem:$0x0]  }
0x47: {  	s1 =	sadd.s32 @!p1 $0x0, s6;
	s6 =	simm.s32 @!p1 $0x200  }
0x48: {  	[tilespmem:s6], [sflag:$0x1] =	stream.linear.gather @!p1 [hbm4b:s1+s9], $0x80, $0x38;
	v63 =	vld [tilespmem:$0x0]  }
0x49: {  	_ =	swait.ge [sflag:s30], $0x80  }
0x4a: {  	[sflag:s30] =	ssyncset.done $0x0  }
0x4b: {  	[sflag:s30] =	ssyncadd.s32 $0xFFFFFF80  }
0x4c: {  	_ =	swait.ge [sflag:s30], $0x80  }
0x4d: {  	[sflag:s30] =	ssyncset.done $0x0  }
0x4e: {  	[sflag:s30] =	ssyncadd.s32 $0xFFFFFF80  }
0x4f: {  	[tilespmem:s31], [sflag:$0x3] =	stream.indirect.gather [hbm4b:s0+s21], $0x80, s25, s21, $0xb8;
	v63 =	vld [tilespmem:$0x0]  }
0x50: {  	_ =	swait.ge [sflag:s28], $0x4000  }
0x51: {  	[sflag:s28] =	ssyncset.done $0x0  }
0x52: {  	[sflag:s28] =	ssyncadd.s32 $0xFFFFC000  }
0x53: {  	[spmem:s4] =	stream.indirect.scatter.add.f32 [tilespmem:s29], [sflag:$0x2], $0x80, s22, s21, $0xb8;
	v63 =	vld [tilespmem:$0x0]  }
0x54: {  	_ =	swait.ge [sflag:s28], $0x4000  }
0x55: {  	s10 =	simm.s32 @!p1 $0x80;
	s1 =	rddreg [dreg:$0x6];
	[sflag:s28] =	ssyncset.done $0x0  }
0x56: {  	s6 =	rddreg [dreg:$0x5];
	[sflag:s28] =	ssyncadd.s32 $0xFFFFC000;
	s1 =	sadd.s32 @!p1 $0x0, s1  }
0x57: {  	[tilespmem:s10], [sflag:$0x2] =	stream.linear.gather @!p1 [hbm4b:s1+s9], $0x80, $0x38;
	v63 =	vld [tilespmem:$0x0]  }
0x58: {  	s1 =	sadd.s32 @!p1 $0x0, s6;
	s6 =	simm.s32 @!p1 $0x280  }
0x59: {  	[tilespmem:s6], [sflag:$0x2] =	stream.linear.gather @!p1 [hbm4b:s1+s9], $0x80, $0x38;
	v63 =	vld [tilespmem:$0x0]  }
0x5a: {  	s1 =	simm.s32 @!p1 $0x1  }
0x5b: {  	_ =	swait.ge @!p1 [sflag:s1], $0x80  }
0x5c: {  	[sflag:s1] =	ssyncset.done @!p1 $0x0  }
0x5d: {  	[sflag:s1] =	ssyncadd.s32 @!p1 $0xFFFFFF80  }
0x5e: {  	_ =	swait.ge @!p1 [sflag:s1], $0x80  }
0x5f: {  	[sflag:s1] =	ssyncset.done @!p1 $0x0  }
0x60: {  	[sflag:s1] =	ssyncadd.s32 @!p1 $0xFFFFFF80;
	s1 =	simm.s32 @!p1 $0x400  }
0x61: {  	[tilespmem:s1], [sflag:$0x1] =	stream.indirect.gather @!p1 [hbm4b:s0+s10], $0x80, s9, s10, $0xb8;
	v63 =	vld [tilespmem:$0x0]  }
0x62: {  	p2 =	por $0x0, $0x0;
	s6 =	sadd.s32 $0x300, s16;
	_ =	swait.ge [sflag:s30], $0x4000  }
0x63: {  	s1 =	simm.s32 $0x60;
	s9 =	simm.s32 $0xC0;
	[sflag:s30] =	ssyncset.done $0x0  }
.LBB2_2:
0x64: {  	s11 =	simm.s32 @!p2 $0x3;
	[sflag:s30] =	ssyncadd.s32 $0xFFFFC000  }
0x65: {  	[spmem:s4] =	stream.indirect.scatter.add.f32 [tilespmem:s31], [sflag:$0x3], $0x80, s26, s21, $0xb8;
	v63 =	vld [tilespmem:$0x0]  }
0x66: {  	_ =	swait.ge @!p2 [sflag:s11], $0x4000  }
0x67: {  	[sflag:s11] =	ssyncset.done @!p2 $0x0  }
0x68: {  	s13 =	sadd.s32 s1, s17;
	s12 =	rddreg [dreg:$0x8];
	[sflag:s11] =	ssyncadd.s32 @!p2 $0xFFFFC000  }
0x69: {  	[tilespmem:s25], [sflag:$0x3] =	stream.linear.gather [hbm4b:s13+s5], $0x80, $0x38;
	v63 =	vld [tilespmem:$0x0]  }
0x6a: {  	s14 =	sadd.s32 s1, s12  }
0x6b: {  	[tilespmem:s26], [sflag:$0x3] =	stream.linear.gather [hbm4b:s14+s5], $0x80, $0x38;
	v63 =	vld [tilespmem:$0x0]  }
0x6c: {  	_ =	swait.ge [sflag:s28], $0x80  }
0x6d: {  	[sflag:s28] =	ssyncset.done $0x0  }
0x6e: {  	[sflag:s28] =	ssyncadd.s32 $0xFFFFFF80  }
0x6f: {  	_ =	swait.ge [sflag:s28], $0x80  }
0x70: {  	[sflag:s28] =	ssyncset.done $0x0  }
0x71: {  	[sflag:s28] =	ssyncadd.s32 $0xFFFFFF80  }
0x72: {  	[tilespmem:s29], [sflag:$0x2] =	stream.indirect.gather [hbm4b:s0+s21], $0x80, s21, s21, $0xb8;
	v63 =	vld [tilespmem:$0x0]  }
0x73: {  	_ =	swait.ge [sflag:s23], $0x4000  }
0x74: {  	[sflag:s23] =	ssyncset.done $0x0  }
0x75: {  	p2 =	seq.s32 s1, $0x960;
	[sflag:s23] =	ssyncadd.s32 $0xFFFFC000  }
0x76: {  	[spmem:s4] =	stream.indirect.scatter.add.f32 [tilespmem:s24], [sflag:$0x1], $0x80, s20, s21, $0xb8;
	v63 =	vld [tilespmem:$0x0]  }
0x77: {  	s11 =	sshrl.u32 @!p2 s6, $0x3;
	_ =	swait.ge [sflag:s23], $0x4000  }
0x78: {  	s13 =	sadd.s32 @!p2 s2, s11;
	[sflag:s23] =	ssyncset.done $0x0  }
0x79: {  	s11 =	simm.s32 @!p2 $0x0;
	s12 =	rddreg [dreg:$0x7];
	[sflag:s23] =	ssyncadd.s32 $0xFFFFC000  }
0x7a: {  	[tilespmem:s11], [sflag:$0x1] =	stream.linear.gather @!p2 [hbm4b:s13+s11], $0x80, $0x38;
	v63 =	vld [tilespmem:$0x0]  }
0x7b: {  	s12 =	sadd.s32 @!p2 s1, s12;
	s13 =	simm.s32 @!p2 $0x200  }
0x7c: {  	[tilespmem:s13], [sflag:$0x1] =	stream.linear.gather @!p2 [hbm4b:s12+s11], $0x80, $0x38;
	v63 =	vld [tilespmem:$0x0]  }
0x7d: {  	_ =	swait.ge [sflag:s30], $0x80  }
0x7e: {  	[sflag:s30] =	ssyncset.done $0x0  }
0x7f: {  	[sflag:s30] =	ssyncadd.s32 $0xFFFFFF80  }
0x80: {  	_ =	swait.ge [sflag:s30], $0x80  }
0x81: {  	[sflag:s30] =	ssyncset.done $0x0  }
0x82: {  	[sflag:s30] =	ssyncadd.s32 $0xFFFFFF80  }
0x83: {  	[tilespmem:s31], [sflag:$0x3] =	stream.indirect.gather [hbm4b:s0+s21], $0x80, s25, s21, $0xb8;
	v63 =	vld [tilespmem:$0x0]  }
0x84: {  	_ =	swait.ge [sflag:s28], $0x4000  }
0x85: {  	[sflag:s28] =	ssyncset.done $0x0  }
0x86: {  	[sflag:s28] =	ssyncadd.s32 $0xFFFFC000  }
0x87: {  	[spmem:s4] =	stream.indirect.scatter.add.f32 [tilespmem:s29], [sflag:$0x2], $0x80, s22, s21, $0xb8;
	v63 =	vld [tilespmem:$0x0]  }
0x88: {  	_ =	swait.ge [sflag:s28], $0x4000  }
0x89: {  	s14 =	simm.s32 @!p2 $0x80;
	s12 =	rddreg [dreg:$0x6];
	[sflag:s28] =	ssyncset.done $0x0  }
0x8a: {  	s13 =	rddreg [dreg:$0x5];
	[sflag:s28] =	ssyncadd.s32 $0xFFFFC000;
	s12 =	sadd.s32 @!p2 s1, s12  }
0x8b: {  	[tilespmem:s14], [sflag:$0x2] =	stream.linear.gather @!p2 [hbm4b:s12+s11], $0x80, $0x38;
	v63 =	vld [tilespmem:$0x0]  }
0x8c: {  	s1 =	sadd.s32 @!p2 s1, s13;
	s13 =	simm.s32 @!p2 $0x1;
	s12 =	simm.s32 @!p2 $0x280  }
0x8d: {  	[tilespmem:s12], [sflag:$0x2] =	stream.linear.gather @!p2 [hbm4b:s1+s11], $0x80, $0x38;
	v63 =	vld [tilespmem:$0x0]  }
0x8e: {  	_ =	swait.ge @!p2 [sflag:s13], $0x80  }
0x8f: {  	[sflag:s13] =	ssyncset.done @!p2 $0x0  }
0x90: {  	s10 =	smov.u32 s9;
	s9 =	sadd.s32 $0x60, s9;
	[sflag:s13] =	ssyncadd.s32 @!p2 $0xFFFFFF80  }
0x91: {  	p1 =	sne.s32 s9, $0x9C0;
	_ =	swait.ge @!p2 [sflag:s13], $0x80  }
.Ltmp0:
0x92: {  	[sflag:s13] =	ssyncset.done @!p2 $0x0;
	(pc) =	sbr.rel @p1 .LBB2_2-.Ltmp0, $4  }
0x93: {  	s1 =	smov.u32 s10;
	s10 =	simm.s32 @!p2 $0x400;
	[sflag:s13] =	ssyncadd.s32 @!p2 $0xFFFFFF80  }
0x94: {  	[tilespmem:s10], [sflag:$0x1] =	stream.indirect.gather @!p2 [hbm4b:s0+s14], $0x80, s11, s14, $0xb8;
	v63 =	vld [tilespmem:$0x0]  }
0x95: {  	_ =	swait.ge [sflag:s30], $0x4000  }
0x96: {  	s6 =	sadd.s32 $0x300, s6;
	p2 =	seq.s32 s1, $0x0;
	[sflag:s30] =	ssyncset.done $0x0  }
0x97: {  	s9 =	simm.s32 @!p2 $0x3;
	[sflag:s30] =	ssyncadd.s32 $0xFFFFC000  }
0x98: {  	[spmem:s4] =	stream.indirect.scatter.add.f32 [tilespmem:s31], [sflag:$0x3], $0x80, s26, s21, $0xb8;
	v63 =	vld [tilespmem:$0x0]  }
0x99: {  	_ =	swait.ge @!p2 [sflag:s9], $0x4000  }
0x9a: {  	[sflag:s9] =	ssyncset.done @!p2 $0x0  }
0x9b: {  	s12 =	sadd.s32 s1, s17;
	s10 =	rddreg [dreg:$0x8];
	[sflag:s9] =	ssyncadd.s32 @!p2 $0xFFFFC000  }
0x9c: {  	[tilespmem:s25], [sflag:$0x3] =	stream.linear.gather [hbm4b:s12+s5], $0x80, $0x38;
	v63 =	vld [tilespmem:$0x0]  }
0x9d: {  	s13 =	sadd.s32 s1, s10  }
0x9e: {  	[tilespmem:s26], [sflag:$0x3] =	stream.linear.gather [hbm4b:s13+s5], $0x80, $0x38;
	v63 =	vld [tilespmem:$0x0]  }
0x9f: {  	_ =	swait.ge [sflag:s28], $0x80  }
0xa0: {  	[sflag:s28] =	ssyncset.done $0x0  }
0xa1: {  	[sflag:s28] =	ssyncadd.s32 $0xFFFFFF80  }
0xa2: {  	_ =	swait.ge [sflag:s28], $0x80  }
0xa3: {  	[sflag:s28] =	ssyncset.done $0x0  }
0xa4: {  	[sflag:s28] =	ssyncadd.s32 $0xFFFFFF80  }
0xa5: {  	[tilespmem:s29], [sflag:$0x2] =	stream.indirect.gather [hbm4b:s0+s21], $0x80, s21, s21, $0xb8;
	v63 =	vld [tilespmem:$0x0]  }
0xa6: {  	_ =	swait.ge [sflag:s23], $0x4000  }
0xa7: {  	[sflag:s23] =	ssyncset.done $0x0  }
0xa8: {  	p1 =	seq.s32 s1, $0x960;
	[sflag:s23] =	ssyncadd.s32 $0xFFFFC000  }
0xa9: {  	[spmem:s4] =	stream.indirect.scatter.add.f32 [tilespmem:s24], [sflag:$0x1], $0x80, s20, s21, $0xb8;
	v63 =	vld [tilespmem:$0x0]  }
0xaa: {  	s6 =	sshrl.u32 @!p1 s6, $0x3;
	_ =	swait.ge [sflag:s23], $0x4000  }
0xab: {  	s6 =	sadd.s32 @!p1 s2, s6;
	[sflag:s23] =	ssyncset.done $0x0  }
0xac: {  	s10 =	simm.s32 @!p1 $0x0;
	s9 =	rddreg [dreg:$0x7];
	[sflag:s23] =	ssyncadd.s32 $0xFFFFC000  }
0xad: {  	[tilespmem:s10], [sflag:$0x1] =	stream.linear.gather @!p1 [hbm4b:s6+s10], $0x80, $0x38;
	v63 =	vld [tilespmem:$0x0]  }
0xae: {  	s6 =	sadd.s32 @!p1 s1, s9;
	s9 =	simm.s32 @!p1 $0x200  }
0xaf: {  	[tilespmem:s9], [sflag:$0x1] =	stream.linear.gather @!p1 [hbm4b:s6+s10], $0x80, $0x38;
	v63 =	vld [tilespmem:$0x0]  }
0xb0: {  	_ =	swait.ge [sflag:s30], $0x80  }
0xb1: {  	[sflag:s30] =	ssyncset.done $0x0  }
0xb2: {  	[sflag:s30] =	ssyncadd.s32 $0xFFFFFF80  }
0xb3: {  	_ =	swait.ge [sflag:s30], $0x80  }
0xb4: {  	[sflag:s30] =	ssyncset.done $0x0  }
0xb5: {  	[sflag:s30] =	ssyncadd.s32 $0xFFFFFF80  }
0xb6: {  	[tilespmem:s31], [sflag:$0x3] =	stream.indirect.gather [hbm4b:s0+s21], $0x80, s25, s21, $0xb8;
	v63 =	vld [tilespmem:$0x0]  }
0xb7: {  	_ =	swait.ge [sflag:s28], $0x4000  }
0xb8: {  	[sflag:s28] =	ssyncset.done $0x0  }
0xb9: {  	[sflag:s28] =	ssyncadd.s32 $0xFFFFC000  }
0xba: {  	[spmem:s4] =	stream.indirect.scatter.add.f32 [tilespmem:s29], [sflag:$0x2], $0x80, s22, s21, $0xb8;
	v63 =	vld [tilespmem:$0x0]  }
0xbb: {  	_ =	swait.ge [sflag:s28], $0x4000  }
0xbc: {  	s11 =	simm.s32 @!p1 $0x80;
	s6 =	rddreg [dreg:$0x6];
	[sflag:s28] =	ssyncset.done $0x0  }
0xbd: {  	s9 =	rddreg [dreg:$0x5];
	[sflag:s28] =	ssyncadd.s32 $0xFFFFC000;
	s6 =	sadd.s32 @!p1 s1, s6  }
0xbe: {  	[tilespmem:s11], [sflag:$0x2] =	stream.linear.gather @!p1 [hbm4b:s6+s10], $0x80, $0x38;
	v63 =	vld [tilespmem:$0x0]  }
0xbf: {  	s1 =	sadd.s32 @!p1 s1, s9;
	s9 =	simm.s32 @!p1 $0x1;
	s6 =	simm.s32 @!p1 $0x280  }
0xc0: {  	[tilespmem:s6], [sflag:$0x2] =	stream.linear.gather @!p1 [hbm4b:s1+s10], $0x80, $0x38;
	v63 =	vld [tilespmem:$0x0]  }
0xc1: {  	_ =	swait.ge @!p1 [sflag:s9], $0x80  }
0xc2: {  	[sflag:s9] =	ssyncset.done @!p1 $0x0  }
0xc3: {  	[sflag:s9] =	ssyncadd.s32 @!p1 $0xFFFFFF80  }
0xc4: {  	_ =	swait.ge @!p1 [sflag:s9], $0x80  }
0xc5: {  	[sflag:s9] =	ssyncset.done @!p1 $0x0  }
0xc6: {  	s1 =	simm.s32 @!p1 $0x400;
	[sflag:s9] =	ssyncadd.s32 @!p1 $0xFFFFFF80  }
0xc7: {  	[tilespmem:s1], [sflag:$0x1] =	stream.indirect.gather @!p1 [hbm4b:s0+s11], $0x80, s10, s11, $0xb8;
	v63 =	vld [tilespmem:$0x0]  }
0xc8: {  	_ =	swait.ge [sflag:s30], $0x4000  }
0xc9: {  	[sflag:s30] =	ssyncset.done $0x0  }
0xca: {  	[sflag:s30] =	ssyncadd.s32 $0xFFFFC000  }
0xcb: {  	[spmem:s4] =	stream.indirect.scatter.add.f32 [tilespmem:s31], [sflag:$0x3], $0x80, s26, s21, $0xb8;
	v63 =	vld [tilespmem:$0x0]  }
0xcc: {  	_ =	swait.ge [sflag:s30], $0x4000  }
0xcd: {  	[sflag:s30] =	ssyncset.done $0x0  }
0xce: {  	s1 =	simm.s32 @!p0 $0x0;
	s6 =	rddreg [dreg:$0xd];
	[sflag:s30] =	ssyncadd.s32 $0xFFFFC000  }
0xcf: {  	[tilespmem:s1], [sflag:$0x1] =	stream.linear.gather @!p0 [hbm4b:s6+s1], $0x80, $0x38;
	v63 =	vld [tilespmem:$0x0]  }
0xd0: {  	s9 =	rddreg [dreg:$0xe];
	s6 =	simm.s32 @!p0 $0x200  }
0xd1: {  	[tilespmem:s6], [sflag:$0x1] =	stream.linear.gather @!p0 [hbm4b:s9+s1], $0x80, $0x38;
	v63 =	vld [tilespmem:$0x0]  }
0xd2: {  	s9 =	simm.s32 @!p0 $0x1  }
0xd3: {  	_ =	swait.ge @!p0 [sflag:s9], $0x80  }
0xd4: {  	[sflag:s9] =	ssyncset.done @!p0 $0x0  }
0xd5: {  	[sflag:s9] =	ssyncadd.s32 @!p0 $0xFFFFFF80  }
0xd6: {  	_ =	swait.ge @!p0 [sflag:s9], $0x80  }
0xd7: {  	[sflag:s9] =	ssyncset.done @!p0 $0x0  }
0xd8: {  	s10 =	simm.s32 @!p0 $0x80;
	s11 =	simm.s32 @!p0 $0x400;
	[sflag:s9] =	ssyncadd.s32 @!p0 $0xFFFFFF80  }
0xd9: {  	[tilespmem:s11], [sflag:$0x1] =	stream.indirect.gather @!p0 [hbm4b:s0+s10], $0x80, s1, s10, $0xb8;
	v63 =	vld [tilespmem:$0x0]  }
0xda: {  	_ =	swait.ge @!p0 [sflag:s9], $0x4000  }
0xdb: {  	[sflag:s9] =	ssyncset.done @!p0 $0x0  }
0xdc: {  	[sflag:s9] =	ssyncadd.s32 @!p0 $0xFFFFC000  }
0xdd: {  	[spmem:s4] =	stream.indirect.scatter.add.f32 @!p0 [tilespmem:s11], [sflag:$0x1], $0x80, s6, s10, $0xb8;
	v63 =	vld [tilespmem:$0x0]  }
0xde: {  	_ =	swait.ge @!p0 [sflag:s9], $0x4000  }
0xdf: {  	[sflag:s9] =	ssyncset.done @!p0 $0x0  }
0xe0: {  	s3 =	sadd.s32 $0x1, s3;
	[sflag:s9] =	ssyncadd.s32 @!p0 $0xFFFFC000  }
0xe1: {  	p1 =	sne.s32 s3, s15;
	[bflag:$0x0] =	sbarrier.arrive $0xFFFF  }
.Ltmp1:
0xe2: {  	s14 =	rddreg [dreg:$0xf];
	(pc) =	sbr.rel @p1 .LBB2_1-.Ltmp1, $4  }
0xe3: {  	[hbm:s14], [sflag:s7] =	dma.local [spmem:s18], $0x2780  }
0xe4: {  	_ =	swait.ge [sflag:s19], $0x2780  }
0xe5: {  	[sflag:s19] =	ssyncset.done $0x0  }
0xe6: {  	[sflag:s19] =	ssyncadd.s32 $0xFFFFD880  }
0xe7: {  	_ =	sfence.sel $0x180000  }
0xe8: {  	[bflag:$0x0] =	sbarrier.arrive $0xFFFF  }
0xe9: {  	_ =	strace $0x90000047  }
0xea: {  	s0 =	stileid.u32;
	[bflag:$0x2] =	sbarrier.arrive $0xFFFF  }
0xeb: {  	p0 =	sne.s32 s0, $0x0;
	s0 =	rddreg [dreg:$0x4]  }
0xec: {  	s0 =	sadd.s32 @!p0 $0x100000, s0  }
0xed: {  	[sflag:s0] =	ssyncadd.tile.s32 @!p0 $0x1;
	_ =	shalt  }
.Lfunc_end2:
_tile_overlayer_lowered:
.L_overlay_start_2:
0xee: {  	(tag) =	ssettag $0x2  }
0xef: {  	s0 =	rddreg [dreg:$0x0];
	s2 =	stileid.u32  }
0xf0: {  	s1 =	rddreg [dreg:$0x1];
	p0 =	sne.s32 s2, $0x0  }
0xf1: {  	s3 =	rddreg [dreg:$0x2];
	[bflag:$0x3] =	sbarrier.arrive $0xFFFF;
	s2 =	simm.s32 @!p0 $0x1C04  }
0xf2: {  	[timem:s3], [sflag:s2] =	dma.local @!p0 [hbm:s0], s1  }
0xf3: {  	s0 =	simm.s32 @!p0 $0x4  }
0xf4: {  	_ =	swait.ge @!p0 [sflag:s0], s1  }
0xf5: {  	s1 =	ssub.s32 @!p0 $0x0, s1;
	[sflag:s0] =	ssyncset.done @!p0 $0x0  }
0xf6: {  	[sflag:s0] =	ssyncadd.s32 @!p0 s1  }
0xf7: {  	[bflag:$0x3] =	sbarrier.arrive $0xFFFF  }
0xf8: {  	_ =	shalt  }

</sc_bundles>
